<compile_context>
chip_gen: v7x
topology: tpu7x:2x2x1
jax: 0.10.2.dev20260603
libtpu: 0.0.44.dev20260713+nightly
codegen_flags: <defaults>
</compile_context>

<pallas_src>
import functools

import jax
import jax.numpy as jnp
from jax import lax
from jax.experimental import pallas as pl
from jax.experimental.pallas import tpu as pltpu
from jax.experimental.pallas import tpu_sc as plsc

_NUM_CORES = 2
_NUM_SUBCORES = 16
_NW = _NUM_CORES * _NUM_SUBCORES
_L = 16
_R = 8
_NCHUNK = 4

_LN2 = 0.6931471805599453
_FOLD = 4.0 / 3.0


def _ln_scalar(s):
    bits = lax.bitcast_convert_type(s, jnp.int32)
    e = (bits >> 23) - 127
    m = lax.bitcast_convert_type(
        (bits & jnp.int32(0x007FFFFF)) | jnp.int32(0x3F800000), jnp.float32)
    big = m >= _FOLD
    m = jnp.where(big, m * 0.5, m)
    e = (e + big.astype(jnp.int32)).astype(jnp.float32)
    t = m - 1.0
    p = jnp.float32(0.2)
    for k in (4, 3, 2):
        p = p * t - jnp.float32((-1.0) ** k / k)
    p = (p * t + 1.0) * t
    return e * _LN2 + p


def _tree(vals, op):
    while len(vals) > 1:
        vals = [op(vals[i], vals[i + 1]) for i in range(0, len(vals), 2)]
    return vals[0]


@functools.lru_cache(maxsize=None)
def _make_sc_logsoftmax_gather(N, B):
    bpw = B // _NW
    nv = N // _L
    crows = bpw // _NCHUNK
    mesh = plsc.VectorSubcoreMesh(core_axis_name="c", subcore_axis_name="s")

    @functools.partial(
        pl.kernel,
        mesh=mesh,
        out_type=jax.ShapeDtypeStruct((B, N), jnp.float32),
        scratch_types=[
            pltpu.VMEM((bpw,), jnp.int32),
            pltpu.VMEM((bpw, N), jnp.float32),
            pltpu.SemaphoreType.DMA,
            pltpu.SemaphoreType.DMA,
        ],
        compiler_params=pltpu.CompilerParams(needs_layout_passes=False),
    )
    def fused(table_hbm, idx_hbm, out_hbm, idx_v, rows_v, in_sem, out_sem):
        wid = lax.axis_index("s") * _NUM_CORES + lax.axis_index("c")
        base = wid * bpw
        pltpu.sync_copy(idx_hbm.at[pl.ds(base, bpw)], idx_v)
        gathers = [
            pltpu.async_copy(
                table_hbm.at[idx_v.at[pl.ds(c * crows, crows)]],
                rows_v.at[pl.ds(c * crows, crows)],
                in_sem,
            )
            for c in range(_NCHUNK)
        ]

        def row_logsoftmax(r):
            x = [rows_v[r, pl.ds(j * _L, _L)] for j in range(nv)]
            s = jnp.sum(_tree([jnp.exp(xj) for xj in x], jnp.add))
            negc = jnp.full((_L,), -_ln_scalar(s), jnp.float32)
            for j in range(nv):
                plsc.addupdate(rows_v.at[r, pl.ds(j * _L, _L)], negc)

        writebacks = []
        for c in range(_NCHUNK):
            gathers[c].wait()

            def block_body(i, carry, c=c):
                r0 = c * crows + i * _R
                for u in range(_R):
                    row_logsoftmax(r0 + u)
                return carry

            lax.fori_loop(0, crows // _R, block_body, 0)
            writebacks.append(
                pltpu.async_copy(
                    rows_v.at[pl.ds(c * crows, crows)],
                    out_hbm.at[pl.ds(base + c * crows, crows)],
                    out_sem,
                )
            )
        for wb in writebacks:
            wb.wait()

    return fused


def kernel(M, z):
    _, N = M.shape
    B = z.shape[0]
    return _make_sc_logsoftmax_gather(N, B)(M, z.astype(jnp.int32))

# --- scband reference (transcript-rebuilt; emitter-appended) ---
"""Pipeline reference for scband-weight-model-76424648065417 (READ-ONLY COPY).

The authoritative reference and input builder live on the scoring server;
editing this copy changes nothing except your own understanding.
"""

import jax, jax.numpy as jnp
import numpy as np

K = 100000
N = 128
B = 16384

def setup_inputs(seed: int = 0) -> dict:
    key = jax.random.key(seed)
    k1, k2 = jax.random.split(key)
    # Learned parameter: saturated logit matrix M of shape [K, N]
    M = jax.random.normal(k1, (K, N), dtype=jnp.float32)
    # Latent codes z indexing rows of M
    z = jax.random.randint(k2, (B,), 0, K)
    return {"M": M, "z": z}

def reference(M, z):
    # Faithful translation of WeightModel.forward(z):
    # log_probs = LogSoftmax(dim=-1)(M)[z]
    logp = jax.nn.log_softmax(M, axis=-1)
    return jnp.take(logp, z, axis=0)

if __name__ == "__main__":
    import jax
    _d = setup_inputs()
    print(jax.jit(kernel)(*tuple(_d.values())))

</pallas_src>

<mosaic_0001>
#map = affine_map<(d0, d1) -> (0, 0)>
#map1 = affine_map<(d0, d1) -> (0)>
module attributes {stable_mosaic.version = 14 : i64} {
  func.func @fused(%arg0: i32, %arg1: i32, %arg2: memref<100000x128xf32, #tpu.memory_space<hbm>>, %arg3: memref<16384xi32, #tpu.memory_space<hbm>>, %arg4: memref<16384x128xf32, #tpu.memory_space<hbm>>, %arg5: memref<512xi32, #tpu.memory_space<vmem>>, %arg6: memref<512x128xf32, #tpu.memory_space<vmem>>, %arg7: memref<!tpu.dma_semaphore, #tpu.memory_space<semaphore_mem>>, %arg8: memref<!tpu.dma_semaphore, #tpu.memory_space<semaphore_mem>>) attributes {dimension_semantics = [#tpu.dimension_semantics<core_parallel>, #tpu.dimension_semantics<subcore_parallel>], iteration_bounds = array<i64: 2, 16>, scalar_prefetch = 0 : i64, scratch_operands = 4 : i64, tpu.core_type = #tpu.core_type<sc_vector_subcore>, window_params = [{transform_indices = #map}, {transform_indices = #map1}, {transform_indices = #map}]} {
    %mul3A = arith.constant 2 : i32
    %mul3A_0 = arith.muli %arg1, %mul3A : i32
    %add3A = arith.addi %mul3A_0, %arg0 : i32
    %mul3A_1 = arith.constant 512 : i32
    %mul3A_2 = arith.muli %add3A, %mul3A_1 : i32
    "tpu.region"() ({
      %run_scoped3A = tpu.sem_alloc : memref<!tpu.dma_semaphore, #tpu.memory_space<semaphore_mem>>
      %dma_start3A_176 = tpu.memref_slice %arg3[%mul3A_2] : memref<16384xi32, #tpu.memory_space<hbm>> -> memref<512xi32, #tpu.memory_space<hbm>>
      %dma_start3A_177 = tpu.memref_slice %arg3[%mul3A_2] : memref<16384xi32, #tpu.memory_space<hbm>> -> memref<512xi32, #tpu.memory_space<hbm>>
      tpu.enqueue_dma source(%dma_start3A_177 : memref<512xi32, #tpu.memory_space<hbm>>) target(%arg5 : memref<512xi32, #tpu.memory_space<vmem>>) target_semaphore(%run_scoped3A : memref<!tpu.dma_semaphore, #tpu.memory_space<semaphore_mem>>)
      %dma_wait3A_178 = tpu.memref_slice %arg3[%mul3A_2] : memref<16384xi32, #tpu.memory_space<hbm>> -> memref<512xi32, #tpu.memory_space<hbm>>
      %dma_wait3A_179 = tpu.memref_slice %arg3[%mul3A_2] : memref<16384xi32, #tpu.memory_space<hbm>> -> memref<512xi32, #tpu.memory_space<hbm>>
      tpu.wait_dma2 semaphore(%run_scoped3A : memref<!tpu.dma_semaphore, #tpu.memory_space<semaphore_mem>>) src(%dma_wait3A_179 : memref<512xi32, #tpu.memory_space<hbm>>) dst(%arg5 : memref<512xi32, #tpu.memory_space<vmem>>)
      tpu.yield
    }) : () -> ()
    %dma_start3A = arith.constant 0 : i32
    %dma_start3A_3 = arith.constant 0 : i32
    %dma_start3A_4 = tpu.memref_slice %arg6[%dma_start3A, %dma_start3A_3] : memref<512x128xf32, #tpu.memory_space<vmem>> -> memref<128x128xf32, #tpu.memory_space<vmem>>
    %dma_start3A_5 = arith.constant 0 : i32
    %dma_start3A_6 = tpu.memref_slice %arg5[%dma_start3A_5] : memref<512xi32, #tpu.memory_space<vmem>> -> memref<128xi32, #tpu.memory_space<vmem>>
    %dma_start3A_7 = arith.constant 0 : i32
    %dma_start3A_8 = arith.constant 0 : i32
    %dma_start3A_9 = tpu.memref_slice %arg2[%dma_start3A_7, %dma_start3A_8] : memref<100000x128xf32, #tpu.memory_space<hbm>> -> memref<100000x128xf32, #tpu.memory_space<hbm>>
    tpu.enqueue_indirect_dma source(%dma_start3A_9 : memref<100000x128xf32, #tpu.memory_space<hbm>>) target(%dma_start3A_4 : memref<128x128xf32, #tpu.memory_space<vmem>>) offsets(%dma_start3A_6 : memref<128xi32, #tpu.memory_space<vmem>>) semaphore(%arg7 : memref<!tpu.dma_semaphore, #tpu.memory_space<semaphore_mem>>)
    %dma_start3A_10 = arith.constant 128 : i32
    %dma_start3A_11 = arith.constant 0 : i32
    %dma_start3A_12 = tpu.memref_slice %arg6[%dma_start3A_10, %dma_start3A_11] : memref<512x128xf32, #tpu.memory_space<vmem>> -> memref<128x128xf32, #tpu.memory_space<vmem>>
    %dma_start3A_13 = arith.constant 128 : i32
    %dma_start3A_14 = tpu.memref_slice %arg5[%dma_start3A_13] : memref<512xi32, #tpu.memory_space<vmem>> -> memref<128xi32, #tpu.memory_space<vmem>>
    %dma_start3A_15 = arith.constant 0 : i32
    %dma_start3A_16 = arith.constant 0 : i32
    %dma_start3A_17 = tpu.memref_slice %arg2[%dma_start3A_15, %dma_start3A_16] : memref<100000x128xf32, #tpu.memory_space<hbm>> -> memref<100000x128xf32, #tpu.memory_space<hbm>>
    tpu.enqueue_indirect_dma source(%dma_start3A_17 : memref<100000x128xf32, #tpu.memory_space<hbm>>) target(%dma_start3A_12 : memref<128x128xf32, #tpu.memory_space<vmem>>) offsets(%dma_start3A_14 : memref<128xi32, #tpu.memory_space<vmem>>) semaphore(%arg7 : memref<!tpu.dma_semaphore, #tpu.memory_space<semaphore_mem>>)
    %dma_start3A_18 = arith.constant 256 : i32
    %dma_start3A_19 = arith.constant 0 : i32
    %dma_start3A_20 = tpu.memref_slice %arg6[%dma_start3A_18, %dma_start3A_19] : memref<512x128xf32, #tpu.memory_space<vmem>> -> memref<128x128xf32, #tpu.memory_space<vmem>>
    %dma_start3A_21 = arith.constant 256 : i32
    %dma_start3A_22 = tpu.memref_slice %arg5[%dma_start3A_21] : memref<512xi32, #tpu.memory_space<vmem>> -> memref<128xi32, #tpu.memory_space<vmem>>
    %dma_start3A_23 = arith.constant 0 : i32
    %dma_start3A_24 = arith.constant 0 : i32
    %dma_start3A_25 = tpu.memref_slice %arg2[%dma_start3A_23, %dma_start3A_24] : memref<100000x128xf32, #tpu.memory_space<hbm>> -> memref<100000x128xf32, #tpu.memory_space<hbm>>
    tpu.enqueue_indirect_dma source(%dma_start3A_25 : memref<100000x128xf32, #tpu.memory_space<hbm>>) target(%dma_start3A_20 : memref<128x128xf32, #tpu.memory_space<vmem>>) offsets(%dma_start3A_22 : memref<128xi32, #tpu.memory_space<vmem>>) semaphore(%arg7 : memref<!tpu.dma_semaphore, #tpu.memory_space<semaphore_mem>>)
    %dma_start3A_26 = arith.constant 384 : i32
    %dma_start3A_27 = arith.constant 0 : i32
    %dma_start3A_28 = tpu.memref_slice %arg6[%dma_start3A_26, %dma_start3A_27] : memref<512x128xf32, #tpu.memory_space<vmem>> -> memref<128x128xf32, #tpu.memory_space<vmem>>
    %dma_start3A_29 = arith.constant 384 : i32
    %dma_start3A_30 = tpu.memref_slice %arg5[%dma_start3A_29] : memref<512xi32, #tpu.memory_space<vmem>> -> memref<128xi32, #tpu.memory_space<vmem>>
    %dma_start3A_31 = arith.constant 0 : i32
    %dma_start3A_32 = arith.constant 0 : i32
    %dma_start3A_33 = tpu.memref_slice %arg2[%dma_start3A_31, %dma_start3A_32] : memref<100000x128xf32, #tpu.memory_space<hbm>> -> memref<100000x128xf32, #tpu.memory_space<hbm>>
    tpu.enqueue_indirect_dma source(%dma_start3A_33 : memref<100000x128xf32, #tpu.memory_space<hbm>>) target(%dma_start3A_28 : memref<128x128xf32, #tpu.memory_space<vmem>>) offsets(%dma_start3A_30 : memref<128xi32, #tpu.memory_space<vmem>>) semaphore(%arg7 : memref<!tpu.dma_semaphore, #tpu.memory_space<semaphore_mem>>)
    %dma_wait3A = arith.constant 0 : i32
    %dma_wait3A_34 = arith.constant 0 : i32
    %dma_wait3A_35 = tpu.memref_slice %arg6[%dma_wait3A, %dma_wait3A_34] : memref<512x128xf32, #tpu.memory_space<vmem>> -> memref<128x128xf32, #tpu.memory_space<vmem>>
    %dma_wait3A_36 = arith.constant 0 : i32
    %dma_wait3A_37 = tpu.memref_slice %arg5[%dma_wait3A_36] : memref<512xi32, #tpu.memory_space<vmem>> -> memref<128xi32, #tpu.memory_space<vmem>>
    %dma_wait3A_38 = arith.constant 0 : i32
    %dma_wait3A_39 = arith.constant 0 : i32
    %dma_wait3A_40 = tpu.memref_slice %arg2[%dma_wait3A_38, %dma_wait3A_39] : memref<100000x128xf32, #tpu.memory_space<hbm>> -> memref<100000x128xf32, #tpu.memory_space<hbm>>
    tpu.wait_indirect_dma semaphore(%arg7 : memref<!tpu.dma_semaphore, #tpu.memory_space<semaphore_mem>>) src(%dma_wait3A_40 : memref<100000x128xf32, #tpu.memory_space<hbm>>) dst(%dma_wait3A_35 : memref<128x128xf32, #tpu.memory_space<vmem>>)
    %scan3A = arith.constant 0 : i32
    %scan3A_41 = arith.constant 0 : i32
    %scan3A_42 = arith.constant 16 : i32
    %scan3A_43 = arith.addi %scan3A_41, %scan3A_42 : i32
    %scan3A_44 = arith.constant 1 : i32
    scf.for %scan3A_176 = %scan3A_41 to %scan3A_43 step %scan3A_44  : i32 {
      %mul3A_177 = arith.constant 8 : i32
      %mul3A_178 = arith.muli %scan3A_176, %mul3A_177 : i32
      %add3A_179 = arith.constant 0 : i32
      %add3A_180 = arith.addi %add3A_179, %mul3A_178 : i32
      %add3A_181 = arith.constant 0 : i32
      %add3A_182 = arith.addi %add3A_180, %add3A_181 : i32
      %get3A = arith.index_cast %add3A_182 : i32 to index
      %get3A_183 = arith.constant 0 : index
      %get3A_184 = tpu.vector_load %arg6[%get3A, %get3A_183] {strides = array<i32>} : memref<512x128xf32, #tpu.memory_space<vmem>>, vector<16xf32>,
      %get3A_185 = arith.index_cast %add3A_182 : i32 to index
      %get3A_186 = arith.constant 16 : index
      %get3A_187 = tpu.vector_load %arg6[%get3A_185, %get3A_186] {strides = array<i32>} : memref<512x128xf32, #tpu.memory_space<vmem>>, vector<16xf32>,
      %get3A_188 = arith.index_cast %add3A_182 : i32 to index
      %get3A_189 = arith.constant 32 : index
      %get3A_190 = tpu.vector_load %arg6[%get3A_188, %get3A_189] {strides = array<i32>} : memref<512x128xf32, #tpu.memory_space<vmem>>, vector<16xf32>,
      %get3A_191 = arith.index_cast %add3A_182 : i32 to index
      %get3A_192 = arith.constant 48 : index
      %get3A_193 = tpu.vector_load %arg6[%get3A_191, %get3A_192] {strides = array<i32>} : memref<512x128xf32, #tpu.memory_space<vmem>>, vector<16xf32>,
      %get3A_194 = arith.index_cast %add3A_182 : i32 to index
      %get3A_195 = arith.constant 64 : index
      %get3A_196 = tpu.vector_load %arg6[%get3A_194, %get3A_195] {strides = array<i32>} : memref<512x128xf32, #tpu.memory_space<vmem>>, vector<16xf32>,
      %get3A_197 = arith.index_cast %add3A_182 : i32 to index
      %get3A_198 = arith.constant 80 : index
      %get3A_199 = tpu.vector_load %arg6[%get3A_197, %get3A_198] {strides = array<i32>} : memref<512x128xf32, #tpu.memory_space<vmem>>, vector<16xf32>,
      %get3A_200 = arith.index_cast %add3A_182 : i32 to index
      %get3A_201 = arith.constant 96 : index
      %get3A_202 = tpu.vector_load %arg6[%get3A_200, %get3A_201] {strides = array<i32>} : memref<512x128xf32, #tpu.memory_space<vmem>>, vector<16xf32>,
      %get3A_203 = arith.index_cast %add3A_182 : i32 to index
      %get3A_204 = arith.constant 112 : index
      %get3A_205 = tpu.vector_load %arg6[%get3A_203, %get3A_204] {strides = array<i32>} : memref<512x128xf32, #tpu.memory_space<vmem>>, vector<16xf32>,
      %exp3A = math.exp %get3A_184 : vector<16xf32>
      %exp3A_206 = math.exp %get3A_187 : vector<16xf32>
      %exp3A_207 = math.exp %get3A_190 : vector<16xf32>
      %exp3A_208 = math.exp %get3A_193 : vector<16xf32>
      %exp3A_209 = math.exp %get3A_196 : vector<16xf32>
      %exp3A_210 = math.exp %get3A_199 : vector<16xf32>
      %exp3A_211 = math.exp %get3A_202 : vector<16xf32>
      %exp3A_212 = math.exp %get3A_205 : vector<16xf32>
      %add3A_213 = arith.addf %exp3A, %exp3A_206 : vector<16xf32>
      %add3A_214 = arith.addf %exp3A_207, %exp3A_208 : vector<16xf32>
      %add3A_215 = arith.addf %exp3A_209, %exp3A_210 : vector<16xf32>
      %add3A_216 = arith.addf %exp3A_211, %exp3A_212 : vector<16xf32>
      %add3A_217 = arith.addf %add3A_213, %add3A_214 : vector<16xf32>
      %add3A_218 = arith.addf %add3A_215, %add3A_216 : vector<16xf32>
      %add3A_219 = arith.addf %add3A_217, %add3A_218 : vector<16xf32>
      %reduce_sum3A = arith.constant true
      %reduce_sum3A_220 = vector.broadcast %reduce_sum3A : i1 to vector<16xi1>
      %reduce_sum3A_221 = tpu.scan <sum>, %add3A_219 masked %reduce_sum3A_220 : vector<16xf32>, vector<16xi1> -> vector<16xf32>
      %reduce_sum3A_222 = vector.extract %reduce_sum3A_221[15] : f32 from vector<16xf32>
      %bitcast_convert_type3A = arith.bitcast %reduce_sum3A_222 : f32 to i32
      %shift_right_arithmetic3A = arith.constant 23 : i32
      %shift_right_arithmetic3A_223 = arith.shrsi %bitcast_convert_type3A, %shift_right_arithmetic3A : i32
      %sub3A = arith.constant 127 : i32
      %sub3A_224 = arith.subi %shift_right_arithmetic3A_223, %sub3A : i32
      %and3A = arith.constant 8388607 : i32
      %and3A_225 = arith.andi %bitcast_convert_type3A, %and3A : i32
      %or3A = arith.constant 1065353216 : i32
      %or3A_226 = arith.ori %and3A_225, %or3A : i32
      %bitcast_convert_type3A_227 = arith.bitcast %or3A_226 : i32 to f32
      %ge3A = arith.constant 1.33333337 : f32
      %ge3A_228 = arith.cmpf oge, %bitcast_convert_type3A_227, %ge3A : f32
      %mul3A_229 = arith.constant 5.000000e-01 : f32
      %mul3A_230 = arith.mulf %bitcast_convert_type3A_227, %mul3A_229 : f32
      %select_n3A = arith.select %ge3A_228, %mul3A_230, %bitcast_convert_type3A_227 : f32
      %convert_element_type3A = arith.extui %ge3A_228 : i1 to i32
      %add3A_231 = arith.addi %sub3A_224, %convert_element_type3A : i32
      %convert_element_type3A_232 = arith.sitofp %add3A_231 : i32 to f32
      %sub3A_233 = arith.constant 1.000000e+00 : f32
      %sub3A_234 = arith.subf %select_n3A, %sub3A_233 : f32
      %mul3A_235 = arith.constant 2.000000e-01 : f32
      %mul3A_236 = arith.mulf %mul3A_235, %sub3A_234 : f32
      %sub3A_237 = arith.constant 2.500000e-01 : f32
      %sub3A_238 = arith.subf %mul3A_236, %sub3A_237 : f32
      %mul3A_239 = arith.mulf %sub3A_238, %sub3A_234 : f32
      %sub3A_240 = arith.constant -0.333333343 : f32
      %sub3A_241 = arith.subf %mul3A_239, %sub3A_240 : f32
      %mul3A_242 = arith.mulf %sub3A_241, %sub3A_234 : f32
      %sub3A_243 = arith.constant 5.000000e-01 : f32
      %sub3A_244 = arith.subf %mul3A_242, %sub3A_243 : f32
      %mul3A_245 = arith.mulf %sub3A_244, %sub3A_234 : f32
      %add3A_246 = arith.constant 1.000000e+00 : f32
      %add3A_247 = arith.addf %mul3A_245, %add3A_246 : f32
      %mul3A_248 = arith.mulf %add3A_247, %sub3A_234 : f32
      %mul3A_249 = arith.constant 0.693147182 : f32
      %mul3A_250 = arith.mulf %convert_element_type3A_232, %mul3A_249 : f32
      %add3A_251 = arith.addf %mul3A_250, %mul3A_248 : f32
      %neg3A = arith.constant 0.000000e+00 : f32
      %neg3A_252 = arith.subf %neg3A, %add3A_251 : f32
      %broadcast_in_dim3A = vector.broadcast %neg3A_252 : f32 to vector<16xf32>
      %swap3A = arith.index_cast %add3A_182 : i32 to index
      %swap3A_253 = arith.constant 0 : index
      %swap3A_254 = tpu.vector_load %arg6[%swap3A, %swap3A_253] {strides = array<i32>} : memref<512x128xf32, #tpu.memory_space<vmem>>, vector<16xf32>,
      tpu.vector_store %arg6[%swap3A, %swap3A_253], %broadcast_in_dim3A {add = true, strides = array<i32>} : memref<512x128xf32, #tpu.memory_space<vmem>>, vector<16xf32>,
      %swap3A_255 = arith.index_cast %add3A_182 : i32 to index
      %swap3A_256 = arith.constant 16 : index
      %swap3A_257 = tpu.vector_load %arg6[%swap3A_255, %swap3A_256] {strides = array<i32>} : memref<512x128xf32, #tpu.memory_space<vmem>>, vector<16xf32>,
      tpu.vector_store %arg6[%swap3A_255, %swap3A_256], %broadcast_in_dim3A {add = true, strides = array<i32>} : memref<512x128xf32, #tpu.memory_space<vmem>>, vector<16xf32>,
      %swap3A_258 = arith.index_cast %add3A_182 : i32 to index
      %swap3A_259 = arith.constant 32 : index
      %swap3A_260 = tpu.vector_load %arg6[%swap3A_258, %swap3A_259] {strides = array<i32>} : memref<512x128xf32, #tpu.memory_space<vmem>>, vector<16xf32>,
      tpu.vector_store %arg6[%swap3A_258, %swap3A_259], %broadcast_in_dim3A {add = true, strides = array<i32>} : memref<512x128xf32, #tpu.memory_space<vmem>>, vector<16xf32>,
      %swap3A_261 = arith.index_cast %add3A_182 : i32 to index
      %swap3A_262 = arith.constant 48 : index
      %swap3A_263 = tpu.vector_load %arg6[%swap3A_261, %swap3A_262] {strides = array<i32>} : memref<512x128xf32, #tpu.memory_space<vmem>>, vector<16xf32>,
      tpu.vector_store %arg6[%swap3A_261, %swap3A_262], %broadcast_in_dim3A {add = true, strides = array<i32>} : memref<512x128xf32, #tpu.memory_space<vmem>>, vector<16xf32>,
      %swap3A_264 = arith.index_cast %add3A_182 : i32 to index
      %swap3A_265 = arith.constant 64 : index
      %swap3A_266 = tpu.vector_load %arg6[%swap3A_264, %swap3A_265] {strides = array<i32>} : memref<512x128xf32, #tpu.memory_space<vmem>>, vector<16xf32>,
      tpu.vector_store %arg6[%swap3A_264, %swap3A_265], %broadcast_in_dim3A {add = true, strides = array<i32>} : memref<512x128xf32, #tpu.memory_space<vmem>>, vector<16xf32>,
      %swap3A_267 = arith.index_cast %add3A_182 : i32 to index
      %swap3A_268 = arith.constant 80 : index
      %swap3A_269 = tpu.vector_load %arg6[%swap3A_267, %swap3A_268] {strides = array<i32>} : memref<512x128xf32, #tpu.memory_space<vmem>>, vector<16xf32>,
      tpu.vector_store %arg6[%swap3A_267, %swap3A_268], %broadcast_in_dim3A {add = true, strides = array<i32>} : memref<512x128xf32, #tpu.memory_space<vmem>>, vector<16xf32>,
      %swap3A_270 = arith.index_cast %add3A_182 : i32 to index
      %swap3A_271 = arith.constant 96 : index
      %swap3A_272 = tpu.vector_load %arg6[%swap3A_270, %swap3A_271] {strides = array<i32>} : memref<512x128xf32, #tpu.memory_space<vmem>>, vector<16xf32>,
      tpu.vector_store %arg6[%swap3A_270, %swap3A_271], %broadcast_in_dim3A {add = true, strides = array<i32>} : memref<512x128xf32, #tpu.memory_space<vmem>>, vector<16xf32>,
      %swap3A_273 = arith.index_cast %add3A_182 : i32 to index
      %swap3A_274 = arith.constant 112 : index
      %swap3A_275 = tpu.vector_load %arg6[%swap3A_273, %swap3A_274] {strides = array<i32>} : memref<512x128xf32, #tpu.memory_space<vmem>>, vector<16xf32>,
      tpu.vector_store %arg6[%swap3A_273, %swap3A_274], %broadcast_in_dim3A {add = true, strides = array<i32>} : memref<512x128xf32, #tpu.memory_space<vmem>>, vector<16xf32>,
      %add3A_276 = arith.constant 1 : i32
      %add3A_277 = arith.addi %add3A_180, %add3A_276 : i32
      %get3A_278 = arith.index_cast %add3A_277 : i32 to index
      %get3A_279 = arith.constant 0 : index
      %get3A_280 = tpu.vector_load %arg6[%get3A_278, %get3A_279] {strides = array<i32>} : memref<512x128xf32, #tpu.memory_space<vmem>>, vector<16xf32>,
      %get3A_281 = arith.index_cast %add3A_277 : i32 to index
      %get3A_282 = arith.constant 16 : index
      %get3A_283 = tpu.vector_load %arg6[%get3A_281, %get3A_282] {strides = array<i32>} : memref<512x128xf32, #tpu.memory_space<vmem>>, vector<16xf32>,
      %get3A_284 = arith.index_cast %add3A_277 : i32 to index
      %get3A_285 = arith.constant 32 : index
      %get3A_286 = tpu.vector_load %arg6[%get3A_284, %get3A_285] {strides = array<i32>} : memref<512x128xf32, #tpu.memory_space<vmem>>, vector<16xf32>,
      %get3A_287 = arith.index_cast %add3A_277 : i32 to index
      %get3A_288 = arith.constant 48 : index
      %get3A_289 = tpu.vector_load %arg6[%get3A_287, %get3A_288] {strides = array<i32>} : memref<512x128xf32, #tpu.memory_space<vmem>>, vector<16xf32>,
      %get3A_290 = arith.index_cast %add3A_277 : i32 to index
      %get3A_291 = arith.constant 64 : index
      %get3A_292 = tpu.vector_load %arg6[%get3A_290, %get3A_291] {strides = array<i32>} : memref<512x128xf32, #tpu.memory_space<vmem>>, vector<16xf32>,
      %get3A_293 = arith.index_cast %add3A_277 : i32 to index
      %get3A_294 = arith.constant 80 : index
      %get3A_295 = tpu.vector_load %arg6[%get3A_293, %get3A_294] {strides = array<i32>} : memref<512x128xf32, #tpu.memory_space<vmem>>, vector<16xf32>,
      %get3A_296 = arith.index_cast %add3A_277 : i32 to index
      %get3A_297 = arith.constant 96 : index
      %get3A_298 = tpu.vector_load %arg6[%get3A_296, %get3A_297] {strides = array<i32>} : memref<512x128xf32, #tpu.memory_space<vmem>>, vector<16xf32>,
      %get3A_299 = arith.index_cast %add3A_277 : i32 to index
      %get3A_300 = arith.constant 112 : index
      %get3A_301 = tpu.vector_load %arg6[%get3A_299, %get3A_300] {strides = array<i32>} : memref<512x128xf32, #tpu.memory_space<vmem>>, vector<16xf32>,
      %exp3A_302 = math.exp %get3A_280 : vector<16xf32>
      %exp3A_303 = math.exp %get3A_283 : vector<16xf32>
      %exp3A_304 = math.exp %get3A_286 : vector<16xf32>
      %exp3A_305 = math.exp %get3A_289 : vector<16xf32>
      %exp3A_306 = math.exp %get3A_292 : vector<16xf32>
      %exp3A_307 = math.exp %get3A_295 : vector<16xf32>
      %exp3A_308 = math.exp %get3A_298 : vector<16xf32>
      %exp3A_309 = math.exp %get3A_301 : vector<16xf32>
      %add3A_310 = arith.addf %exp3A_302, %exp3A_303 : vector<16xf32>
      %add3A_311 = arith.addf %exp3A_304, %exp3A_305 : vector<16xf32>
      %add3A_312 = arith.addf %exp3A_306, %exp3A_307 : vector<16xf32>
      %add3A_313 = arith.addf %exp3A_308, %exp3A_309 : vector<16xf32>
      %add3A_314 = arith.addf %add3A_310, %add3A_311 : vector<16xf32>
      %add3A_315 = arith.addf %add3A_312, %add3A_313 : vector<16xf32>
      %add3A_316 = arith.addf %add3A_314, %add3A_315 : vector<16xf32>
      %reduce_sum3A_317 = arith.constant true
      %reduce_sum3A_318 = vector.broadcast %reduce_sum3A_317 : i1 to vector<16xi1>
      %reduce_sum3A_319 = tpu.scan <sum>, %add3A_316 masked %reduce_sum3A_318 : vector<16xf32>, vector<16xi1> -> vector<16xf32>
      %reduce_sum3A_320 = vector.extract %reduce_sum3A_319[15] : f32 from vector<16xf32>
      %bitcast_convert_type3A_321 = arith.bitcast %reduce_sum3A_320 : f32 to i32
      %shift_right_arithmetic3A_322 = arith.constant 23 : i32
      %shift_right_arithmetic3A_323 = arith.shrsi %bitcast_convert_type3A_321, %shift_right_arithmetic3A_322 : i32
      %sub3A_324 = arith.constant 127 : i32
      %sub3A_325 = arith.subi %shift_right_arithmetic3A_323, %sub3A_324 : i32
      %and3A_326 = arith.constant 8388607 : i32
      %and3A_327 = arith.andi %bitcast_convert_type3A_321, %and3A_326 : i32
      %or3A_328 = arith.constant 1065353216 : i32
      %or3A_329 = arith.ori %and3A_327, %or3A_328 : i32
      %bitcast_convert_type3A_330 = arith.bitcast %or3A_329 : i32 to f32
      %ge3A_331 = arith.constant 1.33333337 : f32
      %ge3A_332 = arith.cmpf oge, %bitcast_convert_type3A_330, %ge3A_331 : f32
      %mul3A_333 = arith.constant 5.000000e-01 : f32
      %mul3A_334 = arith.mulf %bitcast_convert_type3A_330, %mul3A_333 : f32
      %select_n3A_335 = arith.select %ge3A_332, %mul3A_334, %bitcast_convert_type3A_330 : f32
      %convert_element_type3A_336 = arith.extui %ge3A_332 : i1 to i32
      %add3A_337 = arith.addi %sub3A_325, %convert_element_type3A_336 : i32
      %convert_element_type3A_338 = arith.sitofp %add3A_337 : i32 to f32
      %sub3A_339 = arith.constant 1.000000e+00 : f32
      %sub3A_340 = arith.subf %select_n3A_335, %sub3A_339 : f32
      %mul3A_341 = arith.constant 2.000000e-01 : f32
      %mul3A_342 = arith.mulf %mul3A_341, %sub3A_340 : f32
      %sub3A_343 = arith.constant 2.500000e-01 : f32
      %sub3A_344 = arith.subf %mul3A_342, %sub3A_343 : f32
      %mul3A_345 = arith.mulf %sub3A_344, %sub3A_340 : f32
      %sub3A_346 = arith.constant -0.333333343 : f32
      %sub3A_347 = arith.subf %mul3A_345, %sub3A_346 : f32
      %mul3A_348 = arith.mulf %sub3A_347, %sub3A_340 : f32
      %sub3A_349 = arith.constant 5.000000e-01 : f32
      %sub3A_350 = arith.subf %mul3A_348, %sub3A_349 : f32
      %mul3A_351 = arith.mulf %sub3A_350, %sub3A_340 : f32
      %add3A_352 = arith.constant 1.000000e+00 : f32
      %add3A_353 = arith.addf %mul3A_351, %add3A_352 : f32
      %mul3A_354 = arith.mulf %add3A_353, %sub3A_340 : f32
      %mul3A_355 = arith.constant 0.693147182 : f32
      %mul3A_356 = arith.mulf %convert_element_type3A_338, %mul3A_355 : f32
      %add3A_357 = arith.addf %mul3A_356, %mul3A_354 : f32
      %neg3A_358 = arith.constant 0.000000e+00 : f32
      %neg3A_359 = arith.subf %neg3A_358, %add3A_357 : f32
      %broadcast_in_dim3A_360 = vector.broadcast %neg3A_359 : f32 to vector<16xf32>
      %swap3A_361 = arith.index_cast %add3A_277 : i32 to index
      %swap3A_362 = arith.constant 0 : index
      %swap3A_363 = tpu.vector_load %arg6[%swap3A_361, %swap3A_362] {strides = array<i32>} : memref<512x128xf32, #tpu.memory_space<vmem>>, vector<16xf32>,
      tpu.vector_store %arg6[%swap3A_361, %swap3A_362], %broadcast_in_dim3A_360 {add = true, strides = array<i32>} : memref<512x128xf32, #tpu.memory_space<vmem>>, vector<16xf32>,
      %swap3A_364 = arith.index_cast %add3A_277 : i32 to index
      %swap3A_365 = arith.constant 16 : index
      %swap3A_366 = tpu.vector_load %arg6[%swap3A_364, %swap3A_365] {strides = array<i32>} : memref<512x128xf32, #tpu.memory_space<vmem>>, vector<16xf32>,
      tpu.vector_store %arg6[%swap3A_364, %swap3A_365], %broadcast_in_dim3A_360 {add = true, strides = array<i32>} : memref<512x128xf32, #tpu.memory_space<vmem>>, vector<16xf32>,
      %swap3A_367 = arith.index_cast %add3A_277 : i32 to index
      %swap3A_368 = arith.constant 32 : index
      %swap3A_369 = tpu.vector_load %arg6[%swap3A_367, %swap3A_368] {strides = array<i32>} : memref<512x128xf32, #tpu.memory_space<vmem>>, vector<16xf32>,
      tpu.vector_store %arg6[%swap3A_367, %swap3A_368], %broadcast_in_dim3A_360 {add = true, strides = array<i32>} : memref<512x128xf32, #tpu.memory_space<vmem>>, vector<16xf32>,
      %swap3A_370 = arith.index_cast %add3A_277 : i32 to index
      %swap3A_371 = arith.constant 48 : index
      %swap3A_372 = tpu.vector_load %arg6[%swap3A_370, %swap3A_371] {strides = array<i32>} : memref<512x128xf32, #tpu.memory_space<vmem>>, vector<16xf32>,
      tpu.vector_store %arg6[%swap3A_370, %swap3A_371], %broadcast_in_dim3A_360 {add = true, strides = array<i32>} : memref<512x128xf32, #tpu.memory_space<vmem>>, vector<16xf32>,
      %swap3A_373 = arith.index_cast %add3A_277 : i32 to index
      %swap3A_374 = arith.constant 64 : index
      %swap3A_375 = tpu.vector_load %arg6[%swap3A_373, %swap3A_374] {strides = array<i32>} : memref<512x128xf32, #tpu.memory_space<vmem>>, vector<16xf32>,
      tpu.vector_store %arg6[%swap3A_373, %swap3A_374], %broadcast_in_dim3A_360 {add = true, strides = array<i32>} : memref<512x128xf32, #tpu.memory_space<vmem>>, vector<16xf32>,
      %swap3A_376 = arith.index_cast %add3A_277 : i32 to index
      %swap3A_377 = arith.constant 80 : index
      %swap3A_378 = tpu.vector_load %arg6[%swap3A_376, %swap3A_377] {strides = array<i32>} : memref<512x128xf32, #tpu.memory_space<vmem>>, vector<16xf32>,
      tpu.vector_store %arg6[%swap3A_376, %swap3A_377], %broadcast_in_dim3A_360 {add = true, strides = array<i32>} : memref<512x128xf32, #tpu.memory_space<vmem>>, vector<16xf32>,
      %swap3A_379 = arith.index_cast %add3A_277 : i32 to index
      %swap3A_380 = arith.constant 96 : index
      %swap3A_381 = tpu.vector_load %arg6[%swap3A_379, %swap3A_380] {strides = array<i32>} : memref<512x128xf32, #tpu.memory_space<vmem>>, vector<16xf32>,
      tpu.vector_store %arg6[%swap3A_379, %swap3A_380], %broadcast_in_dim3A_360 {add = true, strides = array<i32>} : memref<512x128xf32, #tpu.memory_space<vmem>>, vector<16xf32>,
      %swap3A_382 = arith.index_cast %add3A_277 : i32 to index
      %swap3A_383 = arith.constant 112 : index
      %swap3A_384 = tpu.vector_load %arg6[%swap3A_382, %swap3A_383] {strides = array<i32>} : memref<512x128xf32, #tpu.memory_space<vmem>>, vector<16xf32>,
      tpu.vector_store %arg6[%swap3A_382, %swap3A_383], %broadcast_in_dim3A_360 {add = true, strides = array<i32>} : memref<512x128xf32, #tpu.memory_space<vmem>>, vector<16xf32>,
      %add3A_385 = arith.constant 2 : i32
      %add3A_386 = arith.addi %add3A_180, %add3A_385 : i32
      %get3A_387 = arith.index_cast %add3A_386 : i32 to index
      %get3A_388 = arith.constant 0 : index
      %get3A_389 = tpu.vector_load %arg6[%get3A_387, %get3A_388] {strides = array<i32>} : memref<512x128xf32, #tpu.memory_space<vmem>>, vector<16xf32>,
      %get3A_390 = arith.index_cast %add3A_386 : i32 to index
      %get3A_391 = arith.constant 16 : index
      %get3A_392 = tpu.vector_load %arg6[%get3A_390, %get3A_391] {strides = array<i32>} : memref<512x128xf32, #tpu.memory_space<vmem>>, vector<16xf32>,
      %get3A_393 = arith.index_cast %add3A_386 : i32 to index
      %get3A_394 = arith.constant 32 : index
      %get3A_395 = tpu.vector_load %arg6[%get3A_393, %get3A_394] {strides = array<i32>} : memref<512x128xf32, #tpu.memory_space<vmem>>, vector<16xf32>,
      %get3A_396 = arith.index_cast %add3A_386 : i32 to index
      %get3A_397 = arith.constant 48 : index
      %get3A_398 = tpu.vector_load %arg6[%get3A_396, %get3A_397] {strides = array<i32>} : memref<512x128xf32, #tpu.memory_space<vmem>>, vector<16xf32>,
      %get3A_399 = arith.index_cast %add3A_386 : i32 to index
      %get3A_400 = arith.constant 64 : index
      %get3A_401 = tpu.vector_load %arg6[%get3A_399, %get3A_400] {strides = array<i32>} : memref<512x128xf32, #tpu.memory_space<vmem>>, vector<16xf32>,
      %get3A_402 = arith.index_cast %add3A_386 : i32 to index
      %get3A_403 = arith.constant 80 : index
      %get3A_404 = tpu.vector_load %arg6[%get3A_402, %get3A_403] {strides = array<i32>} : memref<512x128xf32, #tpu.memory_space<vmem>>, vector<16xf32>,
      %get3A_405 = arith.index_cast %add3A_386 : i32 to index
      %get3A_406 = arith.constant 96 : index
      %get3A_407 = tpu.vector_load %arg6[%get3A_405, %get3A_406] {strides = array<i32>} : memref<512x128xf32, #tpu.memory_space<vmem>>, vector<16xf32>,
      %get3A_408 = arith.index_cast %add3A_386 : i32 to index
      %get3A_409 = arith.constant 112 : index
      %get3A_410 = tpu.vector_load %arg6[%get3A_408, %get3A_409] {strides = array<i32>} : memref<512x128xf32, #tpu.memory_space<vmem>>, vector<16xf32>,
      %exp3A_411 = math.exp %get3A_389 : vector<16xf32>
      %exp3A_412 = math.exp %get3A_392 : vector<16xf32>
      %exp3A_413 = math.exp %get3A_395 : vector<16xf32>
      %exp3A_414 = math.exp %get3A_398 : vector<16xf32>
      %exp3A_415 = math.exp %get3A_401 : vector<16xf32>
      %exp3A_416 = math.exp %get3A_404 : vector<16xf32>
      %exp3A_417 = math.exp %get3A_407 : vector<16xf32>
      %exp3A_418 = math.exp %get3A_410 : vector<16xf32>
      %add3A_419 = arith.addf %exp3A_411, %exp3A_412 : vector<16xf32>
      %add3A_420 = arith.addf %exp3A_413, %exp3A_414 : vector<16xf32>
      %add3A_421 = arith.addf %exp3A_415, %exp3A_416 : vector<16xf32>
      %add3A_422 = arith.addf %exp3A_417, %exp3A_418 : vector<16xf32>
      %add3A_423 = arith.addf %add3A_419, %add3A_420 : vector<16xf32>
      %add3A_424 = arith.addf %add3A_421, %add3A_422 : vector<16xf32>
      %add3A_425 = arith.addf %add3A_423, %add3A_424 : vector<16xf32>
      %reduce_sum3A_426 = arith.constant true
      %reduce_sum3A_427 = vector.broadcast %reduce_sum3A_426 : i1 to vector<16xi1>
      %reduce_sum3A_428 = tpu.scan <sum>, %add3A_425 masked %reduce_sum3A_427 : vector<16xf32>, vector<16xi1> -> vector<16xf32>
      %reduce_sum3A_429 = vector.extract %reduce_sum3A_428[15] : f32 from vector<16xf32>
      %bitcast_convert_type3A_430 = arith.bitcast %reduce_sum3A_429 : f32 to i32
      %shift_right_arithmetic3A_431 = arith.constant 23 : i32
      %shift_right_arithmetic3A_432 = arith.shrsi %bitcast_convert_type3A_430, %shift_right_arithmetic3A_431 : i32
      %sub3A_433 = arith.constant 127 : i32
      %sub3A_434 = arith.subi %shift_right_arithmetic3A_432, %sub3A_433 : i32
      %and3A_435 = arith.constant 8388607 : i32
      %and3A_436 = arith.andi %bitcast_convert_type3A_430, %and3A_435 : i32
      %or3A_437 = arith.constant 1065353216 : i32
      %or3A_438 = arith.ori %and3A_436, %or3A_437 : i32
      %bitcast_convert_type3A_439 = arith.bitcast %or3A_438 : i32 to f32
      %ge3A_440 = arith.constant 1.33333337 : f32
      %ge3A_441 = arith.cmpf oge, %bitcast_convert_type3A_439, %ge3A_440 : f32
      %mul3A_442 = arith.constant 5.000000e-01 : f32
      %mul3A_443 = arith.mulf %bitcast_convert_type3A_439, %mul3A_442 : f32
      %select_n3A_444 = arith.select %ge3A_441, %mul3A_443, %bitcast_convert_type3A_439 : f32
      %convert_element_type3A_445 = arith.extui %ge3A_441 : i1 to i32
      %add3A_446 = arith.addi %sub3A_434, %convert_element_type3A_445 : i32
      %convert_element_type3A_447 = arith.sitofp %add3A_446 : i32 to f32
      %sub3A_448 = arith.constant 1.000000e+00 : f32
      %sub3A_449 = arith.subf %select_n3A_444, %sub3A_448 : f32
      %mul3A_450 = arith.constant 2.000000e-01 : f32
      %mul3A_451 = arith.mulf %mul3A_450, %sub3A_449 : f32
      %sub3A_452 = arith.constant 2.500000e-01 : f32
      %sub3A_453 = arith.subf %mul3A_451, %sub3A_452 : f32
      %mul3A_454 = arith.mulf %sub3A_453, %sub3A_449 : f32
      %sub3A_455 = arith.constant -0.333333343 : f32
      %sub3A_456 = arith.subf %mul3A_454, %sub3A_455 : f32
      %mul3A_457 = arith.mulf %sub3A_456, %sub3A_449 : f32
      %sub3A_458 = arith.constant 5.000000e-01 : f32
      %sub3A_459 = arith.subf %mul3A_457, %sub3A_458 : f32
      %mul3A_460 = arith.mulf %sub3A_459, %sub3A_449 : f32
      %add3A_461 = arith.constant 1.000000e+00 : f32
      %add3A_462 = arith.addf %mul3A_460, %add3A_461 : f32
      %mul3A_463 = arith.mulf %add3A_462, %sub3A_449 : f32
      %mul3A_464 = arith.constant 0.693147182 : f32
      %mul3A_465 = arith.mulf %convert_element_type3A_447, %mul3A_464 : f32
      %add3A_466 = arith.addf %mul3A_465, %mul3A_463 : f32
      %neg3A_467 = arith.constant 0.000000e+00 : f32
      %neg3A_468 = arith.subf %neg3A_467, %add3A_466 : f32
      %broadcast_in_dim3A_469 = vector.broadcast %neg3A_468 : f32 to vector<16xf32>
      %swap3A_470 = arith.index_cast %add3A_386 : i32 to index
      %swap3A_471 = arith.constant 0 : index
      %swap3A_472 = tpu.vector_load %arg6[%swap3A_470, %swap3A_471] {strides = array<i32>} : memref<512x128xf32, #tpu.memory_space<vmem>>, vector<16xf32>,
      tpu.vector_store %arg6[%swap3A_470, %swap3A_471], %broadcast_in_dim3A_469 {add = true, strides = array<i32>} : memref<512x128xf32, #tpu.memory_space<vmem>>, vector<16xf32>,
      %swap3A_473 = arith.index_cast %add3A_386 : i32 to index
      %swap3A_474 = arith.constant 16 : index
      %swap3A_475 = tpu.vector_load %arg6[%swap3A_473, %swap3A_474] {strides = array<i32>} : memref<512x128xf32, #tpu.memory_space<vmem>>, vector<16xf32>,
      tpu.vector_store %arg6[%swap3A_473, %swap3A_474], %broadcast_in_dim3A_469 {add = true, strides = array<i32>} : memref<512x128xf32, #tpu.memory_space<vmem>>, vector<16xf32>,
      %swap3A_476 = arith.index_cast %add3A_386 : i32 to index
      %swap3A_477 = arith.constant 32 : index
      %swap3A_478 = tpu.vector_load %arg6[%swap3A_476, %swap3A_477] {strides = array<i32>} : memref<512x128xf32, #tpu.memory_space<vmem>>, vector<16xf32>,
      tpu.vector_store %arg6[%swap3A_476, %swap3A_477], %broadcast_in_dim3A_469 {add = true, strides = array<i32>} : memref<512x128xf32, #tpu.memory_space<vmem>>, vector<16xf32>,
      %swap3A_479 = arith.index_cast %add3A_386 : i32 to index
      %swap3A_480 = arith.constant 48 : index
      %swap3A_481 = tpu.vector_load %arg6[%swap3A_479, %swap3A_480] {strides = array<i32>} : memref<512x128xf32, #tpu.memory_space<vmem>>, vector<16xf32>,
      tpu.vector_store %arg6[%swap3A_479, %swap3A_480], %broadcast_in_dim3A_469 {add = true, strides = array<i32>} : memref<512x128xf32, #tpu.memory_space<vmem>>, vector<16xf32>,
      %swap3A_482 = arith.index_cast %add3A_386 : i32 to index
      %swap3A_483 = arith.constant 64 : index
      %swap3A_484 = tpu.vector_load %arg6[%swap3A_482, %swap3A_483] {strides = array<i32>} : memref<512x128xf32, #tpu.memory_space<vmem>>, vector<16xf32>,
      tpu.vector_store %arg6[%swap3A_482, %swap3A_483], %broadcast_in_dim3A_469 {add = true, strides = array<i32>} : memref<512x128xf32, #tpu.memory_space<vmem>>, vector<16xf32>,
      %swap3A_485 = arith.index_cast %add3A_386 : i32 to index
      %swap3A_486 = arith.constant 80 : index
      %swap3A_487 = tpu.vector_load %arg6[%swap3A_485, %swap3A_486] {strides = array<i32>} : memref<512x128xf32, #tpu.memory_space<vmem>>, vector<16xf32>,
      tpu.vector_store %arg6[%swap3A_485, %swap3A_486], %broadcast_in_dim3A_469 {add = true, strides = array<i32>} : memref<512x128xf32, #tpu.memory_space<vmem>>, vector<16xf32>,
      %swap3A_488 = arith.index_cast %add3A_386 : i32 to index
      %swap3A_489 = arith.constant 96 : index
      %swap3A_490 = tpu.vector_load %arg6[%swap3A_488, %swap3A_489] {strides = array<i32>} : memref<512x128xf32, #tpu.memory_space<vmem>>, vector<16xf32>,
      tpu.vector_store %arg6[%swap3A_488, %swap3A_489], %broadcast_in_dim3A_469 {add = true, strides = array<i32>} : memref<512x128xf32, #tpu.memory_space<vmem>>, vector<16xf32>,
      %swap3A_491 = arith.index_cast %add3A_386 : i32 to index
      %swap3A_492 = arith.constant 112 : index
      %swap3A_493 = tpu.vector_load %arg6[%swap3A_491, %swap3A_492] {strides = array<i32>} : memref<512x128xf32, #tpu.memory_space<vmem>>, vector<16xf32>,
      tpu.vector_store %arg6[%swap3A_491, %swap3A_492], %broadcast_in_dim3A_469 {add = true, strides = array<i32>} : memref<512x128xf32, #tpu.memory_space<vmem>>, vector<16xf32>,
      %add3A_494 = arith.constant 3 : i32
      %add3A_495 = arith.addi %add3A_180, %add3A_494 : i32
      %get3A_496 = arith.index_cast %add3A_495 : i32 to index
      %get3A_497 = arith.constant 0 : index
      %get3A_498 = tpu.vector_load %arg6[%get3A_496, %get3A_497] {strides = array<i32>} : memref<512x128xf32, #tpu.memory_space<vmem>>, vector<16xf32>,
      %get3A_499 = arith.index_cast %add3A_495 : i32 to index
      %get3A_500 = arith.constant 16 : index
      %get3A_501 = tpu.vector_load %arg6[%get3A_499, %get3A_500] {strides = array<i32>} : memref<512x128xf32, #tpu.memory_space<vmem>>, vector<16xf32>,
      %get3A_502 = arith.index_cast %add3A_495 : i32 to index
      %get3A_503 = arith.constant 32 : index
      %get3A_504 = tpu.vector_load %arg6[%get3A_502, %get3A_503] {strides = array<i32>} : memref<512x128xf32, #tpu.memory_space<vmem>>, vector<16xf32>,
      %get3A_505 = arith.index_cast %add3A_495 : i32 to index
      %get3A_506 = arith.constant 48 : index
      %get3A_507 = tpu.vector_load %arg6[%get3A_505, %get3A_506] {strides = array<i32>} : memref<512x128xf32, #tpu.memory_space<vmem>>, vector<16xf32>,
      %get3A_508 = arith.index_cast %add3A_495 : i32 to index
      %get3A_509 = arith.constant 64 : index
      %get3A_510 = tpu.vector_load %arg6[%get3A_508, %get3A_509] {strides = array<i32>} : memref<512x128xf32, #tpu.memory_space<vmem>>, vector<16xf32>,
      %get3A_511 = arith.index_cast %add3A_495 : i32 to index
      %get3A_512 = arith.constant 80 : index
      %get3A_513 = tpu.vector_load %arg6[%get3A_511, %get3A_512] {strides = array<i32>} : memref<512x128xf32, #tpu.memory_space<vmem>>, vector<16xf32>,
      %get3A_514 = arith.index_cast %add3A_495 : i32 to index
      %get3A_515 = arith.constant 96 : index
      %get3A_516 = tpu.vector_load %arg6[%get3A_514, %get3A_515] {strides = array<i32>} : memref<512x128xf32, #tpu.memory_space<vmem>>, vector<16xf32>,
      %get3A_517 = arith.index_cast %add3A_495 : i32 to index
      %get3A_518 = arith.constant 112 : index
      %get3A_519 = tpu.vector_load %arg6[%get3A_517, %get3A_518] {strides = array<i32>} : memref<512x128xf32, #tpu.memory_space<vmem>>, vector<16xf32>,
      %exp3A_520 = math.exp %get3A_498 : vector<16xf32>
      %exp3A_521 = math.exp %get3A_501 : vector<16xf32>
      %exp3A_522 = math.exp %get3A_504 : vector<16xf32>
      %exp3A_523 = math.exp %get3A_507 : vector<16xf32>
      %exp3A_524 = math.exp %get3A_510 : vector<16xf32>
      %exp3A_525 = math.exp %get3A_513 : vector<16xf32>
      %exp3A_526 = math.exp %get3A_516 : vector<16xf32>
      %exp3A_527 = math.exp %get3A_519 : vector<16xf32>
      %add3A_528 = arith.addf %exp3A_520, %exp3A_521 : vector<16xf32>
      %add3A_529 = arith.addf %exp3A_522, %exp3A_523 : vector<16xf32>
      %add3A_530 = arith.addf %exp3A_524, %exp3A_525 : vector<16xf32>
      %add3A_531 = arith.addf %exp3A_526, %exp3A_527 : vector<16xf32>
      %add3A_532 = arith.addf %add3A_528, %add3A_529 : vector<16xf32>
      %add3A_533 = arith.addf %add3A_530, %add3A_531 : vector<16xf32>
      %add3A_534 = arith.addf %add3A_532, %add3A_533 : vector<16xf32>
      %reduce_sum3A_535 = arith.constant true
      %reduce_sum3A_536 = vector.broadcast %reduce_sum3A_535 : i1 to vector<16xi1>
      %reduce_sum3A_537 = tpu.scan <sum>, %add3A_534 masked %reduce_sum3A_536 : vector<16xf32>, vector<16xi1> -> vector<16xf32>
      %reduce_sum3A_538 = vector.extract %reduce_sum3A_537[15] : f32 from vector<16xf32>
      %bitcast_convert_type3A_539 = arith.bitcast %reduce_sum3A_538 : f32 to i32
      %shift_right_arithmetic3A_540 = arith.constant 23 : i32
      %shift_right_arithmetic3A_541 = arith.shrsi %bitcast_convert_type3A_539, %shift_right_arithmetic3A_540 : i32
      %sub3A_542 = arith.constant 127 : i32
      %sub3A_543 = arith.subi %shift_right_arithmetic3A_541, %sub3A_542 : i32
      %and3A_544 = arith.constant 8388607 : i32
      %and3A_545 = arith.andi %bitcast_convert_type3A_539, %and3A_544 : i32
      %or3A_546 = arith.constant 1065353216 : i32
      %or3A_547 = arith.ori %and3A_545, %or3A_546 : i32
      %bitcast_convert_type3A_548 = arith.bitcast %or3A_547 : i32 to f32
      %ge3A_549 = arith.constant 1.33333337 : f32
      %ge3A_550 = arith.cmpf oge, %bitcast_convert_type3A_548, %ge3A_549 : f32
      %mul3A_551 = arith.constant 5.000000e-01 : f32
      %mul3A_552 = arith.mulf %bitcast_convert_type3A_548, %mul3A_551 : f32
      %select_n3A_553 = arith.select %ge3A_550, %mul3A_552, %bitcast_convert_type3A_548 : f32
      %convert_element_type3A_554 = arith.extui %ge3A_550 : i1 to i32
      %add3A_555 = arith.addi %sub3A_543, %convert_element_type3A_554 : i32
      %convert_element_type3A_556 = arith.sitofp %add3A_555 : i32 to f32
      %sub3A_557 = arith.constant 1.000000e+00 : f32
      %sub3A_558 = arith.subf %select_n3A_553, %sub3A_557 : f32
      %mul3A_559 = arith.constant 2.000000e-01 : f32
      %mul3A_560 = arith.mulf %mul3A_559, %sub3A_558 : f32
      %sub3A_561 = arith.constant 2.500000e-01 : f32
      %sub3A_562 = arith.subf %mul3A_560, %sub3A_561 : f32
      %mul3A_563 = arith.mulf %sub3A_562, %sub3A_558 : f32
      %sub3A_564 = arith.constant -0.333333343 : f32
      %sub3A_565 = arith.subf %mul3A_563, %sub3A_564 : f32
      %mul3A_566 = arith.mulf %sub3A_565, %sub3A_558 : f32
      %sub3A_567 = arith.constant 5.000000e-01 : f32
      %sub3A_568 = arith.subf %mul3A_566, %sub3A_567 : f32
      %mul3A_569 = arith.mulf %sub3A_568, %sub3A_558 : f32
      %add3A_570 = arith.constant 1.000000e+00 : f32
      %add3A_571 = arith.addf %mul3A_569, %add3A_570 : f32
      %mul3A_572 = arith.mulf %add3A_571, %sub3A_558 : f32
      %mul3A_573 = arith.constant 0.693147182 : f32
      %mul3A_574 = arith.mulf %convert_element_type3A_556, %mul3A_573 : f32
      %add3A_575 = arith.addf %mul3A_574, %mul3A_572 : f32
      %neg3A_576 = arith.constant 0.000000e+00 : f32
      %neg3A_577 = arith.subf %neg3A_576, %add3A_575 : f32
      %broadcast_in_dim3A_578 = vector.broadcast %neg3A_577 : f32 to vector<16xf32>
      %swap3A_579 = arith.index_cast %add3A_495 : i32 to index
      %swap3A_580 = arith.constant 0 : index
      %swap3A_581 = tpu.vector_load %arg6[%swap3A_579, %swap3A_580] {strides = array<i32>} : memref<512x128xf32, #tpu.memory_space<vmem>>, vector<16xf32>,
      tpu.vector_store %arg6[%swap3A_579, %swap3A_580], %broadcast_in_dim3A_578 {add = true, strides = array<i32>} : memref<512x128xf32, #tpu.memory_space<vmem>>, vector<16xf32>,
      %swap3A_582 = arith.index_cast %add3A_495 : i32 to index
      %swap3A_583 = arith.constant 16 : index
      %swap3A_584 = tpu.vector_load %arg6[%swap3A_582, %swap3A_583] {strides = array<i32>} : memref<512x128xf32, #tpu.memory_space<vmem>>, vector<16xf32>,
      tpu.vector_store %arg6[%swap3A_582, %swap3A_583], %broadcast_in_dim3A_578 {add = true, strides = array<i32>} : memref<512x128xf32, #tpu.memory_space<vmem>>, vector<16xf32>,
      %swap3A_585 = arith.index_cast %add3A_495 : i32 to index
      %swap3A_586 = arith.constant 32 : index
      %swap3A_587 = tpu.vector_load %arg6[%swap3A_585, %swap3A_586] {strides = array<i32>} : memref<512x128xf32, #tpu.memory_space<vmem>>, vector<16xf32>,
      tpu.vector_store %arg6[%swap3A_585, %swap3A_586], %broadcast_in_dim3A_578 {add = true, strides = array<i32>} : memref<512x128xf32, #tpu.memory_space<vmem>>, vector<16xf32>,
      %swap3A_588 = arith.index_cast %add3A_495 : i32 to index
      %swap3A_589 = arith.constant 48 : index
      %swap3A_590 = tpu.vector_load %arg6[%swap3A_588, %swap3A_589] {strides = array<i32>} : memref<512x128xf32, #tpu.memory_space<vmem>>, vector<16xf32>,
      tpu.vector_store %arg6[%swap3A_588, %swap3A_589], %broadcast_in_dim3A_578 {add = true, strides = array<i32>} : memref<512x128xf32, #tpu.memory_space<vmem>>, vector<16xf32>,
      %swap3A_591 = arith.index_cast %add3A_495 : i32 to index
      %swap3A_592 = arith.constant 64 : index
      %swap3A_593 = tpu.vector_load %arg6[%swap3A_591, %swap3A_592] {strides = array<i32>} : memref<512x128xf32, #tpu.memory_space<vmem>>, vector<16xf32>,
      tpu.vector_store %arg6[%swap3A_591, %swap3A_592], %broadcast_in_dim3A_578 {add = true, strides = array<i32>} : memref<512x128xf32, #tpu.memory_space<vmem>>, vector<16xf32>,
      %swap3A_594 = arith.index_cast %add3A_495 : i32 to index
      %swap3A_595 = arith.constant 80 : index
      %swap3A_596 = tpu.vector_load %arg6[%swap3A_594, %swap3A_595] {strides = array<i32>} : memref<512x128xf32, #tpu.memory_space<vmem>>, vector<16xf32>,
      tpu.vector_store %arg6[%swap3A_594, %swap3A_595], %broadcast_in_dim3A_578 {add = true, strides = array<i32>} : memref<512x128xf32, #tpu.memory_space<vmem>>, vector<16xf32>,
      %swap3A_597 = arith.index_cast %add3A_495 : i32 to index
      %swap3A_598 = arith.constant 96 : index
      %swap3A_599 = tpu.vector_load %arg6[%swap3A_597, %swap3A_598] {strides = array<i32>} : memref<512x128xf32, #tpu.memory_space<vmem>>, vector<16xf32>,
      tpu.vector_store %arg6[%swap3A_597, %swap3A_598], %broadcast_in_dim3A_578 {add = true, strides = array<i32>} : memref<512x128xf32, #tpu.memory_space<vmem>>, vector<16xf32>,
      %swap3A_600 = arith.index_cast %add3A_495 : i32 to index
      %swap3A_601 = arith.constant 112 : index
      %swap3A_602 = tpu.vector_load %arg6[%swap3A_600, %swap3A_601] {strides = array<i32>} : memref<512x128xf32, #tpu.memory_space<vmem>>, vector<16xf32>,
      tpu.vector_store %arg6[%swap3A_600, %swap3A_601], %broadcast_in_dim3A_578 {add = true, strides = array<i32>} : memref<512x128xf32, #tpu.memory_space<vmem>>, vector<16xf32>,
      %add3A_603 = arith.constant 4 : i32
      %add3A_604 = arith.addi %add3A_180, %add3A_603 : i32
      %get3A_605 = arith.index_cast %add3A_604 : i32 to index
      %get3A_606 = arith.constant 0 : index
      %get3A_607 = tpu.vector_load %arg6[%get3A_605, %get3A_606] {strides = array<i32>} : memref<512x128xf32, #tpu.memory_space<vmem>>, vector<16xf32>,
      %get3A_608 = arith.index_cast %add3A_604 : i32 to index
      %get3A_609 = arith.constant 16 : index
      %get3A_610 = tpu.vector_load %arg6[%get3A_608, %get3A_609] {strides = array<i32>} : memref<512x128xf32, #tpu.memory_space<vmem>>, vector<16xf32>,
      %get3A_611 = arith.index_cast %add3A_604 : i32 to index
      %get3A_612 = arith.constant 32 : index
      %get3A_613 = tpu.vector_load %arg6[%get3A_611, %get3A_612] {strides = array<i32>} : memref<512x128xf32, #tpu.memory_space<vmem>>, vector<16xf32>,
      %get3A_614 = arith.index_cast %add3A_604 : i32 to index
      %get3A_615 = arith.constant 48 : index
      %get3A_616 = tpu.vector_load %arg6[%get3A_614, %get3A_615] {strides = array<i32>} : memref<512x128xf32, #tpu.memory_space<vmem>>, vector<16xf32>,
      %get3A_617 = arith.index_cast %add3A_604 : i32 to index
      %get3A_618 = arith.constant 64 : index
      %get3A_619 = tpu.vector_load %arg6[%get3A_617, %get3A_618] {strides = array<i32>} : memref<512x128xf32, #tpu.memory_space<vmem>>, vector<16xf32>,
      %get3A_620 = arith.index_cast %add3A_604 : i32 to index
      %get3A_621 = arith.constant 80 : index
      %get3A_622 = tpu.vector_load %arg6[%get3A_620, %get3A_621] {strides = array<i32>} : memref<512x128xf32, #tpu.memory_space<vmem>>, vector<16xf32>,
      %get3A_623 = arith.index_cast %add3A_604 : i32 to index
      %get3A_624 = arith.constant 96 : index
      %get3A_625 = tpu.vector_load %arg6[%get3A_623, %get3A_624] {strides = array<i32>} : memref<512x128xf32, #tpu.memory_space<vmem>>, vector<16xf32>,
      %get3A_626 = arith.index_cast %add3A_604 : i32 to index
      %get3A_627 = arith.constant 112 : index
      %get3A_628 = tpu.vector_load %arg6[%get3A_626, %get3A_627] {strides = array<i32>} : memref<512x128xf32, #tpu.memory_space<vmem>>, vector<16xf32>,
      %exp3A_629 = math.exp %get3A_607 : vector<16xf32>
      %exp3A_630 = math.exp %get3A_610 : vector<16xf32>
      %exp3A_631 = math.exp %get3A_613 : vector<16xf32>
      %exp3A_632 = math.exp %get3A_616 : vector<16xf32>
      %exp3A_633 = math.exp %get3A_619 : vector<16xf32>
      %exp3A_634 = math.exp %get3A_622 : vector<16xf32>
      %exp3A_635 = math.exp %get3A_625 : vector<16xf32>
      %exp3A_636 = math.exp %get3A_628 : vector<16xf32>
      %add3A_637 = arith.addf %exp3A_629, %exp3A_630 : vector<16xf32>
      %add3A_638 = arith.addf %exp3A_631, %exp3A_632 : vector<16xf32>
      %add3A_639 = arith.addf %exp3A_633, %exp3A_634 : vector<16xf32>
      %add3A_640 = arith.addf %exp3A_635, %exp3A_636 : vector<16xf32>
      %add3A_641 = arith.addf %add3A_637, %add3A_638 : vector<16xf32>
      %add3A_642 = arith.addf %add3A_639, %add3A_640 : vector<16xf32>
      %add3A_643 = arith.addf %add3A_641, %add3A_642 : vector<16xf32>
      %reduce_sum3A_644 = arith.constant true
      %reduce_sum3A_645 = vector.broadcast %reduce_sum3A_644 : i1 to vector<16xi1>
      %reduce_sum3A_646 = tpu.scan <sum>, %add3A_643 masked %reduce_sum3A_645 : vector<16xf32>, vector<16xi1> -> vector<16xf32>
      %reduce_sum3A_647 = vector.extract %reduce_sum3A_646[15] : f32 from vector<16xf32>
      %bitcast_convert_type3A_648 = arith.bitcast %reduce_sum3A_647 : f32 to i32
      %shift_right_arithmetic3A_649 = arith.constant 23 : i32
      %shift_right_arithmetic3A_650 = arith.shrsi %bitcast_convert_type3A_648, %shift_right_arithmetic3A_649 : i32
      %sub3A_651 = arith.constant 127 : i32
      %sub3A_652 = arith.subi %shift_right_arithmetic3A_650, %sub3A_651 : i32
      %and3A_653 = arith.constant 8388607 : i32
      %and3A_654 = arith.andi %bitcast_convert_type3A_648, %and3A_653 : i32
      %or3A_655 = arith.constant 1065353216 : i32
      %or3A_656 = arith.ori %and3A_654, %or3A_655 : i32
      %bitcast_convert_type3A_657 = arith.bitcast %or3A_656 : i32 to f32
      %ge3A_658 = arith.constant 1.33333337 : f32
      %ge3A_659 = arith.cmpf oge, %bitcast_convert_type3A_657, %ge3A_658 : f32
      %mul3A_660 = arith.constant 5.000000e-01 : f32
      %mul3A_661 = arith.mulf %bitcast_convert_type3A_657, %mul3A_660 : f32
      %select_n3A_662 = arith.select %ge3A_659, %mul3A_661, %bitcast_convert_type3A_657 : f32
      %convert_element_type3A_663 = arith.extui %ge3A_659 : i1 to i32
      %add3A_664 = arith.addi %sub3A_652, %convert_element_type3A_663 : i32
      %convert_element_type3A_665 = arith.sitofp %add3A_664 : i32 to f32
      %sub3A_666 = arith.constant 1.000000e+00 : f32
      %sub3A_667 = arith.subf %select_n3A_662, %sub3A_666 : f32
      %mul3A_668 = arith.constant 2.000000e-01 : f32
      %mul3A_669 = arith.mulf %mul3A_668, %sub3A_667 : f32
      %sub3A_670 = arith.constant 2.500000e-01 : f32
      %sub3A_671 = arith.subf %mul3A_669, %sub3A_670 : f32
      %mul3A_672 = arith.mulf %sub3A_671, %sub3A_667 : f32
      %sub3A_673 = arith.constant -0.333333343 : f32
      %sub3A_674 = arith.subf %mul3A_672, %sub3A_673 : f32
      %mul3A_675 = arith.mulf %sub3A_674, %sub3A_667 : f32
      %sub3A_676 = arith.constant 5.000000e-01 : f32
      %sub3A_677 = arith.subf %mul3A_675, %sub3A_676 : f32
      %mul3A_678 = arith.mulf %sub3A_677, %sub3A_667 : f32
      %add3A_679 = arith.constant 1.000000e+00 : f32
      %add3A_680 = arith.addf %mul3A_678, %add3A_679 : f32
      %mul3A_681 = arith.mulf %add3A_680, %sub3A_667 : f32
      %mul3A_682 = arith.constant 0.693147182 : f32
      %mul3A_683 = arith.mulf %convert_element_type3A_665, %mul3A_682 : f32
      %add3A_684 = arith.addf %mul3A_683, %mul3A_681 : f32
      %neg3A_685 = arith.constant 0.000000e+00 : f32
      %neg3A_686 = arith.subf %neg3A_685, %add3A_684 : f32
      %broadcast_in_dim3A_687 = vector.broadcast %neg3A_686 : f32 to vector<16xf32>
      %swap3A_688 = arith.index_cast %add3A_604 : i32 to index
      %swap3A_689 = arith.constant 0 : index
      %swap3A_690 = tpu.vector_load %arg6[%swap3A_688, %swap3A_689] {strides = array<i32>} : memref<512x128xf32, #tpu.memory_space<vmem>>, vector<16xf32>,
      tpu.vector_store %arg6[%swap3A_688, %swap3A_689], %broadcast_in_dim3A_687 {add = true, strides = array<i32>} : memref<512x128xf32, #tpu.memory_space<vmem>>, vector<16xf32>,
      %swap3A_691 = arith.index_cast %add3A_604 : i32 to index
      %swap3A_692 = arith.constant 16 : index
      %swap3A_693 = tpu.vector_load %arg6[%swap3A_691, %swap3A_692] {strides = array<i32>} : memref<512x128xf32, #tpu.memory_space<vmem>>, vector<16xf32>,
      tpu.vector_store %arg6[%swap3A_691, %swap3A_692], %broadcast_in_dim3A_687 {add = true, strides = array<i32>} : memref<512x128xf32, #tpu.memory_space<vmem>>, vector<16xf32>,
      %swap3A_694 = arith.index_cast %add3A_604 : i32 to index
      %swap3A_695 = arith.constant 32 : index
      %swap3A_696 = tpu.vector_load %arg6[%swap3A_694, %swap3A_695] {strides = array<i32>} : memref<512x128xf32, #tpu.memory_space<vmem>>, vector<16xf32>,
      tpu.vector_store %arg6[%swap3A_694, %swap3A_695], %broadcast_in_dim3A_687 {add = true, strides = array<i32>} : memref<512x128xf32, #tpu.memory_space<vmem>>, vector<16xf32>,
      %swap3A_697 = arith.index_cast %add3A_604 : i32 to index
      %swap3A_698 = arith.constant 48 : index
      %swap3A_699 = tpu.vector_load %arg6[%swap3A_697, %swap3A_698] {strides = array<i32>} : memref<512x128xf32, #tpu.memory_space<vmem>>, vector<16xf32>,
      tpu.vector_store %arg6[%swap3A_697, %swap3A_698], %broadcast_in_dim3A_687 {add = true, strides = array<i32>} : memref<512x128xf32, #tpu.memory_space<vmem>>, vector<16xf32>,
      %swap3A_700 = arith.index_cast %add3A_604 : i32 to index
      %swap3A_701 = arith.constant 64 : index
      %swap3A_702 = tpu.vector_load %arg6[%swap3A_700, %swap3A_701] {strides = array<i32>} : memref<512x128xf32, #tpu.memory_space<vmem>>, vector<16xf32>,
      tpu.vector_store %arg6[%swap3A_700, %swap3A_701], %broadcast_in_dim3A_687 {add = true, strides = array<i32>} : memref<512x128xf32, #tpu.memory_space<vmem>>, vector<16xf32>,
      %swap3A_703 = arith.index_cast %add3A_604 : i32 to index
      %swap3A_704 = arith.constant 80 : index
      %swap3A_705 = tpu.vector_load %arg6[%swap3A_703, %swap3A_704] {strides = array<i32>} : memref<512x128xf32, #tpu.memory_space<vmem>>, vector<16xf32>,
      tpu.vector_store %arg6[%swap3A_703, %swap3A_704], %broadcast_in_dim3A_687 {add = true, strides = array<i32>} : memref<512x128xf32, #tpu.memory_space<vmem>>, vector<16xf32>,
      %swap3A_706 = arith.index_cast %add3A_604 : i32 to index
      %swap3A_707 = arith.constant 96 : index
      %swap3A_708 = tpu.vector_load %arg6[%swap3A_706, %swap3A_707] {strides = array<i32>} : memref<512x128xf32, #tpu.memory_space<vmem>>, vector<16xf32>,
      tpu.vector_store %arg6[%swap3A_706, %swap3A_707], %broadcast_in_dim3A_687 {add = true, strides = array<i32>} : memref<512x128xf32, #tpu.memory_space<vmem>>, vector<16xf32>,
      %swap3A_709 = arith.index_cast %add3A_604 : i32 to index
      %swap3A_710 = arith.constant 112 : index
      %swap3A_711 = tpu.vector_load %arg6[%swap3A_709, %swap3A_710] {strides = array<i32>} : memref<512x128xf32, #tpu.memory_space<vmem>>, vector<16xf32>,
      tpu.vector_store %arg6[%swap3A_709, %swap3A_710], %broadcast_in_dim3A_687 {add = true, strides = array<i32>} : memref<512x128xf32, #tpu.memory_space<vmem>>, vector<16xf32>,
      %add3A_712 = arith.constant 5 : i32
      %add3A_713 = arith.addi %add3A_180, %add3A_712 : i32
      %get3A_714 = arith.index_cast %add3A_713 : i32 to index
      %get3A_715 = arith.constant 0 : index
      %get3A_716 = tpu.vector_load %arg6[%get3A_714, %get3A_715] {strides = array<i32>} : memref<512x128xf32, #tpu.memory_space<vmem>>, vector<16xf32>,
      %get3A_717 = arith.index_cast %add3A_713 : i32 to index
      %get3A_718 = arith.constant 16 : index
      %get3A_719 = tpu.vector_load %arg6[%get3A_717, %get3A_718] {strides = array<i32>} : memref<512x128xf32, #tpu.memory_space<vmem>>, vector<16xf32>,
      %get3A_720 = arith.index_cast %add3A_713 : i32 to index
      %get3A_721 = arith.constant 32 : index
      %get3A_722 = tpu.vector_load %arg6[%get3A_720, %get3A_721] {strides = array<i32>} : memref<512x128xf32, #tpu.memory_space<vmem>>, vector<16xf32>,
      %get3A_723 = arith.index_cast %add3A_713 : i32 to index
      %get3A_724 = arith.constant 48 : index
      %get3A_725 = tpu.vector_load %arg6[%get3A_723, %get3A_724] {strides = array<i32>} : memref<512x128xf32, #tpu.memory_space<vmem>>, vector<16xf32>,
      %get3A_726 = arith.index_cast %add3A_713 : i32 to index
      %get3A_727 = arith.constant 64 : index
      %get3A_728 = tpu.vector_load %arg6[%get3A_726, %get3A_727] {strides = array<i32>} : memref<512x128xf32, #tpu.memory_space<vmem>>, vector<16xf32>,
      %get3A_729 = arith.index_cast %add3A_713 : i32 to index
      %get3A_730 = arith.constant 80 : index
      %get3A_731 = tpu.vector_load %arg6[%get3A_729, %get3A_730] {strides = array<i32>} : memref<512x128xf32, #tpu.memory_space<vmem>>, vector<16xf32>,
      %get3A_732 = arith.index_cast %add3A_713 : i32 to index
      %get3A_733 = arith.constant 96 : index
      %get3A_734 = tpu.vector_load %arg6[%get3A_732, %get3A_733] {strides = array<i32>} : memref<512x128xf32, #tpu.memory_space<vmem>>, vector<16xf32>,
      %get3A_735 = arith.index_cast %add3A_713 : i32 to index
      %get3A_736 = arith.constant 112 : index
      %get3A_737 = tpu.vector_load %arg6[%get3A_735, %get3A_736] {strides = array<i32>} : memref<512x128xf32, #tpu.memory_space<vmem>>, vector<16xf32>,
      %exp3A_738 = math.exp %get3A_716 : vector<16xf32>
      %exp3A_739 = math.exp %get3A_719 : vector<16xf32>
      %exp3A_740 = math.exp %get3A_722 : vector<16xf32>
      %exp3A_741 = math.exp %get3A_725 : vector<16xf32>
      %exp3A_742 = math.exp %get3A_728 : vector<16xf32>
      %exp3A_743 = math.exp %get3A_731 : vector<16xf32>
      %exp3A_744 = math.exp %get3A_734 : vector<16xf32>
      %exp3A_745 = math.exp %get3A_737 : vector<16xf32>
      %add3A_746 = arith.addf %exp3A_738, %exp3A_739 : vector<16xf32>
      %add3A_747 = arith.addf %exp3A_740, %exp3A_741 : vector<16xf32>
      %add3A_748 = arith.addf %exp3A_742, %exp3A_743 : vector<16xf32>
      %add3A_749 = arith.addf %exp3A_744, %exp3A_745 : vector<16xf32>
      %add3A_750 = arith.addf %add3A_746, %add3A_747 : vector<16xf32>
      %add3A_751 = arith.addf %add3A_748, %add3A_749 : vector<16xf32>
      %add3A_752 = arith.addf %add3A_750, %add3A_751 : vector<16xf32>
      %reduce_sum3A_753 = arith.constant true
      %reduce_sum3A_754 = vector.broadcast %reduce_sum3A_753 : i1 to vector<16xi1>
      %reduce_sum3A_755 = tpu.scan <sum>, %add3A_752 masked %reduce_sum3A_754 : vector<16xf32>, vector<16xi1> -> vector<16xf32>
      %reduce_sum3A_756 = vector.extract %reduce_sum3A_755[15] : f32 from vector<16xf32>
      %bitcast_convert_type3A_757 = arith.bitcast %reduce_sum3A_756 : f32 to i32
      %shift_right_arithmetic3A_758 = arith.constant 23 : i32
      %shift_right_arithmetic3A_759 = arith.shrsi %bitcast_convert_type3A_757, %shift_right_arithmetic3A_758 : i32
      %sub3A_760 = arith.constant 127 : i32
      %sub3A_761 = arith.subi %shift_right_arithmetic3A_759, %sub3A_760 : i32
      %and3A_762 = arith.constant 8388607 : i32
      %and3A_763 = arith.andi %bitcast_convert_type3A_757, %and3A_762 : i32
      %or3A_764 = arith.constant 1065353216 : i32
      %or3A_765 = arith.ori %and3A_763, %or3A_764 : i32
      %bitcast_convert_type3A_766 = arith.bitcast %or3A_765 : i32 to f32
      %ge3A_767 = arith.constant 1.33333337 : f32
      %ge3A_768 = arith.cmpf oge, %bitcast_convert_type3A_766, %ge3A_767 : f32
      %mul3A_769 = arith.constant 5.000000e-01 : f32
      %mul3A_770 = arith.mulf %bitcast_convert_type3A_766, %mul3A_769 : f32
      %select_n3A_771 = arith.select %ge3A_768, %mul3A_770, %bitcast_convert_type3A_766 : f32
      %convert_element_type3A_772 = arith.extui %ge3A_768 : i1 to i32
      %add3A_773 = arith.addi %sub3A_761, %convert_element_type3A_772 : i32
      %convert_element_type3A_774 = arith.sitofp %add3A_773 : i32 to f32
      %sub3A_775 = arith.constant 1.000000e+00 : f32
      %sub3A_776 = arith.subf %select_n3A_771, %sub3A_775 : f32
      %mul3A_777 = arith.constant 2.000000e-01 : f32
      %mul3A_778 = arith.mulf %mul3A_777, %sub3A_776 : f32
      %sub3A_779 = arith.constant 2.500000e-01 : f32
      %sub3A_780 = arith.subf %mul3A_778, %sub3A_779 : f32
      %mul3A_781 = arith.mulf %sub3A_780, %sub3A_776 : f32
      %sub3A_782 = arith.constant -0.333333343 : f32
      %sub3A_783 = arith.subf %mul3A_781, %sub3A_782 : f32
      %mul3A_784 = arith.mulf %sub3A_783, %sub3A_776 : f32
      %sub3A_785 = arith.constant 5.000000e-01 : f32
      %sub3A_786 = arith.subf %mul3A_784, %sub3A_785 : f32
      %mul3A_787 = arith.mulf %sub3A_786, %sub3A_776 : f32
      %add3A_788 = arith.constant 1.000000e+00 : f32
      %add3A_789 = arith.addf %mul3A_787, %add3A_788 : f32
      %mul3A_790 = arith.mulf %add3A_789, %sub3A_776 : f32
      %mul3A_791 = arith.constant 0.693147182 : f32
      %mul3A_792 = arith.mulf %convert_element_type3A_774, %mul3A_791 : f32
      %add3A_793 = arith.addf %mul3A_792, %mul3A_790 : f32
      %neg3A_794 = arith.constant 0.000000e+00 : f32
      %neg3A_795 = arith.subf %neg3A_794, %add3A_793 : f32
      %broadcast_in_dim3A_796 = vector.broadcast %neg3A_795 : f32 to vector<16xf32>
      %swap3A_797 = arith.index_cast %add3A_713 : i32 to index
      %swap3A_798 = arith.constant 0 : index
      %swap3A_799 = tpu.vector_load %arg6[%swap3A_797, %swap3A_798] {strides = array<i32>} : memref<512x128xf32, #tpu.memory_space<vmem>>, vector<16xf32>,
      tpu.vector_store %arg6[%swap3A_797, %swap3A_798], %broadcast_in_dim3A_796 {add = true, strides = array<i32>} : memref<512x128xf32, #tpu.memory_space<vmem>>, vector<16xf32>,
      %swap3A_800 = arith.index_cast %add3A_713 : i32 to index
      %swap3A_801 = arith.constant 16 : index
      %swap3A_802 = tpu.vector_load %arg6[%swap3A_800, %swap3A_801] {strides = array<i32>} : memref<512x128xf32, #tpu.memory_space<vmem>>, vector<16xf32>,
      tpu.vector_store %arg6[%swap3A_800, %swap3A_801], %broadcast_in_dim3A_796 {add = true, strides = array<i32>} : memref<512x128xf32, #tpu.memory_space<vmem>>, vector<16xf32>,
      %swap3A_803 = arith.index_cast %add3A_713 : i32 to index
      %swap3A_804 = arith.constant 32 : index
      %swap3A_805 = tpu.vector_load %arg6[%swap3A_803, %swap3A_804] {strides = array<i32>} : memref<512x128xf32, #tpu.memory_space<vmem>>, vector<16xf32>,
      tpu.vector_store %arg6[%swap3A_803, %swap3A_804], %broadcast_in_dim3A_796 {add = true, strides = array<i32>} : memref<512x128xf32, #tpu.memory_space<vmem>>, vector<16xf32>,
      %swap3A_806 = arith.index_cast %add3A_713 : i32 to index
      %swap3A_807 = arith.constant 48 : index
      %swap3A_808 = tpu.vector_load %arg6[%swap3A_806, %swap3A_807] {strides = array<i32>} : memref<512x128xf32, #tpu.memory_space<vmem>>, vector<16xf32>,
      tpu.vector_store %arg6[%swap3A_806, %swap3A_807], %broadcast_in_dim3A_796 {add = true, strides = array<i32>} : memref<512x128xf32, #tpu.memory_space<vmem>>, vector<16xf32>,
      %swap3A_809 = arith.index_cast %add3A_713 : i32 to index
      %swap3A_810 = arith.constant 64 : index
      %swap3A_811 = tpu.vector_load %arg6[%swap3A_809, %swap3A_810] {strides = array<i32>} : memref<512x128xf32, #tpu.memory_space<vmem>>, vector<16xf32>,
      tpu.vector_store %arg6[%swap3A_809, %swap3A_810], %broadcast_in_dim3A_796 {add = true, strides = array<i32>} : memref<512x128xf32, #tpu.memory_space<vmem>>, vector<16xf32>,
      %swap3A_812 = arith.index_cast %add3A_713 : i32 to index
      %swap3A_813 = arith.constant 80 : index
      %swap3A_814 = tpu.vector_load %arg6[%swap3A_812, %swap3A_813] {strides = array<i32>} : memref<512x128xf32, #tpu.memory_space<vmem>>, vector<16xf32>,
      tpu.vector_store %arg6[%swap3A_812, %swap3A_813], %broadcast_in_dim3A_796 {add = true, strides = array<i32>} : memref<512x128xf32, #tpu.memory_space<vmem>>, vector<16xf32>,
      %swap3A_815 = arith.index_cast %add3A_713 : i32 to index
      %swap3A_816 = arith.constant 96 : index
      %swap3A_817 = tpu.vector_load %arg6[%swap3A_815, %swap3A_816] {strides = array<i32>} : memref<512x128xf32, #tpu.memory_space<vmem>>, vector<16xf32>,
      tpu.vector_store %arg6[%swap3A_815, %swap3A_816], %broadcast_in_dim3A_796 {add = true, strides = array<i32>} : memref<512x128xf32, #tpu.memory_space<vmem>>, vector<16xf32>,
      %swap3A_818 = arith.index_cast %add3A_713 : i32 to index
      %swap3A_819 = arith.constant 112 : index
      %swap3A_820 = tpu.vector_load %arg6[%swap3A_818, %swap3A_819] {strides = array<i32>} : memref<512x128xf32, #tpu.memory_space<vmem>>, vector<16xf32>,
      tpu.vector_store %arg6[%swap3A_818, %swap3A_819], %broadcast_in_dim3A_796 {add = true, strides = array<i32>} : memref<512x128xf32, #tpu.memory_space<vmem>>, vector<16xf32>,
      %add3A_821 = arith.constant 6 : i32
      %add3A_822 = arith.addi %add3A_180, %add3A_821 : i32
      %get3A_823 = arith.index_cast %add3A_822 : i32 to index
      %get3A_824 = arith.constant 0 : index
      %get3A_825 = tpu.vector_load %arg6[%get3A_823, %get3A_824] {strides = array<i32>} : memref<512x128xf32, #tpu.memory_space<vmem>>, vector<16xf32>,
      %get3A_826 = arith.index_cast %add3A_822 : i32 to index
      %get3A_827 = arith.constant 16 : index
      %get3A_828 = tpu.vector_load %arg6[%get3A_826, %get3A_827] {strides = array<i32>} : memref<512x128xf32, #tpu.memory_space<vmem>>, vector<16xf32>,
      %get3A_829 = arith.index_cast %add3A_822 : i32 to index
      %get3A_830 = arith.constant 32 : index
      %get3A_831 = tpu.vector_load %arg6[%get3A_829, %get3A_830] {strides = array<i32>} : memref<512x128xf32, #tpu.memory_space<vmem>>, vector<16xf32>,
      %get3A_832 = arith.index_cast %add3A_822 : i32 to index
      %get3A_833 = arith.constant 48 : index
      %get3A_834 = tpu.vector_load %arg6[%get3A_832, %get3A_833] {strides = array<i32>} : memref<512x128xf32, #tpu.memory_space<vmem>>, vector<16xf32>,
      %get3A_835 = arith.index_cast %add3A_822 : i32 to index
      %get3A_836 = arith.constant 64 : index
      %get3A_837 = tpu.vector_load %arg6[%get3A_835, %get3A_836] {strides = array<i32>} : memref<512x128xf32, #tpu.memory_space<vmem>>, vector<16xf32>,
      %get3A_838 = arith.index_cast %add3A_822 : i32 to index
      %get3A_839 = arith.constant 80 : index
      %get3A_840 = tpu.vector_load %arg6[%get3A_838, %get3A_839] {strides = array<i32>} : memref<512x128xf32, #tpu.memory_space<vmem>>, vector<16xf32>,
      %get3A_841 = arith.index_cast %add3A_822 : i32 to index
      %get3A_842 = arith.constant 96 : index
      %get3A_843 = tpu.vector_load %arg6[%get3A_841, %get3A_842] {strides = array<i32>} : memref<512x128xf32, #tpu.memory_space<vmem>>, vector<16xf32>,
      %get3A_844 = arith.index_cast %add3A_822 : i32 to index
      %get3A_845 = arith.constant 112 : index
      %get3A_846 = tpu.vector_load %arg6[%get3A_844, %get3A_845] {strides = array<i32>} : memref<512x128xf32, #tpu.memory_space<vmem>>, vector<16xf32>,
      %exp3A_847 = math.exp %get3A_825 : vector<16xf32>
      %exp3A_848 = math.exp %get3A_828 : vector<16xf32>
      %exp3A_849 = math.exp %get3A_831 : vector<16xf32>
      %exp3A_850 = math.exp %get3A_834 : vector<16xf32>
      %exp3A_851 = math.exp %get3A_837 : vector<16xf32>
      %exp3A_852 = math.exp %get3A_840 : vector<16xf32>
      %exp3A_853 = math.exp %get3A_843 : vector<16xf32>
      %exp3A_854 = math.exp %get3A_846 : vector<16xf32>
      %add3A_855 = arith.addf %exp3A_847, %exp3A_848 : vector<16xf32>
      %add3A_856 = arith.addf %exp3A_849, %exp3A_850 : vector<16xf32>
      %add3A_857 = arith.addf %exp3A_851, %exp3A_852 : vector<16xf32>
      %add3A_858 = arith.addf %exp3A_853, %exp3A_854 : vector<16xf32>
      %add3A_859 = arith.addf %add3A_855, %add3A_856 : vector<16xf32>
      %add3A_860 = arith.addf %add3A_857, %add3A_858 : vector<16xf32>
      %add3A_861 = arith.addf %add3A_859, %add3A_860 : vector<16xf32>
      %reduce_sum3A_862 = arith.constant true
      %reduce_sum3A_863 = vector.broadcast %reduce_sum3A_862 : i1 to vector<16xi1>
      %reduce_sum3A_864 = tpu.scan <sum>, %add3A_861 masked %reduce_sum3A_863 : vector<16xf32>, vector<16xi1> -> vector<16xf32>
      %reduce_sum3A_865 = vector.extract %reduce_sum3A_864[15] : f32 from vector<16xf32>
      %bitcast_convert_type3A_866 = arith.bitcast %reduce_sum3A_865 : f32 to i32
      %shift_right_arithmetic3A_867 = arith.constant 23 : i32
      %shift_right_arithmetic3A_868 = arith.shrsi %bitcast_convert_type3A_866, %shift_right_arithmetic3A_867 : i32
      %sub3A_869 = arith.constant 127 : i32
      %sub3A_870 = arith.subi %shift_right_arithmetic3A_868, %sub3A_869 : i32
      %and3A_871 = arith.constant 8388607 : i32
      %and3A_872 = arith.andi %bitcast_convert_type3A_866, %and3A_871 : i32
      %or3A_873 = arith.constant 1065353216 : i32
      %or3A_874 = arith.ori %and3A_872, %or3A_873 : i32
      %bitcast_convert_type3A_875 = arith.bitcast %or3A_874 : i32 to f32
      %ge3A_876 = arith.constant 1.33333337 : f32
      %ge3A_877 = arith.cmpf oge, %bitcast_convert_type3A_875, %ge3A_876 : f32
      %mul3A_878 = arith.constant 5.000000e-01 : f32
      %mul3A_879 = arith.mulf %bitcast_convert_type3A_875, %mul3A_878 : f32
      %select_n3A_880 = arith.select %ge3A_877, %mul3A_879, %bitcast_convert_type3A_875 : f32
      %convert_element_type3A_881 = arith.extui %ge3A_877 : i1 to i32
      %add3A_882 = arith.addi %sub3A_870, %convert_element_type3A_881 : i32
      %convert_element_type3A_883 = arith.sitofp %add3A_882 : i32 to f32
      %sub3A_884 = arith.constant 1.000000e+00 : f32
      %sub3A_885 = arith.subf %select_n3A_880, %sub3A_884 : f32
      %mul3A_886 = arith.constant 2.000000e-01 : f32
      %mul3A_887 = arith.mulf %mul3A_886, %sub3A_885 : f32
      %sub3A_888 = arith.constant 2.500000e-01 : f32
      %sub3A_889 = arith.subf %mul3A_887, %sub3A_888 : f32
      %mul3A_890 = arith.mulf %sub3A_889, %sub3A_885 : f32
      %sub3A_891 = arith.constant -0.333333343 : f32
      %sub3A_892 = arith.subf %mul3A_890, %sub3A_891 : f32
      %mul3A_893 = arith.mulf %sub3A_892, %sub3A_885 : f32
      %sub3A_894 = arith.constant 5.000000e-01 : f32
      %sub3A_895 = arith.subf %mul3A_893, %sub3A_894 : f32
      %mul3A_896 = arith.mulf %sub3A_895, %sub3A_885 : f32
      %add3A_897 = arith.constant 1.000000e+00 : f32
      %add3A_898 = arith.addf %mul3A_896, %add3A_897 : f32
      %mul3A_899 = arith.mulf %add3A_898, %sub3A_885 : f32
      %mul3A_900 = arith.constant 0.693147182 : f32
      %mul3A_901 = arith.mulf %convert_element_type3A_883, %mul3A_900 : f32
      %add3A_902 = arith.addf %mul3A_901, %mul3A_899 : f32
      %neg3A_903 = arith.constant 0.000000e+00 : f32
      %neg3A_904 = arith.subf %neg3A_903, %add3A_902 : f32
      %broadcast_in_dim3A_905 = vector.broadcast %neg3A_904 : f32 to vector<16xf32>
      %swap3A_906 = arith.index_cast %add3A_822 : i32 to index
      %swap3A_907 = arith.constant 0 : index
      %swap3A_908 = tpu.vector_load %arg6[%swap3A_906, %swap3A_907] {strides = array<i32>} : memref<512x128xf32, #tpu.memory_space<vmem>>, vector<16xf32>,
      tpu.vector_store %arg6[%swap3A_906, %swap3A_907], %broadcast_in_dim3A_905 {add = true, strides = array<i32>} : memref<512x128xf32, #tpu.memory_space<vmem>>, vector<16xf32>,
      %swap3A_909 = arith.index_cast %add3A_822 : i32 to index
      %swap3A_910 = arith.constant 16 : index
      %swap3A_911 = tpu.vector_load %arg6[%swap3A_909, %swap3A_910] {strides = array<i32>} : memref<512x128xf32, #tpu.memory_space<vmem>>, vector<16xf32>,
      tpu.vector_store %arg6[%swap3A_909, %swap3A_910], %broadcast_in_dim3A_905 {add = true, strides = array<i32>} : memref<512x128xf32, #tpu.memory_space<vmem>>, vector<16xf32>,
      %swap3A_912 = arith.index_cast %add3A_822 : i32 to index
      %swap3A_913 = arith.constant 32 : index
      %swap3A_914 = tpu.vector_load %arg6[%swap3A_912, %swap3A_913] {strides = array<i32>} : memref<512x128xf32, #tpu.memory_space<vmem>>, vector<16xf32>,
      tpu.vector_store %arg6[%swap3A_912, %swap3A_913], %broadcast_in_dim3A_905 {add = true, strides = array<i32>} : memref<512x128xf32, #tpu.memory_space<vmem>>, vector<16xf32>,
      %swap3A_915 = arith.index_cast %add3A_822 : i32 to index
      %swap3A_916 = arith.constant 48 : index
      %swap3A_917 = tpu.vector_load %arg6[%swap3A_915, %swap3A_916] {strides = array<i32>} : memref<512x128xf32, #tpu.memory_space<vmem>>, vector<16xf32>,
      tpu.vector_store %arg6[%swap3A_915, %swap3A_916], %broadcast_in_dim3A_905 {add = true, strides = array<i32>} : memref<512x128xf32, #tpu.memory_space<vmem>>, vector<16xf32>,
      %swap3A_918 = arith.index_cast %add3A_822 : i32 to index
      %swap3A_919 = arith.constant 64 : index
      %swap3A_920 = tpu.vector_load %arg6[%swap3A_918, %swap3A_919] {strides = array<i32>} : memref<512x128xf32, #tpu.memory_space<vmem>>, vector<16xf32>,
      tpu.vector_store %arg6[%swap3A_918, %swap3A_919], %broadcast_in_dim3A_905 {add = true, strides = array<i32>} : memref<512x128xf32, #tpu.memory_space<vmem>>, vector<16xf32>,
      %swap3A_921 = arith.index_cast %add3A_822 : i32 to index
      %swap3A_922 = arith.constant 80 : index
      %swap3A_923 = tpu.vector_load %arg6[%swap3A_921, %swap3A_922] {strides = array<i32>} : memref<512x128xf32, #tpu.memory_space<vmem>>, vector<16xf32>,
      tpu.vector_store %arg6[%swap3A_921, %swap3A_922], %broadcast_in_dim3A_905 {add = true, strides = array<i32>} : memref<512x128xf32, #tpu.memory_space<vmem>>, vector<16xf32>,
      %swap3A_924 = arith.index_cast %add3A_822 : i32 to index
      %swap3A_925 = arith.constant 96 : index
      %swap3A_926 = tpu.vector_load %arg6[%swap3A_924, %swap3A_925] {strides = array<i32>} : memref<512x128xf32, #tpu.memory_space<vmem>>, vector<16xf32>,
      tpu.vector_store %arg6[%swap3A_924, %swap3A_925], %broadcast_in_dim3A_905 {add = true, strides = array<i32>} : memref<512x128xf32, #tpu.memory_space<vmem>>, vector<16xf32>,
      %swap3A_927 = arith.index_cast %add3A_822 : i32 to index
      %swap3A_928 = arith.constant 112 : index
      %swap3A_929 = tpu.vector_load %arg6[%swap3A_927, %swap3A_928] {strides = array<i32>} : memref<512x128xf32, #tpu.memory_space<vmem>>, vector<16xf32>,
      tpu.vector_store %arg6[%swap3A_927, %swap3A_928], %broadcast_in_dim3A_905 {add = true, strides = array<i32>} : memref<512x128xf32, #tpu.memory_space<vmem>>, vector<16xf32>,
      %add3A_930 = arith.constant 7 : i32
      %add3A_931 = arith.addi %add3A_180, %add3A_930 : i32
      %get3A_932 = arith.index_cast %add3A_931 : i32 to index
      %get3A_933 = arith.constant 0 : index
      %get3A_934 = tpu.vector_load %arg6[%get3A_932, %get3A_933] {strides = array<i32>} : memref<512x128xf32, #tpu.memory_space<vmem>>, vector<16xf32>,
      %get3A_935 = arith.index_cast %add3A_931 : i32 to index
      %get3A_936 = arith.constant 16 : index
      %get3A_937 = tpu.vector_load %arg6[%get3A_935, %get3A_936] {strides = array<i32>} : memref<512x128xf32, #tpu.memory_space<vmem>>, vector<16xf32>,
      %get3A_938 = arith.index_cast %add3A_931 : i32 to index
      %get3A_939 = arith.constant 32 : index
      %get3A_940 = tpu.vector_load %arg6[%get3A_938, %get3A_939] {strides = array<i32>} : memref<512x128xf32, #tpu.memory_space<vmem>>, vector<16xf32>,
      %get3A_941 = arith.index_cast %add3A_931 : i32 to index
      %get3A_942 = arith.constant 48 : index
      %get3A_943 = tpu.vector_load %arg6[%get3A_941, %get3A_942] {strides = array<i32>} : memref<512x128xf32, #tpu.memory_space<vmem>>, vector<16xf32>,
      %get3A_944 = arith.index_cast %add3A_931 : i32 to index
      %get3A_945 = arith.constant 64 : index
      %get3A_946 = tpu.vector_load %arg6[%get3A_944, %get3A_945] {strides = array<i32>} : memref<512x128xf32, #tpu.memory_space<vmem>>, vector<16xf32>,
      %get3A_947 = arith.index_cast %add3A_931 : i32 to index
      %get3A_948 = arith.constant 80 : index
      %get3A_949 = tpu.vector_load %arg6[%get3A_947, %get3A_948] {strides = array<i32>} : memref<512x128xf32, #tpu.memory_space<vmem>>, vector<16xf32>,
      %get3A_950 = arith.index_cast %add3A_931 : i32 to index
      %get3A_951 = arith.constant 96 : index
      %get3A_952 = tpu.vector_load %arg6[%get3A_950, %get3A_951] {strides = array<i32>} : memref<512x128xf32, #tpu.memory_space<vmem>>, vector<16xf32>,
      %get3A_953 = arith.index_cast %add3A_931 : i32 to index
      %get3A_954 = arith.constant 112 : index
      %get3A_955 = tpu.vector_load %arg6[%get3A_953, %get3A_954] {strides = array<i32>} : memref<512x128xf32, #tpu.memory_space<vmem>>, vector<16xf32>,
      %exp3A_956 = math.exp %get3A_934 : vector<16xf32>
      %exp3A_957 = math.exp %get3A_937 : vector<16xf32>
      %exp3A_958 = math.exp %get3A_940 : vector<16xf32>
      %exp3A_959 = math.exp %get3A_943 : vector<16xf32>
      %exp3A_960 = math.exp %get3A_946 : vector<16xf32>
      %exp3A_961 = math.exp %get3A_949 : vector<16xf32>
      %exp3A_962 = math.exp %get3A_952 : vector<16xf32>
      %exp3A_963 = math.exp %get3A_955 : vector<16xf32>
      %add3A_964 = arith.addf %exp3A_956, %exp3A_957 : vector<16xf32>
      %add3A_965 = arith.addf %exp3A_958, %exp3A_959 : vector<16xf32>
      %add3A_966 = arith.addf %exp3A_960, %exp3A_961 : vector<16xf32>
      %add3A_967 = arith.addf %exp3A_962, %exp3A_963 : vector<16xf32>
      %add3A_968 = arith.addf %add3A_964, %add3A_965 : vector<16xf32>
      %add3A_969 = arith.addf %add3A_966, %add3A_967 : vector<16xf32>
      %add3A_970 = arith.addf %add3A_968, %add3A_969 : vector<16xf32>
      %reduce_sum3A_971 = arith.constant true
      %reduce_sum3A_972 = vector.broadcast %reduce_sum3A_971 : i1 to vector<16xi1>
      %reduce_sum3A_973 = tpu.scan <sum>, %add3A_970 masked %reduce_sum3A_972 : vector<16xf32>, vector<16xi1> -> vector<16xf32>
      %reduce_sum3A_974 = vector.extract %reduce_sum3A_973[15] : f32 from vector<16xf32>
      %bitcast_convert_type3A_975 = arith.bitcast %reduce_sum3A_974 : f32 to i32
      %shift_right_arithmetic3A_976 = arith.constant 23 : i32
      %shift_right_arithmetic3A_977 = arith.shrsi %bitcast_convert_type3A_975, %shift_right_arithmetic3A_976 : i32
      %sub3A_978 = arith.constant 127 : i32
      %sub3A_979 = arith.subi %shift_right_arithmetic3A_977, %sub3A_978 : i32
      %and3A_980 = arith.constant 8388607 : i32
      %and3A_981 = arith.andi %bitcast_convert_type3A_975, %and3A_980 : i32
      %or3A_982 = arith.constant 1065353216 : i32
      %or3A_983 = arith.ori %and3A_981, %or3A_982 : i32
      %bitcast_convert_type3A_984 = arith.bitcast %or3A_983 : i32 to f32
      %ge3A_985 = arith.constant 1.33333337 : f32
      %ge3A_986 = arith.cmpf oge, %bitcast_convert_type3A_984, %ge3A_985 : f32
      %mul3A_987 = arith.constant 5.000000e-01 : f32
      %mul3A_988 = arith.mulf %bitcast_convert_type3A_984, %mul3A_987 : f32
      %select_n3A_989 = arith.select %ge3A_986, %mul3A_988, %bitcast_convert_type3A_984 : f32
      %convert_element_type3A_990 = arith.extui %ge3A_986 : i1 to i32
      %add3A_991 = arith.addi %sub3A_979, %convert_element_type3A_990 : i32
      %convert_element_type3A_992 = arith.sitofp %add3A_991 : i32 to f32
      %sub3A_993 = arith.constant 1.000000e+00 : f32
      %sub3A_994 = arith.subf %select_n3A_989, %sub3A_993 : f32
      %mul3A_995 = arith.constant 2.000000e-01 : f32
      %mul3A_996 = arith.mulf %mul3A_995, %sub3A_994 : f32
      %sub3A_997 = arith.constant 2.500000e-01 : f32
      %sub3A_998 = arith.subf %mul3A_996, %sub3A_997 : f32
      %mul3A_999 = arith.mulf %sub3A_998, %sub3A_994 : f32
      %sub3A_1000 = arith.constant -0.333333343 : f32
      %sub3A_1001 = arith.subf %mul3A_999, %sub3A_1000 : f32
      %mul3A_1002 = arith.mulf %sub3A_1001, %sub3A_994 : f32
      %sub3A_1003 = arith.constant 5.000000e-01 : f32
      %sub3A_1004 = arith.subf %mul3A_1002, %sub3A_1003 : f32
      %mul3A_1005 = arith.mulf %sub3A_1004, %sub3A_994 : f32
      %add3A_1006 = arith.constant 1.000000e+00 : f32
      %add3A_1007 = arith.addf %mul3A_1005, %add3A_1006 : f32
      %mul3A_1008 = arith.mulf %add3A_1007, %sub3A_994 : f32
      %mul3A_1009 = arith.constant 0.693147182 : f32
      %mul3A_1010 = arith.mulf %convert_element_type3A_992, %mul3A_1009 : f32
      %add3A_1011 = arith.addf %mul3A_1010, %mul3A_1008 : f32
      %neg3A_1012 = arith.constant 0.000000e+00 : f32
      %neg3A_1013 = arith.subf %neg3A_1012, %add3A_1011 : f32
      %broadcast_in_dim3A_1014 = vector.broadcast %neg3A_1013 : f32 to vector<16xf32>
      %swap3A_1015 = arith.index_cast %add3A_931 : i32 to index
      %swap3A_1016 = arith.constant 0 : index
      %swap3A_1017 = tpu.vector_load %arg6[%swap3A_1015, %swap3A_1016] {strides = array<i32>} : memref<512x128xf32, #tpu.memory_space<vmem>>, vector<16xf32>,
      tpu.vector_store %arg6[%swap3A_1015, %swap3A_1016], %broadcast_in_dim3A_1014 {add = true, strides = array<i32>} : memref<512x128xf32, #tpu.memory_space<vmem>>, vector<16xf32>,
      %swap3A_1018 = arith.index_cast %add3A_931 : i32 to index
      %swap3A_1019 = arith.constant 16 : index
      %swap3A_1020 = tpu.vector_load %arg6[%swap3A_1018, %swap3A_1019] {strides = array<i32>} : memref<512x128xf32, #tpu.memory_space<vmem>>, vector<16xf32>,
      tpu.vector_store %arg6[%swap3A_1018, %swap3A_1019], %broadcast_in_dim3A_1014 {add = true, strides = array<i32>} : memref<512x128xf32, #tpu.memory_space<vmem>>, vector<16xf32>,
      %swap3A_1021 = arith.index_cast %add3A_931 : i32 to index
      %swap3A_1022 = arith.constant 32 : index
      %swap3A_1023 = tpu.vector_load %arg6[%swap3A_1021, %swap3A_1022] {strides = array<i32>} : memref<512x128xf32, #tpu.memory_space<vmem>>, vector<16xf32>,
      tpu.vector_store %arg6[%swap3A_1021, %swap3A_1022], %broadcast_in_dim3A_1014 {add = true, strides = array<i32>} : memref<512x128xf32, #tpu.memory_space<vmem>>, vector<16xf32>,
      %swap3A_1024 = arith.index_cast %add3A_931 : i32 to index
      %swap3A_1025 = arith.constant 48 : index
      %swap3A_1026 = tpu.vector_load %arg6[%swap3A_1024, %swap3A_1025] {strides = array<i32>} : memref<512x128xf32, #tpu.memory_space<vmem>>, vector<16xf32>,
      tpu.vector_store %arg6[%swap3A_1024, %swap3A_1025], %broadcast_in_dim3A_1014 {add = true, strides = array<i32>} : memref<512x128xf32, #tpu.memory_space<vmem>>, vector<16xf32>,
      %swap3A_1027 = arith.index_cast %add3A_931 : i32 to index
      %swap3A_1028 = arith.constant 64 : index
      %swap3A_1029 = tpu.vector_load %arg6[%swap3A_1027, %swap3A_1028] {strides = array<i32>} : memref<512x128xf32, #tpu.memory_space<vmem>>, vector<16xf32>,
      tpu.vector_store %arg6[%swap3A_1027, %swap3A_1028], %broadcast_in_dim3A_1014 {add = true, strides = array<i32>} : memref<512x128xf32, #tpu.memory_space<vmem>>, vector<16xf32>,
      %swap3A_1030 = arith.index_cast %add3A_931 : i32 to index
      %swap3A_1031 = arith.constant 80 : index
      %swap3A_1032 = tpu.vector_load %arg6[%swap3A_1030, %swap3A_1031] {strides = array<i32>} : memref<512x128xf32, #tpu.memory_space<vmem>>, vector<16xf32>,
      tpu.vector_store %arg6[%swap3A_1030, %swap3A_1031], %broadcast_in_dim3A_1014 {add = true, strides = array<i32>} : memref<512x128xf32, #tpu.memory_space<vmem>>, vector<16xf32>,
      %swap3A_1033 = arith.index_cast %add3A_931 : i32 to index
      %swap3A_1034 = arith.constant 96 : index
      %swap3A_1035 = tpu.vector_load %arg6[%swap3A_1033, %swap3A_1034] {strides = array<i32>} : memref<512x128xf32, #tpu.memory_space<vmem>>, vector<16xf32>,
      tpu.vector_store %arg6[%swap3A_1033, %swap3A_1034], %broadcast_in_dim3A_1014 {add = true, strides = array<i32>} : memref<512x128xf32, #tpu.memory_space<vmem>>, vector<16xf32>,
      %swap3A_1036 = arith.index_cast %add3A_931 : i32 to index
      %swap3A_1037 = arith.constant 112 : index
      %swap3A_1038 = tpu.vector_load %arg6[%swap3A_1036, %swap3A_1037] {strides = array<i32>} : memref<512x128xf32, #tpu.memory_space<vmem>>, vector<16xf32>,
      tpu.vector_store %arg6[%swap3A_1036, %swap3A_1037], %broadcast_in_dim3A_1014 {add = true, strides = array<i32>} : memref<512x128xf32, #tpu.memory_space<vmem>>, vector<16xf32>,
    }
    %scan3A_45 = arith.constant 16 : i32
    %add3A_46 = arith.constant 0 : i32
    %add3A_47 = arith.addi %mul3A_2, %add3A_46 : i32
    %dma_start3A_48 = arith.constant 0 : i32
    %dma_start3A_49 = arith.constant 0 : i32
    %dma_start3A_50 = tpu.memref_slice %arg6[%dma_start3A_48, %dma_start3A_49] : memref<512x128xf32, #tpu.memory_space<vmem>> -> memref<128x128xf32, #tpu.memory_space<vmem>>
    %dma_start3A_51 = arith.constant 0 : i32
    %dma_start3A_52 = tpu.memref_slice %arg4[%add3A_47, %dma_start3A_51] : memref<16384x128xf32, #tpu.memory_space<hbm>> -> memref<128x128xf32, #tpu.memory_space<hbm>>
    %dma_start3A_53 = arith.constant 0 : i32
    %dma_start3A_54 = tpu.memref_slice %arg4[%add3A_47, %dma_start3A_53] : memref<16384x128xf32, #tpu.memory_space<hbm>> -> memref<128x128xf32, #tpu.memory_space<hbm>>
    %dma_start3A_55 = arith.constant 0 : i32
    %dma_start3A_56 = arith.constant 0 : i32
    %dma_start3A_57 = tpu.memref_slice %arg6[%dma_start3A_55, %dma_start3A_56] : memref<512x128xf32, #tpu.memory_space<vmem>> -> memref<128x128xf32, #tpu.memory_space<vmem>>
    tpu.enqueue_dma source(%dma_start3A_57 : memref<128x128xf32, #tpu.memory_space<vmem>>) target(%dma_start3A_54 : memref<128x128xf32, #tpu.memory_space<hbm>>) target_semaphore(%arg8 : memref<!tpu.dma_semaphore, #tpu.memory_space<semaphore_mem>>)
    %dma_wait3A_58 = arith.constant 128 : i32
    %dma_wait3A_59 = arith.constant 0 : i32
    %dma_wait3A_60 = tpu.memref_slice %arg6[%dma_wait3A_58, %dma_wait3A_59] : memref<512x128xf32, #tpu.memory_space<vmem>> -> memref<128x128xf32, #tpu.memory_space<vmem>>
    %dma_wait3A_61 = arith.constant 128 : i32
    %dma_wait3A_62 = tpu.memref_slice %arg5[%dma_wait3A_61] : memref<512xi32, #tpu.memory_space<vmem>> -> memref<128xi32, #tpu.memory_space<vmem>>
    %dma_wait3A_63 = arith.constant 0 : i32
    %dma_wait3A_64 = arith.constant 0 : i32
    %dma_wait3A_65 = tpu.memref_slice %arg2[%dma_wait3A_63, %dma_wait3A_64] : memref<100000x128xf32, #tpu.memory_space<hbm>> -> memref<100000x128xf32, #tpu.memory_space<hbm>>
    tpu.wait_indirect_dma semaphore(%arg7 : memref<!tpu.dma_semaphore, #tpu.memory_space<semaphore_mem>>) src(%dma_wait3A_65 : memref<100000x128xf32, #tpu.memory_space<hbm>>) dst(%dma_wait3A_60 : memref<128x128xf32, #tpu.memory_space<vmem>>)
    %scan3A_66 = arith.constant 0 : i32
    %scan3A_67 = arith.constant 0 : i32
    %scan3A_68 = arith.constant 16 : i32
    %scan3A_69 = arith.addi %scan3A_67, %scan3A_68 : i32
    %scan3A_70 = arith.constant 1 : i32
    scf.for %scan3A_176 = %scan3A_67 to %scan3A_69 step %scan3A_70  : i32 {
      %mul3A_177 = arith.constant 8 : i32
      %mul3A_178 = arith.muli %scan3A_176, %mul3A_177 : i32
      %add3A_179 = arith.constant 128 : i32
      %add3A_180 = arith.addi %add3A_179, %mul3A_178 : i32
      %add3A_181 = arith.constant 0 : i32
      %add3A_182 = arith.addi %add3A_180, %add3A_181 : i32
      %get3A = arith.index_cast %add3A_182 : i32 to index
      %get3A_183 = arith.constant 0 : index
      %get3A_184 = tpu.vector_load %arg6[%get3A, %get3A_183] {strides = array<i32>} : memref<512x128xf32, #tpu.memory_space<vmem>>, vector<16xf32>,
      %get3A_185 = arith.index_cast %add3A_182 : i32 to index
      %get3A_186 = arith.constant 16 : index
      %get3A_187 = tpu.vector_load %arg6[%get3A_185, %get3A_186] {strides = array<i32>} : memref<512x128xf32, #tpu.memory_space<vmem>>, vector<16xf32>,
      %get3A_188 = arith.index_cast %add3A_182 : i32 to index
      %get3A_189 = arith.constant 32 : index
      %get3A_190 = tpu.vector_load %arg6[%get3A_188, %get3A_189] {strides = array<i32>} : memref<512x128xf32, #tpu.memory_space<vmem>>, vector<16xf32>,
      %get3A_191 = arith.index_cast %add3A_182 : i32 to index
      %get3A_192 = arith.constant 48 : index
      %get3A_193 = tpu.vector_load %arg6[%get3A_191, %get3A_192] {strides = array<i32>} : memref<512x128xf32, #tpu.memory_space<vmem>>, vector<16xf32>,
      %get3A_194 = arith.index_cast %add3A_182 : i32 to index
      %get3A_195 = arith.constant 64 : index
      %get3A_196 = tpu.vector_load %arg6[%get3A_194, %get3A_195] {strides = array<i32>} : memref<512x128xf32, #tpu.memory_space<vmem>>, vector<16xf32>,
      %get3A_197 = arith.index_cast %add3A_182 : i32 to index
      %get3A_198 = arith.constant 80 : index
      %get3A_199 = tpu.vector_load %arg6[%get3A_197, %get3A_198] {strides = array<i32>} : memref<512x128xf32, #tpu.memory_space<vmem>>, vector<16xf32>,
      %get3A_200 = arith.index_cast %add3A_182 : i32 to index
      %get3A_201 = arith.constant 96 : index
      %get3A_202 = tpu.vector_load %arg6[%get3A_200, %get3A_201] {strides = array<i32>} : memref<512x128xf32, #tpu.memory_space<vmem>>, vector<16xf32>,
      %get3A_203 = arith.index_cast %add3A_182 : i32 to index
      %get3A_204 = arith.constant 112 : index
      %get3A_205 = tpu.vector_load %arg6[%get3A_203, %get3A_204] {strides = array<i32>} : memref<512x128xf32, #tpu.memory_space<vmem>>, vector<16xf32>,
      %exp3A = math.exp %get3A_184 : vector<16xf32>
      %exp3A_206 = math.exp %get3A_187 : vector<16xf32>
      %exp3A_207 = math.exp %get3A_190 : vector<16xf32>
      %exp3A_208 = math.exp %get3A_193 : vector<16xf32>
      %exp3A_209 = math.exp %get3A_196 : vector<16xf32>
      %exp3A_210 = math.exp %get3A_199 : vector<16xf32>
      %exp3A_211 = math.exp %get3A_202 : vector<16xf32>
      %exp3A_212 = math.exp %get3A_205 : vector<16xf32>
      %add3A_213 = arith.addf %exp3A, %exp3A_206 : vector<16xf32>
      %add3A_214 = arith.addf %exp3A_207, %exp3A_208 : vector<16xf32>
      %add3A_215 = arith.addf %exp3A_209, %exp3A_210 : vector<16xf32>
      %add3A_216 = arith.addf %exp3A_211, %exp3A_212 : vector<16xf32>
      %add3A_217 = arith.addf %add3A_213, %add3A_214 : vector<16xf32>
      %add3A_218 = arith.addf %add3A_215, %add3A_216 : vector<16xf32>
      %add3A_219 = arith.addf %add3A_217, %add3A_218 : vector<16xf32>
      %reduce_sum3A = arith.constant true
      %reduce_sum3A_220 = vector.broadcast %reduce_sum3A : i1 to vector<16xi1>
      %reduce_sum3A_221 = tpu.scan <sum>, %add3A_219 masked %reduce_sum3A_220 : vector<16xf32>, vector<16xi1> -> vector<16xf32>
      %reduce_sum3A_222 = vector.extract %reduce_sum3A_221[15] : f32 from vector<16xf32>
      %bitcast_convert_type3A = arith.bitcast %reduce_sum3A_222 : f32 to i32
      %shift_right_arithmetic3A = arith.constant 23 : i32
      %shift_right_arithmetic3A_223 = arith.shrsi %bitcast_convert_type3A, %shift_right_arithmetic3A : i32
      %sub3A = arith.constant 127 : i32
      %sub3A_224 = arith.subi %shift_right_arithmetic3A_223, %sub3A : i32
      %and3A = arith.constant 8388607 : i32
      %and3A_225 = arith.andi %bitcast_convert_type3A, %and3A : i32
      %or3A = arith.constant 1065353216 : i32
      %or3A_226 = arith.ori %and3A_225, %or3A : i32
      %bitcast_convert_type3A_227 = arith.bitcast %or3A_226 : i32 to f32
      %ge3A = arith.constant 1.33333337 : f32
      %ge3A_228 = arith.cmpf oge, %bitcast_convert_type3A_227, %ge3A : f32
      %mul3A_229 = arith.constant 5.000000e-01 : f32
      %mul3A_230 = arith.mulf %bitcast_convert_type3A_227, %mul3A_229 : f32
      %select_n3A = arith.select %ge3A_228, %mul3A_230, %bitcast_convert_type3A_227 : f32
      %convert_element_type3A = arith.extui %ge3A_228 : i1 to i32
      %add3A_231 = arith.addi %sub3A_224, %convert_element_type3A : i32
      %convert_element_type3A_232 = arith.sitofp %add3A_231 : i32 to f32
      %sub3A_233 = arith.constant 1.000000e+00 : f32
      %sub3A_234 = arith.subf %select_n3A, %sub3A_233 : f32
      %mul3A_235 = arith.constant 2.000000e-01 : f32
      %mul3A_236 = arith.mulf %mul3A_235, %sub3A_234 : f32
      %sub3A_237 = arith.constant 2.500000e-01 : f32
      %sub3A_238 = arith.subf %mul3A_236, %sub3A_237 : f32
      %mul3A_239 = arith.mulf %sub3A_238, %sub3A_234 : f32
      %sub3A_240 = arith.constant -0.333333343 : f32
      %sub3A_241 = arith.subf %mul3A_239, %sub3A_240 : f32
      %mul3A_242 = arith.mulf %sub3A_241, %sub3A_234 : f32
      %sub3A_243 = arith.constant 5.000000e-01 : f32
      %sub3A_244 = arith.subf %mul3A_242, %sub3A_243 : f32
      %mul3A_245 = arith.mulf %sub3A_244, %sub3A_234 : f32
      %add3A_246 = arith.constant 1.000000e+00 : f32
      %add3A_247 = arith.addf %mul3A_245, %add3A_246 : f32
      %mul3A_248 = arith.mulf %add3A_247, %sub3A_234 : f32
      %mul3A_249 = arith.constant 0.693147182 : f32
      %mul3A_250 = arith.mulf %convert_element_type3A_232, %mul3A_249 : f32
      %add3A_251 = arith.addf %mul3A_250, %mul3A_248 : f32
      %neg3A = arith.constant 0.000000e+00 : f32
      %neg3A_252 = arith.subf %neg3A, %add3A_251 : f32
      %broadcast_in_dim3A = vector.broadcast %neg3A_252 : f32 to vector<16xf32>
      %swap3A = arith.index_cast %add3A_182 : i32 to index
      %swap3A_253 = arith.constant 0 : index
      %swap3A_254 = tpu.vector_load %arg6[%swap3A, %swap3A_253] {strides = array<i32>} : memref<512x128xf32, #tpu.memory_space<vmem>>, vector<16xf32>,
      tpu.vector_store %arg6[%swap3A, %swap3A_253], %broadcast_in_dim3A {add = true, strides = array<i32>} : memref<512x128xf32, #tpu.memory_space<vmem>>, vector<16xf32>,
      %swap3A_255 = arith.index_cast %add3A_182 : i32 to index
      %swap3A_256 = arith.constant 16 : index
      %swap3A_257 = tpu.vector_load %arg6[%swap3A_255, %swap3A_256] {strides = array<i32>} : memref<512x128xf32, #tpu.memory_space<vmem>>, vector<16xf32>,
      tpu.vector_store %arg6[%swap3A_255, %swap3A_256], %broadcast_in_dim3A {add = true, strides = array<i32>} : memref<512x128xf32, #tpu.memory_space<vmem>>, vector<16xf32>,
      %swap3A_258 = arith.index_cast %add3A_182 : i32 to index
      %swap3A_259 = arith.constant 32 : index
      %swap3A_260 = tpu.vector_load %arg6[%swap3A_258, %swap3A_259] {strides = array<i32>} : memref<512x128xf32, #tpu.memory_space<vmem>>, vector<16xf32>,
      tpu.vector_store %arg6[%swap3A_258, %swap3A_259], %broadcast_in_dim3A {add = true, strides = array<i32>} : memref<512x128xf32, #tpu.memory_space<vmem>>, vector<16xf32>,
      %swap3A_261 = arith.index_cast %add3A_182 : i32 to index
      %swap3A_262 = arith.constant 48 : index
      %swap3A_263 = tpu.vector_load %arg6[%swap3A_261, %swap3A_262] {strides = array<i32>} : memref<512x128xf32, #tpu.memory_space<vmem>>, vector<16xf32>,
      tpu.vector_store %arg6[%swap3A_261, %swap3A_262], %broadcast_in_dim3A {add = true, strides = array<i32>} : memref<512x128xf32, #tpu.memory_space<vmem>>, vector<16xf32>,
      %swap3A_264 = arith.index_cast %add3A_182 : i32 to index
      %swap3A_265 = arith.constant 64 : index
      %swap3A_266 = tpu.vector_load %arg6[%swap3A_264, %swap3A_265] {strides = array<i32>} : memref<512x128xf32, #tpu.memory_space<vmem>>, vector<16xf32>,
      tpu.vector_store %arg6[%swap3A_264, %swap3A_265], %broadcast_in_dim3A {add = true, strides = array<i32>} : memref<512x128xf32, #tpu.memory_space<vmem>>, vector<16xf32>,
      %swap3A_267 = arith.index_cast %add3A_182 : i32 to index
      %swap3A_268 = arith.constant 80 : index
      %swap3A_269 = tpu.vector_load %arg6[%swap3A_267, %swap3A_268] {strides = array<i32>} : memref<512x128xf32, #tpu.memory_space<vmem>>, vector<16xf32>,
      tpu.vector_store %arg6[%swap3A_267, %swap3A_268], %broadcast_in_dim3A {add = true, strides = array<i32>} : memref<512x128xf32, #tpu.memory_space<vmem>>, vector<16xf32>,
      %swap3A_270 = arith.index_cast %add3A_182 : i32 to index
      %swap3A_271 = arith.constant 96 : index
      %swap3A_272 = tpu.vector_load %arg6[%swap3A_270, %swap3A_271] {strides = array<i32>} : memref<512x128xf32, #tpu.memory_space<vmem>>, vector<16xf32>,
      tpu.vector_store %arg6[%swap3A_270, %swap3A_271], %broadcast_in_dim3A {add = true, strides = array<i32>} : memref<512x128xf32, #tpu.memory_space<vmem>>, vector<16xf32>,
      %swap3A_273 = arith.index_cast %add3A_182 : i32 to index
      %swap3A_274 = arith.constant 112 : index
      %swap3A_275 = tpu.vector_load %arg6[%swap3A_273, %swap3A_274] {strides = array<i32>} : memref<512x128xf32, #tpu.memory_space<vmem>>, vector<16xf32>,
      tpu.vector_store %arg6[%swap3A_273, %swap3A_274], %broadcast_in_dim3A {add = true, strides = array<i32>} : memref<512x128xf32, #tpu.memory_space<vmem>>, vector<16xf32>,
      %add3A_276 = arith.constant 1 : i32
      %add3A_277 = arith.addi %add3A_180, %add3A_276 : i32
      %get3A_278 = arith.index_cast %add3A_277 : i32 to index
      %get3A_279 = arith.constant 0 : index
      %get3A_280 = tpu.vector_load %arg6[%get3A_278, %get3A_279] {strides = array<i32>} : memref<512x128xf32, #tpu.memory_space<vmem>>, vector<16xf32>,
      %get3A_281 = arith.index_cast %add3A_277 : i32 to index
      %get3A_282 = arith.constant 16 : index
      %get3A_283 = tpu.vector_load %arg6[%get3A_281, %get3A_282] {strides = array<i32>} : memref<512x128xf32, #tpu.memory_space<vmem>>, vector<16xf32>,
      %get3A_284 = arith.index_cast %add3A_277 : i32 to index
      %get3A_285 = arith.constant 32 : index
      %get3A_286 = tpu.vector_load %arg6[%get3A_284, %get3A_285] {strides = array<i32>} : memref<512x128xf32, #tpu.memory_space<vmem>>, vector<16xf32>,
      %get3A_287 = arith.index_cast %add3A_277 : i32 to index
      %get3A_288 = arith.constant 48 : index
      %get3A_289 = tpu.vector_load %arg6[%get3A_287, %get3A_288] {strides = array<i32>} : memref<512x128xf32, #tpu.memory_space<vmem>>, vector<16xf32>,
      %get3A_290 = arith.index_cast %add3A_277 : i32 to index
      %get3A_291 = arith.constant 64 : index
      %get3A_292 = tpu.vector_load %arg6[%get3A_290, %get3A_291] {strides = array<i32>} : memref<512x128xf32, #tpu.memory_space<vmem>>, vector<16xf32>,
      %get3A_293 = arith.index_cast %add3A_277 : i32 to index
      %get3A_294 = arith.constant 80 : index
      %get3A_295 = tpu.vector_load %arg6[%get3A_293, %get3A_294] {strides = array<i32>} : memref<512x128xf32, #tpu.memory_space<vmem>>, vector<16xf32>,
      %get3A_296 = arith.index_cast %add3A_277 : i32 to index
      %get3A_297 = arith.constant 96 : index
      %get3A_298 = tpu.vector_load %arg6[%get3A_296, %get3A_297] {strides = array<i32>} : memref<512x128xf32, #tpu.memory_space<vmem>>, vector<16xf32>,
      %get3A_299 = arith.index_cast %add3A_277 : i32 to index
      %get3A_300 = arith.constant 112 : index
      %get3A_301 = tpu.vector_load %arg6[%get3A_299, %get3A_300] {strides = array<i32>} : memref<512x128xf32, #tpu.memory_space<vmem>>, vector<16xf32>,
      %exp3A_302 = math.exp %get3A_280 : vector<16xf32>
      %exp3A_303 = math.exp %get3A_283 : vector<16xf32>
      %exp3A_304 = math.exp %get3A_286 : vector<16xf32>
      %exp3A_305 = math.exp %get3A_289 : vector<16xf32>
      %exp3A_306 = math.exp %get3A_292 : vector<16xf32>
      %exp3A_307 = math.exp %get3A_295 : vector<16xf32>
      %exp3A_308 = math.exp %get3A_298 : vector<16xf32>
      %exp3A_309 = math.exp %get3A_301 : vector<16xf32>
      %add3A_310 = arith.addf %exp3A_302, %exp3A_303 : vector<16xf32>
      %add3A_311 = arith.addf %exp3A_304, %exp3A_305 : vector<16xf32>
      %add3A_312 = arith.addf %exp3A_306, %exp3A_307 : vector<16xf32>
      %add3A_313 = arith.addf %exp3A_308, %exp3A_309 : vector<16xf32>
      %add3A_314 = arith.addf %add3A_310, %add3A_311 : vector<16xf32>
      %add3A_315 = arith.addf %add3A_312, %add3A_313 : vector<16xf32>
      %add3A_316 = arith.addf %add3A_314, %add3A_315 : vector<16xf32>
      %reduce_sum3A_317 = arith.constant true
      %reduce_sum3A_318 = vector.broadcast %reduce_sum3A_317 : i1 to vector<16xi1>
      %reduce_sum3A_319 = tpu.scan <sum>, %add3A_316 masked %reduce_sum3A_318 : vector<16xf32>, vector<16xi1> -> vector<16xf32>
      %reduce_sum3A_320 = vector.extract %reduce_sum3A_319[15] : f32 from vector<16xf32>
      %bitcast_convert_type3A_321 = arith.bitcast %reduce_sum3A_320 : f32 to i32
      %shift_right_arithmetic3A_322 = arith.constant 23 : i32
      %shift_right_arithmetic3A_323 = arith.shrsi %bitcast_convert_type3A_321, %shift_right_arithmetic3A_322 : i32
      %sub3A_324 = arith.constant 127 : i32
      %sub3A_325 = arith.subi %shift_right_arithmetic3A_323, %sub3A_324 : i32
      %and3A_326 = arith.constant 8388607 : i32
      %and3A_327 = arith.andi %bitcast_convert_type3A_321, %and3A_326 : i32
      %or3A_328 = arith.constant 1065353216 : i32
      %or3A_329 = arith.ori %and3A_327, %or3A_328 : i32
      %bitcast_convert_type3A_330 = arith.bitcast %or3A_329 : i32 to f32
      %ge3A_331 = arith.constant 1.33333337 : f32
      %ge3A_332 = arith.cmpf oge, %bitcast_convert_type3A_330, %ge3A_331 : f32
      %mul3A_333 = arith.constant 5.000000e-01 : f32
      %mul3A_334 = arith.mulf %bitcast_convert_type3A_330, %mul3A_333 : f32
      %select_n3A_335 = arith.select %ge3A_332, %mul3A_334, %bitcast_convert_type3A_330 : f32
      %convert_element_type3A_336 = arith.extui %ge3A_332 : i1 to i32
      %add3A_337 = arith.addi %sub3A_325, %convert_element_type3A_336 : i32
      %convert_element_type3A_338 = arith.sitofp %add3A_337 : i32 to f32
      %sub3A_339 = arith.constant 1.000000e+00 : f32
      %sub3A_340 = arith.subf %select_n3A_335, %sub3A_339 : f32
      %mul3A_341 = arith.constant 2.000000e-01 : f32
      %mul3A_342 = arith.mulf %mul3A_341, %sub3A_340 : f32
      %sub3A_343 = arith.constant 2.500000e-01 : f32
      %sub3A_344 = arith.subf %mul3A_342, %sub3A_343 : f32
      %mul3A_345 = arith.mulf %sub3A_344, %sub3A_340 : f32
      %sub3A_346 = arith.constant -0.333333343 : f32
      %sub3A_347 = arith.subf %mul3A_345, %sub3A_346 : f32
      %mul3A_348 = arith.mulf %sub3A_347, %sub3A_340 : f32
      %sub3A_349 = arith.constant 5.000000e-01 : f32
      %sub3A_350 = arith.subf %mul3A_348, %sub3A_349 : f32
      %mul3A_351 = arith.mulf %sub3A_350, %sub3A_340 : f32
      %add3A_352 = arith.constant 1.000000e+00 : f32
      %add3A_353 = arith.addf %mul3A_351, %add3A_352 : f32
      %mul3A_354 = arith.mulf %add3A_353, %sub3A_340 : f32
      %mul3A_355 = arith.constant 0.693147182 : f32
      %mul3A_356 = arith.mulf %convert_element_type3A_338, %mul3A_355 : f32
      %add3A_357 = arith.addf %mul3A_356, %mul3A_354 : f32
      %neg3A_358 = arith.constant 0.000000e+00 : f32
      %neg3A_359 = arith.subf %neg3A_358, %add3A_357 : f32
      %broadcast_in_dim3A_360 = vector.broadcast %neg3A_359 : f32 to vector<16xf32>
      %swap3A_361 = arith.index_cast %add3A_277 : i32 to index
      %swap3A_362 = arith.constant 0 : index
      %swap3A_363 = tpu.vector_load %arg6[%swap3A_361, %swap3A_362] {strides = array<i32>} : memref<512x128xf32, #tpu.memory_space<vmem>>, vector<16xf32>,
      tpu.vector_store %arg6[%swap3A_361, %swap3A_362], %broadcast_in_dim3A_360 {add = true, strides = array<i32>} : memref<512x128xf32, #tpu.memory_space<vmem>>, vector<16xf32>,
      %swap3A_364 = arith.index_cast %add3A_277 : i32 to index
      %swap3A_365 = arith.constant 16 : index
      %swap3A_366 = tpu.vector_load %arg6[%swap3A_364, %swap3A_365] {strides = array<i32>} : memref<512x128xf32, #tpu.memory_space<vmem>>, vector<16xf32>,
      tpu.vector_store %arg6[%swap3A_364, %swap3A_365], %broadcast_in_dim3A_360 {add = true, strides = array<i32>} : memref<512x128xf32, #tpu.memory_space<vmem>>, vector<16xf32>,
      %swap3A_367 = arith.index_cast %add3A_277 : i32 to index
      %swap3A_368 = arith.constant 32 : index
      %swap3A_369 = tpu.vector_load %arg6[%swap3A_367, %swap3A_368] {strides = array<i32>} : memref<512x128xf32, #tpu.memory_space<vmem>>, vector<16xf32>,
      tpu.vector_store %arg6[%swap3A_367, %swap3A_368], %broadcast_in_dim3A_360 {add = true, strides = array<i32>} : memref<512x128xf32, #tpu.memory_space<vmem>>, vector<16xf32>,
      %swap3A_370 = arith.index_cast %add3A_277 : i32 to index
      %swap3A_371 = arith.constant 48 : index
      %swap3A_372 = tpu.vector_load %arg6[%swap3A_370, %swap3A_371] {strides = array<i32>} : memref<512x128xf32, #tpu.memory_space<vmem>>, vector<16xf32>,
      tpu.vector_store %arg6[%swap3A_370, %swap3A_371], %broadcast_in_dim3A_360 {add = true, strides = array<i32>} : memref<512x128xf32, #tpu.memory_space<vmem>>, vector<16xf32>,
      %swap3A_373 = arith.index_cast %add3A_277 : i32 to index
      %swap3A_374 = arith.constant 64 : index
      %swap3A_375 = tpu.vector_load %arg6[%swap3A_373, %swap3A_374] {strides = array<i32>} : memref<512x128xf32, #tpu.memory_space<vmem>>, vector<16xf32>,
      tpu.vector_store %arg6[%swap3A_373, %swap3A_374], %broadcast_in_dim3A_360 {add = true, strides = array<i32>} : memref<512x128xf32, #tpu.memory_space<vmem>>, vector<16xf32>,
      %swap3A_376 = arith.index_cast %add3A_277 : i32 to index
      %swap3A_377 = arith.constant 80 : index
      %swap3A_378 = tpu.vector_load %arg6[%swap3A_376, %swap3A_377] {strides = array<i32>} : memref<512x128xf32, #tpu.memory_space<vmem>>, vector<16xf32>,
      tpu.vector_store %arg6[%swap3A_376, %swap3A_377], %broadcast_in_dim3A_360 {add = true, strides = array<i32>} : memref<512x128xf32, #tpu.memory_space<vmem>>, vector<16xf32>,
      %swap3A_379 = arith.index_cast %add3A_277 : i32 to index
      %swap3A_380 = arith.constant 96 : index
      %swap3A_381 = tpu.vector_load %arg6[%swap3A_379, %swap3A_380] {strides = array<i32>} : memref<512x128xf32, #tpu.memory_space<vmem>>, vector<16xf32>,
      tpu.vector_store %arg6[%swap3A_379, %swap3A_380], %broadcast_in_dim3A_360 {add = true, strides = array<i32>} : memref<512x128xf32, #tpu.memory_space<vmem>>, vector<16xf32>,
      %swap3A_382 = arith.index_cast %add3A_277 : i32 to index
      %swap3A_383 = arith.constant 112 : index
      %swap3A_384 = tpu.vector_load %arg6[%swap3A_382, %swap3A_383] {strides = array<i32>} : memref<512x128xf32, #tpu.memory_space<vmem>>, vector<16xf32>,
      tpu.vector_store %arg6[%swap3A_382, %swap3A_383], %broadcast_in_dim3A_360 {add = true, strides = array<i32>} : memref<512x128xf32, #tpu.memory_space<vmem>>, vector<16xf32>,
      %add3A_385 = arith.constant 2 : i32
      %add3A_386 = arith.addi %add3A_180, %add3A_385 : i32
      %get3A_387 = arith.index_cast %add3A_386 : i32 to index
      %get3A_388 = arith.constant 0 : index
      %get3A_389 = tpu.vector_load %arg6[%get3A_387, %get3A_388] {strides = array<i32>} : memref<512x128xf32, #tpu.memory_space<vmem>>, vector<16xf32>,
      %get3A_390 = arith.index_cast %add3A_386 : i32 to index
      %get3A_391 = arith.constant 16 : index
      %get3A_392 = tpu.vector_load %arg6[%get3A_390, %get3A_391] {strides = array<i32>} : memref<512x128xf32, #tpu.memory_space<vmem>>, vector<16xf32>,
      %get3A_393 = arith.index_cast %add3A_386 : i32 to index
      %get3A_394 = arith.constant 32 : index
      %get3A_395 = tpu.vector_load %arg6[%get3A_393, %get3A_394] {strides = array<i32>} : memref<512x128xf32, #tpu.memory_space<vmem>>, vector<16xf32>,
      %get3A_396 = arith.index_cast %add3A_386 : i32 to index
      %get3A_397 = arith.constant 48 : index
      %get3A_398 = tpu.vector_load %arg6[%get3A_396, %get3A_397] {strides = array<i32>} : memref<512x128xf32, #tpu.memory_space<vmem>>, vector<16xf32>,
      %get3A_399 = arith.index_cast %add3A_386 : i32 to index
      %get3A_400 = arith.constant 64 : index
      %get3A_401 = tpu.vector_load %arg6[%get3A_399, %get3A_400] {strides = array<i32>} : memref<512x128xf32, #tpu.memory_space<vmem>>, vector<16xf32>,
      %get3A_402 = arith.index_cast %add3A_386 : i32 to index
      %get3A_403 = arith.constant 80 : index
      %get3A_404 = tpu.vector_load %arg6[%get3A_402, %get3A_403] {strides = array<i32>} : memref<512x128xf32, #tpu.memory_space<vmem>>, vector<16xf32>,
      %get3A_405 = arith.index_cast %add3A_386 : i32 to index
      %get3A_406 = arith.constant 96 : index
      %get3A_407 = tpu.vector_load %arg6[%get3A_405, %get3A_406] {strides = array<i32>} : memref<512x128xf32, #tpu.memory_space<vmem>>, vector<16xf32>,
      %get3A_408 = arith.index_cast %add3A_386 : i32 to index
      %get3A_409 = arith.constant 112 : index
      %get3A_410 = tpu.vector_load %arg6[%get3A_408, %get3A_409] {strides = array<i32>} : memref<512x128xf32, #tpu.memory_space<vmem>>, vector<16xf32>,
      %exp3A_411 = math.exp %get3A_389 : vector<16xf32>
      %exp3A_412 = math.exp %get3A_392 : vector<16xf32>
      %exp3A_413 = math.exp %get3A_395 : vector<16xf32>
      %exp3A_414 = math.exp %get3A_398 : vector<16xf32>
      %exp3A_415 = math.exp %get3A_401 : vector<16xf32>
      %exp3A_416 = math.exp %get3A_404 : vector<16xf32>
      %exp3A_417 = math.exp %get3A_407 : vector<16xf32>
      %exp3A_418 = math.exp %get3A_410 : vector<16xf32>
      %add3A_419 = arith.addf %exp3A_411, %exp3A_412 : vector<16xf32>
      %add3A_420 = arith.addf %exp3A_413, %exp3A_414 : vector<16xf32>
      %add3A_421 = arith.addf %exp3A_415, %exp3A_416 : vector<16xf32>
      %add3A_422 = arith.addf %exp3A_417, %exp3A_418 : vector<16xf32>
      %add3A_423 = arith.addf %add3A_419, %add3A_420 : vector<16xf32>
      %add3A_424 = arith.addf %add3A_421, %add3A_422 : vector<16xf32>
      %add3A_425 = arith.addf %add3A_423, %add3A_424 : vector<16xf32>
      %reduce_sum3A_426 = arith.constant true
      %reduce_sum3A_427 = vector.broadcast %reduce_sum3A_426 : i1 to vector<16xi1>
      %reduce_sum3A_428 = tpu.scan <sum>, %add3A_425 masked %reduce_sum3A_427 : vector<16xf32>, vector<16xi1> -> vector<16xf32>
      %reduce_sum3A_429 = vector.extract %reduce_sum3A_428[15] : f32 from vector<16xf32>
      %bitcast_convert_type3A_430 = arith.bitcast %reduce_sum3A_429 : f32 to i32
      %shift_right_arithmetic3A_431 = arith.constant 23 : i32
      %shift_right_arithmetic3A_432 = arith.shrsi %bitcast_convert_type3A_430, %shift_right_arithmetic3A_431 : i32
      %sub3A_433 = arith.constant 127 : i32
      %sub3A_434 = arith.subi %shift_right_arithmetic3A_432, %sub3A_433 : i32
      %and3A_435 = arith.constant 8388607 : i32
      %and3A_436 = arith.andi %bitcast_convert_type3A_430, %and3A_435 : i32
      %or3A_437 = arith.constant 1065353216 : i32
      %or3A_438 = arith.ori %and3A_436, %or3A_437 : i32
      %bitcast_convert_type3A_439 = arith.bitcast %or3A_438 : i32 to f32
      %ge3A_440 = arith.constant 1.33333337 : f32
      %ge3A_441 = arith.cmpf oge, %bitcast_convert_type3A_439, %ge3A_440 : f32
      %mul3A_442 = arith.constant 5.000000e-01 : f32
      %mul3A_443 = arith.mulf %bitcast_convert_type3A_439, %mul3A_442 : f32
      %select_n3A_444 = arith.select %ge3A_441, %mul3A_443, %bitcast_convert_type3A_439 : f32
      %convert_element_type3A_445 = arith.extui %ge3A_441 : i1 to i32
      %add3A_446 = arith.addi %sub3A_434, %convert_element_type3A_445 : i32
      %convert_element_type3A_447 = arith.sitofp %add3A_446 : i32 to f32
      %sub3A_448 = arith.constant 1.000000e+00 : f32
      %sub3A_449 = arith.subf %select_n3A_444, %sub3A_448 : f32
      %mul3A_450 = arith.constant 2.000000e-01 : f32
      %mul3A_451 = arith.mulf %mul3A_450, %sub3A_449 : f32
      %sub3A_452 = arith.constant 2.500000e-01 : f32
      %sub3A_453 = arith.subf %mul3A_451, %sub3A_452 : f32
      %mul3A_454 = arith.mulf %sub3A_453, %sub3A_449 : f32
      %sub3A_455 = arith.constant -0.333333343 : f32
      %sub3A_456 = arith.subf %mul3A_454, %sub3A_455 : f32
      %mul3A_457 = arith.mulf %sub3A_456, %sub3A_449 : f32
      %sub3A_458 = arith.constant 5.000000e-01 : f32
      %sub3A_459 = arith.subf %mul3A_457, %sub3A_458 : f32
      %mul3A_460 = arith.mulf %sub3A_459, %sub3A_449 : f32
      %add3A_461 = arith.constant 1.000000e+00 : f32
      %add3A_462 = arith.addf %mul3A_460, %add3A_461 : f32
      %mul3A_463 = arith.mulf %add3A_462, %sub3A_449 : f32
      %mul3A_464 = arith.constant 0.693147182 : f32
      %mul3A_465 = arith.mulf %convert_element_type3A_447, %mul3A_464 : f32
      %add3A_466 = arith.addf %mul3A_465, %mul3A_463 : f32
      %neg3A_467 = arith.constant 0.000000e+00 : f32
      %neg3A_468 = arith.subf %neg3A_467, %add3A_466 : f32
      %broadcast_in_dim3A_469 = vector.broadcast %neg3A_468 : f32 to vector<16xf32>
      %swap3A_470 = arith.index_cast %add3A_386 : i32 to index
      %swap3A_471 = arith.constant 0 : index
      %swap3A_472 = tpu.vector_load %arg6[%swap3A_470, %swap3A_471] {strides = array<i32>} : memref<512x128xf32, #tpu.memory_space<vmem>>, vector<16xf32>,
      tpu.vector_store %arg6[%swap3A_470, %swap3A_471], %broadcast_in_dim3A_469 {add = true, strides = array<i32>} : memref<512x128xf32, #tpu.memory_space<vmem>>, vector<16xf32>,
      %swap3A_473 = arith.index_cast %add3A_386 : i32 to index
      %swap3A_474 = arith.constant 16 : index
      %swap3A_475 = tpu.vector_load %arg6[%swap3A_473, %swap3A_474] {strides = array<i32>} : memref<512x128xf32, #tpu.memory_space<vmem>>, vector<16xf32>,
      tpu.vector_store %arg6[%swap3A_473, %swap3A_474], %broadcast_in_dim3A_469 {add = true, strides = array<i32>} : memref<512x128xf32, #tpu.memory_space<vmem>>, vector<16xf32>,
      %swap3A_476 = arith.index_cast %add3A_386 : i32 to index
      %swap3A_477 = arith.constant 32 : index
      %swap3A_478 = tpu.vector_load %arg6[%swap3A_476, %swap3A_477] {strides = array<i32>} : memref<512x128xf32, #tpu.memory_space<vmem>>, vector<16xf32>,
      tpu.vector_store %arg6[%swap3A_476, %swap3A_477], %broadcast_in_dim3A_469 {add = true, strides = array<i32>} : memref<512x128xf32, #tpu.memory_space<vmem>>, vector<16xf32>,
      %swap3A_479 = arith.index_cast %add3A_386 : i32 to index
      %swap3A_480 = arith.constant 48 : index
      %swap3A_481 = tpu.vector_load %arg6[%swap3A_479, %swap3A_480] {strides = array<i32>} : memref<512x128xf32, #tpu.memory_space<vmem>>, vector<16xf32>,
      tpu.vector_store %arg6[%swap3A_479, %swap3A_480], %broadcast_in_dim3A_469 {add = true, strides = array<i32>} : memref<512x128xf32, #tpu.memory_space<vmem>>, vector<16xf32>,
      %swap3A_482 = arith.index_cast %add3A_386 : i32 to index
      %swap3A_483 = arith.constant 64 : index
      %swap3A_484 = tpu.vector_load %arg6[%swap3A_482, %swap3A_483] {strides = array<i32>} : memref<512x128xf32, #tpu.memory_space<vmem>>, vector<16xf32>,
      tpu.vector_store %arg6[%swap3A_482, %swap3A_483], %broadcast_in_dim3A_469 {add = true, strides = array<i32>} : memref<512x128xf32, #tpu.memory_space<vmem>>, vector<16xf32>,
      %swap3A_485 = arith.index_cast %add3A_386 : i32 to index
      %swap3A_486 = arith.constant 80 : index
      %swap3A_487 = tpu.vector_load %arg6[%swap3A_485, %swap3A_486] {strides = array<i32>} : memref<512x128xf32, #tpu.memory_space<vmem>>, vector<16xf32>,
      tpu.vector_store %arg6[%swap3A_485, %swap3A_486], %broadcast_in_dim3A_469 {add = true, strides = array<i32>} : memref<512x128xf32, #tpu.memory_space<vmem>>, vector<16xf32>,
      %swap3A_488 = arith.index_cast %add3A_386 : i32 to index
      %swap3A_489 = arith.constant 96 : index
      %swap3A_490 = tpu.vector_load %arg6[%swap3A_488, %swap3A_489] {strides = array<i32>} : memref<512x128xf32, #tpu.memory_space<vmem>>, vector<16xf32>,
      tpu.vector_store %arg6[%swap3A_488, %swap3A_489], %broadcast_in_dim3A_469 {add = true, strides = array<i32>} : memref<512x128xf32, #tpu.memory_space<vmem>>, vector<16xf32>,
      %swap3A_491 = arith.index_cast %add3A_386 : i32 to index
      %swap3A_492 = arith.constant 112 : index
      %swap3A_493 = tpu.vector_load %arg6[%swap3A_491, %swap3A_492] {strides = array<i32>} : memref<512x128xf32, #tpu.memory_space<vmem>>, vector<16xf32>,
      tpu.vector_store %arg6[%swap3A_491, %swap3A_492], %broadcast_in_dim3A_469 {add = true, strides = array<i32>} : memref<512x128xf32, #tpu.memory_space<vmem>>, vector<16xf32>,
      %add3A_494 = arith.constant 3 : i32
      %add3A_495 = arith.addi %add3A_180, %add3A_494 : i32
      %get3A_496 = arith.index_cast %add3A_495 : i32 to index
      %get3A_497 = arith.constant 0 : index
      %get3A_498 = tpu.vector_load %arg6[%get3A_496, %get3A_497] {strides = array<i32>} : memref<512x128xf32, #tpu.memory_space<vmem>>, vector<16xf32>,
      %get3A_499 = arith.index_cast %add3A_495 : i32 to index
      %get3A_500 = arith.constant 16 : index
      %get3A_501 = tpu.vector_load %arg6[%get3A_499, %get3A_500] {strides = array<i32>} : memref<512x128xf32, #tpu.memory_space<vmem>>, vector<16xf32>,
      %get3A_502 = arith.index_cast %add3A_495 : i32 to index
      %get3A_503 = arith.constant 32 : index
      %get3A_504 = tpu.vector_load %arg6[%get3A_502, %get3A_503] {strides = array<i32>} : memref<512x128xf32, #tpu.memory_space<vmem>>, vector<16xf32>,
      %get3A_505 = arith.index_cast %add3A_495 : i32 to index
      %get3A_506 = arith.constant 48 : index
      %get3A_507 = tpu.vector_load %arg6[%get3A_505, %get3A_506] {strides = array<i32>} : memref<512x128xf32, #tpu.memory_space<vmem>>, vector<16xf32>,
      %get3A_508 = arith.index_cast %add3A_495 : i32 to index
      %get3A_509 = arith.constant 64 : index
      %get3A_510 = tpu.vector_load %arg6[%get3A_508, %get3A_509] {strides = array<i32>} : memref<512x128xf32, #tpu.memory_space<vmem>>, vector<16xf32>,
      %get3A_511 = arith.index_cast %add3A_495 : i32 to index
      %get3A_512 = arith.constant 80 : index
      %get3A_513 = tpu.vector_load %arg6[%get3A_511, %get3A_512] {strides = array<i32>} : memref<512x128xf32, #tpu.memory_space<vmem>>, vector<16xf32>,
      %get3A_514 = arith.index_cast %add3A_495 : i32 to index
      %get3A_515 = arith.constant 96 : index
      %get3A_516 = tpu.vector_load %arg6[%get3A_514, %get3A_515] {strides = array<i32>} : memref<512x128xf32, #tpu.memory_space<vmem>>, vector<16xf32>,
      %get3A_517 = arith.index_cast %add3A_495 : i32 to index
      %get3A_518 = arith.constant 112 : index
      %get3A_519 = tpu.vector_load %arg6[%get3A_517, %get3A_518] {strides = array<i32>} : memref<512x128xf32, #tpu.memory_space<vmem>>, vector<16xf32>,
      %exp3A_520 = math.exp %get3A_498 : vector<16xf32>
      %exp3A_521 = math.exp %get3A_501 : vector<16xf32>
      %exp3A_522 = math.exp %get3A_504 : vector<16xf32>
      %exp3A_523 = math.exp %get3A_507 : vector<16xf32>
      %exp3A_524 = math.exp %get3A_510 : vector<16xf32>
      %exp3A_525 = math.exp %get3A_513 : vector<16xf32>
      %exp3A_526 = math.exp %get3A_516 : vector<16xf32>
      %exp3A_527 = math.exp %get3A_519 : vector<16xf32>
      %add3A_528 = arith.addf %exp3A_520, %exp3A_521 : vector<16xf32>
      %add3A_529 = arith.addf %exp3A_522, %exp3A_523 : vector<16xf32>
      %add3A_530 = arith.addf %exp3A_524, %exp3A_525 : vector<16xf32>
      %add3A_531 = arith.addf %exp3A_526, %exp3A_527 : vector<16xf32>
      %add3A_532 = arith.addf %add3A_528, %add3A_529 : vector<16xf32>
      %add3A_533 = arith.addf %add3A_530, %add3A_531 : vector<16xf32>
      %add3A_534 = arith.addf %add3A_532, %add3A_533 : vector<16xf32>
      %reduce_sum3A_535 = arith.constant true
      %reduce_sum3A_536 = vector.broadcast %reduce_sum3A_535 : i1 to vector<16xi1>
      %reduce_sum3A_537 = tpu.scan <sum>, %add3A_534 masked %reduce_sum3A_536 : vector<16xf32>, vector<16xi1> -> vector<16xf32>
      %reduce_sum3A_538 = vector.extract %reduce_sum3A_537[15] : f32 from vector<16xf32>
      %bitcast_convert_type3A_539 = arith.bitcast %reduce_sum3A_538 : f32 to i32
      %shift_right_arithmetic3A_540 = arith.constant 23 : i32
      %shift_right_arithmetic3A_541 = arith.shrsi %bitcast_convert_type3A_539, %shift_right_arithmetic3A_540 : i32
      %sub3A_542 = arith.constant 127 : i32
      %sub3A_543 = arith.subi %shift_right_arithmetic3A_541, %sub3A_542 : i32
      %and3A_544 = arith.constant 8388607 : i32
      %and3A_545 = arith.andi %bitcast_convert_type3A_539, %and3A_544 : i32
      %or3A_546 = arith.constant 1065353216 : i32
      %or3A_547 = arith.ori %and3A_545, %or3A_546 : i32
      %bitcast_convert_type3A_548 = arith.bitcast %or3A_547 : i32 to f32
      %ge3A_549 = arith.constant 1.33333337 : f32
      %ge3A_550 = arith.cmpf oge, %bitcast_convert_type3A_548, %ge3A_549 : f32
      %mul3A_551 = arith.constant 5.000000e-01 : f32
      %mul3A_552 = arith.mulf %bitcast_convert_type3A_548, %mul3A_551 : f32
      %select_n3A_553 = arith.select %ge3A_550, %mul3A_552, %bitcast_convert_type3A_548 : f32
      %convert_element_type3A_554 = arith.extui %ge3A_550 : i1 to i32
      %add3A_555 = arith.addi %sub3A_543, %convert_element_type3A_554 : i32
      %convert_element_type3A_556 = arith.sitofp %add3A_555 : i32 to f32
      %sub3A_557 = arith.constant 1.000000e+00 : f32
      %sub3A_558 = arith.subf %select_n3A_553, %sub3A_557 : f32
      %mul3A_559 = arith.constant 2.000000e-01 : f32
      %mul3A_560 = arith.mulf %mul3A_559, %sub3A_558 : f32
      %sub3A_561 = arith.constant 2.500000e-01 : f32
      %sub3A_562 = arith.subf %mul3A_560, %sub3A_561 : f32
      %mul3A_563 = arith.mulf %sub3A_562, %sub3A_558 : f32
      %sub3A_564 = arith.constant -0.333333343 : f32
      %sub3A_565 = arith.subf %mul3A_563, %sub3A_564 : f32
      %mul3A_566 = arith.mulf %sub3A_565, %sub3A_558 : f32
      %sub3A_567 = arith.constant 5.000000e-01 : f32
      %sub3A_568 = arith.subf %mul3A_566, %sub3A_567 : f32
      %mul3A_569 = arith.mulf %sub3A_568, %sub3A_558 : f32
      %add3A_570 = arith.constant 1.000000e+00 : f32
      %add3A_571 = arith.addf %mul3A_569, %add3A_570 : f32
      %mul3A_572 = arith.mulf %add3A_571, %sub3A_558 : f32
      %mul3A_573 = arith.constant 0.693147182 : f32
      %mul3A_574 = arith.mulf %convert_element_type3A_556, %mul3A_573 : f32
      %add3A_575 = arith.addf %mul3A_574, %mul3A_572 : f32
      %neg3A_576 = arith.constant 0.000000e+00 : f32
      %neg3A_577 = arith.subf %neg3A_576, %add3A_575 : f32
      %broadcast_in_dim3A_578 = vector.broadcast %neg3A_577 : f32 to vector<16xf32>
      %swap3A_579 = arith.index_cast %add3A_495 : i32 to index
      %swap3A_580 = arith.constant 0 : index
      %swap3A_581 = tpu.vector_load %arg6[%swap3A_579, %swap3A_580] {strides = array<i32>} : memref<512x128xf32, #tpu.memory_space<vmem>>, vector<16xf32>,
      tpu.vector_store %arg6[%swap3A_579, %swap3A_580], %broadcast_in_dim3A_578 {add = true, strides = array<i32>} : memref<512x128xf32, #tpu.memory_space<vmem>>, vector<16xf32>,
      %swap3A_582 = arith.index_cast %add3A_495 : i32 to index
      %swap3A_583 = arith.constant 16 : index
      %swap3A_584 = tpu.vector_load %arg6[%swap3A_582, %swap3A_583] {strides = array<i32>} : memref<512x128xf32, #tpu.memory_space<vmem>>, vector<16xf32>,
      tpu.vector_store %arg6[%swap3A_582, %swap3A_583], %broadcast_in_dim3A_578 {add = true, strides = array<i32>} : memref<512x128xf32, #tpu.memory_space<vmem>>, vector<16xf32>,
      %swap3A_585 = arith.index_cast %add3A_495 : i32 to index
      %swap3A_586 = arith.constant 32 : index
      %swap3A_587 = tpu.vector_load %arg6[%swap3A_585, %swap3A_586] {strides = array<i32>} : memref<512x128xf32, #tpu.memory_space<vmem>>, vector<16xf32>,
      tpu.vector_store %arg6[%swap3A_585, %swap3A_586], %broadcast_in_dim3A_578 {add = true, strides = array<i32>} : memref<512x128xf32, #tpu.memory_space<vmem>>, vector<16xf32>,
      %swap3A_588 = arith.index_cast %add3A_495 : i32 to index
      %swap3A_589 = arith.constant 48 : index
      %swap3A_590 = tpu.vector_load %arg6[%swap3A_588, %swap3A_589] {strides = array<i32>} : memref<512x128xf32, #tpu.memory_space<vmem>>, vector<16xf32>,
      tpu.vector_store %arg6[%swap3A_588, %swap3A_589], %broadcast_in_dim3A_578 {add = true, strides = array<i32>} : memref<512x128xf32, #tpu.memory_space<vmem>>, vector<16xf32>,
      %swap3A_591 = arith.index_cast %add3A_495 : i32 to index
      %swap3A_592 = arith.constant 64 : index
      %swap3A_593 = tpu.vector_load %arg6[%swap3A_591, %swap3A_592] {strides = array<i32>} : memref<512x128xf32, #tpu.memory_space<vmem>>, vector<16xf32>,
      tpu.vector_store %arg6[%swap3A_591, %swap3A_592], %broadcast_in_dim3A_578 {add = true, strides = array<i32>} : memref<512x128xf32, #tpu.memory_space<vmem>>, vector<16xf32>,
      %swap3A_594 = arith.index_cast %add3A_495 : i32 to index
      %swap3A_595 = arith.constant 80 : index
      %swap3A_596 = tpu.vector_load %arg6[%swap3A_594, %swap3A_595] {strides = array<i32>} : memref<512x128xf32, #tpu.memory_space<vmem>>, vector<16xf32>,
      tpu.vector_store %arg6[%swap3A_594, %swap3A_595], %broadcast_in_dim3A_578 {add = true, strides = array<i32>} : memref<512x128xf32, #tpu.memory_space<vmem>>, vector<16xf32>,
      %swap3A_597 = arith.index_cast %add3A_495 : i32 to index
      %swap3A_598 = arith.constant 96 : index
      %swap3A_599 = tpu.vector_load %arg6[%swap3A_597, %swap3A_598] {strides = array<i32>} : memref<512x128xf32, #tpu.memory_space<vmem>>, vector<16xf32>,
      tpu.vector_store %arg6[%swap3A_597, %swap3A_598], %broadcast_in_dim3A_578 {add = true, strides = array<i32>} : memref<512x128xf32, #tpu.memory_space<vmem>>, vector<16xf32>,
      %swap3A_600 = arith.index_cast %add3A_495 : i32 to index
      %swap3A_601 = arith.constant 112 : index
      %swap3A_602 = tpu.vector_load %arg6[%swap3A_600, %swap3A_601] {strides = array<i32>} : memref<512x128xf32, #tpu.memory_space<vmem>>, vector<16xf32>,
      tpu.vector_store %arg6[%swap3A_600, %swap3A_601], %broadcast_in_dim3A_578 {add = true, strides = array<i32>} : memref<512x128xf32, #tpu.memory_space<vmem>>, vector<16xf32>,
      %add3A_603 = arith.constant 4 : i32
      %add3A_604 = arith.addi %add3A_180, %add3A_603 : i32
      %get3A_605 = arith.index_cast %add3A_604 : i32 to index
      %get3A_606 = arith.constant 0 : index
      %get3A_607 = tpu.vector_load %arg6[%get3A_605, %get3A_606] {strides = array<i32>} : memref<512x128xf32, #tpu.memory_space<vmem>>, vector<16xf32>,
      %get3A_608 = arith.index_cast %add3A_604 : i32 to index
      %get3A_609 = arith.constant 16 : index
      %get3A_610 = tpu.vector_load %arg6[%get3A_608, %get3A_609] {strides = array<i32>} : memref<512x128xf32, #tpu.memory_space<vmem>>, vector<16xf32>,
      %get3A_611 = arith.index_cast %add3A_604 : i32 to index
      %get3A_612 = arith.constant 32 : index
      %get3A_613 = tpu.vector_load %arg6[%get3A_611, %get3A_612] {strides = array<i32>} : memref<512x128xf32, #tpu.memory_space<vmem>>, vector<16xf32>,
      %get3A_614 = arith.index_cast %add3A_604 : i32 to index
      %get3A_615 = arith.constant 48 : index
      %get3A_616 = tpu.vector_load %arg6[%get3A_614, %get3A_615] {strides = array<i32>} : memref<512x128xf32, #tpu.memory_space<vmem>>, vector<16xf32>,
      %get3A_617 = arith.index_cast %add3A_604 : i32 to index
      %get3A_618 = arith.constant 64 : index
      %get3A_619 = tpu.vector_load %arg6[%get3A_617, %get3A_618] {strides = array<i32>} : memref<512x128xf32, #tpu.memory_space<vmem>>, vector<16xf32>,
      %get3A_620 = arith.index_cast %add3A_604 : i32 to index
      %get3A_621 = arith.constant 80 : index
      %get3A_622 = tpu.vector_load %arg6[%get3A_620, %get3A_621] {strides = array<i32>} : memref<512x128xf32, #tpu.memory_space<vmem>>, vector<16xf32>,
      %get3A_623 = arith.index_cast %add3A_604 : i32 to index
      %get3A_624 = arith.constant 96 : index
      %get3A_625 = tpu.vector_load %arg6[%get3A_623, %get3A_624] {strides = array<i32>} : memref<512x128xf32, #tpu.memory_space<vmem>>, vector<16xf32>,
      %get3A_626 = arith.index_cast %add3A_604 : i32 to index
      %get3A_627 = arith.constant 112 : index
      %get3A_628 = tpu.vector_load %arg6[%get3A_626, %get3A_627] {strides = array<i32>} : memref<512x128xf32, #tpu.memory_space<vmem>>, vector<16xf32>,
      %exp3A_629 = math.exp %get3A_607 : vector<16xf32>
      %exp3A_630 = math.exp %get3A_610 : vector<16xf32>
      %exp3A_631 = math.exp %get3A_613 : vector<16xf32>
      %exp3A_632 = math.exp %get3A_616 : vector<16xf32>
      %exp3A_633 = math.exp %get3A_619 : vector<16xf32>
      %exp3A_634 = math.exp %get3A_622 : vector<16xf32>
      %exp3A_635 = math.exp %get3A_625 : vector<16xf32>
      %exp3A_636 = math.exp %get3A_628 : vector<16xf32>
      %add3A_637 = arith.addf %exp3A_629, %exp3A_630 : vector<16xf32>
      %add3A_638 = arith.addf %exp3A_631, %exp3A_632 : vector<16xf32>
      %add3A_639 = arith.addf %exp3A_633, %exp3A_634 : vector<16xf32>
      %add3A_640 = arith.addf %exp3A_635, %exp3A_636 : vector<16xf32>
      %add3A_641 = arith.addf %add3A_637, %add3A_638 : vector<16xf32>
      %add3A_642 = arith.addf %add3A_639, %add3A_640 : vector<16xf32>
      %add3A_643 = arith.addf %add3A_641, %add3A_642 : vector<16xf32>
      %reduce_sum3A_644 = arith.constant true
      %reduce_sum3A_645 = vector.broadcast %reduce_sum3A_644 : i1 to vector<16xi1>
      %reduce_sum3A_646 = tpu.scan <sum>, %add3A_643 masked %reduce_sum3A_645 : vector<16xf32>, vector<16xi1> -> vector<16xf32>
      %reduce_sum3A_647 = vector.extract %reduce_sum3A_646[15] : f32 from vector<16xf32>
      %bitcast_convert_type3A_648 = arith.bitcast %reduce_sum3A_647 : f32 to i32
      %shift_right_arithmetic3A_649 = arith.constant 23 : i32
      %shift_right_arithmetic3A_650 = arith.shrsi %bitcast_convert_type3A_648, %shift_right_arithmetic3A_649 : i32
      %sub3A_651 = arith.constant 127 : i32
      %sub3A_652 = arith.subi %shift_right_arithmetic3A_650, %sub3A_651 : i32
      %and3A_653 = arith.constant 8388607 : i32
      %and3A_654 = arith.andi %bitcast_convert_type3A_648, %and3A_653 : i32
      %or3A_655 = arith.constant 1065353216 : i32
      %or3A_656 = arith.ori %and3A_654, %or3A_655 : i32
      %bitcast_convert_type3A_657 = arith.bitcast %or3A_656 : i32 to f32
      %ge3A_658 = arith.constant 1.33333337 : f32
      %ge3A_659 = arith.cmpf oge, %bitcast_convert_type3A_657, %ge3A_658 : f32
      %mul3A_660 = arith.constant 5.000000e-01 : f32
      %mul3A_661 = arith.mulf %bitcast_convert_type3A_657, %mul3A_660 : f32
      %select_n3A_662 = arith.select %ge3A_659, %mul3A_661, %bitcast_convert_type3A_657 : f32
      %convert_element_type3A_663 = arith.extui %ge3A_659 : i1 to i32
      %add3A_664 = arith.addi %sub3A_652, %convert_element_type3A_663 : i32
      %convert_element_type3A_665 = arith.sitofp %add3A_664 : i32 to f32
      %sub3A_666 = arith.constant 1.000000e+00 : f32
      %sub3A_667 = arith.subf %select_n3A_662, %sub3A_666 : f32
      %mul3A_668 = arith.constant 2.000000e-01 : f32
      %mul3A_669 = arith.mulf %mul3A_668, %sub3A_667 : f32
      %sub3A_670 = arith.constant 2.500000e-01 : f32
      %sub3A_671 = arith.subf %mul3A_669, %sub3A_670 : f32
      %mul3A_672 = arith.mulf %sub3A_671, %sub3A_667 : f32
      %sub3A_673 = arith.constant -0.333333343 : f32
      %sub3A_674 = arith.subf %mul3A_672, %sub3A_673 : f32
      %mul3A_675 = arith.mulf %sub3A_674, %sub3A_667 : f32
      %sub3A_676 = arith.constant 5.000000e-01 : f32
      %sub3A_677 = arith.subf %mul3A_675, %sub3A_676 : f32
      %mul3A_678 = arith.mulf %sub3A_677, %sub3A_667 : f32
      %add3A_679 = arith.constant 1.000000e+00 : f32
      %add3A_680 = arith.addf %mul3A_678, %add3A_679 : f32
      %mul3A_681 = arith.mulf %add3A_680, %sub3A_667 : f32
      %mul3A_682 = arith.constant 0.693147182 : f32
      %mul3A_683 = arith.mulf %convert_element_type3A_665, %mul3A_682 : f32
      %add3A_684 = arith.addf %mul3A_683, %mul3A_681 : f32
      %neg3A_685 = arith.constant 0.000000e+00 : f32
      %neg3A_686 = arith.subf %neg3A_685, %add3A_684 : f32
      %broadcast_in_dim3A_687 = vector.broadcast %neg3A_686 : f32 to vector<16xf32>
      %swap3A_688 = arith.index_cast %add3A_604 : i32 to index
      %swap3A_689 = arith.constant 0 : index
      %swap3A_690 = tpu.vector_load %arg6[%swap3A_688, %swap3A_689] {strides = array<i32>} : memref<512x128xf32, #tpu.memory_space<vmem>>, vector<16xf32>,
      tpu.vector_store %arg6[%swap3A_688, %swap3A_689], %broadcast_in_dim3A_687 {add = true, strides = array<i32>} : memref<512x128xf32, #tpu.memory_space<vmem>>, vector<16xf32>,
      %swap3A_691 = arith.index_cast %add3A_604 : i32 to index
      %swap3A_692 = arith.constant 16 : index
      %swap3A_693 = tpu.vector_load %arg6[%swap3A_691, %swap3A_692] {strides = array<i32>} : memref<512x128xf32, #tpu.memory_space<vmem>>, vector<16xf32>,
      tpu.vector_store %arg6[%swap3A_691, %swap3A_692], %broadcast_in_dim3A_687 {add = true, strides = array<i32>} : memref<512x128xf32, #tpu.memory_space<vmem>>, vector<16xf32>,
      %swap3A_694 = arith.index_cast %add3A_604 : i32 to index
      %swap3A_695 = arith.constant 32 : index
      %swap3A_696 = tpu.vector_load %arg6[%swap3A_694, %swap3A_695] {strides = array<i32>} : memref<512x128xf32, #tpu.memory_space<vmem>>, vector<16xf32>,
      tpu.vector_store %arg6[%swap3A_694, %swap3A_695], %broadcast_in_dim3A_687 {add = true, strides = array<i32>} : memref<512x128xf32, #tpu.memory_space<vmem>>, vector<16xf32>,
      %swap3A_697 = arith.index_cast %add3A_604 : i32 to index
      %swap3A_698 = arith.constant 48 : index
      %swap3A_699 = tpu.vector_load %arg6[%swap3A_697, %swap3A_698] {strides = array<i32>} : memref<512x128xf32, #tpu.memory_space<vmem>>, vector<16xf32>,
      tpu.vector_store %arg6[%swap3A_697, %swap3A_698], %broadcast_in_dim3A_687 {add = true, strides = array<i32>} : memref<512x128xf32, #tpu.memory_space<vmem>>, vector<16xf32>,
      %swap3A_700 = arith.index_cast %add3A_604 : i32 to index
      %swap3A_701 = arith.constant 64 : index
      %swap3A_702 = tpu.vector_load %arg6[%swap3A_700, %swap3A_701] {strides = array<i32>} : memref<512x128xf32, #tpu.memory_space<vmem>>, vector<16xf32>,
      tpu.vector_store %arg6[%swap3A_700, %swap3A_701], %broadcast_in_dim3A_687 {add = true, strides = array<i32>} : memref<512x128xf32, #tpu.memory_space<vmem>>, vector<16xf32>,
      %swap3A_703 = arith.index_cast %add3A_604 : i32 to index
      %swap3A_704 = arith.constant 80 : index
      %swap3A_705 = tpu.vector_load %arg6[%swap3A_703, %swap3A_704] {strides = array<i32>} : memref<512x128xf32, #tpu.memory_space<vmem>>, vector<16xf32>,
      tpu.vector_store %arg6[%swap3A_703, %swap3A_704], %broadcast_in_dim3A_687 {add = true, strides = array<i32>} : memref<512x128xf32, #tpu.memory_space<vmem>>, vector<16xf32>,
      %swap3A_706 = arith.index_cast %add3A_604 : i32 to index
      %swap3A_707 = arith.constant 96 : index
      %swap3A_708 = tpu.vector_load %arg6[%swap3A_706, %swap3A_707] {strides = array<i32>} : memref<512x128xf32, #tpu.memory_space<vmem>>, vector<16xf32>,
      tpu.vector_store %arg6[%swap3A_706, %swap3A_707], %broadcast_in_dim3A_687 {add = true, strides = array<i32>} : memref<512x128xf32, #tpu.memory_space<vmem>>, vector<16xf32>,
      %swap3A_709 = arith.index_cast %add3A_604 : i32 to index
      %swap3A_710 = arith.constant 112 : index
      %swap3A_711 = tpu.vector_load %arg6[%swap3A_709, %swap3A_710] {strides = array<i32>} : memref<512x128xf32, #tpu.memory_space<vmem>>, vector<16xf32>,
      tpu.vector_store %arg6[%swap3A_709, %swap3A_710], %broadcast_in_dim3A_687 {add = true, strides = array<i32>} : memref<512x128xf32, #tpu.memory_space<vmem>>, vector<16xf32>,
      %add3A_712 = arith.constant 5 : i32
      %add3A_713 = arith.addi %add3A_180, %add3A_712 : i32
      %get3A_714 = arith.index_cast %add3A_713 : i32 to index
      %get3A_715 = arith.constant 0 : index
      %get3A_716 = tpu.vector_load %arg6[%get3A_714, %get3A_715] {strides = array<i32>} : memref<512x128xf32, #tpu.memory_space<vmem>>, vector<16xf32>,
      %get3A_717 = arith.index_cast %add3A_713 : i32 to index
      %get3A_718 = arith.constant 16 : index
      %get3A_719 = tpu.vector_load %arg6[%get3A_717, %get3A_718] {strides = array<i32>} : memref<512x128xf32, #tpu.memory_space<vmem>>, vector<16xf32>,
      %get3A_720 = arith.index_cast %add3A_713 : i32 to index
      %get3A_721 = arith.constant 32 : index
      %get3A_722 = tpu.vector_load %arg6[%get3A_720, %get3A_721] {strides = array<i32>} : memref<512x128xf32, #tpu.memory_space<vmem>>, vector<16xf32>,
      %get3A_723 = arith.index_cast %add3A_713 : i32 to index
      %get3A_724 = arith.constant 48 : index
      %get3A_725 = tpu.vector_load %arg6[%get3A_723, %get3A_724] {strides = array<i32>} : memref<512x128xf32, #tpu.memory_space<vmem>>, vector<16xf32>,
      %get3A_726 = arith.index_cast %add3A_713 : i32 to index
      %get3A_727 = arith.constant 64 : index
      %get3A_728 = tpu.vector_load %arg6[%get3A_726, %get3A_727] {strides = array<i32>} : memref<512x128xf32, #tpu.memory_space<vmem>>, vector<16xf32>,
      %get3A_729 = arith.index_cast %add3A_713 : i32 to index
      %get3A_730 = arith.constant 80 : index
      %get3A_731 = tpu.vector_load %arg6[%get3A_729, %get3A_730] {strides = array<i32>} : memref<512x128xf32, #tpu.memory_space<vmem>>, vector<16xf32>,
      %get3A_732 = arith.index_cast %add3A_713 : i32 to index
      %get3A_733 = arith.constant 96 : index
      %get3A_734 = tpu.vector_load %arg6[%get3A_732, %get3A_733] {strides = array<i32>} : memref<512x128xf32, #tpu.memory_space<vmem>>, vector<16xf32>,
      %get3A_735 = arith.index_cast %add3A_713 : i32 to index
      %get3A_736 = arith.constant 112 : index
      %get3A_737 = tpu.vector_load %arg6[%get3A_735, %get3A_736] {strides = array<i32>} : memref<512x128xf32, #tpu.memory_space<vmem>>, vector<16xf32>,
      %exp3A_738 = math.exp %get3A_716 : vector<16xf32>
      %exp3A_739 = math.exp %get3A_719 : vector<16xf32>
      %exp3A_740 = math.exp %get3A_722 : vector<16xf32>
      %exp3A_741 = math.exp %get3A_725 : vector<16xf32>
      %exp3A_742 = math.exp %get3A_728 : vector<16xf32>
      %exp3A_743 = math.exp %get3A_731 : vector<16xf32>
      %exp3A_744 = math.exp %get3A_734 : vector<16xf32>
      %exp3A_745 = math.exp %get3A_737 : vector<16xf32>
      %add3A_746 = arith.addf %exp3A_738, %exp3A_739 : vector<16xf32>
      %add3A_747 = arith.addf %exp3A_740, %exp3A_741 : vector<16xf32>
      %add3A_748 = arith.addf %exp3A_742, %exp3A_743 : vector<16xf32>
      %add3A_749 = arith.addf %exp3A_744, %exp3A_745 : vector<16xf32>
      %add3A_750 = arith.addf %add3A_746, %add3A_747 : vector<16xf32>
      %add3A_751 = arith.addf %add3A_748, %add3A_749 : vector<16xf32>
      %add3A_752 = arith.addf %add3A_750, %add3A_751 : vector<16xf32>
      %reduce_sum3A_753 = arith.constant true
      %reduce_sum3A_754 = vector.broadcast %reduce_sum3A_753 : i1 to vector<16xi1>
      %reduce_sum3A_755 = tpu.scan <sum>, %add3A_752 masked %reduce_sum3A_754 : vector<16xf32>, vector<16xi1> -> vector<16xf32>
      %reduce_sum3A_756 = vector.extract %reduce_sum3A_755[15] : f32 from vector<16xf32>
      %bitcast_convert_type3A_757 = arith.bitcast %reduce_sum3A_756 : f32 to i32
      %shift_right_arithmetic3A_758 = arith.constant 23 : i32
      %shift_right_arithmetic3A_759 = arith.shrsi %bitcast_convert_type3A_757, %shift_right_arithmetic3A_758 : i32
      %sub3A_760 = arith.constant 127 : i32
      %sub3A_761 = arith.subi %shift_right_arithmetic3A_759, %sub3A_760 : i32
      %and3A_762 = arith.constant 8388607 : i32
      %and3A_763 = arith.andi %bitcast_convert_type3A_757, %and3A_762 : i32
      %or3A_764 = arith.constant 1065353216 : i32
      %or3A_765 = arith.ori %and3A_763, %or3A_764 : i32
      %bitcast_convert_type3A_766 = arith.bitcast %or3A_765 : i32 to f32
      %ge3A_767 = arith.constant 1.33333337 : f32
      %ge3A_768 = arith.cmpf oge, %bitcast_convert_type3A_766, %ge3A_767 : f32
      %mul3A_769 = arith.constant 5.000000e-01 : f32
      %mul3A_770 = arith.mulf %bitcast_convert_type3A_766, %mul3A_769 : f32
      %select_n3A_771 = arith.select %ge3A_768, %mul3A_770, %bitcast_convert_type3A_766 : f32
      %convert_element_type3A_772 = arith.extui %ge3A_768 : i1 to i32
      %add3A_773 = arith.addi %sub3A_761, %convert_element_type3A_772 : i32
      %convert_element_type3A_774 = arith.sitofp %add3A_773 : i32 to f32
      %sub3A_775 = arith.constant 1.000000e+00 : f32
      %sub3A_776 = arith.subf %select_n3A_771, %sub3A_775 : f32
      %mul3A_777 = arith.constant 2.000000e-01 : f32
      %mul3A_778 = arith.mulf %mul3A_777, %sub3A_776 : f32
      %sub3A_779 = arith.constant 2.500000e-01 : f32
      %sub3A_780 = arith.subf %mul3A_778, %sub3A_779 : f32
      %mul3A_781 = arith.mulf %sub3A_780, %sub3A_776 : f32
      %sub3A_782 = arith.constant -0.333333343 : f32
      %sub3A_783 = arith.subf %mul3A_781, %sub3A_782 : f32
      %mul3A_784 = arith.mulf %sub3A_783, %sub3A_776 : f32
      %sub3A_785 = arith.constant 5.000000e-01 : f32
      %sub3A_786 = arith.subf %mul3A_784, %sub3A_785 : f32
      %mul3A_787 = arith.mulf %sub3A_786, %sub3A_776 : f32
      %add3A_788 = arith.constant 1.000000e+00 : f32
      %add3A_789 = arith.addf %mul3A_787, %add3A_788 : f32
      %mul3A_790 = arith.mulf %add3A_789, %sub3A_776 : f32
      %mul3A_791 = arith.constant 0.693147182 : f32
      %mul3A_792 = arith.mulf %convert_element_type3A_774, %mul3A_791 : f32
      %add3A_793 = arith.addf %mul3A_792, %mul3A_790 : f32
      %neg3A_794 = arith.constant 0.000000e+00 : f32
      %neg3A_795 = arith.subf %neg3A_794, %add3A_793 : f32
      %broadcast_in_dim3A_796 = vector.broadcast %neg3A_795 : f32 to vector<16xf32>
      %swap3A_797 = arith.index_cast %add3A_713 : i32 to index
      %swap3A_798 = arith.constant 0 : index
      %swap3A_799 = tpu.vector_load %arg6[%swap3A_797, %swap3A_798] {strides = array<i32>} : memref<512x128xf32, #tpu.memory_space<vmem>>, vector<16xf32>,
      tpu.vector_store %arg6[%swap3A_797, %swap3A_798], %broadcast_in_dim3A_796 {add = true, strides = array<i32>} : memref<512x128xf32, #tpu.memory_space<vmem>>, vector<16xf32>,
      %swap3A_800 = arith.index_cast %add3A_713 : i32 to index
      %swap3A_801 = arith.constant 16 : index
      %swap3A_802 = tpu.vector_load %arg6[%swap3A_800, %swap3A_801] {strides = array<i32>} : memref<512x128xf32, #tpu.memory_space<vmem>>, vector<16xf32>,
      tpu.vector_store %arg6[%swap3A_800, %swap3A_801], %broadcast_in_dim3A_796 {add = true, strides = array<i32>} : memref<512x128xf32, #tpu.memory_space<vmem>>, vector<16xf32>,
      %swap3A_803 = arith.index_cast %add3A_713 : i32 to index
      %swap3A_804 = arith.constant 32 : index
      %swap3A_805 = tpu.vector_load %arg6[%swap3A_803, %swap3A_804] {strides = array<i32>} : memref<512x128xf32, #tpu.memory_space<vmem>>, vector<16xf32>,
      tpu.vector_store %arg6[%swap3A_803, %swap3A_804], %broadcast_in_dim3A_796 {add = true, strides = array<i32>} : memref<512x128xf32, #tpu.memory_space<vmem>>, vector<16xf32>,
      %swap3A_806 = arith.index_cast %add3A_713 : i32 to index
      %swap3A_807 = arith.constant 48 : index
      %swap3A_808 = tpu.vector_load %arg6[%swap3A_806, %swap3A_807] {strides = array<i32>} : memref<512x128xf32, #tpu.memory_space<vmem>>, vector<16xf32>,
      tpu.vector_store %arg6[%swap3A_806, %swap3A_807], %broadcast_in_dim3A_796 {add = true, strides = array<i32>} : memref<512x128xf32, #tpu.memory_space<vmem>>, vector<16xf32>,
      %swap3A_809 = arith.index_cast %add3A_713 : i32 to index
      %swap3A_810 = arith.constant 64 : index
      %swap3A_811 = tpu.vector_load %arg6[%swap3A_809, %swap3A_810] {strides = array<i32>} : memref<512x128xf32, #tpu.memory_space<vmem>>, vector<16xf32>,
      tpu.vector_store %arg6[%swap3A_809, %swap3A_810], %broadcast_in_dim3A_796 {add = true, strides = array<i32>} : memref<512x128xf32, #tpu.memory_space<vmem>>, vector<16xf32>,
      %swap3A_812 = arith.index_cast %add3A_713 : i32 to index
      %swap3A_813 = arith.constant 80 : index
      %swap3A_814 = tpu.vector_load %arg6[%swap3A_812, %swap3A_813] {strides = array<i32>} : memref<512x128xf32, #tpu.memory_space<vmem>>, vector<16xf32>,
      tpu.vector_store %arg6[%swap3A_812, %swap3A_813], %broadcast_in_dim3A_796 {add = true, strides = array<i32>} : memref<512x128xf32, #tpu.memory_space<vmem>>, vector<16xf32>,
      %swap3A_815 = arith.index_cast %add3A_713 : i32 to index
      %swap3A_816 = arith.constant 96 : index
      %swap3A_817 = tpu.vector_load %arg6[%swap3A_815, %swap3A_816] {strides = array<i32>} : memref<512x128xf32, #tpu.memory_space<vmem>>, vector<16xf32>,
      tpu.vector_store %arg6[%swap3A_815, %swap3A_816], %broadcast_in_dim3A_796 {add = true, strides = array<i32>} : memref<512x128xf32, #tpu.memory_space<vmem>>, vector<16xf32>,
      %swap3A_818 = arith.index_cast %add3A_713 : i32 to index
      %swap3A_819 = arith.constant 112 : index
      %swap3A_820 = tpu.vector_load %arg6[%swap3A_818, %swap3A_819] {strides = array<i32>} : memref<512x128xf32, #tpu.memory_space<vmem>>, vector<16xf32>,
      tpu.vector_store %arg6[%swap3A_818, %swap3A_819], %broadcast_in_dim3A_796 {add = true, strides = array<i32>} : memref<512x128xf32, #tpu.memory_space<vmem>>, vector<16xf32>,
      %add3A_821 = arith.constant 6 : i32
      %add3A_822 = arith.addi %add3A_180, %add3A_821 : i32
      %get3A_823 = arith.index_cast %add3A_822 : i32 to index
      %get3A_824 = arith.constant 0 : index
      %get3A_825 = tpu.vector_load %arg6[%get3A_823, %get3A_824] {strides = array<i32>} : memref<512x128xf32, #tpu.memory_space<vmem>>, vector<16xf32>,
      %get3A_826 = arith.index_cast %add3A_822 : i32 to index
      %get3A_827 = arith.constant 16 : index
      %get3A_828 = tpu.vector_load %arg6[%get3A_826, %get3A_827] {strides = array<i32>} : memref<512x128xf32, #tpu.memory_space<vmem>>, vector<16xf32>,
      %get3A_829 = arith.index_cast %add3A_822 : i32 to index
      %get3A_830 = arith.constant 32 : index
      %get3A_831 = tpu.vector_load %arg6[%get3A_829, %get3A_830] {strides = array<i32>} : memref<512x128xf32, #tpu.memory_space<vmem>>, vector<16xf32>,
      %get3A_832 = arith.index_cast %add3A_822 : i32 to index
      %get3A_833 = arith.constant 48 : index
      %get3A_834 = tpu.vector_load %arg6[%get3A_832, %get3A_833] {strides = array<i32>} : memref<512x128xf32, #tpu.memory_space<vmem>>, vector<16xf32>,
      %get3A_835 = arith.index_cast %add3A_822 : i32 to index
      %get3A_836 = arith.constant 64 : index
      %get3A_837 = tpu.vector_load %arg6[%get3A_835, %get3A_836] {strides = array<i32>} : memref<512x128xf32, #tpu.memory_space<vmem>>, vector<16xf32>,
      %get3A_838 = arith.index_cast %add3A_822 : i32 to index
      %get3A_839 = arith.constant 80 : index
      %get3A_840 = tpu.vector_load %arg6[%get3A_838, %get3A_839] {strides = array<i32>} : memref<512x128xf32, #tpu.memory_space<vmem>>, vector<16xf32>,
      %get3A_841 = arith.index_cast %add3A_822 : i32 to index
      %get3A_842 = arith.constant 96 : index
      %get3A_843 = tpu.vector_load %arg6[%get3A_841, %get3A_842] {strides = array<i32>} : memref<512x128xf32, #tpu.memory_space<vmem>>, vector<16xf32>,
      %get3A_844 = arith.index_cast %add3A_822 : i32 to index
      %get3A_845 = arith.constant 112 : index
      %get3A_846 = tpu.vector_load %arg6[%get3A_844, %get3A_845] {strides = array<i32>} : memref<512x128xf32, #tpu.memory_space<vmem>>, vector<16xf32>,
      %exp3A_847 = math.exp %get3A_825 : vector<16xf32>
      %exp3A_848 = math.exp %get3A_828 : vector<16xf32>
      %exp3A_849 = math.exp %get3A_831 : vector<16xf32>
      %exp3A_850 = math.exp %get3A_834 : vector<16xf32>
      %exp3A_851 = math.exp %get3A_837 : vector<16xf32>
      %exp3A_852 = math.exp %get3A_840 : vector<16xf32>
      %exp3A_853 = math.exp %get3A_843 : vector<16xf32>
      %exp3A_854 = math.exp %get3A_846 : vector<16xf32>
      %add3A_855 = arith.addf %exp3A_847, %exp3A_848 : vector<16xf32>
      %add3A_856 = arith.addf %exp3A_849, %exp3A_850 : vector<16xf32>
      %add3A_857 = arith.addf %exp3A_851, %exp3A_852 : vector<16xf32>
      %add3A_858 = arith.addf %exp3A_853, %exp3A_854 : vector<16xf32>
      %add3A_859 = arith.addf %add3A_855, %add3A_856 : vector<16xf32>
      %add3A_860 = arith.addf %add3A_857, %add3A_858 : vector<16xf32>
      %add3A_861 = arith.addf %add3A_859, %add3A_860 : vector<16xf32>
      %reduce_sum3A_862 = arith.constant true
      %reduce_sum3A_863 = vector.broadcast %reduce_sum3A_862 : i1 to vector<16xi1>
      %reduce_sum3A_864 = tpu.scan <sum>, %add3A_861 masked %reduce_sum3A_863 : vector<16xf32>, vector<16xi1> -> vector<16xf32>
      %reduce_sum3A_865 = vector.extract %reduce_sum3A_864[15] : f32 from vector<16xf32>
      %bitcast_convert_type3A_866 = arith.bitcast %reduce_sum3A_865 : f32 to i32
      %shift_right_arithmetic3A_867 = arith.constant 23 : i32
      %shift_right_arithmetic3A_868 = arith.shrsi %bitcast_convert_type3A_866, %shift_right_arithmetic3A_867 : i32
      %sub3A_869 = arith.constant 127 : i32
      %sub3A_870 = arith.subi %shift_right_arithmetic3A_868, %sub3A_869 : i32
      %and3A_871 = arith.constant 8388607 : i32
      %and3A_872 = arith.andi %bitcast_convert_type3A_866, %and3A_871 : i32
      %or3A_873 = arith.constant 1065353216 : i32
      %or3A_874 = arith.ori %and3A_872, %or3A_873 : i32
      %bitcast_convert_type3A_875 = arith.bitcast %or3A_874 : i32 to f32
      %ge3A_876 = arith.constant 1.33333337 : f32
      %ge3A_877 = arith.cmpf oge, %bitcast_convert_type3A_875, %ge3A_876 : f32
      %mul3A_878 = arith.constant 5.000000e-01 : f32
      %mul3A_879 = arith.mulf %bitcast_convert_type3A_875, %mul3A_878 : f32
      %select_n3A_880 = arith.select %ge3A_877, %mul3A_879, %bitcast_convert_type3A_875 : f32
      %convert_element_type3A_881 = arith.extui %ge3A_877 : i1 to i32
      %add3A_882 = arith.addi %sub3A_870, %convert_element_type3A_881 : i32
      %convert_element_type3A_883 = arith.sitofp %add3A_882 : i32 to f32
      %sub3A_884 = arith.constant 1.000000e+00 : f32
      %sub3A_885 = arith.subf %select_n3A_880, %sub3A_884 : f32
      %mul3A_886 = arith.constant 2.000000e-01 : f32
      %mul3A_887 = arith.mulf %mul3A_886, %sub3A_885 : f32
      %sub3A_888 = arith.constant 2.500000e-01 : f32
      %sub3A_889 = arith.subf %mul3A_887, %sub3A_888 : f32
      %mul3A_890 = arith.mulf %sub3A_889, %sub3A_885 : f32
      %sub3A_891 = arith.constant -0.333333343 : f32
      %sub3A_892 = arith.subf %mul3A_890, %sub3A_891 : f32
      %mul3A_893 = arith.mulf %sub3A_892, %sub3A_885 : f32
      %sub3A_894 = arith.constant 5.000000e-01 : f32
      %sub3A_895 = arith.subf %mul3A_893, %sub3A_894 : f32
      %mul3A_896 = arith.mulf %sub3A_895, %sub3A_885 : f32
      %add3A_897 = arith.constant 1.000000e+00 : f32
      %add3A_898 = arith.addf %mul3A_896, %add3A_897 : f32
      %mul3A_899 = arith.mulf %add3A_898, %sub3A_885 : f32
      %mul3A_900 = arith.constant 0.693147182 : f32
      %mul3A_901 = arith.mulf %convert_element_type3A_883, %mul3A_900 : f32
      %add3A_902 = arith.addf %mul3A_901, %mul3A_899 : f32
      %neg3A_903 = arith.constant 0.000000e+00 : f32
      %neg3A_904 = arith.subf %neg3A_903, %add3A_902 : f32
      %broadcast_in_dim3A_905 = vector.broadcast %neg3A_904 : f32 to vector<16xf32>
      %swap3A_906 = arith.index_cast %add3A_822 : i32 to index
      %swap3A_907 = arith.constant 0 : index
      %swap3A_908 = tpu.vector_load %arg6[%swap3A_906, %swap3A_907] {strides = array<i32>} : memref<512x128xf32, #tpu.memory_space<vmem>>, vector<16xf32>,
      tpu.vector_store %arg6[%swap3A_906, %swap3A_907], %broadcast_in_dim3A_905 {add = true, strides = array<i32>} : memref<512x128xf32, #tpu.memory_space<vmem>>, vector<16xf32>,
      %swap3A_909 = arith.index_cast %add3A_822 : i32 to index
      %swap3A_910 = arith.constant 16 : index
      %swap3A_911 = tpu.vector_load %arg6[%swap3A_909, %swap3A_910] {strides = array<i32>} : memref<512x128xf32, #tpu.memory_space<vmem>>, vector<16xf32>,
      tpu.vector_store %arg6[%swap3A_909, %swap3A_910], %broadcast_in_dim3A_905 {add = true, strides = array<i32>} : memref<512x128xf32, #tpu.memory_space<vmem>>, vector<16xf32>,
      %swap3A_912 = arith.index_cast %add3A_822 : i32 to index
      %swap3A_913 = arith.constant 32 : index
      %swap3A_914 = tpu.vector_load %arg6[%swap3A_912, %swap3A_913] {strides = array<i32>} : memref<512x128xf32, #tpu.memory_space<vmem>>, vector<16xf32>,
      tpu.vector_store %arg6[%swap3A_912, %swap3A_913], %broadcast_in_dim3A_905 {add = true, strides = array<i32>} : memref<512x128xf32, #tpu.memory_space<vmem>>, vector<16xf32>,
      %swap3A_915 = arith.index_cast %add3A_822 : i32 to index
      %swap3A_916 = arith.constant 48 : index
      %swap3A_917 = tpu.vector_load %arg6[%swap3A_915, %swap3A_916] {strides = array<i32>} : memref<512x128xf32, #tpu.memory_space<vmem>>, vector<16xf32>,
      tpu.vector_store %arg6[%swap3A_915, %swap3A_916], %broadcast_in_dim3A_905 {add = true, strides = array<i32>} : memref<512x128xf32, #tpu.memory_space<vmem>>, vector<16xf32>,
      %swap3A_918 = arith.index_cast %add3A_822 : i32 to index
      %swap3A_919 = arith.constant 64 : index
      %swap3A_920 = tpu.vector_load %arg6[%swap3A_918, %swap3A_919] {strides = array<i32>} : memref<512x128xf32, #tpu.memory_space<vmem>>, vector<16xf32>,
      tpu.vector_store %arg6[%swap3A_918, %swap3A_919], %broadcast_in_dim3A_905 {add = true, strides = array<i32>} : memref<512x128xf32, #tpu.memory_space<vmem>>, vector<16xf32>,
      %swap3A_921 = arith.index_cast %add3A_822 : i32 to index
      %swap3A_922 = arith.constant 80 : index
      %swap3A_923 = tpu.vector_load %arg6[%swap3A_921, %swap3A_922] {strides = array<i32>} : memref<512x128xf32, #tpu.memory_space<vmem>>, vector<16xf32>,
      tpu.vector_store %arg6[%swap3A_921, %swap3A_922], %broadcast_in_dim3A_905 {add = true, strides = array<i32>} : memref<512x128xf32, #tpu.memory_space<vmem>>, vector<16xf32>,
      %swap3A_924 = arith.index_cast %add3A_822 : i32 to index
      %swap3A_925 = arith.constant 96 : index
      %swap3A_926 = tpu.vector_load %arg6[%swap3A_924, %swap3A_925] {strides = array<i32>} : memref<512x128xf32, #tpu.memory_space<vmem>>, vector<16xf32>,
      tpu.vector_store %arg6[%swap3A_924, %swap3A_925], %broadcast_in_dim3A_905 {add = true, strides = array<i32>} : memref<512x128xf32, #tpu.memory_space<vmem>>, vector<16xf32>,
      %swap3A_927 = arith.index_cast %add3A_822 : i32 to index
      %swap3A_928 = arith.constant 112 : index
      %swap3A_929 = tpu.vector_load %arg6[%swap3A_927, %swap3A_928] {strides = array<i32>} : memref<512x128xf32, #tpu.memory_space<vmem>>, vector<16xf32>,
      tpu.vector_store %arg6[%swap3A_927, %swap3A_928], %broadcast_in_dim3A_905 {add = true, strides = array<i32>} : memref<512x128xf32, #tpu.memory_space<vmem>>, vector<16xf32>,
      %add3A_930 = arith.constant 7 : i32
      %add3A_931 = arith.addi %add3A_180, %add3A_930 : i32
      %get3A_932 = arith.index_cast %add3A_931 : i32 to index
      %get3A_933 = arith.constant 0 : index
      %get3A_934 = tpu.vector_load %arg6[%get3A_932, %get3A_933] {strides = array<i32>} : memref<512x128xf32, #tpu.memory_space<vmem>>, vector<16xf32>,
      %get3A_935 = arith.index_cast %add3A_931 : i32 to index
      %get3A_936 = arith.constant 16 : index
      %get3A_937 = tpu.vector_load %arg6[%get3A_935, %get3A_936] {strides = array<i32>} : memref<512x128xf32, #tpu.memory_space<vmem>>, vector<16xf32>,
      %get3A_938 = arith.index_cast %add3A_931 : i32 to index
      %get3A_939 = arith.constant 32 : index
      %get3A_940 = tpu.vector_load %arg6[%get3A_938, %get3A_939] {strides = array<i32>} : memref<512x128xf32, #tpu.memory_space<vmem>>, vector<16xf32>,
      %get3A_941 = arith.index_cast %add3A_931 : i32 to index
      %get3A_942 = arith.constant 48 : index
      %get3A_943 = tpu.vector_load %arg6[%get3A_941, %get3A_942] {strides = array<i32>} : memref<512x128xf32, #tpu.memory_space<vmem>>, vector<16xf32>,
      %get3A_944 = arith.index_cast %add3A_931 : i32 to index
      %get3A_945 = arith.constant 64 : index
      %get3A_946 = tpu.vector_load %arg6[%get3A_944, %get3A_945] {strides = array<i32>} : memref<512x128xf32, #tpu.memory_space<vmem>>, vector<16xf32>,
      %get3A_947 = arith.index_cast %add3A_931 : i32 to index
      %get3A_948 = arith.constant 80 : index
      %get3A_949 = tpu.vector_load %arg6[%get3A_947, %get3A_948] {strides = array<i32>} : memref<512x128xf32, #tpu.memory_space<vmem>>, vector<16xf32>,
      %get3A_950 = arith.index_cast %add3A_931 : i32 to index
      %get3A_951 = arith.constant 96 : index
      %get3A_952 = tpu.vector_load %arg6[%get3A_950, %get3A_951] {strides = array<i32>} : memref<512x128xf32, #tpu.memory_space<vmem>>, vector<16xf32>,
      %get3A_953 = arith.index_cast %add3A_931 : i32 to index
      %get3A_954 = arith.constant 112 : index
      %get3A_955 = tpu.vector_load %arg6[%get3A_953, %get3A_954] {strides = array<i32>} : memref<512x128xf32, #tpu.memory_space<vmem>>, vector<16xf32>,
      %exp3A_956 = math.exp %get3A_934 : vector<16xf32>
      %exp3A_957 = math.exp %get3A_937 : vector<16xf32>
      %exp3A_958 = math.exp %get3A_940 : vector<16xf32>
      %exp3A_959 = math.exp %get3A_943 : vector<16xf32>
      %exp3A_960 = math.exp %get3A_946 : vector<16xf32>
      %exp3A_961 = math.exp %get3A_949 : vector<16xf32>
      %exp3A_962 = math.exp %get3A_952 : vector<16xf32>
      %exp3A_963 = math.exp %get3A_955 : vector<16xf32>
      %add3A_964 = arith.addf %exp3A_956, %exp3A_957 : vector<16xf32>
      %add3A_965 = arith.addf %exp3A_958, %exp3A_959 : vector<16xf32>
      %add3A_966 = arith.addf %exp3A_960, %exp3A_961 : vector<16xf32>
      %add3A_967 = arith.addf %exp3A_962, %exp3A_963 : vector<16xf32>
      %add3A_968 = arith.addf %add3A_964, %add3A_965 : vector<16xf32>
      %add3A_969 = arith.addf %add3A_966, %add3A_967 : vector<16xf32>
      %add3A_970 = arith.addf %add3A_968, %add3A_969 : vector<16xf32>
      %reduce_sum3A_971 = arith.constant true
      %reduce_sum3A_972 = vector.broadcast %reduce_sum3A_971 : i1 to vector<16xi1>
      %reduce_sum3A_973 = tpu.scan <sum>, %add3A_970 masked %reduce_sum3A_972 : vector<16xf32>, vector<16xi1> -> vector<16xf32>
      %reduce_sum3A_974 = vector.extract %reduce_sum3A_973[15] : f32 from vector<16xf32>
      %bitcast_convert_type3A_975 = arith.bitcast %reduce_sum3A_974 : f32 to i32
      %shift_right_arithmetic3A_976 = arith.constant 23 : i32
      %shift_right_arithmetic3A_977 = arith.shrsi %bitcast_convert_type3A_975, %shift_right_arithmetic3A_976 : i32
      %sub3A_978 = arith.constant 127 : i32
      %sub3A_979 = arith.subi %shift_right_arithmetic3A_977, %sub3A_978 : i32
      %and3A_980 = arith.constant 8388607 : i32
      %and3A_981 = arith.andi %bitcast_convert_type3A_975, %and3A_980 : i32
      %or3A_982 = arith.constant 1065353216 : i32
      %or3A_983 = arith.ori %and3A_981, %or3A_982 : i32
      %bitcast_convert_type3A_984 = arith.bitcast %or3A_983 : i32 to f32
      %ge3A_985 = arith.constant 1.33333337 : f32
      %ge3A_986 = arith.cmpf oge, %bitcast_convert_type3A_984, %ge3A_985 : f32
      %mul3A_987 = arith.constant 5.000000e-01 : f32
      %mul3A_988 = arith.mulf %bitcast_convert_type3A_984, %mul3A_987 : f32
      %select_n3A_989 = arith.select %ge3A_986, %mul3A_988, %bitcast_convert_type3A_984 : f32
      %convert_element_type3A_990 = arith.extui %ge3A_986 : i1 to i32
      %add3A_991 = arith.addi %sub3A_979, %convert_element_type3A_990 : i32
      %convert_element_type3A_992 = arith.sitofp %add3A_991 : i32 to f32
      %sub3A_993 = arith.constant 1.000000e+00 : f32
      %sub3A_994 = arith.subf %select_n3A_989, %sub3A_993 : f32
      %mul3A_995 = arith.constant 2.000000e-01 : f32
      %mul3A_996 = arith.mulf %mul3A_995, %sub3A_994 : f32
      %sub3A_997 = arith.constant 2.500000e-01 : f32
      %sub3A_998 = arith.subf %mul3A_996, %sub3A_997 : f32
      %mul3A_999 = arith.mulf %sub3A_998, %sub3A_994 : f32
      %sub3A_1000 = arith.constant -0.333333343 : f32
      %sub3A_1001 = arith.subf %mul3A_999, %sub3A_1000 : f32
      %mul3A_1002 = arith.mulf %sub3A_1001, %sub3A_994 : f32
      %sub3A_1003 = arith.constant 5.000000e-01 : f32
      %sub3A_1004 = arith.subf %mul3A_1002, %sub3A_1003 : f32
      %mul3A_1005 = arith.mulf %sub3A_1004, %sub3A_994 : f32
      %add3A_1006 = arith.constant 1.000000e+00 : f32
      %add3A_1007 = arith.addf %mul3A_1005, %add3A_1006 : f32
      %mul3A_1008 = arith.mulf %add3A_1007, %sub3A_994 : f32
      %mul3A_1009 = arith.constant 0.693147182 : f32
      %mul3A_1010 = arith.mulf %convert_element_type3A_992, %mul3A_1009 : f32
      %add3A_1011 = arith.addf %mul3A_1010, %mul3A_1008 : f32
      %neg3A_1012 = arith.constant 0.000000e+00 : f32
      %neg3A_1013 = arith.subf %neg3A_1012, %add3A_1011 : f32
      %broadcast_in_dim3A_1014 = vector.broadcast %neg3A_1013 : f32 to vector<16xf32>
      %swap3A_1015 = arith.index_cast %add3A_931 : i32 to index
      %swap3A_1016 = arith.constant 0 : index
      %swap3A_1017 = tpu.vector_load %arg6[%swap3A_1015, %swap3A_1016] {strides = array<i32>} : memref<512x128xf32, #tpu.memory_space<vmem>>, vector<16xf32>,
      tpu.vector_store %arg6[%swap3A_1015, %swap3A_1016], %broadcast_in_dim3A_1014 {add = true, strides = array<i32>} : memref<512x128xf32, #tpu.memory_space<vmem>>, vector<16xf32>,
      %swap3A_1018 = arith.index_cast %add3A_931 : i32 to index
      %swap3A_1019 = arith.constant 16 : index
      %swap3A_1020 = tpu.vector_load %arg6[%swap3A_1018, %swap3A_1019] {strides = array<i32>} : memref<512x128xf32, #tpu.memory_space<vmem>>, vector<16xf32>,
      tpu.vector_store %arg6[%swap3A_1018, %swap3A_1019], %broadcast_in_dim3A_1014 {add = true, strides = array<i32>} : memref<512x128xf32, #tpu.memory_space<vmem>>, vector<16xf32>,
      %swap3A_1021 = arith.index_cast %add3A_931 : i32 to index
      %swap3A_1022 = arith.constant 32 : index
      %swap3A_1023 = tpu.vector_load %arg6[%swap3A_1021, %swap3A_1022] {strides = array<i32>} : memref<512x128xf32, #tpu.memory_space<vmem>>, vector<16xf32>,
      tpu.vector_store %arg6[%swap3A_1021, %swap3A_1022], %broadcast_in_dim3A_1014 {add = true, strides = array<i32>} : memref<512x128xf32, #tpu.memory_space<vmem>>, vector<16xf32>,
      %swap3A_1024 = arith.index_cast %add3A_931 : i32 to index
      %swap3A_1025 = arith.constant 48 : index
      %swap3A_1026 = tpu.vector_load %arg6[%swap3A_1024, %swap3A_1025] {strides = array<i32>} : memref<512x128xf32, #tpu.memory_space<vmem>>, vector<16xf32>,
      tpu.vector_store %arg6[%swap3A_1024, %swap3A_1025], %broadcast_in_dim3A_1014 {add = true, strides = array<i32>} : memref<512x128xf32, #tpu.memory_space<vmem>>, vector<16xf32>,
      %swap3A_1027 = arith.index_cast %add3A_931 : i32 to index
      %swap3A_1028 = arith.constant 64 : index
      %swap3A_1029 = tpu.vector_load %arg6[%swap3A_1027, %swap3A_1028] {strides = array<i32>} : memref<512x128xf32, #tpu.memory_space<vmem>>, vector<16xf32>,
      tpu.vector_store %arg6[%swap3A_1027, %swap3A_1028], %broadcast_in_dim3A_1014 {add = true, strides = array<i32>} : memref<512x128xf32, #tpu.memory_space<vmem>>, vector<16xf32>,
      %swap3A_1030 = arith.index_cast %add3A_931 : i32 to index
      %swap3A_1031 = arith.constant 80 : index
      %swap3A_1032 = tpu.vector_load %arg6[%swap3A_1030, %swap3A_1031] {strides = array<i32>} : memref<512x128xf32, #tpu.memory_space<vmem>>, vector<16xf32>,
      tpu.vector_store %arg6[%swap3A_1030, %swap3A_1031], %broadcast_in_dim3A_1014 {add = true, strides = array<i32>} : memref<512x128xf32, #tpu.memory_space<vmem>>, vector<16xf32>,
      %swap3A_1033 = arith.index_cast %add3A_931 : i32 to index
      %swap3A_1034 = arith.constant 96 : index
      %swap3A_1035 = tpu.vector_load %arg6[%swap3A_1033, %swap3A_1034] {strides = array<i32>} : memref<512x128xf32, #tpu.memory_space<vmem>>, vector<16xf32>,
      tpu.vector_store %arg6[%swap3A_1033, %swap3A_1034], %broadcast_in_dim3A_1014 {add = true, strides = array<i32>} : memref<512x128xf32, #tpu.memory_space<vmem>>, vector<16xf32>,
      %swap3A_1036 = arith.index_cast %add3A_931 : i32 to index
      %swap3A_1037 = arith.constant 112 : index
      %swap3A_1038 = tpu.vector_load %arg6[%swap3A_1036, %swap3A_1037] {strides = array<i32>} : memref<512x128xf32, #tpu.memory_space<vmem>>, vector<16xf32>,
      tpu.vector_store %arg6[%swap3A_1036, %swap3A_1037], %broadcast_in_dim3A_1014 {add = true, strides = array<i32>} : memref<512x128xf32, #tpu.memory_space<vmem>>, vector<16xf32>,
    }
    %scan3A_71 = arith.constant 16 : i32
    %add3A_72 = arith.constant 128 : i32
    %add3A_73 = arith.addi %mul3A_2, %add3A_72 : i32
    %dma_start3A_74 = arith.constant 128 : i32
    %dma_start3A_75 = arith.constant 0 : i32
    %dma_start3A_76 = tpu.memref_slice %arg6[%dma_start3A_74, %dma_start3A_75] : memref<512x128xf32, #tpu.memory_space<vmem>> -> memref<128x128xf32, #tpu.memory_space<vmem>>
    %dma_start3A_77 = arith.constant 0 : i32
    %dma_start3A_78 = tpu.memref_slice %arg4[%add3A_73, %dma_start3A_77] : memref<16384x128xf32, #tpu.memory_space<hbm>> -> memref<128x128xf32, #tpu.memory_space<hbm>>
    %dma_start3A_79 = arith.constant 0 : i32
    %dma_start3A_80 = tpu.memref_slice %arg4[%add3A_73, %dma_start3A_79] : memref<16384x128xf32, #tpu.memory_space<hbm>> -> memref<128x128xf32, #tpu.memory_space<hbm>>
    %dma_start3A_81 = arith.constant 128 : i32
    %dma_start3A_82 = arith.constant 0 : i32
    %dma_start3A_83 = tpu.memref_slice %arg6[%dma_start3A_81, %dma_start3A_82] : memref<512x128xf32, #tpu.memory_space<vmem>> -> memref<128x128xf32, #tpu.memory_space<vmem>>
    tpu.enqueue_dma source(%dma_start3A_83 : memref<128x128xf32, #tpu.memory_space<vmem>>) target(%dma_start3A_80 : memref<128x128xf32, #tpu.memory_space<hbm>>) target_semaphore(%arg8 : memref<!tpu.dma_semaphore, #tpu.memory_space<semaphore_mem>>)
    %dma_wait3A_84 = arith.constant 256 : i32
    %dma_wait3A_85 = arith.constant 0 : i32
    %dma_wait3A_86 = tpu.memref_slice %arg6[%dma_wait3A_84, %dma_wait3A_85] : memref<512x128xf32, #tpu.memory_space<vmem>> -> memref<128x128xf32, #tpu.memory_space<vmem>>
    %dma_wait3A_87 = arith.constant 256 : i32
    %dma_wait3A_88 = tpu.memref_slice %arg5[%dma_wait3A_87] : memref<512xi32, #tpu.memory_space<vmem>> -> memref<128xi32, #tpu.memory_space<vmem>>
    %dma_wait3A_89 = arith.constant 0 : i32
    %dma_wait3A_90 = arith.constant 0 : i32
    %dma_wait3A_91 = tpu.memref_slice %arg2[%dma_wait3A_89, %dma_wait3A_90] : memref<100000x128xf32, #tpu.memory_space<hbm>> -> memref<100000x128xf32, #tpu.memory_space<hbm>>
    tpu.wait_indirect_dma semaphore(%arg7 : memref<!tpu.dma_semaphore, #tpu.memory_space<semaphore_mem>>) src(%dma_wait3A_91 : memref<100000x128xf32, #tpu.memory_space<hbm>>) dst(%dma_wait3A_86 : memref<128x128xf32, #tpu.memory_space<vmem>>)
    %scan3A_92 = arith.constant 0 : i32
    %scan3A_93 = arith.constant 0 : i32
    %scan3A_94 = arith.constant 16 : i32
    %scan3A_95 = arith.addi %scan3A_93, %scan3A_94 : i32
    %scan3A_96 = arith.constant 1 : i32
    scf.for %scan3A_176 = %scan3A_93 to %scan3A_95 step %scan3A_96  : i32 {
      %mul3A_177 = arith.constant 8 : i32
      %mul3A_178 = arith.muli %scan3A_176, %mul3A_177 : i32
      %add3A_179 = arith.constant 256 : i32
      %add3A_180 = arith.addi %add3A_179, %mul3A_178 : i32
      %add3A_181 = arith.constant 0 : i32
      %add3A_182 = arith.addi %add3A_180, %add3A_181 : i32
      %get3A = arith.index_cast %add3A_182 : i32 to index
      %get3A_183 = arith.constant 0 : index
      %get3A_184 = tpu.vector_load %arg6[%get3A, %get3A_183] {strides = array<i32>} : memref<512x128xf32, #tpu.memory_space<vmem>>, vector<16xf32>,
      %get3A_185 = arith.index_cast %add3A_182 : i32 to index
      %get3A_186 = arith.constant 16 : index
      %get3A_187 = tpu.vector_load %arg6[%get3A_185, %get3A_186] {strides = array<i32>} : memref<512x128xf32, #tpu.memory_space<vmem>>, vector<16xf32>,
      %get3A_188 = arith.index_cast %add3A_182 : i32 to index
      %get3A_189 = arith.constant 32 : index
      %get3A_190 = tpu.vector_load %arg6[%get3A_188, %get3A_189] {strides = array<i32>} : memref<512x128xf32, #tpu.memory_space<vmem>>, vector<16xf32>,
      %get3A_191 = arith.index_cast %add3A_182 : i32 to index
      %get3A_192 = arith.constant 48 : index
      %get3A_193 = tpu.vector_load %arg6[%get3A_191, %get3A_192] {strides = array<i32>} : memref<512x128xf32, #tpu.memory_space<vmem>>, vector<16xf32>,
      %get3A_194 = arith.index_cast %add3A_182 : i32 to index
      %get3A_195 = arith.constant 64 : index
      %get3A_196 = tpu.vector_load %arg6[%get3A_194, %get3A_195] {strides = array<i32>} : memref<512x128xf32, #tpu.memory_space<vmem>>, vector<16xf32>,
      %get3A_197 = arith.index_cast %add3A_182 : i32 to index
      %get3A_198 = arith.constant 80 : index
      %get3A_199 = tpu.vector_load %arg6[%get3A_197, %get3A_198] {strides = array<i32>} : memref<512x128xf32, #tpu.memory_space<vmem>>, vector<16xf32>,
      %get3A_200 = arith.index_cast %add3A_182 : i32 to index
      %get3A_201 = arith.constant 96 : index
      %get3A_202 = tpu.vector_load %arg6[%get3A_200, %get3A_201] {strides = array<i32>} : memref<512x128xf32, #tpu.memory_space<vmem>>, vector<16xf32>,
      %get3A_203 = arith.index_cast %add3A_182 : i32 to index
      %get3A_204 = arith.constant 112 : index
      %get3A_205 = tpu.vector_load %arg6[%get3A_203, %get3A_204] {strides = array<i32>} : memref<512x128xf32, #tpu.memory_space<vmem>>, vector<16xf32>,
      %exp3A = math.exp %get3A_184 : vector<16xf32>
      %exp3A_206 = math.exp %get3A_187 : vector<16xf32>
      %exp3A_207 = math.exp %get3A_190 : vector<16xf32>
      %exp3A_208 = math.exp %get3A_193 : vector<16xf32>
      %exp3A_209 = math.exp %get3A_196 : vector<16xf32>
      %exp3A_210 = math.exp %get3A_199 : vector<16xf32>
      %exp3A_211 = math.exp %get3A_202 : vector<16xf32>
      %exp3A_212 = math.exp %get3A_205 : vector<16xf32>
      %add3A_213 = arith.addf %exp3A, %exp3A_206 : vector<16xf32>
      %add3A_214 = arith.addf %exp3A_207, %exp3A_208 : vector<16xf32>
      %add3A_215 = arith.addf %exp3A_209, %exp3A_210 : vector<16xf32>
      %add3A_216 = arith.addf %exp3A_211, %exp3A_212 : vector<16xf32>
      %add3A_217 = arith.addf %add3A_213, %add3A_214 : vector<16xf32>
      %add3A_218 = arith.addf %add3A_215, %add3A_216 : vector<16xf32>
      %add3A_219 = arith.addf %add3A_217, %add3A_218 : vector<16xf32>
      %reduce_sum3A = arith.constant true
      %reduce_sum3A_220 = vector.broadcast %reduce_sum3A : i1 to vector<16xi1>
      %reduce_sum3A_221 = tpu.scan <sum>, %add3A_219 masked %reduce_sum3A_220 : vector<16xf32>, vector<16xi1> -> vector<16xf32>
      %reduce_sum3A_222 = vector.extract %reduce_sum3A_221[15] : f32 from vector<16xf32>
      %bitcast_convert_type3A = arith.bitcast %reduce_sum3A_222 : f32 to i32
      %shift_right_arithmetic3A = arith.constant 23 : i32
      %shift_right_arithmetic3A_223 = arith.shrsi %bitcast_convert_type3A, %shift_right_arithmetic3A : i32
      %sub3A = arith.constant 127 : i32
      %sub3A_224 = arith.subi %shift_right_arithmetic3A_223, %sub3A : i32
      %and3A = arith.constant 8388607 : i32
      %and3A_225 = arith.andi %bitcast_convert_type3A, %and3A : i32
      %or3A = arith.constant 1065353216 : i32
      %or3A_226 = arith.ori %and3A_225, %or3A : i32
      %bitcast_convert_type3A_227 = arith.bitcast %or3A_226 : i32 to f32
      %ge3A = arith.constant 1.33333337 : f32
      %ge3A_228 = arith.cmpf oge, %bitcast_convert_type3A_227, %ge3A : f32
      %mul3A_229 = arith.constant 5.000000e-01 : f32
      %mul3A_230 = arith.mulf %bitcast_convert_type3A_227, %mul3A_229 : f32
      %select_n3A = arith.select %ge3A_228, %mul3A_230, %bitcast_convert_type3A_227 : f32
      %convert_element_type3A = arith.extui %ge3A_228 : i1 to i32
      %add3A_231 = arith.addi %sub3A_224, %convert_element_type3A : i32
      %convert_element_type3A_232 = arith.sitofp %add3A_231 : i32 to f32
      %sub3A_233 = arith.constant 1.000000e+00 : f32
      %sub3A_234 = arith.subf %select_n3A, %sub3A_233 : f32
      %mul3A_235 = arith.constant 2.000000e-01 : f32
      %mul3A_236 = arith.mulf %mul3A_235, %sub3A_234 : f32
      %sub3A_237 = arith.constant 2.500000e-01 : f32
      %sub3A_238 = arith.subf %mul3A_236, %sub3A_237 : f32
      %mul3A_239 = arith.mulf %sub3A_238, %sub3A_234 : f32
      %sub3A_240 = arith.constant -0.333333343 : f32
      %sub3A_241 = arith.subf %mul3A_239, %sub3A_240 : f32
      %mul3A_242 = arith.mulf %sub3A_241, %sub3A_234 : f32
      %sub3A_243 = arith.constant 5.000000e-01 : f32
      %sub3A_244 = arith.subf %mul3A_242, %sub3A_243 : f32
      %mul3A_245 = arith.mulf %sub3A_244, %sub3A_234 : f32
      %add3A_246 = arith.constant 1.000000e+00 : f32
      %add3A_247 = arith.addf %mul3A_245, %add3A_246 : f32
      %mul3A_248 = arith.mulf %add3A_247, %sub3A_234 : f32
      %mul3A_249 = arith.constant 0.693147182 : f32
      %mul3A_250 = arith.mulf %convert_element_type3A_232, %mul3A_249 : f32
      %add3A_251 = arith.addf %mul3A_250, %mul3A_248 : f32
      %neg3A = arith.constant 0.000000e+00 : f32
      %neg3A_252 = arith.subf %neg3A, %add3A_251 : f32
      %broadcast_in_dim3A = vector.broadcast %neg3A_252 : f32 to vector<16xf32>
      %swap3A = arith.index_cast %add3A_182 : i32 to index
      %swap3A_253 = arith.constant 0 : index
      %swap3A_254 = tpu.vector_load %arg6[%swap3A, %swap3A_253] {strides = array<i32>} : memref<512x128xf32, #tpu.memory_space<vmem>>, vector<16xf32>,
      tpu.vector_store %arg6[%swap3A, %swap3A_253], %broadcast_in_dim3A {add = true, strides = array<i32>} : memref<512x128xf32, #tpu.memory_space<vmem>>, vector<16xf32>,
      %swap3A_255 = arith.index_cast %add3A_182 : i32 to index
      %swap3A_256 = arith.constant 16 : index
      %swap3A_257 = tpu.vector_load %arg6[%swap3A_255, %swap3A_256] {strides = array<i32>} : memref<512x128xf32, #tpu.memory_space<vmem>>, vector<16xf32>,
      tpu.vector_store %arg6[%swap3A_255, %swap3A_256], %broadcast_in_dim3A {add = true, strides = array<i32>} : memref<512x128xf32, #tpu.memory_space<vmem>>, vector<16xf32>,
      %swap3A_258 = arith.index_cast %add3A_182 : i32 to index
      %swap3A_259 = arith.constant 32 : index
      %swap3A_260 = tpu.vector_load %arg6[%swap3A_258, %swap3A_259] {strides = array<i32>} : memref<512x128xf32, #tpu.memory_space<vmem>>, vector<16xf32>,
      tpu.vector_store %arg6[%swap3A_258, %swap3A_259], %broadcast_in_dim3A {add = true, strides = array<i32>} : memref<512x128xf32, #tpu.memory_space<vmem>>, vector<16xf32>,
      %swap3A_261 = arith.index_cast %add3A_182 : i32 to index
      %swap3A_262 = arith.constant 48 : index
      %swap3A_263 = tpu.vector_load %arg6[%swap3A_261, %swap3A_262] {strides = array<i32>} : memref<512x128xf32, #tpu.memory_space<vmem>>, vector<16xf32>,
      tpu.vector_store %arg6[%swap3A_261, %swap3A_262], %broadcast_in_dim3A {add = true, strides = array<i32>} : memref<512x128xf32, #tpu.memory_space<vmem>>, vector<16xf32>,
      %swap3A_264 = arith.index_cast %add3A_182 : i32 to index
      %swap3A_265 = arith.constant 64 : index
      %swap3A_266 = tpu.vector_load %arg6[%swap3A_264, %swap3A_265] {strides = array<i32>} : memref<512x128xf32, #tpu.memory_space<vmem>>, vector<16xf32>,
      tpu.vector_store %arg6[%swap3A_264, %swap3A_265], %broadcast_in_dim3A {add = true, strides = array<i32>} : memref<512x128xf32, #tpu.memory_space<vmem>>, vector<16xf32>,
      %swap3A_267 = arith.index_cast %add3A_182 : i32 to index
      %swap3A_268 = arith.constant 80 : index
      %swap3A_269 = tpu.vector_load %arg6[%swap3A_267, %swap3A_268] {strides = array<i32>} : memref<512x128xf32, #tpu.memory_space<vmem>>, vector<16xf32>,
      tpu.vector_store %arg6[%swap3A_267, %swap3A_268], %broadcast_in_dim3A {add = true, strides = array<i32>} : memref<512x128xf32, #tpu.memory_space<vmem>>, vector<16xf32>,
      %swap3A_270 = arith.index_cast %add3A_182 : i32 to index
      %swap3A_271 = arith.constant 96 : index
      %swap3A_272 = tpu.vector_load %arg6[%swap3A_270, %swap3A_271] {strides = array<i32>} : memref<512x128xf32, #tpu.memory_space<vmem>>, vector<16xf32>,
      tpu.vector_store %arg6[%swap3A_270, %swap3A_271], %broadcast_in_dim3A {add = true, strides = array<i32>} : memref<512x128xf32, #tpu.memory_space<vmem>>, vector<16xf32>,
      %swap3A_273 = arith.index_cast %add3A_182 : i32 to index
      %swap3A_274 = arith.constant 112 : index
      %swap3A_275 = tpu.vector_load %arg6[%swap3A_273, %swap3A_274] {strides = array<i32>} : memref<512x128xf32, #tpu.memory_space<vmem>>, vector<16xf32>,
      tpu.vector_store %arg6[%swap3A_273, %swap3A_274], %broadcast_in_dim3A {add = true, strides = array<i32>} : memref<512x128xf32, #tpu.memory_space<vmem>>, vector<16xf32>,
      %add3A_276 = arith.constant 1 : i32
      %add3A_277 = arith.addi %add3A_180, %add3A_276 : i32
      %get3A_278 = arith.index_cast %add3A_277 : i32 to index
      %get3A_279 = arith.constant 0 : index
      %get3A_280 = tpu.vector_load %arg6[%get3A_278, %get3A_279] {strides = array<i32>} : memref<512x128xf32, #tpu.memory_space<vmem>>, vector<16xf32>,
      %get3A_281 = arith.index_cast %add3A_277 : i32 to index
      %get3A_282 = arith.constant 16 : index
      %get3A_283 = tpu.vector_load %arg6[%get3A_281, %get3A_282] {strides = array<i32>} : memref<512x128xf32, #tpu.memory_space<vmem>>, vector<16xf32>,
      %get3A_284 = arith.index_cast %add3A_277 : i32 to index
      %get3A_285 = arith.constant 32 : index
      %get3A_286 = tpu.vector_load %arg6[%get3A_284, %get3A_285] {strides = array<i32>} : memref<512x128xf32, #tpu.memory_space<vmem>>, vector<16xf32>,
      %get3A_287 = arith.index_cast %add3A_277 : i32 to index
      %get3A_288 = arith.constant 48 : index
      %get3A_289 = tpu.vector_load %arg6[%get3A_287, %get3A_288] {strides = array<i32>} : memref<512x128xf32, #tpu.memory_space<vmem>>, vector<16xf32>,
      %get3A_290 = arith.index_cast %add3A_277 : i32 to index
      %get3A_291 = arith.constant 64 : index
      %get3A_292 = tpu.vector_load %arg6[%get3A_290, %get3A_291] {strides = array<i32>} : memref<512x128xf32, #tpu.memory_space<vmem>>, vector<16xf32>,
      %get3A_293 = arith.index_cast %add3A_277 : i32 to index
      %get3A_294 = arith.constant 80 : index
      %get3A_295 = tpu.vector_load %arg6[%get3A_293, %get3A_294] {strides = array<i32>} : memref<512x128xf32, #tpu.memory_space<vmem>>, vector<16xf32>,
      %get3A_296 = arith.index_cast %add3A_277 : i32 to index
      %get3A_297 = arith.constant 96 : index
      %get3A_298 = tpu.vector_load %arg6[%get3A_296, %get3A_297] {strides = array<i32>} : memref<512x128xf32, #tpu.memory_space<vmem>>, vector<16xf32>,
      %get3A_299 = arith.index_cast %add3A_277 : i32 to index
      %get3A_300 = arith.constant 112 : index
      %get3A_301 = tpu.vector_load %arg6[%get3A_299, %get3A_300] {strides = array<i32>} : memref<512x128xf32, #tpu.memory_space<vmem>>, vector<16xf32>,
      %exp3A_302 = math.exp %get3A_280 : vector<16xf32>
      %exp3A_303 = math.exp %get3A_283 : vector<16xf32>
      %exp3A_304 = math.exp %get3A_286 : vector<16xf32>
      %exp3A_305 = math.exp %get3A_289 : vector<16xf32>
      %exp3A_306 = math.exp %get3A_292 : vector<16xf32>
      %exp3A_307 = math.exp %get3A_295 : vector<16xf32>
      %exp3A_308 = math.exp %get3A_298 : vector<16xf32>
      %exp3A_309 = math.exp %get3A_301 : vector<16xf32>
      %add3A_310 = arith.addf %exp3A_302, %exp3A_303 : vector<16xf32>
      %add3A_311 = arith.addf %exp3A_304, %exp3A_305 : vector<16xf32>
      %add3A_312 = arith.addf %exp3A_306, %exp3A_307 : vector<16xf32>
      %add3A_313 = arith.addf %exp3A_308, %exp3A_309 : vector<16xf32>
      %add3A_314 = arith.addf %add3A_310, %add3A_311 : vector<16xf32>
      %add3A_315 = arith.addf %add3A_312, %add3A_313 : vector<16xf32>
      %add3A_316 = arith.addf %add3A_314, %add3A_315 : vector<16xf32>
      %reduce_sum3A_317 = arith.constant true
      %reduce_sum3A_318 = vector.broadcast %reduce_sum3A_317 : i1 to vector<16xi1>
      %reduce_sum3A_319 = tpu.scan <sum>, %add3A_316 masked %reduce_sum3A_318 : vector<16xf32>, vector<16xi1> -> vector<16xf32>
      %reduce_sum3A_320 = vector.extract %reduce_sum3A_319[15] : f32 from vector<16xf32>
      %bitcast_convert_type3A_321 = arith.bitcast %reduce_sum3A_320 : f32 to i32
      %shift_right_arithmetic3A_322 = arith.constant 23 : i32
      %shift_right_arithmetic3A_323 = arith.shrsi %bitcast_convert_type3A_321, %shift_right_arithmetic3A_322 : i32
      %sub3A_324 = arith.constant 127 : i32
      %sub3A_325 = arith.subi %shift_right_arithmetic3A_323, %sub3A_324 : i32
      %and3A_326 = arith.constant 8388607 : i32
      %and3A_327 = arith.andi %bitcast_convert_type3A_321, %and3A_326 : i32
      %or3A_328 = arith.constant 1065353216 : i32
      %or3A_329 = arith.ori %and3A_327, %or3A_328 : i32
      %bitcast_convert_type3A_330 = arith.bitcast %or3A_329 : i32 to f32
      %ge3A_331 = arith.constant 1.33333337 : f32
      %ge3A_332 = arith.cmpf oge, %bitcast_convert_type3A_330, %ge3A_331 : f32
      %mul3A_333 = arith.constant 5.000000e-01 : f32
      %mul3A_334 = arith.mulf %bitcast_convert_type3A_330, %mul3A_333 : f32
      %select_n3A_335 = arith.select %ge3A_332, %mul3A_334, %bitcast_convert_type3A_330 : f32
      %convert_element_type3A_336 = arith.extui %ge3A_332 : i1 to i32
      %add3A_337 = arith.addi %sub3A_325, %convert_element_type3A_336 : i32
      %convert_element_type3A_338 = arith.sitofp %add3A_337 : i32 to f32
      %sub3A_339 = arith.constant 1.000000e+00 : f32
      %sub3A_340 = arith.subf %select_n3A_335, %sub3A_339 : f32
      %mul3A_341 = arith.constant 2.000000e-01 : f32
      %mul3A_342 = arith.mulf %mul3A_341, %sub3A_340 : f32
      %sub3A_343 = arith.constant 2.500000e-01 : f32
      %sub3A_344 = arith.subf %mul3A_342, %sub3A_343 : f32
      %mul3A_345 = arith.mulf %sub3A_344, %sub3A_340 : f32
      %sub3A_346 = arith.constant -0.333333343 : f32
      %sub3A_347 = arith.subf %mul3A_345, %sub3A_346 : f32
      %mul3A_348 = arith.mulf %sub3A_347, %sub3A_340 : f32
      %sub3A_349 = arith.constant 5.000000e-01 : f32
      %sub3A_350 = arith.subf %mul3A_348, %sub3A_349 : f32
      %mul3A_351 = arith.mulf %sub3A_350, %sub3A_340 : f32
      %add3A_352 = arith.constant 1.000000e+00 : f32
      %add3A_353 = arith.addf %mul3A_351, %add3A_352 : f32
      %mul3A_354 = arith.mulf %add3A_353, %sub3A_340 : f32
      %mul3A_355 = arith.constant 0.693147182 : f32
      %mul3A_356 = arith.mulf %convert_element_type3A_338, %mul3A_355 : f32
      %add3A_357 = arith.addf %mul3A_356, %mul3A_354 : f32
      %neg3A_358 = arith.constant 0.000000e+00 : f32
      %neg3A_359 = arith.subf %neg3A_358, %add3A_357 : f32
      %broadcast_in_dim3A_360 = vector.broadcast %neg3A_359 : f32 to vector<16xf32>
      %swap3A_361 = arith.index_cast %add3A_277 : i32 to index
      %swap3A_362 = arith.constant 0 : index
      %swap3A_363 = tpu.vector_load %arg6[%swap3A_361, %swap3A_362] {strides = array<i32>} : memref<512x128xf32, #tpu.memory_space<vmem>>, vector<16xf32>,
      tpu.vector_store %arg6[%swap3A_361, %swap3A_362], %broadcast_in_dim3A_360 {add = true, strides = array<i32>} : memref<512x128xf32, #tpu.memory_space<vmem>>, vector<16xf32>,
      %swap3A_364 = arith.index_cast %add3A_277 : i32 to index
      %swap3A_365 = arith.constant 16 : index
      %swap3A_366 = tpu.vector_load %arg6[%swap3A_364, %swap3A_365] {strides = array<i32>} : memref<512x128xf32, #tpu.memory_space<vmem>>, vector<16xf32>,
      tpu.vector_store %arg6[%swap3A_364, %swap3A_365], %broadcast_in_dim3A_360 {add = true, strides = array<i32>} : memref<512x128xf32, #tpu.memory_space<vmem>>, vector<16xf32>,
      %swap3A_367 = arith.index_cast %add3A_277 : i32 to index
      %swap3A_368 = arith.constant 32 : index
      %swap3A_369 = tpu.vector_load %arg6[%swap3A_367, %swap3A_368] {strides = array<i32>} : memref<512x128xf32, #tpu.memory_space<vmem>>, vector<16xf32>,
      tpu.vector_store %arg6[%swap3A_367, %swap3A_368], %broadcast_in_dim3A_360 {add = true, strides = array<i32>} : memref<512x128xf32, #tpu.memory_space<vmem>>, vector<16xf32>,
      %swap3A_370 = arith.index_cast %add3A_277 : i32 to index
      %swap3A_371 = arith.constant 48 : index
      %swap3A_372 = tpu.vector_load %arg6[%swap3A_370, %swap3A_371] {strides = array<i32>} : memref<512x128xf32, #tpu.memory_space<vmem>>, vector<16xf32>,
      tpu.vector_store %arg6[%swap3A_370, %swap3A_371], %broadcast_in_dim3A_360 {add = true, strides = array<i32>} : memref<512x128xf32, #tpu.memory_space<vmem>>, vector<16xf32>,
      %swap3A_373 = arith.index_cast %add3A_277 : i32 to index
      %swap3A_374 = arith.constant 64 : index
      %swap3A_375 = tpu.vector_load %arg6[%swap3A_373, %swap3A_374] {strides = array<i32>} : memref<512x128xf32, #tpu.memory_space<vmem>>, vector<16xf32>,
      tpu.vector_store %arg6[%swap3A_373, %swap3A_374], %broadcast_in_dim3A_360 {add = true, strides = array<i32>} : memref<512x128xf32, #tpu.memory_space<vmem>>, vector<16xf32>,
      %swap3A_376 = arith.index_cast %add3A_277 : i32 to index
      %swap3A_377 = arith.constant 80 : index
      %swap3A_378 = tpu.vector_load %arg6[%swap3A_376, %swap3A_377] {strides = array<i32>} : memref<512x128xf32, #tpu.memory_space<vmem>>, vector<16xf32>,
      tpu.vector_store %arg6[%swap3A_376, %swap3A_377], %broadcast_in_dim3A_360 {add = true, strides = array<i32>} : memref<512x128xf32, #tpu.memory_space<vmem>>, vector<16xf32>,
      %swap3A_379 = arith.index_cast %add3A_277 : i32 to index
      %swap3A_380 = arith.constant 96 : index
      %swap3A_381 = tpu.vector_load %arg6[%swap3A_379, %swap3A_380] {strides = array<i32>} : memref<512x128xf32, #tpu.memory_space<vmem>>, vector<16xf32>,
      tpu.vector_store %arg6[%swap3A_379, %swap3A_380], %broadcast_in_dim3A_360 {add = true, strides = array<i32>} : memref<512x128xf32, #tpu.memory_space<vmem>>, vector<16xf32>,
      %swap3A_382 = arith.index_cast %add3A_277 : i32 to index
      %swap3A_383 = arith.constant 112 : index
      %swap3A_384 = tpu.vector_load %arg6[%swap3A_382, %swap3A_383] {strides = array<i32>} : memref<512x128xf32, #tpu.memory_space<vmem>>, vector<16xf32>,
      tpu.vector_store %arg6[%swap3A_382, %swap3A_383], %broadcast_in_dim3A_360 {add = true, strides = array<i32>} : memref<512x128xf32, #tpu.memory_space<vmem>>, vector<16xf32>,
      %add3A_385 = arith.constant 2 : i32
      %add3A_386 = arith.addi %add3A_180, %add3A_385 : i32
      %get3A_387 = arith.index_cast %add3A_386 : i32 to index
      %get3A_388 = arith.constant 0 : index
      %get3A_389 = tpu.vector_load %arg6[%get3A_387, %get3A_388] {strides = array<i32>} : memref<512x128xf32, #tpu.memory_space<vmem>>, vector<16xf32>,
      %get3A_390 = arith.index_cast %add3A_386 : i32 to index
      %get3A_391 = arith.constant 16 : index
      %get3A_392 = tpu.vector_load %arg6[%get3A_390, %get3A_391] {strides = array<i32>} : memref<512x128xf32, #tpu.memory_space<vmem>>, vector<16xf32>,
      %get3A_393 = arith.index_cast %add3A_386 : i32 to index
      %get3A_394 = arith.constant 32 : index
      %get3A_395 = tpu.vector_load %arg6[%get3A_393, %get3A_394] {strides = array<i32>} : memref<512x128xf32, #tpu.memory_space<vmem>>, vector<16xf32>,
      %get3A_396 = arith.index_cast %add3A_386 : i32 to index
      %get3A_397 = arith.constant 48 : index
      %get3A_398 = tpu.vector_load %arg6[%get3A_396, %get3A_397] {strides = array<i32>} : memref<512x128xf32, #tpu.memory_space<vmem>>, vector<16xf32>,
      %get3A_399 = arith.index_cast %add3A_386 : i32 to index
      %get3A_400 = arith.constant 64 : index
      %get3A_401 = tpu.vector_load %arg6[%get3A_399, %get3A_400] {strides = array<i32>} : memref<512x128xf32, #tpu.memory_space<vmem>>, vector<16xf32>,
      %get3A_402 = arith.index_cast %add3A_386 : i32 to index
      %get3A_403 = arith.constant 80 : index
      %get3A_404 = tpu.vector_load %arg6[%get3A_402, %get3A_403] {strides = array<i32>} : memref<512x128xf32, #tpu.memory_space<vmem>>, vector<16xf32>,
      %get3A_405 = arith.index_cast %add3A_386 : i32 to index
      %get3A_406 = arith.constant 96 : index
      %get3A_407 = tpu.vector_load %arg6[%get3A_405, %get3A_406] {strides = array<i32>} : memref<512x128xf32, #tpu.memory_space<vmem>>, vector<16xf32>,
      %get3A_408 = arith.index_cast %add3A_386 : i32 to index
      %get3A_409 = arith.constant 112 : index
      %get3A_410 = tpu.vector_load %arg6[%get3A_408, %get3A_409] {strides = array<i32>} : memref<512x128xf32, #tpu.memory_space<vmem>>, vector<16xf32>,
      %exp3A_411 = math.exp %get3A_389 : vector<16xf32>
      %exp3A_412 = math.exp %get3A_392 : vector<16xf32>
      %exp3A_413 = math.exp %get3A_395 : vector<16xf32>
      %exp3A_414 = math.exp %get3A_398 : vector<16xf32>
      %exp3A_415 = math.exp %get3A_401 : vector<16xf32>
      %exp3A_416 = math.exp %get3A_404 : vector<16xf32>
      %exp3A_417 = math.exp %get3A_407 : vector<16xf32>
      %exp3A_418 = math.exp %get3A_410 : vector<16xf32>
      %add3A_419 = arith.addf %exp3A_411, %exp3A_412 : vector<16xf32>
      %add3A_420 = arith.addf %exp3A_413, %exp3A_414 : vector<16xf32>
      %add3A_421 = arith.addf %exp3A_415, %exp3A_416 : vector<16xf32>
      %add3A_422 = arith.addf %exp3A_417, %exp3A_418 : vector<16xf32>
      %add3A_423 = arith.addf %add3A_419, %add3A_420 : vector<16xf32>
      %add3A_424 = arith.addf %add3A_421, %add3A_422 : vector<16xf32>
      %add3A_425 = arith.addf %add3A_423, %add3A_424 : vector<16xf32>
      %reduce_sum3A_426 = arith.constant true
      %reduce_sum3A_427 = vector.broadcast %reduce_sum3A_426 : i1 to vector<16xi1>
      %reduce_sum3A_428 = tpu.scan <sum>, %add3A_425 masked %reduce_sum3A_427 : vector<16xf32>, vector<16xi1> -> vector<16xf32>
      %reduce_sum3A_429 = vector.extract %reduce_sum3A_428[15] : f32 from vector<16xf32>
      %bitcast_convert_type3A_430 = arith.bitcast %reduce_sum3A_429 : f32 to i32
      %shift_right_arithmetic3A_431 = arith.constant 23 : i32
      %shift_right_arithmetic3A_432 = arith.shrsi %bitcast_convert_type3A_430, %shift_right_arithmetic3A_431 : i32
      %sub3A_433 = arith.constant 127 : i32
      %sub3A_434 = arith.subi %shift_right_arithmetic3A_432, %sub3A_433 : i32
      %and3A_435 = arith.constant 8388607 : i32
      %and3A_436 = arith.andi %bitcast_convert_type3A_430, %and3A_435 : i32
      %or3A_437 = arith.constant 1065353216 : i32
      %or3A_438 = arith.ori %and3A_436, %or3A_437 : i32
      %bitcast_convert_type3A_439 = arith.bitcast %or3A_438 : i32 to f32
      %ge3A_440 = arith.constant 1.33333337 : f32
      %ge3A_441 = arith.cmpf oge, %bitcast_convert_type3A_439, %ge3A_440 : f32
      %mul3A_442 = arith.constant 5.000000e-01 : f32
      %mul3A_443 = arith.mulf %bitcast_convert_type3A_439, %mul3A_442 : f32
      %select_n3A_444 = arith.select %ge3A_441, %mul3A_443, %bitcast_convert_type3A_439 : f32
      %convert_element_type3A_445 = arith.extui %ge3A_441 : i1 to i32
      %add3A_446 = arith.addi %sub3A_434, %convert_element_type3A_445 : i32
      %convert_element_type3A_447 = arith.sitofp %add3A_446 : i32 to f32
      %sub3A_448 = arith.constant 1.000000e+00 : f32
      %sub3A_449 = arith.subf %select_n3A_444, %sub3A_448 : f32
      %mul3A_450 = arith.constant 2.000000e-01 : f32
      %mul3A_451 = arith.mulf %mul3A_450, %sub3A_449 : f32
      %sub3A_452 = arith.constant 2.500000e-01 : f32
      %sub3A_453 = arith.subf %mul3A_451, %sub3A_452 : f32
      %mul3A_454 = arith.mulf %sub3A_453, %sub3A_449 : f32
      %sub3A_455 = arith.constant -0.333333343 : f32
      %sub3A_456 = arith.subf %mul3A_454, %sub3A_455 : f32
      %mul3A_457 = arith.mulf %sub3A_456, %sub3A_449 : f32
      %sub3A_458 = arith.constant 5.000000e-01 : f32
      %sub3A_459 = arith.subf %mul3A_457, %sub3A_458 : f32
      %mul3A_460 = arith.mulf %sub3A_459, %sub3A_449 : f32
      %add3A_461 = arith.constant 1.000000e+00 : f32
      %add3A_462 = arith.addf %mul3A_460, %add3A_461 : f32
      %mul3A_463 = arith.mulf %add3A_462, %sub3A_449 : f32
      %mul3A_464 = arith.constant 0.693147182 : f32
      %mul3A_465 = arith.mulf %convert_element_type3A_447, %mul3A_464 : f32
      %add3A_466 = arith.addf %mul3A_465, %mul3A_463 : f32
      %neg3A_467 = arith.constant 0.000000e+00 : f32
      %neg3A_468 = arith.subf %neg3A_467, %add3A_466 : f32
      %broadcast_in_dim3A_469 = vector.broadcast %neg3A_468 : f32 to vector<16xf32>
      %swap3A_470 = arith.index_cast %add3A_386 : i32 to index
      %swap3A_471 = arith.constant 0 : index
      %swap3A_472 = tpu.vector_load %arg6[%swap3A_470, %swap3A_471] {strides = array<i32>} : memref<512x128xf32, #tpu.memory_space<vmem>>, vector<16xf32>,
      tpu.vector_store %arg6[%swap3A_470, %swap3A_471], %broadcast_in_dim3A_469 {add = true, strides = array<i32>} : memref<512x128xf32, #tpu.memory_space<vmem>>, vector<16xf32>,
      %swap3A_473 = arith.index_cast %add3A_386 : i32 to index
      %swap3A_474 = arith.constant 16 : index
      %swap3A_475 = tpu.vector_load %arg6[%swap3A_473, %swap3A_474] {strides = array<i32>} : memref<512x128xf32, #tpu.memory_space<vmem>>, vector<16xf32>,
      tpu.vector_store %arg6[%swap3A_473, %swap3A_474], %broadcast_in_dim3A_469 {add = true, strides = array<i32>} : memref<512x128xf32, #tpu.memory_space<vmem>>, vector<16xf32>,
      %swap3A_476 = arith.index_cast %add3A_386 : i32 to index
      %swap3A_477 = arith.constant 32 : index
      %swap3A_478 = tpu.vector_load %arg6[%swap3A_476, %swap3A_477] {strides = array<i32>} : memref<512x128xf32, #tpu.memory_space<vmem>>, vector<16xf32>,
      tpu.vector_store %arg6[%swap3A_476, %swap3A_477], %broadcast_in_dim3A_469 {add = true, strides = array<i32>} : memref<512x128xf32, #tpu.memory_space<vmem>>, vector<16xf32>,
      %swap3A_479 = arith.index_cast %add3A_386 : i32 to index
      %swap3A_480 = arith.constant 48 : index
      %swap3A_481 = tpu.vector_load %arg6[%swap3A_479, %swap3A_480] {strides = array<i32>} : memref<512x128xf32, #tpu.memory_space<vmem>>, vector<16xf32>,
      tpu.vector_store %arg6[%swap3A_479, %swap3A_480], %broadcast_in_dim3A_469 {add = true, strides = array<i32>} : memref<512x128xf32, #tpu.memory_space<vmem>>, vector<16xf32>,
      %swap3A_482 = arith.index_cast %add3A_386 : i32 to index
      %swap3A_483 = arith.constant 64 : index
      %swap3A_484 = tpu.vector_load %arg6[%swap3A_482, %swap3A_483] {strides = array<i32>} : memref<512x128xf32, #tpu.memory_space<vmem>>, vector<16xf32>,
      tpu.vector_store %arg6[%swap3A_482, %swap3A_483], %broadcast_in_dim3A_469 {add = true, strides = array<i32>} : memref<512x128xf32, #tpu.memory_space<vmem>>, vector<16xf32>,
      %swap3A_485 = arith.index_cast %add3A_386 : i32 to index
      %swap3A_486 = arith.constant 80 : index
      %swap3A_487 = tpu.vector_load %arg6[%swap3A_485, %swap3A_486] {strides = array<i32>} : memref<512x128xf32, #tpu.memory_space<vmem>>, vector<16xf32>,
      tpu.vector_store %arg6[%swap3A_485, %swap3A_486], %broadcast_in_dim3A_469 {add = true, strides = array<i32>} : memref<512x128xf32, #tpu.memory_space<vmem>>, vector<16xf32>,
      %swap3A_488 = arith.index_cast %add3A_386 : i32 to index
      %swap3A_489 = arith.constant 96 : index
      %swap3A_490 = tpu.vector_load %arg6[%swap3A_488, %swap3A_489] {strides = array<i32>} : memref<512x128xf32, #tpu.memory_space<vmem>>, vector<16xf32>,
      tpu.vector_store %arg6[%swap3A_488, %swap3A_489], %broadcast_in_dim3A_469 {add = true, strides = array<i32>} : memref<512x128xf32, #tpu.memory_space<vmem>>, vector<16xf32>,
      %swap3A_491 = arith.index_cast %add3A_386 : i32 to index
      %swap3A_492 = arith.constant 112 : index
      %swap3A_493 = tpu.vector_load %arg6[%swap3A_491, %swap3A_492] {strides = array<i32>} : memref<512x128xf32, #tpu.memory_space<vmem>>, vector<16xf32>,
      tpu.vector_store %arg6[%swap3A_491, %swap3A_492], %broadcast_in_dim3A_469 {add = true, strides = array<i32>} : memref<512x128xf32, #tpu.memory_space<vmem>>, vector<16xf32>,
      %add3A_494 = arith.constant 3 : i32
      %add3A_495 = arith.addi %add3A_180, %add3A_494 : i32
      %get3A_496 = arith.index_cast %add3A_495 : i32 to index
      %get3A_497 = arith.constant 0 : index
      %get3A_498 = tpu.vector_load %arg6[%get3A_496, %get3A_497] {strides = array<i32>} : memref<512x128xf32, #tpu.memory_space<vmem>>, vector<16xf32>,
      %get3A_499 = arith.index_cast %add3A_495 : i32 to index
      %get3A_500 = arith.constant 16 : index
      %get3A_501 = tpu.vector_load %arg6[%get3A_499, %get3A_500] {strides = array<i32>} : memref<512x128xf32, #tpu.memory_space<vmem>>, vector<16xf32>,
      %get3A_502 = arith.index_cast %add3A_495 : i32 to index
      %get3A_503 = arith.constant 32 : index
      %get3A_504 = tpu.vector_load %arg6[%get3A_502, %get3A_503] {strides = array<i32>} : memref<512x128xf32, #tpu.memory_space<vmem>>, vector<16xf32>,
      %get3A_505 = arith.index_cast %add3A_495 : i32 to index
      %get3A_506 = arith.constant 48 : index
      %get3A_507 = tpu.vector_load %arg6[%get3A_505, %get3A_506] {strides = array<i32>} : memref<512x128xf32, #tpu.memory_space<vmem>>, vector<16xf32>,
      %get3A_508 = arith.index_cast %add3A_495 : i32 to index
      %get3A_509 = arith.constant 64 : index
      %get3A_510 = tpu.vector_load %arg6[%get3A_508, %get3A_509] {strides = array<i32>} : memref<512x128xf32, #tpu.memory_space<vmem>>, vector<16xf32>,
      %get3A_511 = arith.index_cast %add3A_495 : i32 to index
      %get3A_512 = arith.constant 80 : index
      %get3A_513 = tpu.vector_load %arg6[%get3A_511, %get3A_512] {strides = array<i32>} : memref<512x128xf32, #tpu.memory_space<vmem>>, vector<16xf32>,
      %get3A_514 = arith.index_cast %add3A_495 : i32 to index
      %get3A_515 = arith.constant 96 : index
      %get3A_516 = tpu.vector_load %arg6[%get3A_514, %get3A_515] {strides = array<i32>} : memref<512x128xf32, #tpu.memory_space<vmem>>, vector<16xf32>,
      %get3A_517 = arith.index_cast %add3A_495 : i32 to index
      %get3A_518 = arith.constant 112 : index
      %get3A_519 = tpu.vector_load %arg6[%get3A_517, %get3A_518] {strides = array<i32>} : memref<512x128xf32, #tpu.memory_space<vmem>>, vector<16xf32>,
      %exp3A_520 = math.exp %get3A_498 : vector<16xf32>
      %exp3A_521 = math.exp %get3A_501 : vector<16xf32>
      %exp3A_522 = math.exp %get3A_504 : vector<16xf32>
      %exp3A_523 = math.exp %get3A_507 : vector<16xf32>
      %exp3A_524 = math.exp %get3A_510 : vector<16xf32>
      %exp3A_525 = math.exp %get3A_513 : vector<16xf32>
      %exp3A_526 = math.exp %get3A_516 : vector<16xf32>
      %exp3A_527 = math.exp %get3A_519 : vector<16xf32>
      %add3A_528 = arith.addf %exp3A_520, %exp3A_521 : vector<16xf32>
      %add3A_529 = arith.addf %exp3A_522, %exp3A_523 : vector<16xf32>
      %add3A_530 = arith.addf %exp3A_524, %exp3A_525 : vector<16xf32>
      %add3A_531 = arith.addf %exp3A_526, %exp3A_527 : vector<16xf32>
      %add3A_532 = arith.addf %add3A_528, %add3A_529 : vector<16xf32>
      %add3A_533 = arith.addf %add3A_530, %add3A_531 : vector<16xf32>
      %add3A_534 = arith.addf %add3A_532, %add3A_533 : vector<16xf32>
      %reduce_sum3A_535 = arith.constant true
      %reduce_sum3A_536 = vector.broadcast %reduce_sum3A_535 : i1 to vector<16xi1>
      %reduce_sum3A_537 = tpu.scan <sum>, %add3A_534 masked %reduce_sum3A_536 : vector<16xf32>, vector<16xi1> -> vector<16xf32>
      %reduce_sum3A_538 = vector.extract %reduce_sum3A_537[15] : f32 from vector<16xf32>
      %bitcast_convert_type3A_539 = arith.bitcast %reduce_sum3A_538 : f32 to i32
      %shift_right_arithmetic3A_540 = arith.constant 23 : i32
      %shift_right_arithmetic3A_541 = arith.shrsi %bitcast_convert_type3A_539, %shift_right_arithmetic3A_540 : i32
      %sub3A_542 = arith.constant 127 : i32
      %sub3A_543 = arith.subi %shift_right_arithmetic3A_541, %sub3A_542 : i32
      %and3A_544 = arith.constant 8388607 : i32
      %and3A_545 = arith.andi %bitcast_convert_type3A_539, %and3A_544 : i32
      %or3A_546 = arith.constant 1065353216 : i32
      %or3A_547 = arith.ori %and3A_545, %or3A_546 : i32
      %bitcast_convert_type3A_548 = arith.bitcast %or3A_547 : i32 to f32
      %ge3A_549 = arith.constant 1.33333337 : f32
      %ge3A_550 = arith.cmpf oge, %bitcast_convert_type3A_548, %ge3A_549 : f32
      %mul3A_551 = arith.constant 5.000000e-01 : f32
      %mul3A_552 = arith.mulf %bitcast_convert_type3A_548, %mul3A_551 : f32
      %select_n3A_553 = arith.select %ge3A_550, %mul3A_552, %bitcast_convert_type3A_548 : f32
      %convert_element_type3A_554 = arith.extui %ge3A_550 : i1 to i32
      %add3A_555 = arith.addi %sub3A_543, %convert_element_type3A_554 : i32
      %convert_element_type3A_556 = arith.sitofp %add3A_555 : i32 to f32
      %sub3A_557 = arith.constant 1.000000e+00 : f32
      %sub3A_558 = arith.subf %select_n3A_553, %sub3A_557 : f32
      %mul3A_559 = arith.constant 2.000000e-01 : f32
      %mul3A_560 = arith.mulf %mul3A_559, %sub3A_558 : f32
      %sub3A_561 = arith.constant 2.500000e-01 : f32
      %sub3A_562 = arith.subf %mul3A_560, %sub3A_561 : f32
      %mul3A_563 = arith.mulf %sub3A_562, %sub3A_558 : f32
      %sub3A_564 = arith.constant -0.333333343 : f32
      %sub3A_565 = arith.subf %mul3A_563, %sub3A_564 : f32
      %mul3A_566 = arith.mulf %sub3A_565, %sub3A_558 : f32
      %sub3A_567 = arith.constant 5.000000e-01 : f32
      %sub3A_568 = arith.subf %mul3A_566, %sub3A_567 : f32
      %mul3A_569 = arith.mulf %sub3A_568, %sub3A_558 : f32
      %add3A_570 = arith.constant 1.000000e+00 : f32
      %add3A_571 = arith.addf %mul3A_569, %add3A_570 : f32
      %mul3A_572 = arith.mulf %add3A_571, %sub3A_558 : f32
      %mul3A_573 = arith.constant 0.693147182 : f32
      %mul3A_574 = arith.mulf %convert_element_type3A_556, %mul3A_573 : f32
      %add3A_575 = arith.addf %mul3A_574, %mul3A_572 : f32
      %neg3A_576 = arith.constant 0.000000e+00 : f32
      %neg3A_577 = arith.subf %neg3A_576, %add3A_575 : f32
      %broadcast_in_dim3A_578 = vector.broadcast %neg3A_577 : f32 to vector<16xf32>
      %swap3A_579 = arith.index_cast %add3A_495 : i32 to index
      %swap3A_580 = arith.constant 0 : index
      %swap3A_581 = tpu.vector_load %arg6[%swap3A_579, %swap3A_580] {strides = array<i32>} : memref<512x128xf32, #tpu.memory_space<vmem>>, vector<16xf32>,
      tpu.vector_store %arg6[%swap3A_579, %swap3A_580], %broadcast_in_dim3A_578 {add = true, strides = array<i32>} : memref<512x128xf32, #tpu.memory_space<vmem>>, vector<16xf32>,
      %swap3A_582 = arith.index_cast %add3A_495 : i32 to index
      %swap3A_583 = arith.constant 16 : index
      %swap3A_584 = tpu.vector_load %arg6[%swap3A_582, %swap3A_583] {strides = array<i32>} : memref<512x128xf32, #tpu.memory_space<vmem>>, vector<16xf32>,
      tpu.vector_store %arg6[%swap3A_582, %swap3A_583], %broadcast_in_dim3A_578 {add = true, strides = array<i32>} : memref<512x128xf32, #tpu.memory_space<vmem>>, vector<16xf32>,
      %swap3A_585 = arith.index_cast %add3A_495 : i32 to index
      %swap3A_586 = arith.constant 32 : index
      %swap3A_587 = tpu.vector_load %arg6[%swap3A_585, %swap3A_586] {strides = array<i32>} : memref<512x128xf32, #tpu.memory_space<vmem>>, vector<16xf32>,
      tpu.vector_store %arg6[%swap3A_585, %swap3A_586], %broadcast_in_dim3A_578 {add = true, strides = array<i32>} : memref<512x128xf32, #tpu.memory_space<vmem>>, vector<16xf32>,
      %swap3A_588 = arith.index_cast %add3A_495 : i32 to index
      %swap3A_589 = arith.constant 48 : index
      %swap3A_590 = tpu.vector_load %arg6[%swap3A_588, %swap3A_589] {strides = array<i32>} : memref<512x128xf32, #tpu.memory_space<vmem>>, vector<16xf32>,
      tpu.vector_store %arg6[%swap3A_588, %swap3A_589], %broadcast_in_dim3A_578 {add = true, strides = array<i32>} : memref<512x128xf32, #tpu.memory_space<vmem>>, vector<16xf32>,
      %swap3A_591 = arith.index_cast %add3A_495 : i32 to index
      %swap3A_592 = arith.constant 64 : index
      %swap3A_593 = tpu.vector_load %arg6[%swap3A_591, %swap3A_592] {strides = array<i32>} : memref<512x128xf32, #tpu.memory_space<vmem>>, vector<16xf32>,
      tpu.vector_store %arg6[%swap3A_591, %swap3A_592], %broadcast_in_dim3A_578 {add = true, strides = array<i32>} : memref<512x128xf32, #tpu.memory_space<vmem>>, vector<16xf32>,
      %swap3A_594 = arith.index_cast %add3A_495 : i32 to index
      %swap3A_595 = arith.constant 80 : index
      %swap3A_596 = tpu.vector_load %arg6[%swap3A_594, %swap3A_595] {strides = array<i32>} : memref<512x128xf32, #tpu.memory_space<vmem>>, vector<16xf32>,
      tpu.vector_store %arg6[%swap3A_594, %swap3A_595], %broadcast_in_dim3A_578 {add = true, strides = array<i32>} : memref<512x128xf32, #tpu.memory_space<vmem>>, vector<16xf32>,
      %swap3A_597 = arith.index_cast %add3A_495 : i32 to index
      %swap3A_598 = arith.constant 96 : index
      %swap3A_599 = tpu.vector_load %arg6[%swap3A_597, %swap3A_598] {strides = array<i32>} : memref<512x128xf32, #tpu.memory_space<vmem>>, vector<16xf32>,
      tpu.vector_store %arg6[%swap3A_597, %swap3A_598], %broadcast_in_dim3A_578 {add = true, strides = array<i32>} : memref<512x128xf32, #tpu.memory_space<vmem>>, vector<16xf32>,
      %swap3A_600 = arith.index_cast %add3A_495 : i32 to index
      %swap3A_601 = arith.constant 112 : index
      %swap3A_602 = tpu.vector_load %arg6[%swap3A_600, %swap3A_601] {strides = array<i32>} : memref<512x128xf32, #tpu.memory_space<vmem>>, vector<16xf32>,
      tpu.vector_store %arg6[%swap3A_600, %swap3A_601], %broadcast_in_dim3A_578 {add = true, strides = array<i32>} : memref<512x128xf32, #tpu.memory_space<vmem>>, vector<16xf32>,
      %add3A_603 = arith.constant 4 : i32
      %add3A_604 = arith.addi %add3A_180, %add3A_603 : i32
      %get3A_605 = arith.index_cast %add3A_604 : i32 to index
      %get3A_606 = arith.constant 0 : index
      %get3A_607 = tpu.vector_load %arg6[%get3A_605, %get3A_606] {strides = array<i32>} : memref<512x128xf32, #tpu.memory_space<vmem>>, vector<16xf32>,
      %get3A_608 = arith.index_cast %add3A_604 : i32 to index
      %get3A_609 = arith.constant 16 : index
      %get3A_610 = tpu.vector_load %arg6[%get3A_608, %get3A_609] {strides = array<i32>} : memref<512x128xf32, #tpu.memory_space<vmem>>, vector<16xf32>,
      %get3A_611 = arith.index_cast %add3A_604 : i32 to index
      %get3A_612 = arith.constant 32 : index
      %get3A_613 = tpu.vector_load %arg6[%get3A_611, %get3A_612] {strides = array<i32>} : memref<512x128xf32, #tpu.memory_space<vmem>>, vector<16xf32>,
      %get3A_614 = arith.index_cast %add3A_604 : i32 to index
      %get3A_615 = arith.constant 48 : index
      %get3A_616 = tpu.vector_load %arg6[%get3A_614, %get3A_615] {strides = array<i32>} : memref<512x128xf32, #tpu.memory_space<vmem>>, vector<16xf32>,
      %get3A_617 = arith.index_cast %add3A_604 : i32 to index
      %get3A_618 = arith.constant 64 : index
      %get3A_619 = tpu.vector_load %arg6[%get3A_617, %get3A_618] {strides = array<i32>} : memref<512x128xf32, #tpu.memory_space<vmem>>, vector<16xf32>,
      %get3A_620 = arith.index_cast %add3A_604 : i32 to index
      %get3A_621 = arith.constant 80 : index
      %get3A_622 = tpu.vector_load %arg6[%get3A_620, %get3A_621] {strides = array<i32>} : memref<512x128xf32, #tpu.memory_space<vmem>>, vector<16xf32>,
      %get3A_623 = arith.index_cast %add3A_604 : i32 to index
      %get3A_624 = arith.constant 96 : index
      %get3A_625 = tpu.vector_load %arg6[%get3A_623, %get3A_624] {strides = array<i32>} : memref<512x128xf32, #tpu.memory_space<vmem>>, vector<16xf32>,
      %get3A_626 = arith.index_cast %add3A_604 : i32 to index
      %get3A_627 = arith.constant 112 : index
      %get3A_628 = tpu.vector_load %arg6[%get3A_626, %get3A_627] {strides = array<i32>} : memref<512x128xf32, #tpu.memory_space<vmem>>, vector<16xf32>,
      %exp3A_629 = math.exp %get3A_607 : vector<16xf32>
      %exp3A_630 = math.exp %get3A_610 : vector<16xf32>
      %exp3A_631 = math.exp %get3A_613 : vector<16xf32>
      %exp3A_632 = math.exp %get3A_616 : vector<16xf32>
      %exp3A_633 = math.exp %get3A_619 : vector<16xf32>
      %exp3A_634 = math.exp %get3A_622 : vector<16xf32>
      %exp3A_635 = math.exp %get3A_625 : vector<16xf32>
      %exp3A_636 = math.exp %get3A_628 : vector<16xf32>
      %add3A_637 = arith.addf %exp3A_629, %exp3A_630 : vector<16xf32>
      %add3A_638 = arith.addf %exp3A_631, %exp3A_632 : vector<16xf32>
      %add3A_639 = arith.addf %exp3A_633, %exp3A_634 : vector<16xf32>
      %add3A_640 = arith.addf %exp3A_635, %exp3A_636 : vector<16xf32>
      %add3A_641 = arith.addf %add3A_637, %add3A_638 : vector<16xf32>
      %add3A_642 = arith.addf %add3A_639, %add3A_640 : vector<16xf32>
      %add3A_643 = arith.addf %add3A_641, %add3A_642 : vector<16xf32>
      %reduce_sum3A_644 = arith.constant true
      %reduce_sum3A_645 = vector.broadcast %reduce_sum3A_644 : i1 to vector<16xi1>
      %reduce_sum3A_646 = tpu.scan <sum>, %add3A_643 masked %reduce_sum3A_645 : vector<16xf32>, vector<16xi1> -> vector<16xf32>
      %reduce_sum3A_647 = vector.extract %reduce_sum3A_646[15] : f32 from vector<16xf32>
      %bitcast_convert_type3A_648 = arith.bitcast %reduce_sum3A_647 : f32 to i32
      %shift_right_arithmetic3A_649 = arith.constant 23 : i32
      %shift_right_arithmetic3A_650 = arith.shrsi %bitcast_convert_type3A_648, %shift_right_arithmetic3A_649 : i32
      %sub3A_651 = arith.constant 127 : i32
      %sub3A_652 = arith.subi %shift_right_arithmetic3A_650, %sub3A_651 : i32
      %and3A_653 = arith.constant 8388607 : i32
      %and3A_654 = arith.andi %bitcast_convert_type3A_648, %and3A_653 : i32
      %or3A_655 = arith.constant 1065353216 : i32
      %or3A_656 = arith.ori %and3A_654, %or3A_655 : i32
      %bitcast_convert_type3A_657 = arith.bitcast %or3A_656 : i32 to f32
      %ge3A_658 = arith.constant 1.33333337 : f32
      %ge3A_659 = arith.cmpf oge, %bitcast_convert_type3A_657, %ge3A_658 : f32
      %mul3A_660 = arith.constant 5.000000e-01 : f32
      %mul3A_661 = arith.mulf %bitcast_convert_type3A_657, %mul3A_660 : f32
      %select_n3A_662 = arith.select %ge3A_659, %mul3A_661, %bitcast_convert_type3A_657 : f32
      %convert_element_type3A_663 = arith.extui %ge3A_659 : i1 to i32
      %add3A_664 = arith.addi %sub3A_652, %convert_element_type3A_663 : i32
      %convert_element_type3A_665 = arith.sitofp %add3A_664 : i32 to f32
      %sub3A_666 = arith.constant 1.000000e+00 : f32
      %sub3A_667 = arith.subf %select_n3A_662, %sub3A_666 : f32
      %mul3A_668 = arith.constant 2.000000e-01 : f32
      %mul3A_669 = arith.mulf %mul3A_668, %sub3A_667 : f32
      %sub3A_670 = arith.constant 2.500000e-01 : f32
      %sub3A_671 = arith.subf %mul3A_669, %sub3A_670 : f32
      %mul3A_672 = arith.mulf %sub3A_671, %sub3A_667 : f32
      %sub3A_673 = arith.constant -0.333333343 : f32
      %sub3A_674 = arith.subf %mul3A_672, %sub3A_673 : f32
      %mul3A_675 = arith.mulf %sub3A_674, %sub3A_667 : f32
      %sub3A_676 = arith.constant 5.000000e-01 : f32
      %sub3A_677 = arith.subf %mul3A_675, %sub3A_676 : f32
      %mul3A_678 = arith.mulf %sub3A_677, %sub3A_667 : f32
      %add3A_679 = arith.constant 1.000000e+00 : f32
      %add3A_680 = arith.addf %mul3A_678, %add3A_679 : f32
      %mul3A_681 = arith.mulf %add3A_680, %sub3A_667 : f32
      %mul3A_682 = arith.constant 0.693147182 : f32
      %mul3A_683 = arith.mulf %convert_element_type3A_665, %mul3A_682 : f32
      %add3A_684 = arith.addf %mul3A_683, %mul3A_681 : f32
      %neg3A_685 = arith.constant 0.000000e+00 : f32
      %neg3A_686 = arith.subf %neg3A_685, %add3A_684 : f32
      %broadcast_in_dim3A_687 = vector.broadcast %neg3A_686 : f32 to vector<16xf32>
      %swap3A_688 = arith.index_cast %add3A_604 : i32 to index
      %swap3A_689 = arith.constant 0 : index
      %swap3A_690 = tpu.vector_load %arg6[%swap3A_688, %swap3A_689] {strides = array<i32>} : memref<512x128xf32, #tpu.memory_space<vmem>>, vector<16xf32>,
      tpu.vector_store %arg6[%swap3A_688, %swap3A_689], %broadcast_in_dim3A_687 {add = true, strides = array<i32>} : memref<512x128xf32, #tpu.memory_space<vmem>>, vector<16xf32>,
      %swap3A_691 = arith.index_cast %add3A_604 : i32 to index
      %swap3A_692 = arith.constant 16 : index
      %swap3A_693 = tpu.vector_load %arg6[%swap3A_691, %swap3A_692] {strides = array<i32>} : memref<512x128xf32, #tpu.memory_space<vmem>>, vector<16xf32>,
      tpu.vector_store %arg6[%swap3A_691, %swap3A_692], %broadcast_in_dim3A_687 {add = true, strides = array<i32>} : memref<512x128xf32, #tpu.memory_space<vmem>>, vector<16xf32>,
      %swap3A_694 = arith.index_cast %add3A_604 : i32 to index
      %swap3A_695 = arith.constant 32 : index
      %swap3A_696 = tpu.vector_load %arg6[%swap3A_694, %swap3A_695] {strides = array<i32>} : memref<512x128xf32, #tpu.memory_space<vmem>>, vector<16xf32>,
      tpu.vector_store %arg6[%swap3A_694, %swap3A_695], %broadcast_in_dim3A_687 {add = true, strides = array<i32>} : memref<512x128xf32, #tpu.memory_space<vmem>>, vector<16xf32>,
      %swap3A_697 = arith.index_cast %add3A_604 : i32 to index
      %swap3A_698 = arith.constant 48 : index
      %swap3A_699 = tpu.vector_load %arg6[%swap3A_697, %swap3A_698] {strides = array<i32>} : memref<512x128xf32, #tpu.memory_space<vmem>>, vector<16xf32>,
      tpu.vector_store %arg6[%swap3A_697, %swap3A_698], %broadcast_in_dim3A_687 {add = true, strides = array<i32>} : memref<512x128xf32, #tpu.memory_space<vmem>>, vector<16xf32>,
      %swap3A_700 = arith.index_cast %add3A_604 : i32 to index
      %swap3A_701 = arith.constant 64 : index
      %swap3A_702 = tpu.vector_load %arg6[%swap3A_700, %swap3A_701] {strides = array<i32>} : memref<512x128xf32, #tpu.memory_space<vmem>>, vector<16xf32>,
      tpu.vector_store %arg6[%swap3A_700, %swap3A_701], %broadcast_in_dim3A_687 {add = true, strides = array<i32>} : memref<512x128xf32, #tpu.memory_space<vmem>>, vector<16xf32>,
      %swap3A_703 = arith.index_cast %add3A_604 : i32 to index
      %swap3A_704 = arith.constant 80 : index
      %swap3A_705 = tpu.vector_load %arg6[%swap3A_703, %swap3A_704] {strides = array<i32>} : memref<512x128xf32, #tpu.memory_space<vmem>>, vector<16xf32>,
      tpu.vector_store %arg6[%swap3A_703, %swap3A_704], %broadcast_in_dim3A_687 {add = true, strides = array<i32>} : memref<512x128xf32, #tpu.memory_space<vmem>>, vector<16xf32>,
      %swap3A_706 = arith.index_cast %add3A_604 : i32 to index
      %swap3A_707 = arith.constant 96 : index
      %swap3A_708 = tpu.vector_load %arg6[%swap3A_706, %swap3A_707] {strides = array<i32>} : memref<512x128xf32, #tpu.memory_space<vmem>>, vector<16xf32>,
      tpu.vector_store %arg6[%swap3A_706, %swap3A_707], %broadcast_in_dim3A_687 {add = true, strides = array<i32>} : memref<512x128xf32, #tpu.memory_space<vmem>>, vector<16xf32>,
      %swap3A_709 = arith.index_cast %add3A_604 : i32 to index
      %swap3A_710 = arith.constant 112 : index
      %swap3A_711 = tpu.vector_load %arg6[%swap3A_709, %swap3A_710] {strides = array<i32>} : memref<512x128xf32, #tpu.memory_space<vmem>>, vector<16xf32>,
      tpu.vector_store %arg6[%swap3A_709, %swap3A_710], %broadcast_in_dim3A_687 {add = true, strides = array<i32>} : memref<512x128xf32, #tpu.memory_space<vmem>>, vector<16xf32>,
      %add3A_712 = arith.constant 5 : i32
      %add3A_713 = arith.addi %add3A_180, %add3A_712 : i32
      %get3A_714 = arith.index_cast %add3A_713 : i32 to index
      %get3A_715 = arith.constant 0 : index
      %get3A_716 = tpu.vector_load %arg6[%get3A_714, %get3A_715] {strides = array<i32>} : memref<512x128xf32, #tpu.memory_space<vmem>>, vector<16xf32>,
      %get3A_717 = arith.index_cast %add3A_713 : i32 to index
      %get3A_718 = arith.constant 16 : index
      %get3A_719 = tpu.vector_load %arg6[%get3A_717, %get3A_718] {strides = array<i32>} : memref<512x128xf32, #tpu.memory_space<vmem>>, vector<16xf32>,
      %get3A_720 = arith.index_cast %add3A_713 : i32 to index
      %get3A_721 = arith.constant 32 : index
      %get3A_722 = tpu.vector_load %arg6[%get3A_720, %get3A_721] {strides = array<i32>} : memref<512x128xf32, #tpu.memory_space<vmem>>, vector<16xf32>,
      %get3A_723 = arith.index_cast %add3A_713 : i32 to index
      %get3A_724 = arith.constant 48 : index
      %get3A_725 = tpu.vector_load %arg6[%get3A_723, %get3A_724] {strides = array<i32>} : memref<512x128xf32, #tpu.memory_space<vmem>>, vector<16xf32>,
      %get3A_726 = arith.index_cast %add3A_713 : i32 to index
      %get3A_727 = arith.constant 64 : index
      %get3A_728 = tpu.vector_load %arg6[%get3A_726, %get3A_727] {strides = array<i32>} : memref<512x128xf32, #tpu.memory_space<vmem>>, vector<16xf32>,
      %get3A_729 = arith.index_cast %add3A_713 : i32 to index
      %get3A_730 = arith.constant 80 : index
      %get3A_731 = tpu.vector_load %arg6[%get3A_729, %get3A_730] {strides = array<i32>} : memref<512x128xf32, #tpu.memory_space<vmem>>, vector<16xf32>,
      %get3A_732 = arith.index_cast %add3A_713 : i32 to index
      %get3A_733 = arith.constant 96 : index
      %get3A_734 = tpu.vector_load %arg6[%get3A_732, %get3A_733] {strides = array<i32>} : memref<512x128xf32, #tpu.memory_space<vmem>>, vector<16xf32>,
      %get3A_735 = arith.index_cast %add3A_713 : i32 to index
      %get3A_736 = arith.constant 112 : index
      %get3A_737 = tpu.vector_load %arg6[%get3A_735, %get3A_736] {strides = array<i32>} : memref<512x128xf32, #tpu.memory_space<vmem>>, vector<16xf32>,
      %exp3A_738 = math.exp %get3A_716 : vector<16xf32>
      %exp3A_739 = math.exp %get3A_719 : vector<16xf32>
      %exp3A_740 = math.exp %get3A_722 : vector<16xf32>
      %exp3A_741 = math.exp %get3A_725 : vector<16xf32>
      %exp3A_742 = math.exp %get3A_728 : vector<16xf32>
      %exp3A_743 = math.exp %get3A_731 : vector<16xf32>
      %exp3A_744 = math.exp %get3A_734 : vector<16xf32>
      %exp3A_745 = math.exp %get3A_737 : vector<16xf32>
      %add3A_746 = arith.addf %exp3A_738, %exp3A_739 : vector<16xf32>
      %add3A_747 = arith.addf %exp3A_740, %exp3A_741 : vector<16xf32>
      %add3A_748 = arith.addf %exp3A_742, %exp3A_743 : vector<16xf32>
      %add3A_749 = arith.addf %exp3A_744, %exp3A_745 : vector<16xf32>
      %add3A_750 = arith.addf %add3A_746, %add3A_747 : vector<16xf32>
      %add3A_751 = arith.addf %add3A_748, %add3A_749 : vector<16xf32>
      %add3A_752 = arith.addf %add3A_750, %add3A_751 : vector<16xf32>
      %reduce_sum3A_753 = arith.constant true
      %reduce_sum3A_754 = vector.broadcast %reduce_sum3A_753 : i1 to vector<16xi1>
      %reduce_sum3A_755 = tpu.scan <sum>, %add3A_752 masked %reduce_sum3A_754 : vector<16xf32>, vector<16xi1> -> vector<16xf32>
      %reduce_sum3A_756 = vector.extract %reduce_sum3A_755[15] : f32 from vector<16xf32>
      %bitcast_convert_type3A_757 = arith.bitcast %reduce_sum3A_756 : f32 to i32
      %shift_right_arithmetic3A_758 = arith.constant 23 : i32
      %shift_right_arithmetic3A_759 = arith.shrsi %bitcast_convert_type3A_757, %shift_right_arithmetic3A_758 : i32
      %sub3A_760 = arith.constant 127 : i32
      %sub3A_761 = arith.subi %shift_right_arithmetic3A_759, %sub3A_760 : i32
      %and3A_762 = arith.constant 8388607 : i32
      %and3A_763 = arith.andi %bitcast_convert_type3A_757, %and3A_762 : i32
      %or3A_764 = arith.constant 1065353216 : i32
      %or3A_765 = arith.ori %and3A_763, %or3A_764 : i32
      %bitcast_convert_type3A_766 = arith.bitcast %or3A_765 : i32 to f32
      %ge3A_767 = arith.constant 1.33333337 : f32
      %ge3A_768 = arith.cmpf oge, %bitcast_convert_type3A_766, %ge3A_767 : f32
      %mul3A_769 = arith.constant 5.000000e-01 : f32
      %mul3A_770 = arith.mulf %bitcast_convert_type3A_766, %mul3A_769 : f32
      %select_n3A_771 = arith.select %ge3A_768, %mul3A_770, %bitcast_convert_type3A_766 : f32
      %convert_element_type3A_772 = arith.extui %ge3A_768 : i1 to i32
      %add3A_773 = arith.addi %sub3A_761, %convert_element_type3A_772 : i32
      %convert_element_type3A_774 = arith.sitofp %add3A_773 : i32 to f32
      %sub3A_775 = arith.constant 1.000000e+00 : f32
      %sub3A_776 = arith.subf %select_n3A_771, %sub3A_775 : f32
      %mul3A_777 = arith.constant 2.000000e-01 : f32
      %mul3A_778 = arith.mulf %mul3A_777, %sub3A_776 : f32
      %sub3A_779 = arith.constant 2.500000e-01 : f32
      %sub3A_780 = arith.subf %mul3A_778, %sub3A_779 : f32
      %mul3A_781 = arith.mulf %sub3A_780, %sub3A_776 : f32
      %sub3A_782 = arith.constant -0.333333343 : f32
      %sub3A_783 = arith.subf %mul3A_781, %sub3A_782 : f32
      %mul3A_784 = arith.mulf %sub3A_783, %sub3A_776 : f32
      %sub3A_785 = arith.constant 5.000000e-01 : f32
      %sub3A_786 = arith.subf %mul3A_784, %sub3A_785 : f32
      %mul3A_787 = arith.mulf %sub3A_786, %sub3A_776 : f32
      %add3A_788 = arith.constant 1.000000e+00 : f32
      %add3A_789 = arith.addf %mul3A_787, %add3A_788 : f32
      %mul3A_790 = arith.mulf %add3A_789, %sub3A_776 : f32
      %mul3A_791 = arith.constant 0.693147182 : f32
      %mul3A_792 = arith.mulf %convert_element_type3A_774, %mul3A_791 : f32
      %add3A_793 = arith.addf %mul3A_792, %mul3A_790 : f32
      %neg3A_794 = arith.constant 0.000000e+00 : f32
      %neg3A_795 = arith.subf %neg3A_794, %add3A_793 : f32
      %broadcast_in_dim3A_796 = vector.broadcast %neg3A_795 : f32 to vector<16xf32>
      %swap3A_797 = arith.index_cast %add3A_713 : i32 to index
      %swap3A_798 = arith.constant 0 : index
      %swap3A_799 = tpu.vector_load %arg6[%swap3A_797, %swap3A_798] {strides = array<i32>} : memref<512x128xf32, #tpu.memory_space<vmem>>, vector<16xf32>,
      tpu.vector_store %arg6[%swap3A_797, %swap3A_798], %broadcast_in_dim3A_796 {add = true, strides = array<i32>} : memref<512x128xf32, #tpu.memory_space<vmem>>, vector<16xf32>,
      %swap3A_800 = arith.index_cast %add3A_713 : i32 to index
      %swap3A_801 = arith.constant 16 : index
      %swap3A_802 = tpu.vector_load %arg6[%swap3A_800, %swap3A_801] {strides = array<i32>} : memref<512x128xf32, #tpu.memory_space<vmem>>, vector<16xf32>,
      tpu.vector_store %arg6[%swap3A_800, %swap3A_801], %broadcast_in_dim3A_796 {add = true, strides = array<i32>} : memref<512x128xf32, #tpu.memory_space<vmem>>, vector<16xf32>,
      %swap3A_803 = arith.index_cast %add3A_713 : i32 to index
      %swap3A_804 = arith.constant 32 : index
      %swap3A_805 = tpu.vector_load %arg6[%swap3A_803, %swap3A_804] {strides = array<i32>} : memref<512x128xf32, #tpu.memory_space<vmem>>, vector<16xf32>,
      tpu.vector_store %arg6[%swap3A_803, %swap3A_804], %broadcast_in_dim3A_796 {add = true, strides = array<i32>} : memref<512x128xf32, #tpu.memory_space<vmem>>, vector<16xf32>,
      %swap3A_806 = arith.index_cast %add3A_713 : i32 to index
      %swap3A_807 = arith.constant 48 : index
      %swap3A_808 = tpu.vector_load %arg6[%swap3A_806, %swap3A_807] {strides = array<i32>} : memref<512x128xf32, #tpu.memory_space<vmem>>, vector<16xf32>,
      tpu.vector_store %arg6[%swap3A_806, %swap3A_807], %broadcast_in_dim3A_796 {add = true, strides = array<i32>} : memref<512x128xf32, #tpu.memory_space<vmem>>, vector<16xf32>,
      %swap3A_809 = arith.index_cast %add3A_713 : i32 to index
      %swap3A_810 = arith.constant 64 : index
      %swap3A_811 = tpu.vector_load %arg6[%swap3A_809, %swap3A_810] {strides = array<i32>} : memref<512x128xf32, #tpu.memory_space<vmem>>, vector<16xf32>,
      tpu.vector_store %arg6[%swap3A_809, %swap3A_810], %broadcast_in_dim3A_796 {add = true, strides = array<i32>} : memref<512x128xf32, #tpu.memory_space<vmem>>, vector<16xf32>,
      %swap3A_812 = arith.index_cast %add3A_713 : i32 to index
      %swap3A_813 = arith.constant 80 : index
      %swap3A_814 = tpu.vector_load %arg6[%swap3A_812, %swap3A_813] {strides = array<i32>} : memref<512x128xf32, #tpu.memory_space<vmem>>, vector<16xf32>,
      tpu.vector_store %arg6[%swap3A_812, %swap3A_813], %broadcast_in_dim3A_796 {add = true, strides = array<i32>} : memref<512x128xf32, #tpu.memory_space<vmem>>, vector<16xf32>,
      %swap3A_815 = arith.index_cast %add3A_713 : i32 to index
      %swap3A_816 = arith.constant 96 : index
      %swap3A_817 = tpu.vector_load %arg6[%swap3A_815, %swap3A_816] {strides = array<i32>} : memref<512x128xf32, #tpu.memory_space<vmem>>, vector<16xf32>,
      tpu.vector_store %arg6[%swap3A_815, %swap3A_816], %broadcast_in_dim3A_796 {add = true, strides = array<i32>} : memref<512x128xf32, #tpu.memory_space<vmem>>, vector<16xf32>,
      %swap3A_818 = arith.index_cast %add3A_713 : i32 to index
      %swap3A_819 = arith.constant 112 : index
      %swap3A_820 = tpu.vector_load %arg6[%swap3A_818, %swap3A_819] {strides = array<i32>} : memref<512x128xf32, #tpu.memory_space<vmem>>, vector<16xf32>,
      tpu.vector_store %arg6[%swap3A_818, %swap3A_819], %broadcast_in_dim3A_796 {add = true, strides = array<i32>} : memref<512x128xf32, #tpu.memory_space<vmem>>, vector<16xf32>,
      %add3A_821 = arith.constant 6 : i32
      %add3A_822 = arith.addi %add3A_180, %add3A_821 : i32
      %get3A_823 = arith.index_cast %add3A_822 : i32 to index
      %get3A_824 = arith.constant 0 : index
      %get3A_825 = tpu.vector_load %arg6[%get3A_823, %get3A_824] {strides = array<i32>} : memref<512x128xf32, #tpu.memory_space<vmem>>, vector<16xf32>,
      %get3A_826 = arith.index_cast %add3A_822 : i32 to index
      %get3A_827 = arith.constant 16 : index
      %get3A_828 = tpu.vector_load %arg6[%get3A_826, %get3A_827] {strides = array<i32>} : memref<512x128xf32, #tpu.memory_space<vmem>>, vector<16xf32>,
      %get3A_829 = arith.index_cast %add3A_822 : i32 to index
      %get3A_830 = arith.constant 32 : index
      %get3A_831 = tpu.vector_load %arg6[%get3A_829, %get3A_830] {strides = array<i32>} : memref<512x128xf32, #tpu.memory_space<vmem>>, vector<16xf32>,
      %get3A_832 = arith.index_cast %add3A_822 : i32 to index
      %get3A_833 = arith.constant 48 : index
      %get3A_834 = tpu.vector_load %arg6[%get3A_832, %get3A_833] {strides = array<i32>} : memref<512x128xf32, #tpu.memory_space<vmem>>, vector<16xf32>,
      %get3A_835 = arith.index_cast %add3A_822 : i32 to index
      %get3A_836 = arith.constant 64 : index
      %get3A_837 = tpu.vector_load %arg6[%get3A_835, %get3A_836] {strides = array<i32>} : memref<512x128xf32, #tpu.memory_space<vmem>>, vector<16xf32>,
      %get3A_838 = arith.index_cast %add3A_822 : i32 to index
      %get3A_839 = arith.constant 80 : index
      %get3A_840 = tpu.vector_load %arg6[%get3A_838, %get3A_839] {strides = array<i32>} : memref<512x128xf32, #tpu.memory_space<vmem>>, vector<16xf32>,
      %get3A_841 = arith.index_cast %add3A_822 : i32 to index
      %get3A_842 = arith.constant 96 : index
      %get3A_843 = tpu.vector_load %arg6[%get3A_841, %get3A_842] {strides = array<i32>} : memref<512x128xf32, #tpu.memory_space<vmem>>, vector<16xf32>,
      %get3A_844 = arith.index_cast %add3A_822 : i32 to index
      %get3A_845 = arith.constant 112 : index
      %get3A_846 = tpu.vector_load %arg6[%get3A_844, %get3A_845] {strides = array<i32>} : memref<512x128xf32, #tpu.memory_space<vmem>>, vector<16xf32>,
      %exp3A_847 = math.exp %get3A_825 : vector<16xf32>
      %exp3A_848 = math.exp %get3A_828 : vector<16xf32>
      %exp3A_849 = math.exp %get3A_831 : vector<16xf32>
      %exp3A_850 = math.exp %get3A_834 : vector<16xf32>
      %exp3A_851 = math.exp %get3A_837 : vector<16xf32>
      %exp3A_852 = math.exp %get3A_840 : vector<16xf32>
      %exp3A_853 = math.exp %get3A_843 : vector<16xf32>
      %exp3A_854 = math.exp %get3A_846 : vector<16xf32>
      %add3A_855 = arith.addf %exp3A_847, %exp3A_848 : vector<16xf32>
      %add3A_856 = arith.addf %exp3A_849, %exp3A_850 : vector<16xf32>
      %add3A_857 = arith.addf %exp3A_851, %exp3A_852 : vector<16xf32>
      %add3A_858 = arith.addf %exp3A_853, %exp3A_854 : vector<16xf32>
      %add3A_859 = arith.addf %add3A_855, %add3A_856 : vector<16xf32>
      %add3A_860 = arith.addf %add3A_857, %add3A_858 : vector<16xf32>
      %add3A_861 = arith.addf %add3A_859, %add3A_860 : vector<16xf32>
      %reduce_sum3A_862 = arith.constant true
      %reduce_sum3A_863 = vector.broadcast %reduce_sum3A_862 : i1 to vector<16xi1>
      %reduce_sum3A_864 = tpu.scan <sum>, %add3A_861 masked %reduce_sum3A_863 : vector<16xf32>, vector<16xi1> -> vector<16xf32>
      %reduce_sum3A_865 = vector.extract %reduce_sum3A_864[15] : f32 from vector<16xf32>
      %bitcast_convert_type3A_866 = arith.bitcast %reduce_sum3A_865 : f32 to i32
      %shift_right_arithmetic3A_867 = arith.constant 23 : i32
      %shift_right_arithmetic3A_868 = arith.shrsi %bitcast_convert_type3A_866, %shift_right_arithmetic3A_867 : i32
      %sub3A_869 = arith.constant 127 : i32
      %sub3A_870 = arith.subi %shift_right_arithmetic3A_868, %sub3A_869 : i32
      %and3A_871 = arith.constant 8388607 : i32
      %and3A_872 = arith.andi %bitcast_convert_type3A_866, %and3A_871 : i32
      %or3A_873 = arith.constant 1065353216 : i32
      %or3A_874 = arith.ori %and3A_872, %or3A_873 : i32
      %bitcast_convert_type3A_875 = arith.bitcast %or3A_874 : i32 to f32
      %ge3A_876 = arith.constant 1.33333337 : f32
      %ge3A_877 = arith.cmpf oge, %bitcast_convert_type3A_875, %ge3A_876 : f32
      %mul3A_878 = arith.constant 5.000000e-01 : f32
      %mul3A_879 = arith.mulf %bitcast_convert_type3A_875, %mul3A_878 : f32
      %select_n3A_880 = arith.select %ge3A_877, %mul3A_879, %bitcast_convert_type3A_875 : f32
      %convert_element_type3A_881 = arith.extui %ge3A_877 : i1 to i32
      %add3A_882 = arith.addi %sub3A_870, %convert_element_type3A_881 : i32
      %convert_element_type3A_883 = arith.sitofp %add3A_882 : i32 to f32
      %sub3A_884 = arith.constant 1.000000e+00 : f32
      %sub3A_885 = arith.subf %select_n3A_880, %sub3A_884 : f32
      %mul3A_886 = arith.constant 2.000000e-01 : f32
      %mul3A_887 = arith.mulf %mul3A_886, %sub3A_885 : f32
      %sub3A_888 = arith.constant 2.500000e-01 : f32
      %sub3A_889 = arith.subf %mul3A_887, %sub3A_888 : f32
      %mul3A_890 = arith.mulf %sub3A_889, %sub3A_885 : f32
      %sub3A_891 = arith.constant -0.333333343 : f32
      %sub3A_892 = arith.subf %mul3A_890, %sub3A_891 : f32
      %mul3A_893 = arith.mulf %sub3A_892, %sub3A_885 : f32
      %sub3A_894 = arith.constant 5.000000e-01 : f32
      %sub3A_895 = arith.subf %mul3A_893, %sub3A_894 : f32
      %mul3A_896 = arith.mulf %sub3A_895, %sub3A_885 : f32
      %add3A_897 = arith.constant 1.000000e+00 : f32
      %add3A_898 = arith.addf %mul3A_896, %add3A_897 : f32
      %mul3A_899 = arith.mulf %add3A_898, %sub3A_885 : f32
      %mul3A_900 = arith.constant 0.693147182 : f32
      %mul3A_901 = arith.mulf %convert_element_type3A_883, %mul3A_900 : f32
      %add3A_902 = arith.addf %mul3A_901, %mul3A_899 : f32
      %neg3A_903 = arith.constant 0.000000e+00 : f32
      %neg3A_904 = arith.subf %neg3A_903, %add3A_902 : f32
      %broadcast_in_dim3A_905 = vector.broadcast %neg3A_904 : f32 to vector<16xf32>
      %swap3A_906 = arith.index_cast %add3A_822 : i32 to index
      %swap3A_907 = arith.constant 0 : index
      %swap3A_908 = tpu.vector_load %arg6[%swap3A_906, %swap3A_907] {strides = array<i32>} : memref<512x128xf32, #tpu.memory_space<vmem>>, vector<16xf32>,
      tpu.vector_store %arg6[%swap3A_906, %swap3A_907], %broadcast_in_dim3A_905 {add = true, strides = array<i32>} : memref<512x128xf32, #tpu.memory_space<vmem>>, vector<16xf32>,
      %swap3A_909 = arith.index_cast %add3A_822 : i32 to index
      %swap3A_910 = arith.constant 16 : index
      %swap3A_911 = tpu.vector_load %arg6[%swap3A_909, %swap3A_910] {strides = array<i32>} : memref<512x128xf32, #tpu.memory_space<vmem>>, vector<16xf32>,
      tpu.vector_store %arg6[%swap3A_909, %swap3A_910], %broadcast_in_dim3A_905 {add = true, strides = array<i32>} : memref<512x128xf32, #tpu.memory_space<vmem>>, vector<16xf32>,
      %swap3A_912 = arith.index_cast %add3A_822 : i32 to index
      %swap3A_913 = arith.constant 32 : index
      %swap3A_914 = tpu.vector_load %arg6[%swap3A_912, %swap3A_913] {strides = array<i32>} : memref<512x128xf32, #tpu.memory_space<vmem>>, vector<16xf32>,
      tpu.vector_store %arg6[%swap3A_912, %swap3A_913], %broadcast_in_dim3A_905 {add = true, strides = array<i32>} : memref<512x128xf32, #tpu.memory_space<vmem>>, vector<16xf32>,
      %swap3A_915 = arith.index_cast %add3A_822 : i32 to index
      %swap3A_916 = arith.constant 48 : index
      %swap3A_917 = tpu.vector_load %arg6[%swap3A_915, %swap3A_916] {strides = array<i32>} : memref<512x128xf32, #tpu.memory_space<vmem>>, vector<16xf32>,
      tpu.vector_store %arg6[%swap3A_915, %swap3A_916], %broadcast_in_dim3A_905 {add = true, strides = array<i32>} : memref<512x128xf32, #tpu.memory_space<vmem>>, vector<16xf32>,
      %swap3A_918 = arith.index_cast %add3A_822 : i32 to index
      %swap3A_919 = arith.constant 64 : index
      %swap3A_920 = tpu.vector_load %arg6[%swap3A_918, %swap3A_919] {strides = array<i32>} : memref<512x128xf32, #tpu.memory_space<vmem>>, vector<16xf32>,
      tpu.vector_store %arg6[%swap3A_918, %swap3A_919], %broadcast_in_dim3A_905 {add = true, strides = array<i32>} : memref<512x128xf32, #tpu.memory_space<vmem>>, vector<16xf32>,
      %swap3A_921 = arith.index_cast %add3A_822 : i32 to index
      %swap3A_922 = arith.constant 80 : index
      %swap3A_923 = tpu.vector_load %arg6[%swap3A_921, %swap3A_922] {strides = array<i32>} : memref<512x128xf32, #tpu.memory_space<vmem>>, vector<16xf32>,
      tpu.vector_store %arg6[%swap3A_921, %swap3A_922], %broadcast_in_dim3A_905 {add = true, strides = array<i32>} : memref<512x128xf32, #tpu.memory_space<vmem>>, vector<16xf32>,
      %swap3A_924 = arith.index_cast %add3A_822 : i32 to index
      %swap3A_925 = arith.constant 96 : index
      %swap3A_926 = tpu.vector_load %arg6[%swap3A_924, %swap3A_925] {strides = array<i32>} : memref<512x128xf32, #tpu.memory_space<vmem>>, vector<16xf32>,
      tpu.vector_store %arg6[%swap3A_924, %swap3A_925], %broadcast_in_dim3A_905 {add = true, strides = array<i32>} : memref<512x128xf32, #tpu.memory_space<vmem>>, vector<16xf32>,
      %swap3A_927 = arith.index_cast %add3A_822 : i32 to index
      %swap3A_928 = arith.constant 112 : index
      %swap3A_929 = tpu.vector_load %arg6[%swap3A_927, %swap3A_928] {strides = array<i32>} : memref<512x128xf32, #tpu.memory_space<vmem>>, vector<16xf32>,
      tpu.vector_store %arg6[%swap3A_927, %swap3A_928], %broadcast_in_dim3A_905 {add = true, strides = array<i32>} : memref<512x128xf32, #tpu.memory_space<vmem>>, vector<16xf32>,
      %add3A_930 = arith.constant 7 : i32
      %add3A_931 = arith.addi %add3A_180, %add3A_930 : i32
      %get3A_932 = arith.index_cast %add3A_931 : i32 to index
      %get3A_933 = arith.constant 0 : index
      %get3A_934 = tpu.vector_load %arg6[%get3A_932, %get3A_933] {strides = array<i32>} : memref<512x128xf32, #tpu.memory_space<vmem>>, vector<16xf32>,
      %get3A_935 = arith.index_cast %add3A_931 : i32 to index
      %get3A_936 = arith.constant 16 : index
      %get3A_937 = tpu.vector_load %arg6[%get3A_935, %get3A_936] {strides = array<i32>} : memref<512x128xf32, #tpu.memory_space<vmem>>, vector<16xf32>,
      %get3A_938 = arith.index_cast %add3A_931 : i32 to index
      %get3A_939 = arith.constant 32 : index
      %get3A_940 = tpu.vector_load %arg6[%get3A_938, %get3A_939] {strides = array<i32>} : memref<512x128xf32, #tpu.memory_space<vmem>>, vector<16xf32>,
      %get3A_941 = arith.index_cast %add3A_931 : i32 to index
      %get3A_942 = arith.constant 48 : index
      %get3A_943 = tpu.vector_load %arg6[%get3A_941, %get3A_942] {strides = array<i32>} : memref<512x128xf32, #tpu.memory_space<vmem>>, vector<16xf32>,
      %get3A_944 = arith.index_cast %add3A_931 : i32 to index
      %get3A_945 = arith.constant 64 : index
      %get3A_946 = tpu.vector_load %arg6[%get3A_944, %get3A_945] {strides = array<i32>} : memref<512x128xf32, #tpu.memory_space<vmem>>, vector<16xf32>,
      %get3A_947 = arith.index_cast %add3A_931 : i32 to index
      %get3A_948 = arith.constant 80 : index
      %get3A_949 = tpu.vector_load %arg6[%get3A_947, %get3A_948] {strides = array<i32>} : memref<512x128xf32, #tpu.memory_space<vmem>>, vector<16xf32>,
      %get3A_950 = arith.index_cast %add3A_931 : i32 to index
      %get3A_951 = arith.constant 96 : index
      %get3A_952 = tpu.vector_load %arg6[%get3A_950, %get3A_951] {strides = array<i32>} : memref<512x128xf32, #tpu.memory_space<vmem>>, vector<16xf32>,
      %get3A_953 = arith.index_cast %add3A_931 : i32 to index
      %get3A_954 = arith.constant 112 : index
      %get3A_955 = tpu.vector_load %arg6[%get3A_953, %get3A_954] {strides = array<i32>} : memref<512x128xf32, #tpu.memory_space<vmem>>, vector<16xf32>,
      %exp3A_956 = math.exp %get3A_934 : vector<16xf32>
      %exp3A_957 = math.exp %get3A_937 : vector<16xf32>
      %exp3A_958 = math.exp %get3A_940 : vector<16xf32>
      %exp3A_959 = math.exp %get3A_943 : vector<16xf32>
      %exp3A_960 = math.exp %get3A_946 : vector<16xf32>
      %exp3A_961 = math.exp %get3A_949 : vector<16xf32>
      %exp3A_962 = math.exp %get3A_952 : vector<16xf32>
      %exp3A_963 = math.exp %get3A_955 : vector<16xf32>
      %add3A_964 = arith.addf %exp3A_956, %exp3A_957 : vector<16xf32>
      %add3A_965 = arith.addf %exp3A_958, %exp3A_959 : vector<16xf32>
      %add3A_966 = arith.addf %exp3A_960, %exp3A_961 : vector<16xf32>
      %add3A_967 = arith.addf %exp3A_962, %exp3A_963 : vector<16xf32>
      %add3A_968 = arith.addf %add3A_964, %add3A_965 : vector<16xf32>
      %add3A_969 = arith.addf %add3A_966, %add3A_967 : vector<16xf32>
      %add3A_970 = arith.addf %add3A_968, %add3A_969 : vector<16xf32>
      %reduce_sum3A_971 = arith.constant true
      %reduce_sum3A_972 = vector.broadcast %reduce_sum3A_971 : i1 to vector<16xi1>
      %reduce_sum3A_973 = tpu.scan <sum>, %add3A_970 masked %reduce_sum3A_972 : vector<16xf32>, vector<16xi1> -> vector<16xf32>
      %reduce_sum3A_974 = vector.extract %reduce_sum3A_973[15] : f32 from vector<16xf32>
      %bitcast_convert_type3A_975 = arith.bitcast %reduce_sum3A_974 : f32 to i32
      %shift_right_arithmetic3A_976 = arith.constant 23 : i32
      %shift_right_arithmetic3A_977 = arith.shrsi %bitcast_convert_type3A_975, %shift_right_arithmetic3A_976 : i32
      %sub3A_978 = arith.constant 127 : i32
      %sub3A_979 = arith.subi %shift_right_arithmetic3A_977, %sub3A_978 : i32
      %and3A_980 = arith.constant 8388607 : i32
      %and3A_981 = arith.andi %bitcast_convert_type3A_975, %and3A_980 : i32
      %or3A_982 = arith.constant 1065353216 : i32
      %or3A_983 = arith.ori %and3A_981, %or3A_982 : i32
      %bitcast_convert_type3A_984 = arith.bitcast %or3A_983 : i32 to f32
      %ge3A_985 = arith.constant 1.33333337 : f32
      %ge3A_986 = arith.cmpf oge, %bitcast_convert_type3A_984, %ge3A_985 : f32
      %mul3A_987 = arith.constant 5.000000e-01 : f32
      %mul3A_988 = arith.mulf %bitcast_convert_type3A_984, %mul3A_987 : f32
      %select_n3A_989 = arith.select %ge3A_986, %mul3A_988, %bitcast_convert_type3A_984 : f32
      %convert_element_type3A_990 = arith.extui %ge3A_986 : i1 to i32
      %add3A_991 = arith.addi %sub3A_979, %convert_element_type3A_990 : i32
      %convert_element_type3A_992 = arith.sitofp %add3A_991 : i32 to f32
      %sub3A_993 = arith.constant 1.000000e+00 : f32
      %sub3A_994 = arith.subf %select_n3A_989, %sub3A_993 : f32
      %mul3A_995 = arith.constant 2.000000e-01 : f32
      %mul3A_996 = arith.mulf %mul3A_995, %sub3A_994 : f32
      %sub3A_997 = arith.constant 2.500000e-01 : f32
      %sub3A_998 = arith.subf %mul3A_996, %sub3A_997 : f32
      %mul3A_999 = arith.mulf %sub3A_998, %sub3A_994 : f32
      %sub3A_1000 = arith.constant -0.333333343 : f32
      %sub3A_1001 = arith.subf %mul3A_999, %sub3A_1000 : f32
      %mul3A_1002 = arith.mulf %sub3A_1001, %sub3A_994 : f32
      %sub3A_1003 = arith.constant 5.000000e-01 : f32
      %sub3A_1004 = arith.subf %mul3A_1002, %sub3A_1003 : f32
      %mul3A_1005 = arith.mulf %sub3A_1004, %sub3A_994 : f32
      %add3A_1006 = arith.constant 1.000000e+00 : f32
      %add3A_1007 = arith.addf %mul3A_1005, %add3A_1006 : f32
      %mul3A_1008 = arith.mulf %add3A_1007, %sub3A_994 : f32
      %mul3A_1009 = arith.constant 0.693147182 : f32
      %mul3A_1010 = arith.mulf %convert_element_type3A_992, %mul3A_1009 : f32
      %add3A_1011 = arith.addf %mul3A_1010, %mul3A_1008 : f32
      %neg3A_1012 = arith.constant 0.000000e+00 : f32
      %neg3A_1013 = arith.subf %neg3A_1012, %add3A_1011 : f32
      %broadcast_in_dim3A_1014 = vector.broadcast %neg3A_1013 : f32 to vector<16xf32>
      %swap3A_1015 = arith.index_cast %add3A_931 : i32 to index
      %swap3A_1016 = arith.constant 0 : index
      %swap3A_1017 = tpu.vector_load %arg6[%swap3A_1015, %swap3A_1016] {strides = array<i32>} : memref<512x128xf32, #tpu.memory_space<vmem>>, vector<16xf32>,
      tpu.vector_store %arg6[%swap3A_1015, %swap3A_1016], %broadcast_in_dim3A_1014 {add = true, strides = array<i32>} : memref<512x128xf32, #tpu.memory_space<vmem>>, vector<16xf32>,
      %swap3A_1018 = arith.index_cast %add3A_931 : i32 to index
      %swap3A_1019 = arith.constant 16 : index
      %swap3A_1020 = tpu.vector_load %arg6[%swap3A_1018, %swap3A_1019] {strides = array<i32>} : memref<512x128xf32, #tpu.memory_space<vmem>>, vector<16xf32>,
      tpu.vector_store %arg6[%swap3A_1018, %swap3A_1019], %broadcast_in_dim3A_1014 {add = true, strides = array<i32>} : memref<512x128xf32, #tpu.memory_space<vmem>>, vector<16xf32>,
      %swap3A_1021 = arith.index_cast %add3A_931 : i32 to index
      %swap3A_1022 = arith.constant 32 : index
      %swap3A_1023 = tpu.vector_load %arg6[%swap3A_1021, %swap3A_1022] {strides = array<i32>} : memref<512x128xf32, #tpu.memory_space<vmem>>, vector<16xf32>,
      tpu.vector_store %arg6[%swap3A_1021, %swap3A_1022], %broadcast_in_dim3A_1014 {add = true, strides = array<i32>} : memref<512x128xf32, #tpu.memory_space<vmem>>, vector<16xf32>,
      %swap3A_1024 = arith.index_cast %add3A_931 : i32 to index
      %swap3A_1025 = arith.constant 48 : index
      %swap3A_1026 = tpu.vector_load %arg6[%swap3A_1024, %swap3A_1025] {strides = array<i32>} : memref<512x128xf32, #tpu.memory_space<vmem>>, vector<16xf32>,
      tpu.vector_store %arg6[%swap3A_1024, %swap3A_1025], %broadcast_in_dim3A_1014 {add = true, strides = array<i32>} : memref<512x128xf32, #tpu.memory_space<vmem>>, vector<16xf32>,
      %swap3A_1027 = arith.index_cast %add3A_931 : i32 to index
      %swap3A_1028 = arith.constant 64 : index
      %swap3A_1029 = tpu.vector_load %arg6[%swap3A_1027, %swap3A_1028] {strides = array<i32>} : memref<512x128xf32, #tpu.memory_space<vmem>>, vector<16xf32>,
      tpu.vector_store %arg6[%swap3A_1027, %swap3A_1028], %broadcast_in_dim3A_1014 {add = true, strides = array<i32>} : memref<512x128xf32, #tpu.memory_space<vmem>>, vector<16xf32>,
      %swap3A_1030 = arith.index_cast %add3A_931 : i32 to index
      %swap3A_1031 = arith.constant 80 : index
      %swap3A_1032 = tpu.vector_load %arg6[%swap3A_1030, %swap3A_1031] {strides = array<i32>} : memref<512x128xf32, #tpu.memory_space<vmem>>, vector<16xf32>,
      tpu.vector_store %arg6[%swap3A_1030, %swap3A_1031], %broadcast_in_dim3A_1014 {add = true, strides = array<i32>} : memref<512x128xf32, #tpu.memory_space<vmem>>, vector<16xf32>,
      %swap3A_1033 = arith.index_cast %add3A_931 : i32 to index
      %swap3A_1034 = arith.constant 96 : index
      %swap3A_1035 = tpu.vector_load %arg6[%swap3A_1033, %swap3A_1034] {strides = array<i32>} : memref<512x128xf32, #tpu.memory_space<vmem>>, vector<16xf32>,
      tpu.vector_store %arg6[%swap3A_1033, %swap3A_1034], %broadcast_in_dim3A_1014 {add = true, strides = array<i32>} : memref<512x128xf32, #tpu.memory_space<vmem>>, vector<16xf32>,
      %swap3A_1036 = arith.index_cast %add3A_931 : i32 to index
      %swap3A_1037 = arith.constant 112 : index
      %swap3A_1038 = tpu.vector_load %arg6[%swap3A_1036, %swap3A_1037] {strides = array<i32>} : memref<512x128xf32, #tpu.memory_space<vmem>>, vector<16xf32>,
      tpu.vector_store %arg6[%swap3A_1036, %swap3A_1037], %broadcast_in_dim3A_1014 {add = true, strides = array<i32>} : memref<512x128xf32, #tpu.memory_space<vmem>>, vector<16xf32>,
    }
    %scan3A_97 = arith.constant 16 : i32
    %add3A_98 = arith.constant 256 : i32
    %add3A_99 = arith.addi %mul3A_2, %add3A_98 : i32
    %dma_start3A_100 = arith.constant 256 : i32
    %dma_start3A_101 = arith.constant 0 : i32
    %dma_start3A_102 = tpu.memref_slice %arg6[%dma_start3A_100, %dma_start3A_101] : memref<512x128xf32, #tpu.memory_space<vmem>> -> memref<128x128xf32, #tpu.memory_space<vmem>>
    %dma_start3A_103 = arith.constant 0 : i32
    %dma_start3A_104 = tpu.memref_slice %arg4[%add3A_99, %dma_start3A_103] : memref<16384x128xf32, #tpu.memory_space<hbm>> -> memref<128x128xf32, #tpu.memory_space<hbm>>
    %dma_start3A_105 = arith.constant 0 : i32
    %dma_start3A_106 = tpu.memref_slice %arg4[%add3A_99, %dma_start3A_105] : memref<16384x128xf32, #tpu.memory_space<hbm>> -> memref<128x128xf32, #tpu.memory_space<hbm>>
    %dma_start3A_107 = arith.constant 256 : i32
    %dma_start3A_108 = arith.constant 0 : i32
    %dma_start3A_109 = tpu.memref_slice %arg6[%dma_start3A_107, %dma_start3A_108] : memref<512x128xf32, #tpu.memory_space<vmem>> -> memref<128x128xf32, #tpu.memory_space<vmem>>
    tpu.enqueue_dma source(%dma_start3A_109 : memref<128x128xf32, #tpu.memory_space<vmem>>) target(%dma_start3A_106 : memref<128x128xf32, #tpu.memory_space<hbm>>) target_semaphore(%arg8 : memref<!tpu.dma_semaphore, #tpu.memory_space<semaphore_mem>>)
    %dma_wait3A_110 = arith.constant 384 : i32
    %dma_wait3A_111 = arith.constant 0 : i32
    %dma_wait3A_112 = tpu.memref_slice %arg6[%dma_wait3A_110, %dma_wait3A_111] : memref<512x128xf32, #tpu.memory_space<vmem>> -> memref<128x128xf32, #tpu.memory_space<vmem>>
    %dma_wait3A_113 = arith.constant 384 : i32
    %dma_wait3A_114 = tpu.memref_slice %arg5[%dma_wait3A_113] : memref<512xi32, #tpu.memory_space<vmem>> -> memref<128xi32, #tpu.memory_space<vmem>>
    %dma_wait3A_115 = arith.constant 0 : i32
    %dma_wait3A_116 = arith.constant 0 : i32
    %dma_wait3A_117 = tpu.memref_slice %arg2[%dma_wait3A_115, %dma_wait3A_116] : memref<100000x128xf32, #tpu.memory_space<hbm>> -> memref<100000x128xf32, #tpu.memory_space<hbm>>
    tpu.wait_indirect_dma semaphore(%arg7 : memref<!tpu.dma_semaphore, #tpu.memory_space<semaphore_mem>>) src(%dma_wait3A_117 : memref<100000x128xf32, #tpu.memory_space<hbm>>) dst(%dma_wait3A_112 : memref<128x128xf32, #tpu.memory_space<vmem>>)
    %scan3A_118 = arith.constant 0 : i32
    %scan3A_119 = arith.constant 0 : i32
    %scan3A_120 = arith.constant 16 : i32
    %scan3A_121 = arith.addi %scan3A_119, %scan3A_120 : i32
    %scan3A_122 = arith.constant 1 : i32
    scf.for %scan3A_176 = %scan3A_119 to %scan3A_121 step %scan3A_122  : i32 {
      %mul3A_177 = arith.constant 8 : i32
      %mul3A_178 = arith.muli %scan3A_176, %mul3A_177 : i32
      %add3A_179 = arith.constant 384 : i32
      %add3A_180 = arith.addi %add3A_179, %mul3A_178 : i32
      %add3A_181 = arith.constant 0 : i32
      %add3A_182 = arith.addi %add3A_180, %add3A_181 : i32
      %get3A = arith.index_cast %add3A_182 : i32 to index
      %get3A_183 = arith.constant 0 : index
      %get3A_184 = tpu.vector_load %arg6[%get3A, %get3A_183] {strides = array<i32>} : memref<512x128xf32, #tpu.memory_space<vmem>>, vector<16xf32>,
      %get3A_185 = arith.index_cast %add3A_182 : i32 to index
      %get3A_186 = arith.constant 16 : index
      %get3A_187 = tpu.vector_load %arg6[%get3A_185, %get3A_186] {strides = array<i32>} : memref<512x128xf32, #tpu.memory_space<vmem>>, vector<16xf32>,
      %get3A_188 = arith.index_cast %add3A_182 : i32 to index
      %get3A_189 = arith.constant 32 : index
      %get3A_190 = tpu.vector_load %arg6[%get3A_188, %get3A_189] {strides = array<i32>} : memref<512x128xf32, #tpu.memory_space<vmem>>, vector<16xf32>,
      %get3A_191 = arith.index_cast %add3A_182 : i32 to index
      %get3A_192 = arith.constant 48 : index
      %get3A_193 = tpu.vector_load %arg6[%get3A_191, %get3A_192] {strides = array<i32>} : memref<512x128xf32, #tpu.memory_space<vmem>>, vector<16xf32>,
      %get3A_194 = arith.index_cast %add3A_182 : i32 to index
      %get3A_195 = arith.constant 64 : index
      %get3A_196 = tpu.vector_load %arg6[%get3A_194, %get3A_195] {strides = array<i32>} : memref<512x128xf32, #tpu.memory_space<vmem>>, vector<16xf32>,
      %get3A_197 = arith.index_cast %add3A_182 : i32 to index
      %get3A_198 = arith.constant 80 : index
      %get3A_199 = tpu.vector_load %arg6[%get3A_197, %get3A_198] {strides = array<i32>} : memref<512x128xf32, #tpu.memory_space<vmem>>, vector<16xf32>,
      %get3A_200 = arith.index_cast %add3A_182 : i32 to index
      %get3A_201 = arith.constant 96 : index
      %get3A_202 = tpu.vector_load %arg6[%get3A_200, %get3A_201] {strides = array<i32>} : memref<512x128xf32, #tpu.memory_space<vmem>>, vector<16xf32>,
      %get3A_203 = arith.index_cast %add3A_182 : i32 to index
      %get3A_204 = arith.constant 112 : index
      %get3A_205 = tpu.vector_load %arg6[%get3A_203, %get3A_204] {strides = array<i32>} : memref<512x128xf32, #tpu.memory_space<vmem>>, vector<16xf32>,
      %exp3A = math.exp %get3A_184 : vector<16xf32>
      %exp3A_206 = math.exp %get3A_187 : vector<16xf32>
      %exp3A_207 = math.exp %get3A_190 : vector<16xf32>
      %exp3A_208 = math.exp %get3A_193 : vector<16xf32>
      %exp3A_209 = math.exp %get3A_196 : vector<16xf32>
      %exp3A_210 = math.exp %get3A_199 : vector<16xf32>
      %exp3A_211 = math.exp %get3A_202 : vector<16xf32>
      %exp3A_212 = math.exp %get3A_205 : vector<16xf32>
      %add3A_213 = arith.addf %exp3A, %exp3A_206 : vector<16xf32>
      %add3A_214 = arith.addf %exp3A_207, %exp3A_208 : vector<16xf32>
      %add3A_215 = arith.addf %exp3A_209, %exp3A_210 : vector<16xf32>
      %add3A_216 = arith.addf %exp3A_211, %exp3A_212 : vector<16xf32>
      %add3A_217 = arith.addf %add3A_213, %add3A_214 : vector<16xf32>
      %add3A_218 = arith.addf %add3A_215, %add3A_216 : vector<16xf32>
      %add3A_219 = arith.addf %add3A_217, %add3A_218 : vector<16xf32>
      %reduce_sum3A = arith.constant true
      %reduce_sum3A_220 = vector.broadcast %reduce_sum3A : i1 to vector<16xi1>
      %reduce_sum3A_221 = tpu.scan <sum>, %add3A_219 masked %reduce_sum3A_220 : vector<16xf32>, vector<16xi1> -> vector<16xf32>
      %reduce_sum3A_222 = vector.extract %reduce_sum3A_221[15] : f32 from vector<16xf32>
      %bitcast_convert_type3A = arith.bitcast %reduce_sum3A_222 : f32 to i32
      %shift_right_arithmetic3A = arith.constant 23 : i32
      %shift_right_arithmetic3A_223 = arith.shrsi %bitcast_convert_type3A, %shift_right_arithmetic3A : i32
      %sub3A = arith.constant 127 : i32
      %sub3A_224 = arith.subi %shift_right_arithmetic3A_223, %sub3A : i32
      %and3A = arith.constant 8388607 : i32
      %and3A_225 = arith.andi %bitcast_convert_type3A, %and3A : i32
      %or3A = arith.constant 1065353216 : i32
      %or3A_226 = arith.ori %and3A_225, %or3A : i32
      %bitcast_convert_type3A_227 = arith.bitcast %or3A_226 : i32 to f32
      %ge3A = arith.constant 1.33333337 : f32
      %ge3A_228 = arith.cmpf oge, %bitcast_convert_type3A_227, %ge3A : f32
      %mul3A_229 = arith.constant 5.000000e-01 : f32
      %mul3A_230 = arith.mulf %bitcast_convert_type3A_227, %mul3A_229 : f32
      %select_n3A = arith.select %ge3A_228, %mul3A_230, %bitcast_convert_type3A_227 : f32
      %convert_element_type3A = arith.extui %ge3A_228 : i1 to i32
      %add3A_231 = arith.addi %sub3A_224, %convert_element_type3A : i32
      %convert_element_type3A_232 = arith.sitofp %add3A_231 : i32 to f32
      %sub3A_233 = arith.constant 1.000000e+00 : f32
      %sub3A_234 = arith.subf %select_n3A, %sub3A_233 : f32
      %mul3A_235 = arith.constant 2.000000e-01 : f32
      %mul3A_236 = arith.mulf %mul3A_235, %sub3A_234 : f32
      %sub3A_237 = arith.constant 2.500000e-01 : f32
      %sub3A_238 = arith.subf %mul3A_236, %sub3A_237 : f32
      %mul3A_239 = arith.mulf %sub3A_238, %sub3A_234 : f32
      %sub3A_240 = arith.constant -0.333333343 : f32
      %sub3A_241 = arith.subf %mul3A_239, %sub3A_240 : f32
      %mul3A_242 = arith.mulf %sub3A_241, %sub3A_234 : f32
      %sub3A_243 = arith.constant 5.000000e-01 : f32
      %sub3A_244 = arith.subf %mul3A_242, %sub3A_243 : f32
      %mul3A_245 = arith.mulf %sub3A_244, %sub3A_234 : f32
      %add3A_246 = arith.constant 1.000000e+00 : f32
      %add3A_247 = arith.addf %mul3A_245, %add3A_246 : f32
      %mul3A_248 = arith.mulf %add3A_247, %sub3A_234 : f32
      %mul3A_249 = arith.constant 0.693147182 : f32
      %mul3A_250 = arith.mulf %convert_element_type3A_232, %mul3A_249 : f32
      %add3A_251 = arith.addf %mul3A_250, %mul3A_248 : f32
      %neg3A = arith.constant 0.000000e+00 : f32
      %neg3A_252 = arith.subf %neg3A, %add3A_251 : f32
      %broadcast_in_dim3A = vector.broadcast %neg3A_252 : f32 to vector<16xf32>
      %swap3A = arith.index_cast %add3A_182 : i32 to index
      %swap3A_253 = arith.constant 0 : index
      %swap3A_254 = tpu.vector_load %arg6[%swap3A, %swap3A_253] {strides = array<i32>} : memref<512x128xf32, #tpu.memory_space<vmem>>, vector<16xf32>,
      tpu.vector_store %arg6[%swap3A, %swap3A_253], %broadcast_in_dim3A {add = true, strides = array<i32>} : memref<512x128xf32, #tpu.memory_space<vmem>>, vector<16xf32>,
      %swap3A_255 = arith.index_cast %add3A_182 : i32 to index
      %swap3A_256 = arith.constant 16 : index
      %swap3A_257 = tpu.vector_load %arg6[%swap3A_255, %swap3A_256] {strides = array<i32>} : memref<512x128xf32, #tpu.memory_space<vmem>>, vector<16xf32>,
      tpu.vector_store %arg6[%swap3A_255, %swap3A_256], %broadcast_in_dim3A {add = true, strides = array<i32>} : memref<512x128xf32, #tpu.memory_space<vmem>>, vector<16xf32>,
      %swap3A_258 = arith.index_cast %add3A_182 : i32 to index
      %swap3A_259 = arith.constant 32 : index
      %swap3A_260 = tpu.vector_load %arg6[%swap3A_258, %swap3A_259] {strides = array<i32>} : memref<512x128xf32, #tpu.memory_space<vmem>>, vector<16xf32>,
      tpu.vector_store %arg6[%swap3A_258, %swap3A_259], %broadcast_in_dim3A {add = true, strides = array<i32>} : memref<512x128xf32, #tpu.memory_space<vmem>>, vector<16xf32>,
      %swap3A_261 = arith.index_cast %add3A_182 : i32 to index
      %swap3A_262 = arith.constant 48 : index
      %swap3A_263 = tpu.vector_load %arg6[%swap3A_261, %swap3A_262] {strides = array<i32>} : memref<512x128xf32, #tpu.memory_space<vmem>>, vector<16xf32>,
      tpu.vector_store %arg6[%swap3A_261, %swap3A_262], %broadcast_in_dim3A {add = true, strides = array<i32>} : memref<512x128xf32, #tpu.memory_space<vmem>>, vector<16xf32>,
      %swap3A_264 = arith.index_cast %add3A_182 : i32 to index
      %swap3A_265 = arith.constant 64 : index
      %swap3A_266 = tpu.vector_load %arg6[%swap3A_264, %swap3A_265] {strides = array<i32>} : memref<512x128xf32, #tpu.memory_space<vmem>>, vector<16xf32>,
      tpu.vector_store %arg6[%swap3A_264, %swap3A_265], %broadcast_in_dim3A {add = true, strides = array<i32>} : memref<512x128xf32, #tpu.memory_space<vmem>>, vector<16xf32>,
      %swap3A_267 = arith.index_cast %add3A_182 : i32 to index
      %swap3A_268 = arith.constant 80 : index
      %swap3A_269 = tpu.vector_load %arg6[%swap3A_267, %swap3A_268] {strides = array<i32>} : memref<512x128xf32, #tpu.memory_space<vmem>>, vector<16xf32>,
      tpu.vector_store %arg6[%swap3A_267, %swap3A_268], %broadcast_in_dim3A {add = true, strides = array<i32>} : memref<512x128xf32, #tpu.memory_space<vmem>>, vector<16xf32>,
      %swap3A_270 = arith.index_cast %add3A_182 : i32 to index
      %swap3A_271 = arith.constant 96 : index
      %swap3A_272 = tpu.vector_load %arg6[%swap3A_270, %swap3A_271] {strides = array<i32>} : memref<512x128xf32, #tpu.memory_space<vmem>>, vector<16xf32>,
      tpu.vector_store %arg6[%swap3A_270, %swap3A_271], %broadcast_in_dim3A {add = true, strides = array<i32>} : memref<512x128xf32, #tpu.memory_space<vmem>>, vector<16xf32>,
      %swap3A_273 = arith.index_cast %add3A_182 : i32 to index
      %swap3A_274 = arith.constant 112 : index
      %swap3A_275 = tpu.vector_load %arg6[%swap3A_273, %swap3A_274] {strides = array<i32>} : memref<512x128xf32, #tpu.memory_space<vmem>>, vector<16xf32>,
      tpu.vector_store %arg6[%swap3A_273, %swap3A_274], %broadcast_in_dim3A {add = true, strides = array<i32>} : memref<512x128xf32, #tpu.memory_space<vmem>>, vector<16xf32>,
      %add3A_276 = arith.constant 1 : i32
      %add3A_277 = arith.addi %add3A_180, %add3A_276 : i32
      %get3A_278 = arith.index_cast %add3A_277 : i32 to index
      %get3A_279 = arith.constant 0 : index
      %get3A_280 = tpu.vector_load %arg6[%get3A_278, %get3A_279] {strides = array<i32>} : memref<512x128xf32, #tpu.memory_space<vmem>>, vector<16xf32>,
      %get3A_281 = arith.index_cast %add3A_277 : i32 to index
      %get3A_282 = arith.constant 16 : index
      %get3A_283 = tpu.vector_load %arg6[%get3A_281, %get3A_282] {strides = array<i32>} : memref<512x128xf32, #tpu.memory_space<vmem>>, vector<16xf32>,
      %get3A_284 = arith.index_cast %add3A_277 : i32 to index
      %get3A_285 = arith.constant 32 : index
      %get3A_286 = tpu.vector_load %arg6[%get3A_284, %get3A_285] {strides = array<i32>} : memref<512x128xf32, #tpu.memory_space<vmem>>, vector<16xf32>,
      %get3A_287 = arith.index_cast %add3A_277 : i32 to index
      %get3A_288 = arith.constant 48 : index
      %get3A_289 = tpu.vector_load %arg6[%get3A_287, %get3A_288] {strides = array<i32>} : memref<512x128xf32, #tpu.memory_space<vmem>>, vector<16xf32>,
      %get3A_290 = arith.index_cast %add3A_277 : i32 to index
      %get3A_291 = arith.constant 64 : index
      %get3A_292 = tpu.vector_load %arg6[%get3A_290, %get3A_291] {strides = array<i32>} : memref<512x128xf32, #tpu.memory_space<vmem>>, vector<16xf32>,
      %get3A_293 = arith.index_cast %add3A_277 : i32 to index
      %get3A_294 = arith.constant 80 : index
      %get3A_295 = tpu.vector_load %arg6[%get3A_293, %get3A_294] {strides = array<i32>} : memref<512x128xf32, #tpu.memory_space<vmem>>, vector<16xf32>,
      %get3A_296 = arith.index_cast %add3A_277 : i32 to index
      %get3A_297 = arith.constant 96 : index
      %get3A_298 = tpu.vector_load %arg6[%get3A_296, %get3A_297] {strides = array<i32>} : memref<512x128xf32, #tpu.memory_space<vmem>>, vector<16xf32>,
      %get3A_299 = arith.index_cast %add3A_277 : i32 to index
      %get3A_300 = arith.constant 112 : index
      %get3A_301 = tpu.vector_load %arg6[%get3A_299, %get3A_300] {strides = array<i32>} : memref<512x128xf32, #tpu.memory_space<vmem>>, vector<16xf32>,
      %exp3A_302 = math.exp %get3A_280 : vector<16xf32>
      %exp3A_303 = math.exp %get3A_283 : vector<16xf32>
      %exp3A_304 = math.exp %get3A_286 : vector<16xf32>
      %exp3A_305 = math.exp %get3A_289 : vector<16xf32>
      %exp3A_306 = math.exp %get3A_292 : vector<16xf32>
      %exp3A_307 = math.exp %get3A_295 : vector<16xf32>
      %exp3A_308 = math.exp %get3A_298 : vector<16xf32>
      %exp3A_309 = math.exp %get3A_301 : vector<16xf32>
      %add3A_310 = arith.addf %exp3A_302, %exp3A_303 : vector<16xf32>
      %add3A_311 = arith.addf %exp3A_304, %exp3A_305 : vector<16xf32>
      %add3A_312 = arith.addf %exp3A_306, %exp3A_307 : vector<16xf32>
      %add3A_313 = arith.addf %exp3A_308, %exp3A_309 : vector<16xf32>
      %add3A_314 = arith.addf %add3A_310, %add3A_311 : vector<16xf32>
      %add3A_315 = arith.addf %add3A_312, %add3A_313 : vector<16xf32>
      %add3A_316 = arith.addf %add3A_314, %add3A_315 : vector<16xf32>
      %reduce_sum3A_317 = arith.constant true
      %reduce_sum3A_318 = vector.broadcast %reduce_sum3A_317 : i1 to vector<16xi1>
      %reduce_sum3A_319 = tpu.scan <sum>, %add3A_316 masked %reduce_sum3A_318 : vector<16xf32>, vector<16xi1> -> vector<16xf32>
      %reduce_sum3A_320 = vector.extract %reduce_sum3A_319[15] : f32 from vector<16xf32>
      %bitcast_convert_type3A_321 = arith.bitcast %reduce_sum3A_320 : f32 to i32
      %shift_right_arithmetic3A_322 = arith.constant 23 : i32
      %shift_right_arithmetic3A_323 = arith.shrsi %bitcast_convert_type3A_321, %shift_right_arithmetic3A_322 : i32
      %sub3A_324 = arith.constant 127 : i32
      %sub3A_325 = arith.subi %shift_right_arithmetic3A_323, %sub3A_324 : i32
      %and3A_326 = arith.constant 8388607 : i32
      %and3A_327 = arith.andi %bitcast_convert_type3A_321, %and3A_326 : i32
      %or3A_328 = arith.constant 1065353216 : i32
      %or3A_329 = arith.ori %and3A_327, %or3A_328 : i32
      %bitcast_convert_type3A_330 = arith.bitcast %or3A_329 : i32 to f32
      %ge3A_331 = arith.constant 1.33333337 : f32
      %ge3A_332 = arith.cmpf oge, %bitcast_convert_type3A_330, %ge3A_331 : f32
      %mul3A_333 = arith.constant 5.000000e-01 : f32
      %mul3A_334 = arith.mulf %bitcast_convert_type3A_330, %mul3A_333 : f32
      %select_n3A_335 = arith.select %ge3A_332, %mul3A_334, %bitcast_convert_type3A_330 : f32
      %convert_element_type3A_336 = arith.extui %ge3A_332 : i1 to i32
      %add3A_337 = arith.addi %sub3A_325, %convert_element_type3A_336 : i32
      %convert_element_type3A_338 = arith.sitofp %add3A_337 : i32 to f32
      %sub3A_339 = arith.constant 1.000000e+00 : f32
      %sub3A_340 = arith.subf %select_n3A_335, %sub3A_339 : f32
      %mul3A_341 = arith.constant 2.000000e-01 : f32
      %mul3A_342 = arith.mulf %mul3A_341, %sub3A_340 : f32
      %sub3A_343 = arith.constant 2.500000e-01 : f32
      %sub3A_344 = arith.subf %mul3A_342, %sub3A_343 : f32
      %mul3A_345 = arith.mulf %sub3A_344, %sub3A_340 : f32
      %sub3A_346 = arith.constant -0.333333343 : f32
      %sub3A_347 = arith.subf %mul3A_345, %sub3A_346 : f32
      %mul3A_348 = arith.mulf %sub3A_347, %sub3A_340 : f32
      %sub3A_349 = arith.constant 5.000000e-01 : f32
      %sub3A_350 = arith.subf %mul3A_348, %sub3A_349 : f32
      %mul3A_351 = arith.mulf %sub3A_350, %sub3A_340 : f32
      %add3A_352 = arith.constant 1.000000e+00 : f32
      %add3A_353 = arith.addf %mul3A_351, %add3A_352 : f32
      %mul3A_354 = arith.mulf %add3A_353, %sub3A_340 : f32
      %mul3A_355 = arith.constant 0.693147182 : f32
      %mul3A_356 = arith.mulf %convert_element_type3A_338, %mul3A_355 : f32
      %add3A_357 = arith.addf %mul3A_356, %mul3A_354 : f32
      %neg3A_358 = arith.constant 0.000000e+00 : f32
      %neg3A_359 = arith.subf %neg3A_358, %add3A_357 : f32
      %broadcast_in_dim3A_360 = vector.broadcast %neg3A_359 : f32 to vector<16xf32>
      %swap3A_361 = arith.index_cast %add3A_277 : i32 to index
      %swap3A_362 = arith.constant 0 : index
      %swap3A_363 = tpu.vector_load %arg6[%swap3A_361, %swap3A_362] {strides = array<i32>} : memref<512x128xf32, #tpu.memory_space<vmem>>, vector<16xf32>,
      tpu.vector_store %arg6[%swap3A_361, %swap3A_362], %broadcast_in_dim3A_360 {add = true, strides = array<i32>} : memref<512x128xf32, #tpu.memory_space<vmem>>, vector<16xf32>,
      %swap3A_364 = arith.index_cast %add3A_277 : i32 to index
      %swap3A_365 = arith.constant 16 : index
      %swap3A_366 = tpu.vector_load %arg6[%swap3A_364, %swap3A_365] {strides = array<i32>} : memref<512x128xf32, #tpu.memory_space<vmem>>, vector<16xf32>,
      tpu.vector_store %arg6[%swap3A_364, %swap3A_365], %broadcast_in_dim3A_360 {add = true, strides = array<i32>} : memref<512x128xf32, #tpu.memory_space<vmem>>, vector<16xf32>,
      %swap3A_367 = arith.index_cast %add3A_277 : i32 to index
      %swap3A_368 = arith.constant 32 : index
      %swap3A_369 = tpu.vector_load %arg6[%swap3A_367, %swap3A_368] {strides = array<i32>} : memref<512x128xf32, #tpu.memory_space<vmem>>, vector<16xf32>,
      tpu.vector_store %arg6[%swap3A_367, %swap3A_368], %broadcast_in_dim3A_360 {add = true, strides = array<i32>} : memref<512x128xf32, #tpu.memory_space<vmem>>, vector<16xf32>,
      %swap3A_370 = arith.index_cast %add3A_277 : i32 to index
      %swap3A_371 = arith.constant 48 : index
      %swap3A_372 = tpu.vector_load %arg6[%swap3A_370, %swap3A_371] {strides = array<i32>} : memref<512x128xf32, #tpu.memory_space<vmem>>, vector<16xf32>,
      tpu.vector_store %arg6[%swap3A_370, %swap3A_371], %broadcast_in_dim3A_360 {add = true, strides = array<i32>} : memref<512x128xf32, #tpu.memory_space<vmem>>, vector<16xf32>,
      %swap3A_373 = arith.index_cast %add3A_277 : i32 to index
      %swap3A_374 = arith.constant 64 : index
      %swap3A_375 = tpu.vector_load %arg6[%swap3A_373, %swap3A_374] {strides = array<i32>} : memref<512x128xf32, #tpu.memory_space<vmem>>, vector<16xf32>,
      tpu.vector_store %arg6[%swap3A_373, %swap3A_374], %broadcast_in_dim3A_360 {add = true, strides = array<i32>} : memref<512x128xf32, #tpu.memory_space<vmem>>, vector<16xf32>,
      %swap3A_376 = arith.index_cast %add3A_277 : i32 to index
      %swap3A_377 = arith.constant 80 : index
      %swap3A_378 = tpu.vector_load %arg6[%swap3A_376, %swap3A_377] {strides = array<i32>} : memref<512x128xf32, #tpu.memory_space<vmem>>, vector<16xf32>,
      tpu.vector_store %arg6[%swap3A_376, %swap3A_377], %broadcast_in_dim3A_360 {add = true, strides = array<i32>} : memref<512x128xf32, #tpu.memory_space<vmem>>, vector<16xf32>,
      %swap3A_379 = arith.index_cast %add3A_277 : i32 to index
      %swap3A_380 = arith.constant 96 : index
      %swap3A_381 = tpu.vector_load %arg6[%swap3A_379, %swap3A_380] {strides = array<i32>} : memref<512x128xf32, #tpu.memory_space<vmem>>, vector<16xf32>,
      tpu.vector_store %arg6[%swap3A_379, %swap3A_380], %broadcast_in_dim3A_360 {add = true, strides = array<i32>} : memref<512x128xf32, #tpu.memory_space<vmem>>, vector<16xf32>,
      %swap3A_382 = arith.index_cast %add3A_277 : i32 to index
      %swap3A_383 = arith.constant 112 : index
      %swap3A_384 = tpu.vector_load %arg6[%swap3A_382, %swap3A_383] {strides = array<i32>} : memref<512x128xf32, #tpu.memory_space<vmem>>, vector<16xf32>,
      tpu.vector_store %arg6[%swap3A_382, %swap3A_383], %broadcast_in_dim3A_360 {add = true, strides = array<i32>} : memref<512x128xf32, #tpu.memory_space<vmem>>, vector<16xf32>,
      %add3A_385 = arith.constant 2 : i32
      %add3A_386 = arith.addi %add3A_180, %add3A_385 : i32
      %get3A_387 = arith.index_cast %add3A_386 : i32 to index
      %get3A_388 = arith.constant 0 : index
      %get3A_389 = tpu.vector_load %arg6[%get3A_387, %get3A_388] {strides = array<i32>} : memref<512x128xf32, #tpu.memory_space<vmem>>, vector<16xf32>,
      %get3A_390 = arith.index_cast %add3A_386 : i32 to index
      %get3A_391 = arith.constant 16 : index
      %get3A_392 = tpu.vector_load %arg6[%get3A_390, %get3A_391] {strides = array<i32>} : memref<512x128xf32, #tpu.memory_space<vmem>>, vector<16xf32>,
      %get3A_393 = arith.index_cast %add3A_386 : i32 to index
      %get3A_394 = arith.constant 32 : index
      %get3A_395 = tpu.vector_load %arg6[%get3A_393, %get3A_394] {strides = array<i32>} : memref<512x128xf32, #tpu.memory_space<vmem>>, vector<16xf32>,
      %get3A_396 = arith.index_cast %add3A_386 : i32 to index
      %get3A_397 = arith.constant 48 : index
      %get3A_398 = tpu.vector_load %arg6[%get3A_396, %get3A_397] {strides = array<i32>} : memref<512x128xf32, #tpu.memory_space<vmem>>, vector<16xf32>,
      %get3A_399 = arith.index_cast %add3A_386 : i32 to index
      %get3A_400 = arith.constant 64 : index
      %get3A_401 = tpu.vector_load %arg6[%get3A_399, %get3A_400] {strides = array<i32>} : memref<512x128xf32, #tpu.memory_space<vmem>>, vector<16xf32>,
      %get3A_402 = arith.index_cast %add3A_386 : i32 to index
      %get3A_403 = arith.constant 80 : index
      %get3A_404 = tpu.vector_load %arg6[%get3A_402, %get3A_403] {strides = array<i32>} : memref<512x128xf32, #tpu.memory_space<vmem>>, vector<16xf32>,
      %get3A_405 = arith.index_cast %add3A_386 : i32 to index
      %get3A_406 = arith.constant 96 : index
      %get3A_407 = tpu.vector_load %arg6[%get3A_405, %get3A_406] {strides = array<i32>} : memref<512x128xf32, #tpu.memory_space<vmem>>, vector<16xf32>,
      %get3A_408 = arith.index_cast %add3A_386 : i32 to index
      %get3A_409 = arith.constant 112 : index
      %get3A_410 = tpu.vector_load %arg6[%get3A_408, %get3A_409] {strides = array<i32>} : memref<512x128xf32, #tpu.memory_space<vmem>>, vector<16xf32>,
      %exp3A_411 = math.exp %get3A_389 : vector<16xf32>
      %exp3A_412 = math.exp %get3A_392 : vector<16xf32>
      %exp3A_413 = math.exp %get3A_395 : vector<16xf32>
      %exp3A_414 = math.exp %get3A_398 : vector<16xf32>
      %exp3A_415 = math.exp %get3A_401 : vector<16xf32>
      %exp3A_416 = math.exp %get3A_404 : vector<16xf32>
      %exp3A_417 = math.exp %get3A_407 : vector<16xf32>
      %exp3A_418 = math.exp %get3A_410 : vector<16xf32>
      %add3A_419 = arith.addf %exp3A_411, %exp3A_412 : vector<16xf32>
      %add3A_420 = arith.addf %exp3A_413, %exp3A_414 : vector<16xf32>
      %add3A_421 = arith.addf %exp3A_415, %exp3A_416 : vector<16xf32>
      %add3A_422 = arith.addf %exp3A_417, %exp3A_418 : vector<16xf32>
      %add3A_423 = arith.addf %add3A_419, %add3A_420 : vector<16xf32>
      %add3A_424 = arith.addf %add3A_421, %add3A_422 : vector<16xf32>
      %add3A_425 = arith.addf %add3A_423, %add3A_424 : vector<16xf32>
      %reduce_sum3A_426 = arith.constant true
      %reduce_sum3A_427 = vector.broadcast %reduce_sum3A_426 : i1 to vector<16xi1>
      %reduce_sum3A_428 = tpu.scan <sum>, %add3A_425 masked %reduce_sum3A_427 : vector<16xf32>, vector<16xi1> -> vector<16xf32>
      %reduce_sum3A_429 = vector.extract %reduce_sum3A_428[15] : f32 from vector<16xf32>
      %bitcast_convert_type3A_430 = arith.bitcast %reduce_sum3A_429 : f32 to i32
      %shift_right_arithmetic3A_431 = arith.constant 23 : i32
      %shift_right_arithmetic3A_432 = arith.shrsi %bitcast_convert_type3A_430, %shift_right_arithmetic3A_431 : i32
      %sub3A_433 = arith.constant 127 : i32
      %sub3A_434 = arith.subi %shift_right_arithmetic3A_432, %sub3A_433 : i32
      %and3A_435 = arith.constant 8388607 : i32
      %and3A_436 = arith.andi %bitcast_convert_type3A_430, %and3A_435 : i32
      %or3A_437 = arith.constant 1065353216 : i32
      %or3A_438 = arith.ori %and3A_436, %or3A_437 : i32
      %bitcast_convert_type3A_439 = arith.bitcast %or3A_438 : i32 to f32
      %ge3A_440 = arith.constant 1.33333337 : f32
      %ge3A_441 = arith.cmpf oge, %bitcast_convert_type3A_439, %ge3A_440 : f32
      %mul3A_442 = arith.constant 5.000000e-01 : f32
      %mul3A_443 = arith.mulf %bitcast_convert_type3A_439, %mul3A_442 : f32
      %select_n3A_444 = arith.select %ge3A_441, %mul3A_443, %bitcast_convert_type3A_439 : f32
      %convert_element_type3A_445 = arith.extui %ge3A_441 : i1 to i32
      %add3A_446 = arith.addi %sub3A_434, %convert_element_type3A_445 : i32
      %convert_element_type3A_447 = arith.sitofp %add3A_446 : i32 to f32
      %sub3A_448 = arith.constant 1.000000e+00 : f32
      %sub3A_449 = arith.subf %select_n3A_444, %sub3A_448 : f32
      %mul3A_450 = arith.constant 2.000000e-01 : f32
      %mul3A_451 = arith.mulf %mul3A_450, %sub3A_449 : f32
      %sub3A_452 = arith.constant 2.500000e-01 : f32
      %sub3A_453 = arith.subf %mul3A_451, %sub3A_452 : f32
      %mul3A_454 = arith.mulf %sub3A_453, %sub3A_449 : f32
      %sub3A_455 = arith.constant -0.333333343 : f32
      %sub3A_456 = arith.subf %mul3A_454, %sub3A_455 : f32
      %mul3A_457 = arith.mulf %sub3A_456, %sub3A_449 : f32
      %sub3A_458 = arith.constant 5.000000e-01 : f32
      %sub3A_459 = arith.subf %mul3A_457, %sub3A_458 : f32
      %mul3A_460 = arith.mulf %sub3A_459, %sub3A_449 : f32
      %add3A_461 = arith.constant 1.000000e+00 : f32
      %add3A_462 = arith.addf %mul3A_460, %add3A_461 : f32
      %mul3A_463 = arith.mulf %add3A_462, %sub3A_449 : f32
      %mul3A_464 = arith.constant 0.693147182 : f32
      %mul3A_465 = arith.mulf %convert_element_type3A_447, %mul3A_464 : f32
      %add3A_466 = arith.addf %mul3A_465, %mul3A_463 : f32
      %neg3A_467 = arith.constant 0.000000e+00 : f32
      %neg3A_468 = arith.subf %neg3A_467, %add3A_466 : f32
      %broadcast_in_dim3A_469 = vector.broadcast %neg3A_468 : f32 to vector<16xf32>
      %swap3A_470 = arith.index_cast %add3A_386 : i32 to index
      %swap3A_471 = arith.constant 0 : index
      %swap3A_472 = tpu.vector_load %arg6[%swap3A_470, %swap3A_471] {strides = array<i32>} : memref<512x128xf32, #tpu.memory_space<vmem>>, vector<16xf32>,
      tpu.vector_store %arg6[%swap3A_470, %swap3A_471], %broadcast_in_dim3A_469 {add = true, strides = array<i32>} : memref<512x128xf32, #tpu.memory_space<vmem>>, vector<16xf32>,
      %swap3A_473 = arith.index_cast %add3A_386 : i32 to index
      %swap3A_474 = arith.constant 16 : index
      %swap3A_475 = tpu.vector_load %arg6[%swap3A_473, %swap3A_474] {strides = array<i32>} : memref<512x128xf32, #tpu.memory_space<vmem>>, vector<16xf32>,
      tpu.vector_store %arg6[%swap3A_473, %swap3A_474], %broadcast_in_dim3A_469 {add = true, strides = array<i32>} : memref<512x128xf32, #tpu.memory_space<vmem>>, vector<16xf32>,
      %swap3A_476 = arith.index_cast %add3A_386 : i32 to index
      %swap3A_477 = arith.constant 32 : index
      %swap3A_478 = tpu.vector_load %arg6[%swap3A_476, %swap3A_477] {strides = array<i32>} : memref<512x128xf32, #tpu.memory_space<vmem>>, vector<16xf32>,
      tpu.vector_store %arg6[%swap3A_476, %swap3A_477], %broadcast_in_dim3A_469 {add = true, strides = array<i32>} : memref<512x128xf32, #tpu.memory_space<vmem>>, vector<16xf32>,
      %swap3A_479 = arith.index_cast %add3A_386 : i32 to index
      %swap3A_480 = arith.constant 48 : index
      %swap3A_481 = tpu.vector_load %arg6[%swap3A_479, %swap3A_480] {strides = array<i32>} : memref<512x128xf32, #tpu.memory_space<vmem>>, vector<16xf32>,
      tpu.vector_store %arg6[%swap3A_479, %swap3A_480], %broadcast_in_dim3A_469 {add = true, strides = array<i32>} : memref<512x128xf32, #tpu.memory_space<vmem>>, vector<16xf32>,
      %swap3A_482 = arith.index_cast %add3A_386 : i32 to index
      %swap3A_483 = arith.constant 64 : index
      %swap3A_484 = tpu.vector_load %arg6[%swap3A_482, %swap3A_483] {strides = array<i32>} : memref<512x128xf32, #tpu.memory_space<vmem>>, vector<16xf32>,
      tpu.vector_store %arg6[%swap3A_482, %swap3A_483], %broadcast_in_dim3A_469 {add = true, strides = array<i32>} : memref<512x128xf32, #tpu.memory_space<vmem>>, vector<16xf32>,
      %swap3A_485 = arith.index_cast %add3A_386 : i32 to index
      %swap3A_486 = arith.constant 80 : index
      %swap3A_487 = tpu.vector_load %arg6[%swap3A_485, %swap3A_486] {strides = array<i32>} : memref<512x128xf32, #tpu.memory_space<vmem>>, vector<16xf32>,
      tpu.vector_store %arg6[%swap3A_485, %swap3A_486], %broadcast_in_dim3A_469 {add = true, strides = array<i32>} : memref<512x128xf32, #tpu.memory_space<vmem>>, vector<16xf32>,
      %swap3A_488 = arith.index_cast %add3A_386 : i32 to index
      %swap3A_489 = arith.constant 96 : index
      %swap3A_490 = tpu.vector_load %arg6[%swap3A_488, %swap3A_489] {strides = array<i32>} : memref<512x128xf32, #tpu.memory_space<vmem>>, vector<16xf32>,
      tpu.vector_store %arg6[%swap3A_488, %swap3A_489], %broadcast_in_dim3A_469 {add = true, strides = array<i32>} : memref<512x128xf32, #tpu.memory_space<vmem>>, vector<16xf32>,
      %swap3A_491 = arith.index_cast %add3A_386 : i32 to index
      %swap3A_492 = arith.constant 112 : index
      %swap3A_493 = tpu.vector_load %arg6[%swap3A_491, %swap3A_492] {strides = array<i32>} : memref<512x128xf32, #tpu.memory_space<vmem>>, vector<16xf32>,
      tpu.vector_store %arg6[%swap3A_491, %swap3A_492], %broadcast_in_dim3A_469 {add = true, strides = array<i32>} : memref<512x128xf32, #tpu.memory_space<vmem>>, vector<16xf32>,
      %add3A_494 = arith.constant 3 : i32
      %add3A_495 = arith.addi %add3A_180, %add3A_494 : i32
      %get3A_496 = arith.index_cast %add3A_495 : i32 to index
      %get3A_497 = arith.constant 0 : index
      %get3A_498 = tpu.vector_load %arg6[%get3A_496, %get3A_497] {strides = array<i32>} : memref<512x128xf32, #tpu.memory_space<vmem>>, vector<16xf32>,
      %get3A_499 = arith.index_cast %add3A_495 : i32 to index
      %get3A_500 = arith.constant 16 : index
      %get3A_501 = tpu.vector_load %arg6[%get3A_499, %get3A_500] {strides = array<i32>} : memref<512x128xf32, #tpu.memory_space<vmem>>, vector<16xf32>,
      %get3A_502 = arith.index_cast %add3A_495 : i32 to index
      %get3A_503 = arith.constant 32 : index
      %get3A_504 = tpu.vector_load %arg6[%get3A_502, %get3A_503] {strides = array<i32>} : memref<512x128xf32, #tpu.memory_space<vmem>>, vector<16xf32>,
      %get3A_505 = arith.index_cast %add3A_495 : i32 to index
      %get3A_506 = arith.constant 48 : index
      %get3A_507 = tpu.vector_load %arg6[%get3A_505, %get3A_506] {strides = array<i32>} : memref<512x128xf32, #tpu.memory_space<vmem>>, vector<16xf32>,
      %get3A_508 = arith.index_cast %add3A_495 : i32 to index
      %get3A_509 = arith.constant 64 : index
      %get3A_510 = tpu.vector_load %arg6[%get3A_508, %get3A_509] {strides = array<i32>} : memref<512x128xf32, #tpu.memory_space<vmem>>, vector<16xf32>,
      %get3A_511 = arith.index_cast %add3A_495 : i32 to index
      %get3A_512 = arith.constant 80 : index
      %get3A_513 = tpu.vector_load %arg6[%get3A_511, %get3A_512] {strides = array<i32>} : memref<512x128xf32, #tpu.memory_space<vmem>>, vector<16xf32>,
      %get3A_514 = arith.index_cast %add3A_495 : i32 to index
      %get3A_515 = arith.constant 96 : index
      %get3A_516 = tpu.vector_load %arg6[%get3A_514, %get3A_515] {strides = array<i32>} : memref<512x128xf32, #tpu.memory_space<vmem>>, vector<16xf32>,
      %get3A_517 = arith.index_cast %add3A_495 : i32 to index
      %get3A_518 = arith.constant 112 : index
      %get3A_519 = tpu.vector_load %arg6[%get3A_517, %get3A_518] {strides = array<i32>} : memref<512x128xf32, #tpu.memory_space<vmem>>, vector<16xf32>,
      %exp3A_520 = math.exp %get3A_498 : vector<16xf32>
      %exp3A_521 = math.exp %get3A_501 : vector<16xf32>
      %exp3A_522 = math.exp %get3A_504 : vector<16xf32>
      %exp3A_523 = math.exp %get3A_507 : vector<16xf32>
      %exp3A_524 = math.exp %get3A_510 : vector<16xf32>
      %exp3A_525 = math.exp %get3A_513 : vector<16xf32>
      %exp3A_526 = math.exp %get3A_516 : vector<16xf32>
      %exp3A_527 = math.exp %get3A_519 : vector<16xf32>
      %add3A_528 = arith.addf %exp3A_520, %exp3A_521 : vector<16xf32>
      %add3A_529 = arith.addf %exp3A_522, %exp3A_523 : vector<16xf32>
      %add3A_530 = arith.addf %exp3A_524, %exp3A_525 : vector<16xf32>
      %add3A_531 = arith.addf %exp3A_526, %exp3A_527 : vector<16xf32>
      %add3A_532 = arith.addf %add3A_528, %add3A_529 : vector<16xf32>
      %add3A_533 = arith.addf %add3A_530, %add3A_531 : vector<16xf32>
      %add3A_534 = arith.addf %add3A_532, %add3A_533 : vector<16xf32>
      %reduce_sum3A_535 = arith.constant true
      %reduce_sum3A_536 = vector.broadcast %reduce_sum3A_535 : i1 to vector<16xi1>
      %reduce_sum3A_537 = tpu.scan <sum>, %add3A_534 masked %reduce_sum3A_536 : vector<16xf32>, vector<16xi1> -> vector<16xf32>
      %reduce_sum3A_538 = vector.extract %reduce_sum3A_537[15] : f32 from vector<16xf32>
      %bitcast_convert_type3A_539 = arith.bitcast %reduce_sum3A_538 : f32 to i32
      %shift_right_arithmetic3A_540 = arith.constant 23 : i32
      %shift_right_arithmetic3A_541 = arith.shrsi %bitcast_convert_type3A_539, %shift_right_arithmetic3A_540 : i32
      %sub3A_542 = arith.constant 127 : i32
      %sub3A_543 = arith.subi %shift_right_arithmetic3A_541, %sub3A_542 : i32
      %and3A_544 = arith.constant 8388607 : i32
      %and3A_545 = arith.andi %bitcast_convert_type3A_539, %and3A_544 : i32
      %or3A_546 = arith.constant 1065353216 : i32
      %or3A_547 = arith.ori %and3A_545, %or3A_546 : i32
      %bitcast_convert_type3A_548 = arith.bitcast %or3A_547 : i32 to f32
      %ge3A_549 = arith.constant 1.33333337 : f32
      %ge3A_550 = arith.cmpf oge, %bitcast_convert_type3A_548, %ge3A_549 : f32
      %mul3A_551 = arith.constant 5.000000e-01 : f32
      %mul3A_552 = arith.mulf %bitcast_convert_type3A_548, %mul3A_551 : f32
      %select_n3A_553 = arith.select %ge3A_550, %mul3A_552, %bitcast_convert_type3A_548 : f32
      %convert_element_type3A_554 = arith.extui %ge3A_550 : i1 to i32
      %add3A_555 = arith.addi %sub3A_543, %convert_element_type3A_554 : i32
      %convert_element_type3A_556 = arith.sitofp %add3A_555 : i32 to f32
      %sub3A_557 = arith.constant 1.000000e+00 : f32
      %sub3A_558 = arith.subf %select_n3A_553, %sub3A_557 : f32
      %mul3A_559 = arith.constant 2.000000e-01 : f32
      %mul3A_560 = arith.mulf %mul3A_559, %sub3A_558 : f32
      %sub3A_561 = arith.constant 2.500000e-01 : f32
      %sub3A_562 = arith.subf %mul3A_560, %sub3A_561 : f32
      %mul3A_563 = arith.mulf %sub3A_562, %sub3A_558 : f32
      %sub3A_564 = arith.constant -0.333333343 : f32
      %sub3A_565 = arith.subf %mul3A_563, %sub3A_564 : f32
      %mul3A_566 = arith.mulf %sub3A_565, %sub3A_558 : f32
      %sub3A_567 = arith.constant 5.000000e-01 : f32
      %sub3A_568 = arith.subf %mul3A_566, %sub3A_567 : f32
      %mul3A_569 = arith.mulf %sub3A_568, %sub3A_558 : f32
      %add3A_570 = arith.constant 1.000000e+00 : f32
      %add3A_571 = arith.addf %mul3A_569, %add3A_570 : f32
      %mul3A_572 = arith.mulf %add3A_571, %sub3A_558 : f32
      %mul3A_573 = arith.constant 0.693147182 : f32
      %mul3A_574 = arith.mulf %convert_element_type3A_556, %mul3A_573 : f32
      %add3A_575 = arith.addf %mul3A_574, %mul3A_572 : f32
      %neg3A_576 = arith.constant 0.000000e+00 : f32
      %neg3A_577 = arith.subf %neg3A_576, %add3A_575 : f32
      %broadcast_in_dim3A_578 = vector.broadcast %neg3A_577 : f32 to vector<16xf32>
      %swap3A_579 = arith.index_cast %add3A_495 : i32 to index
      %swap3A_580 = arith.constant 0 : index
      %swap3A_581 = tpu.vector_load %arg6[%swap3A_579, %swap3A_580] {strides = array<i32>} : memref<512x128xf32, #tpu.memory_space<vmem>>, vector<16xf32>,
      tpu.vector_store %arg6[%swap3A_579, %swap3A_580], %broadcast_in_dim3A_578 {add = true, strides = array<i32>} : memref<512x128xf32, #tpu.memory_space<vmem>>, vector<16xf32>,
      %swap3A_582 = arith.index_cast %add3A_495 : i32 to index
      %swap3A_583 = arith.constant 16 : index
      %swap3A_584 = tpu.vector_load %arg6[%swap3A_582, %swap3A_583] {strides = array<i32>} : memref<512x128xf32, #tpu.memory_space<vmem>>, vector<16xf32>,
      tpu.vector_store %arg6[%swap3A_582, %swap3A_583], %broadcast_in_dim3A_578 {add = true, strides = array<i32>} : memref<512x128xf32, #tpu.memory_space<vmem>>, vector<16xf32>,
      %swap3A_585 = arith.index_cast %add3A_495 : i32 to index
      %swap3A_586 = arith.constant 32 : index
      %swap3A_587 = tpu.vector_load %arg6[%swap3A_585, %swap3A_586] {strides = array<i32>} : memref<512x128xf32, #tpu.memory_space<vmem>>, vector<16xf32>,
      tpu.vector_store %arg6[%swap3A_585, %swap3A_586], %broadcast_in_dim3A_578 {add = true, strides = array<i32>} : memref<512x128xf32, #tpu.memory_space<vmem>>, vector<16xf32>,
      %swap3A_588 = arith.index_cast %add3A_495 : i32 to index
      %swap3A_589 = arith.constant 48 : index
      %swap3A_590 = tpu.vector_load %arg6[%swap3A_588, %swap3A_589] {strides = array<i32>} : memref<512x128xf32, #tpu.memory_space<vmem>>, vector<16xf32>,
      tpu.vector_store %arg6[%swap3A_588, %swap3A_589], %broadcast_in_dim3A_578 {add = true, strides = array<i32>} : memref<512x128xf32, #tpu.memory_space<vmem>>, vector<16xf32>,
      %swap3A_591 = arith.index_cast %add3A_495 : i32 to index
      %swap3A_592 = arith.constant 64 : index
      %swap3A_593 = tpu.vector_load %arg6[%swap3A_591, %swap3A_592] {strides = array<i32>} : memref<512x128xf32, #tpu.memory_space<vmem>>, vector<16xf32>,
      tpu.vector_store %arg6[%swap3A_591, %swap3A_592], %broadcast_in_dim3A_578 {add = true, strides = array<i32>} : memref<512x128xf32, #tpu.memory_space<vmem>>, vector<16xf32>,
      %swap3A_594 = arith.index_cast %add3A_495 : i32 to index
      %swap3A_595 = arith.constant 80 : index
      %swap3A_596 = tpu.vector_load %arg6[%swap3A_594, %swap3A_595] {strides = array<i32>} : memref<512x128xf32, #tpu.memory_space<vmem>>, vector<16xf32>,
      tpu.vector_store %arg6[%swap3A_594, %swap3A_595], %broadcast_in_dim3A_578 {add = true, strides = array<i32>} : memref<512x128xf32, #tpu.memory_space<vmem>>, vector<16xf32>,
      %swap3A_597 = arith.index_cast %add3A_495 : i32 to index
      %swap3A_598 = arith.constant 96 : index
      %swap3A_599 = tpu.vector_load %arg6[%swap3A_597, %swap3A_598] {strides = array<i32>} : memref<512x128xf32, #tpu.memory_space<vmem>>, vector<16xf32>,
      tpu.vector_store %arg6[%swap3A_597, %swap3A_598], %broadcast_in_dim3A_578 {add = true, strides = array<i32>} : memref<512x128xf32, #tpu.memory_space<vmem>>, vector<16xf32>,
      %swap3A_600 = arith.index_cast %add3A_495 : i32 to index
      %swap3A_601 = arith.constant 112 : index
      %swap3A_602 = tpu.vector_load %arg6[%swap3A_600, %swap3A_601] {strides = array<i32>} : memref<512x128xf32, #tpu.memory_space<vmem>>, vector<16xf32>,
      tpu.vector_store %arg6[%swap3A_600, %swap3A_601], %broadcast_in_dim3A_578 {add = true, strides = array<i32>} : memref<512x128xf32, #tpu.memory_space<vmem>>, vector<16xf32>,
      %add3A_603 = arith.constant 4 : i32
      %add3A_604 = arith.addi %add3A_180, %add3A_603 : i32
      %get3A_605 = arith.index_cast %add3A_604 : i32 to index
      %get3A_606 = arith.constant 0 : index
      %get3A_607 = tpu.vector_load %arg6[%get3A_605, %get3A_606] {strides = array<i32>} : memref<512x128xf32, #tpu.memory_space<vmem>>, vector<16xf32>,
      %get3A_608 = arith.index_cast %add3A_604 : i32 to index
      %get3A_609 = arith.constant 16 : index
      %get3A_610 = tpu.vector_load %arg6[%get3A_608, %get3A_609] {strides = array<i32>} : memref<512x128xf32, #tpu.memory_space<vmem>>, vector<16xf32>,
      %get3A_611 = arith.index_cast %add3A_604 : i32 to index
      %get3A_612 = arith.constant 32 : index
      %get3A_613 = tpu.vector_load %arg6[%get3A_611, %get3A_612] {strides = array<i32>} : memref<512x128xf32, #tpu.memory_space<vmem>>, vector<16xf32>,
      %get3A_614 = arith.index_cast %add3A_604 : i32 to index
      %get3A_615 = arith.constant 48 : index
      %get3A_616 = tpu.vector_load %arg6[%get3A_614, %get3A_615] {strides = array<i32>} : memref<512x128xf32, #tpu.memory_space<vmem>>, vector<16xf32>,
      %get3A_617 = arith.index_cast %add3A_604 : i32 to index
      %get3A_618 = arith.constant 64 : index
      %get3A_619 = tpu.vector_load %arg6[%get3A_617, %get3A_618] {strides = array<i32>} : memref<512x128xf32, #tpu.memory_space<vmem>>, vector<16xf32>,
      %get3A_620 = arith.index_cast %add3A_604 : i32 to index
      %get3A_621 = arith.constant 80 : index
      %get3A_622 = tpu.vector_load %arg6[%get3A_620, %get3A_621] {strides = array<i32>} : memref<512x128xf32, #tpu.memory_space<vmem>>, vector<16xf32>,
      %get3A_623 = arith.index_cast %add3A_604 : i32 to index
      %get3A_624 = arith.constant 96 : index
      %get3A_625 = tpu.vector_load %arg6[%get3A_623, %get3A_624] {strides = array<i32>} : memref<512x128xf32, #tpu.memory_space<vmem>>, vector<16xf32>,
      %get3A_626 = arith.index_cast %add3A_604 : i32 to index
      %get3A_627 = arith.constant 112 : index
      %get3A_628 = tpu.vector_load %arg6[%get3A_626, %get3A_627] {strides = array<i32>} : memref<512x128xf32, #tpu.memory_space<vmem>>, vector<16xf32>,
      %exp3A_629 = math.exp %get3A_607 : vector<16xf32>
      %exp3A_630 = math.exp %get3A_610 : vector<16xf32>
      %exp3A_631 = math.exp %get3A_613 : vector<16xf32>
      %exp3A_632 = math.exp %get3A_616 : vector<16xf32>
      %exp3A_633 = math.exp %get3A_619 : vector<16xf32>
      %exp3A_634 = math.exp %get3A_622 : vector<16xf32>
      %exp3A_635 = math.exp %get3A_625 : vector<16xf32>
      %exp3A_636 = math.exp %get3A_628 : vector<16xf32>
      %add3A_637 = arith.addf %exp3A_629, %exp3A_630 : vector<16xf32>
      %add3A_638 = arith.addf %exp3A_631, %exp3A_632 : vector<16xf32>
      %add3A_639 = arith.addf %exp3A_633, %exp3A_634 : vector<16xf32>
      %add3A_640 = arith.addf %exp3A_635, %exp3A_636 : vector<16xf32>
      %add3A_641 = arith.addf %add3A_637, %add3A_638 : vector<16xf32>
      %add3A_642 = arith.addf %add3A_639, %add3A_640 : vector<16xf32>
      %add3A_643 = arith.addf %add3A_641, %add3A_642 : vector<16xf32>
      %reduce_sum3A_644 = arith.constant true
      %reduce_sum3A_645 = vector.broadcast %reduce_sum3A_644 : i1 to vector<16xi1>
      %reduce_sum3A_646 = tpu.scan <sum>, %add3A_643 masked %reduce_sum3A_645 : vector<16xf32>, vector<16xi1> -> vector<16xf32>
      %reduce_sum3A_647 = vector.extract %reduce_sum3A_646[15] : f32 from vector<16xf32>
      %bitcast_convert_type3A_648 = arith.bitcast %reduce_sum3A_647 : f32 to i32
      %shift_right_arithmetic3A_649 = arith.constant 23 : i32
      %shift_right_arithmetic3A_650 = arith.shrsi %bitcast_convert_type3A_648, %shift_right_arithmetic3A_649 : i32
      %sub3A_651 = arith.constant 127 : i32
      %sub3A_652 = arith.subi %shift_right_arithmetic3A_650, %sub3A_651 : i32
      %and3A_653 = arith.constant 8388607 : i32
      %and3A_654 = arith.andi %bitcast_convert_type3A_648, %and3A_653 : i32
      %or3A_655 = arith.constant 1065353216 : i32
      %or3A_656 = arith.ori %and3A_654, %or3A_655 : i32
      %bitcast_convert_type3A_657 = arith.bitcast %or3A_656 : i32 to f32
      %ge3A_658 = arith.constant 1.33333337 : f32
      %ge3A_659 = arith.cmpf oge, %bitcast_convert_type3A_657, %ge3A_658 : f32
      %mul3A_660 = arith.constant 5.000000e-01 : f32
      %mul3A_661 = arith.mulf %bitcast_convert_type3A_657, %mul3A_660 : f32
      %select_n3A_662 = arith.select %ge3A_659, %mul3A_661, %bitcast_convert_type3A_657 : f32
      %convert_element_type3A_663 = arith.extui %ge3A_659 : i1 to i32
      %add3A_664 = arith.addi %sub3A_652, %convert_element_type3A_663 : i32
      %convert_element_type3A_665 = arith.sitofp %add3A_664 : i32 to f32
      %sub3A_666 = arith.constant 1.000000e+00 : f32
      %sub3A_667 = arith.subf %select_n3A_662, %sub3A_666 : f32
      %mul3A_668 = arith.constant 2.000000e-01 : f32
      %mul3A_669 = arith.mulf %mul3A_668, %sub3A_667 : f32
      %sub3A_670 = arith.constant 2.500000e-01 : f32
      %sub3A_671 = arith.subf %mul3A_669, %sub3A_670 : f32
      %mul3A_672 = arith.mulf %sub3A_671, %sub3A_667 : f32
      %sub3A_673 = arith.constant -0.333333343 : f32
      %sub3A_674 = arith.subf %mul3A_672, %sub3A_673 : f32
      %mul3A_675 = arith.mulf %sub3A_674, %sub3A_667 : f32
      %sub3A_676 = arith.constant 5.000000e-01 : f32
      %sub3A_677 = arith.subf %mul3A_675, %sub3A_676 : f32
      %mul3A_678 = arith.mulf %sub3A_677, %sub3A_667 : f32
      %add3A_679 = arith.constant 1.000000e+00 : f32
      %add3A_680 = arith.addf %mul3A_678, %add3A_679 : f32
      %mul3A_681 = arith.mulf %add3A_680, %sub3A_667 : f32
      %mul3A_682 = arith.constant 0.693147182 : f32
      %mul3A_683 = arith.mulf %convert_element_type3A_665, %mul3A_682 : f32
      %add3A_684 = arith.addf %mul3A_683, %mul3A_681 : f32
      %neg3A_685 = arith.constant 0.000000e+00 : f32
      %neg3A_686 = arith.subf %neg3A_685, %add3A_684 : f32
      %broadcast_in_dim3A_687 = vector.broadcast %neg3A_686 : f32 to vector<16xf32>
      %swap3A_688 = arith.index_cast %add3A_604 : i32 to index
      %swap3A_689 = arith.constant 0 : index
      %swap3A_690 = tpu.vector_load %arg6[%swap3A_688, %swap3A_689] {strides = array<i32>} : memref<512x128xf32, #tpu.memory_space<vmem>>, vector<16xf32>,
      tpu.vector_store %arg6[%swap3A_688, %swap3A_689], %broadcast_in_dim3A_687 {add = true, strides = array<i32>} : memref<512x128xf32, #tpu.memory_space<vmem>>, vector<16xf32>,
      %swap3A_691 = arith.index_cast %add3A_604 : i32 to index
      %swap3A_692 = arith.constant 16 : index
      %swap3A_693 = tpu.vector_load %arg6[%swap3A_691, %swap3A_692] {strides = array<i32>} : memref<512x128xf32, #tpu.memory_space<vmem>>, vector<16xf32>,
      tpu.vector_store %arg6[%swap3A_691, %swap3A_692], %broadcast_in_dim3A_687 {add = true, strides = array<i32>} : memref<512x128xf32, #tpu.memory_space<vmem>>, vector<16xf32>,
      %swap3A_694 = arith.index_cast %add3A_604 : i32 to index
      %swap3A_695 = arith.constant 32 : index
      %swap3A_696 = tpu.vector_load %arg6[%swap3A_694, %swap3A_695] {strides = array<i32>} : memref<512x128xf32, #tpu.memory_space<vmem>>, vector<16xf32>,
      tpu.vector_store %arg6[%swap3A_694, %swap3A_695], %broadcast_in_dim3A_687 {add = true, strides = array<i32>} : memref<512x128xf32, #tpu.memory_space<vmem>>, vector<16xf32>,
      %swap3A_697 = arith.index_cast %add3A_604 : i32 to index
      %swap3A_698 = arith.constant 48 : index
      %swap3A_699 = tpu.vector_load %arg6[%swap3A_697, %swap3A_698] {strides = array<i32>} : memref<512x128xf32, #tpu.memory_space<vmem>>, vector<16xf32>,
      tpu.vector_store %arg6[%swap3A_697, %swap3A_698], %broadcast_in_dim3A_687 {add = true, strides = array<i32>} : memref<512x128xf32, #tpu.memory_space<vmem>>, vector<16xf32>,
      %swap3A_700 = arith.index_cast %add3A_604 : i32 to index
      %swap3A_701 = arith.constant 64 : index
      %swap3A_702 = tpu.vector_load %arg6[%swap3A_700, %swap3A_701] {strides = array<i32>} : memref<512x128xf32, #tpu.memory_space<vmem>>, vector<16xf32>,
      tpu.vector_store %arg6[%swap3A_700, %swap3A_701], %broadcast_in_dim3A_687 {add = true, strides = array<i32>} : memref<512x128xf32, #tpu.memory_space<vmem>>, vector<16xf32>,
      %swap3A_703 = arith.index_cast %add3A_604 : i32 to index
      %swap3A_704 = arith.constant 80 : index
      %swap3A_705 = tpu.vector_load %arg6[%swap3A_703, %swap3A_704] {strides = array<i32>} : memref<512x128xf32, #tpu.memory_space<vmem>>, vector<16xf32>,
      tpu.vector_store %arg6[%swap3A_703, %swap3A_704], %broadcast_in_dim3A_687 {add = true, strides = array<i32>} : memref<512x128xf32, #tpu.memory_space<vmem>>, vector<16xf32>,
      %swap3A_706 = arith.index_cast %add3A_604 : i32 to index
      %swap3A_707 = arith.constant 96 : index
      %swap3A_708 = tpu.vector_load %arg6[%swap3A_706, %swap3A_707] {strides = array<i32>} : memref<512x128xf32, #tpu.memory_space<vmem>>, vector<16xf32>,
      tpu.vector_store %arg6[%swap3A_706, %swap3A_707], %broadcast_in_dim3A_687 {add = true, strides = array<i32>} : memref<512x128xf32, #tpu.memory_space<vmem>>, vector<16xf32>,
      %swap3A_709 = arith.index_cast %add3A_604 : i32 to index
      %swap3A_710 = arith.constant 112 : index
      %swap3A_711 = tpu.vector_load %arg6[%swap3A_709, %swap3A_710] {strides = array<i32>} : memref<512x128xf32, #tpu.memory_space<vmem>>, vector<16xf32>,
      tpu.vector_store %arg6[%swap3A_709, %swap3A_710], %broadcast_in_dim3A_687 {add = true, strides = array<i32>} : memref<512x128xf32, #tpu.memory_space<vmem>>, vector<16xf32>,
      %add3A_712 = arith.constant 5 : i32
      %add3A_713 = arith.addi %add3A_180, %add3A_712 : i32
      %get3A_714 = arith.index_cast %add3A_713 : i32 to index
      %get3A_715 = arith.constant 0 : index
      %get3A_716 = tpu.vector_load %arg6[%get3A_714, %get3A_715] {strides = array<i32>} : memref<512x128xf32, #tpu.memory_space<vmem>>, vector<16xf32>,
      %get3A_717 = arith.index_cast %add3A_713 : i32 to index
      %get3A_718 = arith.constant 16 : index
      %get3A_719 = tpu.vector_load %arg6[%get3A_717, %get3A_718] {strides = array<i32>} : memref<512x128xf32, #tpu.memory_space<vmem>>, vector<16xf32>,
      %get3A_720 = arith.index_cast %add3A_713 : i32 to index
      %get3A_721 = arith.constant 32 : index
      %get3A_722 = tpu.vector_load %arg6[%get3A_720, %get3A_721] {strides = array<i32>} : memref<512x128xf32, #tpu.memory_space<vmem>>, vector<16xf32>,
      %get3A_723 = arith.index_cast %add3A_713 : i32 to index
      %get3A_724 = arith.constant 48 : index
      %get3A_725 = tpu.vector_load %arg6[%get3A_723, %get3A_724] {strides = array<i32>} : memref<512x128xf32, #tpu.memory_space<vmem>>, vector<16xf32>,
      %get3A_726 = arith.index_cast %add3A_713 : i32 to index
      %get3A_727 = arith.constant 64 : index
      %get3A_728 = tpu.vector_load %arg6[%get3A_726, %get3A_727] {strides = array<i32>} : memref<512x128xf32, #tpu.memory_space<vmem>>, vector<16xf32>,
      %get3A_729 = arith.index_cast %add3A_713 : i32 to index
      %get3A_730 = arith.constant 80 : index
      %get3A_731 = tpu.vector_load %arg6[%get3A_729, %get3A_730] {strides = array<i32>} : memref<512x128xf32, #tpu.memory_space<vmem>>, vector<16xf32>,
      %get3A_732 = arith.index_cast %add3A_713 : i32 to index
      %get3A_733 = arith.constant 96 : index
      %get3A_734 = tpu.vector_load %arg6[%get3A_732, %get3A_733] {strides = array<i32>} : memref<512x128xf32, #tpu.memory_space<vmem>>, vector<16xf32>,
      %get3A_735 = arith.index_cast %add3A_713 : i32 to index
      %get3A_736 = arith.constant 112 : index
      %get3A_737 = tpu.vector_load %arg6[%get3A_735, %get3A_736] {strides = array<i32>} : memref<512x128xf32, #tpu.memory_space<vmem>>, vector<16xf32>,
      %exp3A_738 = math.exp %get3A_716 : vector<16xf32>
      %exp3A_739 = math.exp %get3A_719 : vector<16xf32>
      %exp3A_740 = math.exp %get3A_722 : vector<16xf32>
      %exp3A_741 = math.exp %get3A_725 : vector<16xf32>
      %exp3A_742 = math.exp %get3A_728 : vector<16xf32>
      %exp3A_743 = math.exp %get3A_731 : vector<16xf32>
      %exp3A_744 = math.exp %get3A_734 : vector<16xf32>
      %exp3A_745 = math.exp %get3A_737 : vector<16xf32>
      %add3A_746 = arith.addf %exp3A_738, %exp3A_739 : vector<16xf32>
      %add3A_747 = arith.addf %exp3A_740, %exp3A_741 : vector<16xf32>
      %add3A_748 = arith.addf %exp3A_742, %exp3A_743 : vector<16xf32>
      %add3A_749 = arith.addf %exp3A_744, %exp3A_745 : vector<16xf32>
      %add3A_750 = arith.addf %add3A_746, %add3A_747 : vector<16xf32>
      %add3A_751 = arith.addf %add3A_748, %add3A_749 : vector<16xf32>
      %add3A_752 = arith.addf %add3A_750, %add3A_751 : vector<16xf32>
      %reduce_sum3A_753 = arith.constant true
      %reduce_sum3A_754 = vector.broadcast %reduce_sum3A_753 : i1 to vector<16xi1>
      %reduce_sum3A_755 = tpu.scan <sum>, %add3A_752 masked %reduce_sum3A_754 : vector<16xf32>, vector<16xi1> -> vector<16xf32>
      %reduce_sum3A_756 = vector.extract %reduce_sum3A_755[15] : f32 from vector<16xf32>
      %bitcast_convert_type3A_757 = arith.bitcast %reduce_sum3A_756 : f32 to i32
      %shift_right_arithmetic3A_758 = arith.constant 23 : i32
      %shift_right_arithmetic3A_759 = arith.shrsi %bitcast_convert_type3A_757, %shift_right_arithmetic3A_758 : i32
      %sub3A_760 = arith.constant 127 : i32
      %sub3A_761 = arith.subi %shift_right_arithmetic3A_759, %sub3A_760 : i32
      %and3A_762 = arith.constant 8388607 : i32
      %and3A_763 = arith.andi %bitcast_convert_type3A_757, %and3A_762 : i32
      %or3A_764 = arith.constant 1065353216 : i32
      %or3A_765 = arith.ori %and3A_763, %or3A_764 : i32
      %bitcast_convert_type3A_766 = arith.bitcast %or3A_765 : i32 to f32
      %ge3A_767 = arith.constant 1.33333337 : f32
      %ge3A_768 = arith.cmpf oge, %bitcast_convert_type3A_766, %ge3A_767 : f32
      %mul3A_769 = arith.constant 5.000000e-01 : f32
      %mul3A_770 = arith.mulf %bitcast_convert_type3A_766, %mul3A_769 : f32
      %select_n3A_771 = arith.select %ge3A_768, %mul3A_770, %bitcast_convert_type3A_766 : f32
      %convert_element_type3A_772 = arith.extui %ge3A_768 : i1 to i32
      %add3A_773 = arith.addi %sub3A_761, %convert_element_type3A_772 : i32
      %convert_element_type3A_774 = arith.sitofp %add3A_773 : i32 to f32
      %sub3A_775 = arith.constant 1.000000e+00 : f32
      %sub3A_776 = arith.subf %select_n3A_771, %sub3A_775 : f32
      %mul3A_777 = arith.constant 2.000000e-01 : f32
      %mul3A_778 = arith.mulf %mul3A_777, %sub3A_776 : f32
      %sub3A_779 = arith.constant 2.500000e-01 : f32
      %sub3A_780 = arith.subf %mul3A_778, %sub3A_779 : f32
      %mul3A_781 = arith.mulf %sub3A_780, %sub3A_776 : f32
      %sub3A_782 = arith.constant -0.333333343 : f32
      %sub3A_783 = arith.subf %mul3A_781, %sub3A_782 : f32
      %mul3A_784 = arith.mulf %sub3A_783, %sub3A_776 : f32
      %sub3A_785 = arith.constant 5.000000e-01 : f32
      %sub3A_786 = arith.subf %mul3A_784, %sub3A_785 : f32
      %mul3A_787 = arith.mulf %sub3A_786, %sub3A_776 : f32
      %add3A_788 = arith.constant 1.000000e+00 : f32
      %add3A_789 = arith.addf %mul3A_787, %add3A_788 : f32
      %mul3A_790 = arith.mulf %add3A_789, %sub3A_776 : f32
      %mul3A_791 = arith.constant 0.693147182 : f32
      %mul3A_792 = arith.mulf %convert_element_type3A_774, %mul3A_791 : f32
      %add3A_793 = arith.addf %mul3A_792, %mul3A_790 : f32
      %neg3A_794 = arith.constant 0.000000e+00 : f32
      %neg3A_795 = arith.subf %neg3A_794, %add3A_793 : f32
      %broadcast_in_dim3A_796 = vector.broadcast %neg3A_795 : f32 to vector<16xf32>
      %swap3A_797 = arith.index_cast %add3A_713 : i32 to index
      %swap3A_798 = arith.constant 0 : index
      %swap3A_799 = tpu.vector_load %arg6[%swap3A_797, %swap3A_798] {strides = array<i32>} : memref<512x128xf32, #tpu.memory_space<vmem>>, vector<16xf32>,
      tpu.vector_store %arg6[%swap3A_797, %swap3A_798], %broadcast_in_dim3A_796 {add = true, strides = array<i32>} : memref<512x128xf32, #tpu.memory_space<vmem>>, vector<16xf32>,
      %swap3A_800 = arith.index_cast %add3A_713 : i32 to index
      %swap3A_801 = arith.constant 16 : index
      %swap3A_802 = tpu.vector_load %arg6[%swap3A_800, %swap3A_801] {strides = array<i32>} : memref<512x128xf32, #tpu.memory_space<vmem>>, vector<16xf32>,
      tpu.vector_store %arg6[%swap3A_800, %swap3A_801], %broadcast_in_dim3A_796 {add = true, strides = array<i32>} : memref<512x128xf32, #tpu.memory_space<vmem>>, vector<16xf32>,
      %swap3A_803 = arith.index_cast %add3A_713 : i32 to index
      %swap3A_804 = arith.constant 32 : index
      %swap3A_805 = tpu.vector_load %arg6[%swap3A_803, %swap3A_804] {strides = array<i32>} : memref<512x128xf32, #tpu.memory_space<vmem>>, vector<16xf32>,
      tpu.vector_store %arg6[%swap3A_803, %swap3A_804], %broadcast_in_dim3A_796 {add = true, strides = array<i32>} : memref<512x128xf32, #tpu.memory_space<vmem>>, vector<16xf32>,
      %swap3A_806 = arith.index_cast %add3A_713 : i32 to index
      %swap3A_807 = arith.constant 48 : index
      %swap3A_808 = tpu.vector_load %arg6[%swap3A_806, %swap3A_807] {strides = array<i32>} : memref<512x128xf32, #tpu.memory_space<vmem>>, vector<16xf32>,
      tpu.vector_store %arg6[%swap3A_806, %swap3A_807], %broadcast_in_dim3A_796 {add = true, strides = array<i32>} : memref<512x128xf32, #tpu.memory_space<vmem>>, vector<16xf32>,
      %swap3A_809 = arith.index_cast %add3A_713 : i32 to index
      %swap3A_810 = arith.constant 64 : index
      %swap3A_811 = tpu.vector_load %arg6[%swap3A_809, %swap3A_810] {strides = array<i32>} : memref<512x128xf32, #tpu.memory_space<vmem>>, vector<16xf32>,
      tpu.vector_store %arg6[%swap3A_809, %swap3A_810], %broadcast_in_dim3A_796 {add = true, strides = array<i32>} : memref<512x128xf32, #tpu.memory_space<vmem>>, vector<16xf32>,
      %swap3A_812 = arith.index_cast %add3A_713 : i32 to index
      %swap3A_813 = arith.constant 80 : index
      %swap3A_814 = tpu.vector_load %arg6[%swap3A_812, %swap3A_813] {strides = array<i32>} : memref<512x128xf32, #tpu.memory_space<vmem>>, vector<16xf32>,
      tpu.vector_store %arg6[%swap3A_812, %swap3A_813], %broadcast_in_dim3A_796 {add = true, strides = array<i32>} : memref<512x128xf32, #tpu.memory_space<vmem>>, vector<16xf32>,
      %swap3A_815 = arith.index_cast %add3A_713 : i32 to index
      %swap3A_816 = arith.constant 96 : index
      %swap3A_817 = tpu.vector_load %arg6[%swap3A_815, %swap3A_816] {strides = array<i32>} : memref<512x128xf32, #tpu.memory_space<vmem>>, vector<16xf32>,
      tpu.vector_store %arg6[%swap3A_815, %swap3A_816], %broadcast_in_dim3A_796 {add = true, strides = array<i32>} : memref<512x128xf32, #tpu.memory_space<vmem>>, vector<16xf32>,
      %swap3A_818 = arith.index_cast %add3A_713 : i32 to index
      %swap3A_819 = arith.constant 112 : index
      %swap3A_820 = tpu.vector_load %arg6[%swap3A_818, %swap3A_819] {strides = array<i32>} : memref<512x128xf32, #tpu.memory_space<vmem>>, vector<16xf32>,
      tpu.vector_store %arg6[%swap3A_818, %swap3A_819], %broadcast_in_dim3A_796 {add = true, strides = array<i32>} : memref<512x128xf32, #tpu.memory_space<vmem>>, vector<16xf32>,
      %add3A_821 = arith.constant 6 : i32
      %add3A_822 = arith.addi %add3A_180, %add3A_821 : i32
      %get3A_823 = arith.index_cast %add3A_822 : i32 to index
      %get3A_824 = arith.constant 0 : index
      %get3A_825 = tpu.vector_load %arg6[%get3A_823, %get3A_824] {strides = array<i32>} : memref<512x128xf32, #tpu.memory_space<vmem>>, vector<16xf32>,
      %get3A_826 = arith.index_cast %add3A_822 : i32 to index
      %get3A_827 = arith.constant 16 : index
      %get3A_828 = tpu.vector_load %arg6[%get3A_826, %get3A_827] {strides = array<i32>} : memref<512x128xf32, #tpu.memory_space<vmem>>, vector<16xf32>,
      %get3A_829 = arith.index_cast %add3A_822 : i32 to index
      %get3A_830 = arith.constant 32 : index
      %get3A_831 = tpu.vector_load %arg6[%get3A_829, %get3A_830] {strides = array<i32>} : memref<512x128xf32, #tpu.memory_space<vmem>>, vector<16xf32>,
      %get3A_832 = arith.index_cast %add3A_822 : i32 to index
      %get3A_833 = arith.constant 48 : index
      %get3A_834 = tpu.vector_load %arg6[%get3A_832, %get3A_833] {strides = array<i32>} : memref<512x128xf32, #tpu.memory_space<vmem>>, vector<16xf32>,
      %get3A_835 = arith.index_cast %add3A_822 : i32 to index
      %get3A_836 = arith.constant 64 : index
      %get3A_837 = tpu.vector_load %arg6[%get3A_835, %get3A_836] {strides = array<i32>} : memref<512x128xf32, #tpu.memory_space<vmem>>, vector<16xf32>,
      %get3A_838 = arith.index_cast %add3A_822 : i32 to index
      %get3A_839 = arith.constant 80 : index
      %get3A_840 = tpu.vector_load %arg6[%get3A_838, %get3A_839] {strides = array<i32>} : memref<512x128xf32, #tpu.memory_space<vmem>>, vector<16xf32>,
      %get3A_841 = arith.index_cast %add3A_822 : i32 to index
      %get3A_842 = arith.constant 96 : index
      %get3A_843 = tpu.vector_load %arg6[%get3A_841, %get3A_842] {strides = array<i32>} : memref<512x128xf32, #tpu.memory_space<vmem>>, vector<16xf32>,
      %get3A_844 = arith.index_cast %add3A_822 : i32 to index
      %get3A_845 = arith.constant 112 : index
      %get3A_846 = tpu.vector_load %arg6[%get3A_844, %get3A_845] {strides = array<i32>} : memref<512x128xf32, #tpu.memory_space<vmem>>, vector<16xf32>,
      %exp3A_847 = math.exp %get3A_825 : vector<16xf32>
      %exp3A_848 = math.exp %get3A_828 : vector<16xf32>
      %exp3A_849 = math.exp %get3A_831 : vector<16xf32>
      %exp3A_850 = math.exp %get3A_834 : vector<16xf32>
      %exp3A_851 = math.exp %get3A_837 : vector<16xf32>
      %exp3A_852 = math.exp %get3A_840 : vector<16xf32>
      %exp3A_853 = math.exp %get3A_843 : vector<16xf32>
      %exp3A_854 = math.exp %get3A_846 : vector<16xf32>
      %add3A_855 = arith.addf %exp3A_847, %exp3A_848 : vector<16xf32>
      %add3A_856 = arith.addf %exp3A_849, %exp3A_850 : vector<16xf32>
      %add3A_857 = arith.addf %exp3A_851, %exp3A_852 : vector<16xf32>
      %add3A_858 = arith.addf %exp3A_853, %exp3A_854 : vector<16xf32>
      %add3A_859 = arith.addf %add3A_855, %add3A_856 : vector<16xf32>
      %add3A_860 = arith.addf %add3A_857, %add3A_858 : vector<16xf32>
      %add3A_861 = arith.addf %add3A_859, %add3A_860 : vector<16xf32>
      %reduce_sum3A_862 = arith.constant true
      %reduce_sum3A_863 = vector.broadcast %reduce_sum3A_862 : i1 to vector<16xi1>
      %reduce_sum3A_864 = tpu.scan <sum>, %add3A_861 masked %reduce_sum3A_863 : vector<16xf32>, vector<16xi1> -> vector<16xf32>
      %reduce_sum3A_865 = vector.extract %reduce_sum3A_864[15] : f32 from vector<16xf32>
      %bitcast_convert_type3A_866 = arith.bitcast %reduce_sum3A_865 : f32 to i32
      %shift_right_arithmetic3A_867 = arith.constant 23 : i32
      %shift_right_arithmetic3A_868 = arith.shrsi %bitcast_convert_type3A_866, %shift_right_arithmetic3A_867 : i32
      %sub3A_869 = arith.constant 127 : i32
      %sub3A_870 = arith.subi %shift_right_arithmetic3A_868, %sub3A_869 : i32
      %and3A_871 = arith.constant 8388607 : i32
      %and3A_872 = arith.andi %bitcast_convert_type3A_866, %and3A_871 : i32
      %or3A_873 = arith.constant 1065353216 : i32
      %or3A_874 = arith.ori %and3A_872, %or3A_873 : i32
      %bitcast_convert_type3A_875 = arith.bitcast %or3A_874 : i32 to f32
      %ge3A_876 = arith.constant 1.33333337 : f32
      %ge3A_877 = arith.cmpf oge, %bitcast_convert_type3A_875, %ge3A_876 : f32
      %mul3A_878 = arith.constant 5.000000e-01 : f32
      %mul3A_879 = arith.mulf %bitcast_convert_type3A_875, %mul3A_878 : f32
      %select_n3A_880 = arith.select %ge3A_877, %mul3A_879, %bitcast_convert_type3A_875 : f32
      %convert_element_type3A_881 = arith.extui %ge3A_877 : i1 to i32
      %add3A_882 = arith.addi %sub3A_870, %convert_element_type3A_881 : i32
      %convert_element_type3A_883 = arith.sitofp %add3A_882 : i32 to f32
      %sub3A_884 = arith.constant 1.000000e+00 : f32
      %sub3A_885 = arith.subf %select_n3A_880, %sub3A_884 : f32
      %mul3A_886 = arith.constant 2.000000e-01 : f32
      %mul3A_887 = arith.mulf %mul3A_886, %sub3A_885 : f32
      %sub3A_888 = arith.constant 2.500000e-01 : f32
      %sub3A_889 = arith.subf %mul3A_887, %sub3A_888 : f32
      %mul3A_890 = arith.mulf %sub3A_889, %sub3A_885 : f32
      %sub3A_891 = arith.constant -0.333333343 : f32
      %sub3A_892 = arith.subf %mul3A_890, %sub3A_891 : f32
      %mul3A_893 = arith.mulf %sub3A_892, %sub3A_885 : f32
      %sub3A_894 = arith.constant 5.000000e-01 : f32
      %sub3A_895 = arith.subf %mul3A_893, %sub3A_894 : f32
      %mul3A_896 = arith.mulf %sub3A_895, %sub3A_885 : f32
      %add3A_897 = arith.constant 1.000000e+00 : f32
      %add3A_898 = arith.addf %mul3A_896, %add3A_897 : f32
      %mul3A_899 = arith.mulf %add3A_898, %sub3A_885 : f32
      %mul3A_900 = arith.constant 0.693147182 : f32
      %mul3A_901 = arith.mulf %convert_element_type3A_883, %mul3A_900 : f32
      %add3A_902 = arith.addf %mul3A_901, %mul3A_899 : f32
      %neg3A_903 = arith.constant 0.000000e+00 : f32
      %neg3A_904 = arith.subf %neg3A_903, %add3A_902 : f32
      %broadcast_in_dim3A_905 = vector.broadcast %neg3A_904 : f32 to vector<16xf32>
      %swap3A_906 = arith.index_cast %add3A_822 : i32 to index
      %swap3A_907 = arith.constant 0 : index
      %swap3A_908 = tpu.vector_load %arg6[%swap3A_906, %swap3A_907] {strides = array<i32>} : memref<512x128xf32, #tpu.memory_space<vmem>>, vector<16xf32>,
      tpu.vector_store %arg6[%swap3A_906, %swap3A_907], %broadcast_in_dim3A_905 {add = true, strides = array<i32>} : memref<512x128xf32, #tpu.memory_space<vmem>>, vector<16xf32>,
      %swap3A_909 = arith.index_cast %add3A_822 : i32 to index
      %swap3A_910 = arith.constant 16 : index
      %swap3A_911 = tpu.vector_load %arg6[%swap3A_909, %swap3A_910] {strides = array<i32>} : memref<512x128xf32, #tpu.memory_space<vmem>>, vector<16xf32>,
      tpu.vector_store %arg6[%swap3A_909, %swap3A_910], %broadcast_in_dim3A_905 {add = true, strides = array<i32>} : memref<512x128xf32, #tpu.memory_space<vmem>>, vector<16xf32>,
      %swap3A_912 = arith.index_cast %add3A_822 : i32 to index
      %swap3A_913 = arith.constant 32 : index
      %swap3A_914 = tpu.vector_load %arg6[%swap3A_912, %swap3A_913] {strides = array<i32>} : memref<512x128xf32, #tpu.memory_space<vmem>>, vector<16xf32>,
      tpu.vector_store %arg6[%swap3A_912, %swap3A_913], %broadcast_in_dim3A_905 {add = true, strides = array<i32>} : memref<512x128xf32, #tpu.memory_space<vmem>>, vector<16xf32>,
      %swap3A_915 = arith.index_cast %add3A_822 : i32 to index
      %swap3A_916 = arith.constant 48 : index
      %swap3A_917 = tpu.vector_load %arg6[%swap3A_915, %swap3A_916] {strides = array<i32>} : memref<512x128xf32, #tpu.memory_space<vmem>>, vector<16xf32>,
      tpu.vector_store %arg6[%swap3A_915, %swap3A_916], %broadcast_in_dim3A_905 {add = true, strides = array<i32>} : memref<512x128xf32, #tpu.memory_space<vmem>>, vector<16xf32>,
      %swap3A_918 = arith.index_cast %add3A_822 : i32 to index
      %swap3A_919 = arith.constant 64 : index
      %swap3A_920 = tpu.vector_load %arg6[%swap3A_918, %swap3A_919] {strides = array<i32>} : memref<512x128xf32, #tpu.memory_space<vmem>>, vector<16xf32>,
      tpu.vector_store %arg6[%swap3A_918, %swap3A_919], %broadcast_in_dim3A_905 {add = true, strides = array<i32>} : memref<512x128xf32, #tpu.memory_space<vmem>>, vector<16xf32>,
      %swap3A_921 = arith.index_cast %add3A_822 : i32 to index
      %swap3A_922 = arith.constant 80 : index
      %swap3A_923 = tpu.vector_load %arg6[%swap3A_921, %swap3A_922] {strides = array<i32>} : memref<512x128xf32, #tpu.memory_space<vmem>>, vector<16xf32>,
      tpu.vector_store %arg6[%swap3A_921, %swap3A_922], %broadcast_in_dim3A_905 {add = true, strides = array<i32>} : memref<512x128xf32, #tpu.memory_space<vmem>>, vector<16xf32>,
      %swap3A_924 = arith.index_cast %add3A_822 : i32 to index
      %swap3A_925 = arith.constant 96 : index
      %swap3A_926 = tpu.vector_load %arg6[%swap3A_924, %swap3A_925] {strides = array<i32>} : memref<512x128xf32, #tpu.memory_space<vmem>>, vector<16xf32>,
      tpu.vector_store %arg6[%swap3A_924, %swap3A_925], %broadcast_in_dim3A_905 {add = true, strides = array<i32>} : memref<512x128xf32, #tpu.memory_space<vmem>>, vector<16xf32>,
      %swap3A_927 = arith.index_cast %add3A_822 : i32 to index
      %swap3A_928 = arith.constant 112 : index
      %swap3A_929 = tpu.vector_load %arg6[%swap3A_927, %swap3A_928] {strides = array<i32>} : memref<512x128xf32, #tpu.memory_space<vmem>>, vector<16xf32>,
      tpu.vector_store %arg6[%swap3A_927, %swap3A_928], %broadcast_in_dim3A_905 {add = true, strides = array<i32>} : memref<512x128xf32, #tpu.memory_space<vmem>>, vector<16xf32>,
      %add3A_930 = arith.constant 7 : i32
      %add3A_931 = arith.addi %add3A_180, %add3A_930 : i32
      %get3A_932 = arith.index_cast %add3A_931 : i32 to index
      %get3A_933 = arith.constant 0 : index
      %get3A_934 = tpu.vector_load %arg6[%get3A_932, %get3A_933] {strides = array<i32>} : memref<512x128xf32, #tpu.memory_space<vmem>>, vector<16xf32>,
      %get3A_935 = arith.index_cast %add3A_931 : i32 to index
      %get3A_936 = arith.constant 16 : index
      %get3A_937 = tpu.vector_load %arg6[%get3A_935, %get3A_936] {strides = array<i32>} : memref<512x128xf32, #tpu.memory_space<vmem>>, vector<16xf32>,
      %get3A_938 = arith.index_cast %add3A_931 : i32 to index
      %get3A_939 = arith.constant 32 : index
      %get3A_940 = tpu.vector_load %arg6[%get3A_938, %get3A_939] {strides = array<i32>} : memref<512x128xf32, #tpu.memory_space<vmem>>, vector<16xf32>,
      %get3A_941 = arith.index_cast %add3A_931 : i32 to index
      %get3A_942 = arith.constant 48 : index
      %get3A_943 = tpu.vector_load %arg6[%get3A_941, %get3A_942] {strides = array<i32>} : memref<512x128xf32, #tpu.memory_space<vmem>>, vector<16xf32>,
      %get3A_944 = arith.index_cast %add3A_931 : i32 to index
      %get3A_945 = arith.constant 64 : index
      %get3A_946 = tpu.vector_load %arg6[%get3A_944, %get3A_945] {strides = array<i32>} : memref<512x128xf32, #tpu.memory_space<vmem>>, vector<16xf32>,
      %get3A_947 = arith.index_cast %add3A_931 : i32 to index
      %get3A_948 = arith.constant 80 : index
      %get3A_949 = tpu.vector_load %arg6[%get3A_947, %get3A_948] {strides = array<i32>} : memref<512x128xf32, #tpu.memory_space<vmem>>, vector<16xf32>,
      %get3A_950 = arith.index_cast %add3A_931 : i32 to index
      %get3A_951 = arith.constant 96 : index
      %get3A_952 = tpu.vector_load %arg6[%get3A_950, %get3A_951] {strides = array<i32>} : memref<512x128xf32, #tpu.memory_space<vmem>>, vector<16xf32>,
      %get3A_953 = arith.index_cast %add3A_931 : i32 to index
      %get3A_954 = arith.constant 112 : index
      %get3A_955 = tpu.vector_load %arg6[%get3A_953, %get3A_954] {strides = array<i32>} : memref<512x128xf32, #tpu.memory_space<vmem>>, vector<16xf32>,
      %exp3A_956 = math.exp %get3A_934 : vector<16xf32>
      %exp3A_957 = math.exp %get3A_937 : vector<16xf32>
      %exp3A_958 = math.exp %get3A_940 : vector<16xf32>
      %exp3A_959 = math.exp %get3A_943 : vector<16xf32>
      %exp3A_960 = math.exp %get3A_946 : vector<16xf32>
      %exp3A_961 = math.exp %get3A_949 : vector<16xf32>
      %exp3A_962 = math.exp %get3A_952 : vector<16xf32>
      %exp3A_963 = math.exp %get3A_955 : vector<16xf32>
      %add3A_964 = arith.addf %exp3A_956, %exp3A_957 : vector<16xf32>
      %add3A_965 = arith.addf %exp3A_958, %exp3A_959 : vector<16xf32>
      %add3A_966 = arith.addf %exp3A_960, %exp3A_961 : vector<16xf32>
      %add3A_967 = arith.addf %exp3A_962, %exp3A_963 : vector<16xf32>
      %add3A_968 = arith.addf %add3A_964, %add3A_965 : vector<16xf32>
      %add3A_969 = arith.addf %add3A_966, %add3A_967 : vector<16xf32>
      %add3A_970 = arith.addf %add3A_968, %add3A_969 : vector<16xf32>
      %reduce_sum3A_971 = arith.constant true
      %reduce_sum3A_972 = vector.broadcast %reduce_sum3A_971 : i1 to vector<16xi1>
      %reduce_sum3A_973 = tpu.scan <sum>, %add3A_970 masked %reduce_sum3A_972 : vector<16xf32>, vector<16xi1> -> vector<16xf32>
      %reduce_sum3A_974 = vector.extract %reduce_sum3A_973[15] : f32 from vector<16xf32>
      %bitcast_convert_type3A_975 = arith.bitcast %reduce_sum3A_974 : f32 to i32
      %shift_right_arithmetic3A_976 = arith.constant 23 : i32
      %shift_right_arithmetic3A_977 = arith.shrsi %bitcast_convert_type3A_975, %shift_right_arithmetic3A_976 : i32
      %sub3A_978 = arith.constant 127 : i32
      %sub3A_979 = arith.subi %shift_right_arithmetic3A_977, %sub3A_978 : i32
      %and3A_980 = arith.constant 8388607 : i32
      %and3A_981 = arith.andi %bitcast_convert_type3A_975, %and3A_980 : i32
      %or3A_982 = arith.constant 1065353216 : i32
      %or3A_983 = arith.ori %and3A_981, %or3A_982 : i32
      %bitcast_convert_type3A_984 = arith.bitcast %or3A_983 : i32 to f32
      %ge3A_985 = arith.constant 1.33333337 : f32
      %ge3A_986 = arith.cmpf oge, %bitcast_convert_type3A_984, %ge3A_985 : f32
      %mul3A_987 = arith.constant 5.000000e-01 : f32
      %mul3A_988 = arith.mulf %bitcast_convert_type3A_984, %mul3A_987 : f32
      %select_n3A_989 = arith.select %ge3A_986, %mul3A_988, %bitcast_convert_type3A_984 : f32
      %convert_element_type3A_990 = arith.extui %ge3A_986 : i1 to i32
      %add3A_991 = arith.addi %sub3A_979, %convert_element_type3A_990 : i32
      %convert_element_type3A_992 = arith.sitofp %add3A_991 : i32 to f32
      %sub3A_993 = arith.constant 1.000000e+00 : f32
      %sub3A_994 = arith.subf %select_n3A_989, %sub3A_993 : f32
      %mul3A_995 = arith.constant 2.000000e-01 : f32
      %mul3A_996 = arith.mulf %mul3A_995, %sub3A_994 : f32
      %sub3A_997 = arith.constant 2.500000e-01 : f32
      %sub3A_998 = arith.subf %mul3A_996, %sub3A_997 : f32
      %mul3A_999 = arith.mulf %sub3A_998, %sub3A_994 : f32
      %sub3A_1000 = arith.constant -0.333333343 : f32
      %sub3A_1001 = arith.subf %mul3A_999, %sub3A_1000 : f32
      %mul3A_1002 = arith.mulf %sub3A_1001, %sub3A_994 : f32
      %sub3A_1003 = arith.constant 5.000000e-01 : f32
      %sub3A_1004 = arith.subf %mul3A_1002, %sub3A_1003 : f32
      %mul3A_1005 = arith.mulf %sub3A_1004, %sub3A_994 : f32
      %add3A_1006 = arith.constant 1.000000e+00 : f32
      %add3A_1007 = arith.addf %mul3A_1005, %add3A_1006 : f32
      %mul3A_1008 = arith.mulf %add3A_1007, %sub3A_994 : f32
      %mul3A_1009 = arith.constant 0.693147182 : f32
      %mul3A_1010 = arith.mulf %convert_element_type3A_992, %mul3A_1009 : f32
      %add3A_1011 = arith.addf %mul3A_1010, %mul3A_1008 : f32
      %neg3A_1012 = arith.constant 0.000000e+00 : f32
      %neg3A_1013 = arith.subf %neg3A_1012, %add3A_1011 : f32
      %broadcast_in_dim3A_1014 = vector.broadcast %neg3A_1013 : f32 to vector<16xf32>
      %swap3A_1015 = arith.index_cast %add3A_931 : i32 to index
      %swap3A_1016 = arith.constant 0 : index
      %swap3A_1017 = tpu.vector_load %arg6[%swap3A_1015, %swap3A_1016] {strides = array<i32>} : memref<512x128xf32, #tpu.memory_space<vmem>>, vector<16xf32>,
      tpu.vector_store %arg6[%swap3A_1015, %swap3A_1016], %broadcast_in_dim3A_1014 {add = true, strides = array<i32>} : memref<512x128xf32, #tpu.memory_space<vmem>>, vector<16xf32>,
      %swap3A_1018 = arith.index_cast %add3A_931 : i32 to index
      %swap3A_1019 = arith.constant 16 : index
      %swap3A_1020 = tpu.vector_load %arg6[%swap3A_1018, %swap3A_1019] {strides = array<i32>} : memref<512x128xf32, #tpu.memory_space<vmem>>, vector<16xf32>,
      tpu.vector_store %arg6[%swap3A_1018, %swap3A_1019], %broadcast_in_dim3A_1014 {add = true, strides = array<i32>} : memref<512x128xf32, #tpu.memory_space<vmem>>, vector<16xf32>,
      %swap3A_1021 = arith.index_cast %add3A_931 : i32 to index
      %swap3A_1022 = arith.constant 32 : index
      %swap3A_1023 = tpu.vector_load %arg6[%swap3A_1021, %swap3A_1022] {strides = array<i32>} : memref<512x128xf32, #tpu.memory_space<vmem>>, vector<16xf32>,
      tpu.vector_store %arg6[%swap3A_1021, %swap3A_1022], %broadcast_in_dim3A_1014 {add = true, strides = array<i32>} : memref<512x128xf32, #tpu.memory_space<vmem>>, vector<16xf32>,
      %swap3A_1024 = arith.index_cast %add3A_931 : i32 to index
      %swap3A_1025 = arith.constant 48 : index
      %swap3A_1026 = tpu.vector_load %arg6[%swap3A_1024, %swap3A_1025] {strides = array<i32>} : memref<512x128xf32, #tpu.memory_space<vmem>>, vector<16xf32>,
      tpu.vector_store %arg6[%swap3A_1024, %swap3A_1025], %broadcast_in_dim3A_1014 {add = true, strides = array<i32>} : memref<512x128xf32, #tpu.memory_space<vmem>>, vector<16xf32>,
      %swap3A_1027 = arith.index_cast %add3A_931 : i32 to index
      %swap3A_1028 = arith.constant 64 : index
      %swap3A_1029 = tpu.vector_load %arg6[%swap3A_1027, %swap3A_1028] {strides = array<i32>} : memref<512x128xf32, #tpu.memory_space<vmem>>, vector<16xf32>,
      tpu.vector_store %arg6[%swap3A_1027, %swap3A_1028], %broadcast_in_dim3A_1014 {add = true, strides = array<i32>} : memref<512x128xf32, #tpu.memory_space<vmem>>, vector<16xf32>,
      %swap3A_1030 = arith.index_cast %add3A_931 : i32 to index
      %swap3A_1031 = arith.constant 80 : index
      %swap3A_1032 = tpu.vector_load %arg6[%swap3A_1030, %swap3A_1031] {strides = array<i32>} : memref<512x128xf32, #tpu.memory_space<vmem>>, vector<16xf32>,
      tpu.vector_store %arg6[%swap3A_1030, %swap3A_1031], %broadcast_in_dim3A_1014 {add = true, strides = array<i32>} : memref<512x128xf32, #tpu.memory_space<vmem>>, vector<16xf32>,
      %swap3A_1033 = arith.index_cast %add3A_931 : i32 to index
      %swap3A_1034 = arith.constant 96 : index
      %swap3A_1035 = tpu.vector_load %arg6[%swap3A_1033, %swap3A_1034] {strides = array<i32>} : memref<512x128xf32, #tpu.memory_space<vmem>>, vector<16xf32>,
      tpu.vector_store %arg6[%swap3A_1033, %swap3A_1034], %broadcast_in_dim3A_1014 {add = true, strides = array<i32>} : memref<512x128xf32, #tpu.memory_space<vmem>>, vector<16xf32>,
      %swap3A_1036 = arith.index_cast %add3A_931 : i32 to index
      %swap3A_1037 = arith.constant 112 : index
      %swap3A_1038 = tpu.vector_load %arg6[%swap3A_1036, %swap3A_1037] {strides = array<i32>} : memref<512x128xf32, #tpu.memory_space<vmem>>, vector<16xf32>,
      tpu.vector_store %arg6[%swap3A_1036, %swap3A_1037], %broadcast_in_dim3A_1014 {add = true, strides = array<i32>} : memref<512x128xf32, #tpu.memory_space<vmem>>, vector<16xf32>,
    }
    %scan3A_123 = arith.constant 16 : i32
    %add3A_124 = arith.constant 384 : i32
    %add3A_125 = arith.addi %mul3A_2, %add3A_124 : i32
    %dma_start3A_126 = arith.constant 384 : i32
    %dma_start3A_127 = arith.constant 0 : i32
    %dma_start3A_128 = tpu.memref_slice %arg6[%dma_start3A_126, %dma_start3A_127] : memref<512x128xf32, #tpu.memory_space<vmem>> -> memref<128x128xf32, #tpu.memory_space<vmem>>
    %dma_start3A_129 = arith.constant 0 : i32
    %dma_start3A_130 = tpu.memref_slice %arg4[%add3A_125, %dma_start3A_129] : memref<16384x128xf32, #tpu.memory_space<hbm>> -> memref<128x128xf32, #tpu.memory_space<hbm>>
    %dma_start3A_131 = arith.constant 0 : i32
    %dma_start3A_132 = tpu.memref_slice %arg4[%add3A_125, %dma_start3A_131] : memref<16384x128xf32, #tpu.memory_space<hbm>> -> memref<128x128xf32, #tpu.memory_space<hbm>>
    %dma_start3A_133 = arith.constant 384 : i32
    %dma_start3A_134 = arith.constant 0 : i32
    %dma_start3A_135 = tpu.memref_slice %arg6[%dma_start3A_133, %dma_start3A_134] : memref<512x128xf32, #tpu.memory_space<vmem>> -> memref<128x128xf32, #tpu.memory_space<vmem>>
    tpu.enqueue_dma source(%dma_start3A_135 : memref<128x128xf32, #tpu.memory_space<vmem>>) target(%dma_start3A_132 : memref<128x128xf32, #tpu.memory_space<hbm>>) target_semaphore(%arg8 : memref<!tpu.dma_semaphore, #tpu.memory_space<semaphore_mem>>)
    %dma_wait3A_136 = arith.constant 0 : i32
    %dma_wait3A_137 = arith.constant 0 : i32
    %dma_wait3A_138 = tpu.memref_slice %arg6[%dma_wait3A_136, %dma_wait3A_137] : memref<512x128xf32, #tpu.memory_space<vmem>> -> memref<128x128xf32, #tpu.memory_space<vmem>>
    %dma_wait3A_139 = arith.constant 0 : i32
    %dma_wait3A_140 = tpu.memref_slice %arg4[%add3A_47, %dma_wait3A_139] : memref<16384x128xf32, #tpu.memory_space<hbm>> -> memref<128x128xf32, #tpu.memory_space<hbm>>
    %dma_wait3A_141 = arith.constant 0 : i32
    %dma_wait3A_142 = tpu.memref_slice %arg4[%add3A_47, %dma_wait3A_141] : memref<16384x128xf32, #tpu.memory_space<hbm>> -> memref<128x128xf32, #tpu.memory_space<hbm>>
    %dma_wait3A_143 = arith.constant 0 : i32
    %dma_wait3A_144 = arith.constant 0 : i32
    %dma_wait3A_145 = tpu.memref_slice %arg6[%dma_wait3A_143, %dma_wait3A_144] : memref<512x128xf32, #tpu.memory_space<vmem>> -> memref<128x128xf32, #tpu.memory_space<vmem>>
    tpu.wait_dma2 semaphore(%arg8 : memref<!tpu.dma_semaphore, #tpu.memory_space<semaphore_mem>>) src(%dma_wait3A_145 : memref<128x128xf32, #tpu.memory_space<vmem>>) dst(%dma_wait3A_142 : memref<128x128xf32, #tpu.memory_space<hbm>>)
    %dma_wait3A_146 = arith.constant 128 : i32
    %dma_wait3A_147 = arith.constant 0 : i32
    %dma_wait3A_148 = tpu.memref_slice %arg6[%dma_wait3A_146, %dma_wait3A_147] : memref<512x128xf32, #tpu.memory_space<vmem>> -> memref<128x128xf32, #tpu.memory_space<vmem>>
    %dma_wait3A_149 = arith.constant 0 : i32
    %dma_wait3A_150 = tpu.memref_slice %arg4[%add3A_73, %dma_wait3A_149] : memref<16384x128xf32, #tpu.memory_space<hbm>> -> memref<128x128xf32, #tpu.memory_space<hbm>>
    %dma_wait3A_151 = arith.constant 0 : i32
    %dma_wait3A_152 = tpu.memref_slice %arg4[%add3A_73, %dma_wait3A_151] : memref<16384x128xf32, #tpu.memory_space<hbm>> -> memref<128x128xf32, #tpu.memory_space<hbm>>
    %dma_wait3A_153 = arith.constant 128 : i32
    %dma_wait3A_154 = arith.constant 0 : i32
    %dma_wait3A_155 = tpu.memref_slice %arg6[%dma_wait3A_153, %dma_wait3A_154] : memref<512x128xf32, #tpu.memory_space<vmem>> -> memref<128x128xf32, #tpu.memory_space<vmem>>
    tpu.wait_dma2 semaphore(%arg8 : memref<!tpu.dma_semaphore, #tpu.memory_space<semaphore_mem>>) src(%dma_wait3A_155 : memref<128x128xf32, #tpu.memory_space<vmem>>) dst(%dma_wait3A_152 : memref<128x128xf32, #tpu.memory_space<hbm>>)
    %dma_wait3A_156 = arith.constant 256 : i32
    %dma_wait3A_157 = arith.constant 0 : i32
    %dma_wait3A_158 = tpu.memref_slice %arg6[%dma_wait3A_156, %dma_wait3A_157] : memref<512x128xf32, #tpu.memory_space<vmem>> -> memref<128x128xf32, #tpu.memory_space<vmem>>
    %dma_wait3A_159 = arith.constant 0 : i32
    %dma_wait3A_160 = tpu.memref_slice %arg4[%add3A_99, %dma_wait3A_159] : memref<16384x128xf32, #tpu.memory_space<hbm>> -> memref<128x128xf32, #tpu.memory_space<hbm>>
    %dma_wait3A_161 = arith.constant 0 : i32
    %dma_wait3A_162 = tpu.memref_slice %arg4[%add3A_99, %dma_wait3A_161] : memref<16384x128xf32, #tpu.memory_space<hbm>> -> memref<128x128xf32, #tpu.memory_space<hbm>>
    %dma_wait3A_163 = arith.constant 256 : i32
    %dma_wait3A_164 = arith.constant 0 : i32
    %dma_wait3A_165 = tpu.memref_slice %arg6[%dma_wait3A_163, %dma_wait3A_164] : memref<512x128xf32, #tpu.memory_space<vmem>> -> memref<128x128xf32, #tpu.memory_space<vmem>>
    tpu.wait_dma2 semaphore(%arg8 : memref<!tpu.dma_semaphore, #tpu.memory_space<semaphore_mem>>) src(%dma_wait3A_165 : memref<128x128xf32, #tpu.memory_space<vmem>>) dst(%dma_wait3A_162 : memref<128x128xf32, #tpu.memory_space<hbm>>)
    %dma_wait3A_166 = arith.constant 384 : i32
    %dma_wait3A_167 = arith.constant 0 : i32
    %dma_wait3A_168 = tpu.memref_slice %arg6[%dma_wait3A_166, %dma_wait3A_167] : memref<512x128xf32, #tpu.memory_space<vmem>> -> memref<128x128xf32, #tpu.memory_space<vmem>>
    %dma_wait3A_169 = arith.constant 0 : i32
    %dma_wait3A_170 = tpu.memref_slice %arg4[%add3A_125, %dma_wait3A_169] : memref<16384x128xf32, #tpu.memory_space<hbm>> -> memref<128x128xf32, #tpu.memory_space<hbm>>
    %dma_wait3A_171 = arith.constant 0 : i32
    %dma_wait3A_172 = tpu.memref_slice %arg4[%add3A_125, %dma_wait3A_171] : memref<16384x128xf32, #tpu.memory_space<hbm>> -> memref<128x128xf32, #tpu.memory_space<hbm>>
    %dma_wait3A_173 = arith.constant 384 : i32
    %dma_wait3A_174 = arith.constant 0 : i32
    %dma_wait3A_175 = tpu.memref_slice %arg6[%dma_wait3A_173, %dma_wait3A_174] : memref<512x128xf32, #tpu.memory_space<vmem>> -> memref<128x128xf32, #tpu.memory_space<vmem>>
    tpu.wait_dma2 semaphore(%arg8 : memref<!tpu.dma_semaphore, #tpu.memory_space<semaphore_mem>>) src(%dma_wait3A_175 : memref<128x128xf32, #tpu.memory_space<vmem>>) dst(%dma_wait3A_172 : memref<128x128xf32, #tpu.memory_space<hbm>>)
    return
  }
}

</mosaic_0001>

<sc_bundles>
// kernel: kernel.3.cloned.1.call-start
scs
__scs_entry_jumppad:
0x0: {  	(pc) =	sbr.rel $0x88, $3  }
0x1: {  	(tag) =	ssettag $0x0;
	lr =	simm.s32 $0x1  }
0x2: {  	[smem:$0x3F9F] =	sst lr;
	_ =	strace $0xD0000000  }
0x3: {  	_ = 	snop  }
0x4: {  	_ = 	snop  }
0x5: {  	_ = 	snop  }
0x6: {  	_ = 	snop  }
0x7: {  	_ = 	snop  }
__scs_overlays_trampoline_lowered:
0x8: {  	[smem:$0x3FAE] =	sst s0  }
0x9: {  	[smem:$0x3FAF] =	sst s1  }
0xa: {  	[smem:$0x3FB0] =	sst s2  }
0xb: {  	[smem:$0x3FB1] =	sst s3  }
0xc: {  	[smem:$0x3FB2] =	sst s4  }
0xd: {  	[smem:$0x3FB3] =	sst s5  }
0xe: {  	[smem:$0x3FB4] =	sst s6  }
0xf: {  	[smem:$0x3FB5] =	sst s7  }
0x10: {  	[smem:$0x3FB6] =	sst s8  }
0x11: {  	[smem:$0x3FB7] =	sst s9;
	s0 =	simm.s32 @!p0 $0x0  }
0x12: {  	s1 =	sld [smem:$0x3F9D];
	s0 =	simm.s32 @p0 $0x1  }
0x13: {  	[smem:$0x3FB8] =	sst s0;
	s0 =	simm.s32 @!p1 $0x0  }
0x14: {  	s2 =	sld [smem:$0x3F9C];
	s0 =	simm.s32 @p1 $0x1  }
0x15: {  	[smem:$0x3FB9] =	sst s0;
	s0 =	simm.s32 @!p2 $0x0  }
0x16: {  	s3 =	sld [smem:$0x3FDB];
	s0 =	simm.s32 @p2 $0x1  }
0x17: {  	s4 =	simm.s32 $0x1BF5;
	[smem:$0x3FBB] =	sst s0  }
0x18: {  	s0 =	sld [smem:$0x3F9E];
	_ =	swait.ge [sflag:s4], $0x0  }
0x19: {  	s7 =	sld [smem:$0x3F9F]  }
0x1a: {  	s8 =	sadd.s32 $0xFFFFE003, lr  }
0x1b: {  	s9 =	sadd.s32 $0xFFFFFEF7, lr;
	s5 =	simm.s32 $0xFFFFFFFF;
	p2 =	slt.u32 s8, $0xFFFFF086  }
0x1c: {  	p1 =	slt.u32 s9, $0xF7A;
	s5 =	simm.s32 @!p2 $0x0  }
0x1d: {  	s5 =	simm.s32 @p1 $0x1;
	p0 =	seq.s32 s7, s2  }
0x1e: {  	s7 =	smul.u32 @!p0 $0xF7A, s2;
	p2 =	seq.s32 @!p0 s5, $0x0  }
0x1f: {  	s9 =	smul.u32 $0xF7A, s1;
	s8 =	simm.s32 @!p0 $0x1BF5;
	p2 =	por !p2, p0  }
0x20: {  	[sflag:s8] =	ssyncset.s32 @!p0 $0xFFFFF086;
	s6 =	sadd.s32 @!p0 s3, s7;
	s7 =	simm.s32 @!p0 $0x108  }
0x21: {  	s3 =	sadd.s32 s3, s9;
	s6 =	sadd.s32 @!p0 $0x88, s6;
	s7 =	simm.s32 @p2 $0x1082  }
0x22: {  	[simem:s7], [sflag:s8] =	dma.local @!p0 [hbm:s6], $0xF7A  }
0x23: {  	s9 =	sor.u32 $0xD0000000, s2;
	s6 =	simm.s32 $0x108;
	_ =	swait.ge @!p0 [sflag:s8], $0x0  }
0x24: {  	s3 =	sadd.s32 $0x88, s3;
	s6 =	simm.s32 @!p1 $0x1082;
	[sflag:s4] =	ssyncset.s32 $0xFFFFF086  }
0x25: {  	[simem:s6], [sflag:s4] =	dma.local [hbm:s3], $0xF7A  }
0x26: {  	[smem:$0x3F9F] =	sst s1;
	(tag) =	ssettag s2;
	_ =	strace s9  }
0x27: {  	s1 =	sld [smem:$0x3FAF]  }
0x28: {  	s2 =	sld [smem:$0x3FB0]  }
0x29: {  	s4 =	sld [smem:$0x3FB2]  }
0x2a: {  	p0 =	seq.s32 s5, $0x0;
	s5 =	sld [smem:$0x3FB3]  }
0x2b: {  	s6 =	sld [smem:$0x3FB4]  }
0x2c: {  	s7 =	sld [smem:$0x3FB5]  }
0x2d: {  	s3 =	simm.s32 $0x108;
	s8 =	sld [smem:$0x3FB6]  }
0x2e: {  	s3 =	simm.s32 @!p0 $0x1082;
	s9 =	sld [smem:$0x3FB7]  }
0x2f: {  	lr =	sadd.s32 s0, s3;
	s0 =	sld [smem:$0x3FAE]  }
0x30: {  	s3 =	sld [smem:$0x3FB1]  }
0x31: {  	[smem:$0x3FBA] =	sst s10  }
0x32: {  	s10 =	sld [smem:$0x3FB8];
	_ =	sdelay $0x3  }
0x33: {  	p0 =	seq.s32 s10, $0x1;
	s10 =	sld [smem:$0x3FBA];
	_ =	sdelay $0x3  }
0x34: {  	[smem:$0x3FBA] =	sst s10  }
0x35: {  	s10 =	sld [smem:$0x3FB9];
	_ =	sdelay $0x3  }
0x36: {  	p1 =	seq.s32 s10, $0x1;
	s10 =	sld [smem:$0x3FBA];
	_ =	sdelay $0x3  }
0x37: {  	[smem:$0x3FBA] =	sst s10  }
0x38: {  	s10 =	sld [smem:$0x3FBB]  }
0x39: {  	_ = 	snop;
	(pc) =	sbr.ind lr, $3  }
0x3a: {  	_ = 	snop  }
0x3b: {  	_ = 	snop  }
0x3c: {  	p2 =	seq.s32 s10, $0x1;
	s10 =	sld [smem:$0x3FBA]  }
0x3d: {  	_ =	shalt  }
0x3e: {  	_ =	shalt  }
0x3f: {  	_ =	shalt  }
0x40: {  	_ =	shalt  }
0x41: {  	_ =	shalt  }
0x42: {  	_ =	shalt  }
0x43: {  	_ =	shalt  }
0x44: {  	_ =	shalt  }
0x45: {  	_ =	shalt  }
0x46: {  	_ =	shalt  }
0x47: {  	_ =	shalt  }
0x48: {  	_ =	shalt  }
0x49: {  	_ =	shalt  }
0x4a: {  	_ =	shalt  }
0x4b: {  	_ =	shalt  }
0x4c: {  	_ =	shalt  }
0x4d: {  	_ =	shalt  }
0x4e: {  	_ =	shalt  }
0x4f: {  	_ =	shalt  }
0x50: {  	_ =	shalt  }
0x51: {  	_ =	shalt  }
0x52: {  	_ =	shalt  }
0x53: {  	_ =	shalt  }
0x54: {  	_ =	shalt  }
0x55: {  	_ =	shalt  }
0x56: {  	_ =	shalt  }
0x57: {  	_ =	shalt  }
0x58: {  	_ =	shalt  }
0x59: {  	_ =	shalt  }
0x5a: {  	_ =	shalt  }
0x5b: {  	_ =	shalt  }
0x5c: {  	_ =	shalt  }
0x5d: {  	_ =	shalt  }
0x5e: {  	_ =	shalt  }
0x5f: {  	_ =	shalt  }
0x60: {  	_ =	shalt  }
0x61: {  	_ =	shalt  }
0x62: {  	_ =	shalt  }
0x63: {  	_ =	shalt  }
0x64: {  	_ =	shalt  }
0x65: {  	_ =	shalt  }
0x66: {  	_ =	shalt  }
0x67: {  	_ =	shalt  }
0x68: {  	_ =	shalt  }
0x69: {  	_ =	shalt  }
0x6a: {  	_ =	shalt  }
0x6b: {  	_ =	shalt  }
0x6c: {  	_ =	shalt  }
0x6d: {  	_ =	shalt  }
0x6e: {  	_ =	shalt  }
0x6f: {  	_ =	shalt  }
0x70: {  	_ =	shalt  }
0x71: {  	_ =	shalt  }
0x72: {  	_ =	shalt  }
0x73: {  	_ =	shalt  }
0x74: {  	_ =	shalt  }
0x75: {  	_ =	shalt  }
0x76: {  	_ =	shalt  }
0x77: {  	_ =	shalt  }
0x78: {  	_ =	shalt  }
0x79: {  	_ =	shalt  }
0x7a: {  	_ =	shalt  }
0x7b: {  	_ =	shalt  }
0x7c: {  	_ =	shalt  }
0x7d: {  	_ =	shalt  }
0x7e: {  	_ =	shalt  }
0x7f: {  	_ =	shalt  }
0x80: {  	_ =	shalt  }
0x81: {  	_ =	shalt  }
0x82: {  	_ =	shalt  }
0x83: {  	_ =	shalt  }
0x84: {  	_ =	shalt  }
0x85: {  	_ =	shalt  }
0x86: {  	_ =	shalt  }
0x87: {  	_ =	shalt  }
.Lfunc_end0:
.L_simem_size_0:
called_computation_lowered:
.L_overlay_start_0:
0x88: {  	s2 =	sld [smem:$0x3FD9]  }
0x89: {  	s3 =	sld [smem:$0x3FFE];
	_ =	sdelay $0x1  }
0x8a: {  	s1 =	srdreg.scid  }
0x8b: {  	s0 =	sand.u32 $0x1, s1  }
0x8c: {  	s18 =	sshll.u32 s0, $0xA;
	s2 =	sadd.s32 s3, s2  }
0x8d: {  	s2 =	sadd.s32 s2, s18  }
0x8e: {  	[smem:$0x3FC6] =	sst s2  }
0x8f: {  	_ = 	snop  }
0x90: {  	s2 =	sld [smem:$0x3FC9]  }
0x91: {  	s19 =	sld [smem:$0x3FC8]  }
0x92: {  	s4 =	sld [smem:$0x3FD0];
	(tm) =	ssettm $0x1  }
0x93: {  	s5 =	sld [smem:$0x3FFB];
	_ =	sdelay $0x3  }
0x94: {  	_ =	strace s5  }
0x95: {  	s5 =	sld [smem:$0x3FFC];
	_ =	sdelay $0x3  }
0x96: {  	_ =	strace s5  }
0x97: {  	s5 =	sld [smem:$0x3FFD];
	_ =	sdelay $0x3  }
0x98: {  	_ =	strace s5  }
0x99: {  	_ =	strace $0x8FFFFFFF  }
0x9a: {  	s20 =	sld [smem:$0x3FDB];
	_ =	sdelay $0x1  }
0x9b: {  	s6 =	simm.s32 $_scs_section_size  }
0x9c: {  	s7 =	simm.s32 $_size__tile_overlayer_lowered;
	s8 =	simm.s32 $_tile_overlayer_lowered  }
0x9d: {  	s23 =	simm.s32 $0x1BFF;
	s22 =	sshll.u32 s8, $0x1;
	s5 =	sadd.s32 s6, s20  }
0x9e: {  	s9 =	simm.s32 $0x0;
	s21 =	sshll.u32 s7, $0x1;
	s7 =	sadd.s32 s22, s5  }
0x9f: {  	[timem:s9], [sflag:s23] =	dma.local [hbm:s7], s21  }
0xa0: {  	_ =	swait.ge [sflag:s23], s21  }
0xa1: {  	s6 =	ssub.s32 $0x0, s21;
	[sflag:s23] =	ssyncset.done $0x0  }
0xa2: {  	[sflag:s23] =	ssyncadd.s32 s6;
	_ =	sdelay $0x1  }
0xa3: {  	s24 =	simm.s32 $0x1B8B  }
0xa4: {  	_ =	swait.ge [sflag:s24], $0x1  }
0xa5: {  	[sflag:s24] =	ssyncset.done $0x0  }
0xa6: {  	s25 =	simm.s32 $0x1B8E;
	[sflag:s24] =	ssyncadd.s32 $0xFFFFFFFF  }
0xa7: {  	s26 =	simm.s32 $execute0_lowered;
	[smem:$0x3FD2] =	sst s25  }
0xa8: {  	s6 =	sshll.u32 s26, $0x1;
	_ =	strace $0x80000046;
	[dreg:$0x1] =	wrdreg $0xFFFFFFFF  }
0xa9: {  	s28 =	simm.s32 $_size_execute0_lowered;
	s5 =	sadd.s32 s5, s6;
	[dreg:$0x0] =	wrdreg $0x0  }
0xaa: {  	s6 =	sshll.u32 s28, $0x1;
	[dreg:$0x2] =	wrdreg s5  }
0xab: {  	[dreg:$0x3] =	wrdreg s6  }
0xac: {  	[dreg:$0x4] =	wrdreg $0xC0  }
0xad: {  	_ =	task [dreg:s9], $0x5FFFF  }
0xae: {  	[dreg:$0x1] =	wrdreg $0xFFFFFFFF  }
0xaf: {  	[dreg:$0x0] =	wrdreg $0x60  }
0xb0: {  	[dreg:$0x2] =	wrdreg s2  }
0xb1: {  	[dreg:$0x3] =	wrdreg s19  }
0xb2: {  	[dreg:$0x4] =	wrdreg s4  }
0xb3: {  	[dreg:$0x5] =	wrdreg $0x9  }
0xb4: {  	_ =	task.clear_ibuf [dreg:s9], $0x6FFFF;
	_ =	strace $0x90000046  }
0xb5: {  	s29 =	simm.s32 $0x9;
	_ =	strace $0x80000048  }
0xb6: {  	_ =	swait.ge [sflag:s29], $0x1  }
0xb7: {  	[sflag:s29] =	ssyncadd.s32 $0xFFFFFFFF  }
0xb8: {  	_ =	strace $0x90000048  }
0xb9: {  	_ =	sfence  }
0xba: {  	s30 =	sld [smem:$0x0];
	_ =	sdelay $0x2  }
0xbb: {  	s31 =	sshll.u32 s1, $0xD;
	s1 =	sshrl.u32 s1, $0x2  }
0xbc: {  	s3 =	sand.u32 $0x4000, s31;
	s1 =	sadd.s32 s1, s30  }
0xbd: {  	s0 =	sor.u32 s3, s0;
	s1 =	sshll.u32 s1, $0x11  }
0xbe: {  	s0 =	sor.u32 s1, s0  }
0xbf: {  	s0 =	sadd.s32 $0x8F2B, s0  }
0xc0: {  	[sflag:s0] =	ssyncadd.remote.s32 $0x1  }
0xc1: {  	_ =	sfence.sel $0xFFFF  }
0xc2: {  	[dreg:$0x0] =	wrdreg $0xFFFFFFFF;
	(pc) =	sbr.abs _section_cstart, $3  }
0xc3: {  	[dreg:$0x1] =	wrdreg $0xFFFFFFFF  }
0xc4: {  	_ =	task.clear_ibuf [dreg:s9], $0x2FFFF;
	_ =	strace $0x9FFFFFFF  }
0xc5: {  	(tm) =	ssettm $0x7FFFFFFF  }
tec
execute0_lowered:
.L_overlay_start_1:
0x0: {  	(tag) =	ssettag $0x1  }
0x1: {  	s1 =	rddreg [dreg:$0x0]  }
0x2: {  	s5 =	rddreg [dreg:$0x1]  }
0x3: {  	s4 =	rddreg [dreg:$0x2]  }
0x4: {  	s3 =	srdreg.scid;
	s0 =	stileid.u32  }
0x5: {  	s10 =	simm.s32 $0x3;
	s11 =	simm.s32 $0x80;
	s13 =	simm.s32 $0x4200  }
0x6: {  	s15 =	simm.s32 $0x8200;
	s17 =	simm.s32 $0xC200;
	s18 =	simm.s32 $0x1  }
0x7: {  	s19 =	simm.f32 $1.333333370e+00;
	s20 =	simm.s32 $0x2;
	s21 =	simm.s32 $0x0  }
0x8: {  	s6 =	sand.u32 $0x1, s3;
	s3 =	simm.s32 $0x0;
	s7 =	sshll.u32 s0, $0xA  }
0x9: {  	s8 =	sshll.u32 s6, $0x9;
	[smem:$0x7FF] =	sst s3;
	s6 =	ssub.s32 $0x2, s6  }
0xa: {  	s7 =	sor.u32 s8, s7;
	_ =	strace $0x80000047;
	s9 =	sshrl.u32 s6, $0x1  }
0xb: {  	s8 =	sshll.u32 s7, $0x4;
	s7 =	sshrl.u32 s7, $0x3;
	s9 =	ssub.s32 s6, s9  }
0xc: {  	s4 =	sadd.s32 s4, s8;
	s5 =	sadd.s32 s5, s7;
	s9 =	smax.u32 s9, $0x1  }
0xd: {  	s6 =	sadd.s32 $0x800, s4;
	s7 =	sadd.s32 $0x1000, s4;
	s8 =	sadd.s32 $0x1800, s4  }
.LBB2_1:
0xe: {  	[tilespmem:s3], [sflag:$0x3] =	stream.linear.gather [hbm4b:s5+s3], $0x200, $0x38;
	[tilespmem:$0x10200] =	vst v63  }
0xf: {  	_ =	swait.ge [sflag:s10], $0x200  }
0x10: {  	[sflag:s10] =	ssyncset.done $0x0  }
0x11: {  	s0 =	simm.s32 $0x200;
	[sflag:s10] =	ssyncadd.s32 $0xFFFFFE00  }
0x12: {  	[tilespmem:s0], [sflag:$0x1] =	stream.indirect.gather [hbm4b:s1+s11], $0x80, s3, s11, $0xb8;
	[tilespmem:$0x10200] =	vst v63  }
0x13: {  	_ = 	snop  }
0x14: {  	[tilespmem:s13], [sflag:$0x1] =	stream.indirect.gather [hbm4b:s1+s11], $0x80, s11, s11, $0xb8;
	[tilespmem:$0x10200] =	vst v63  }
0x15: {  	s30 =	simm.s32 $0x100  }
0x16: {  	[tilespmem:s15], [sflag:$0x1] =	stream.indirect.gather [hbm4b:s1+s11], $0x80, s30, s11, $0xb8;
	[tilespmem:$0x10200] =	vst v63  }
0x17: {  	s31 =	simm.s32 $0x180  }
0x18: {  	[tilespmem:s17], [sflag:$0x1] =	stream.indirect.gather [hbm4b:s1+s11], $0x80, s31, s11, $0xb8;
	[tilespmem:$0x10200] =	vst v63  }
0x19: {  	_ =	swait.ge [sflag:s18], $0x4000  }
0x1a: {  	[sflag:s18] =	ssyncset.done $0x0  }
0x1b: {  	s22 =	simm.s32 $0x0;
	[sflag:s18] =	ssyncadd.s32 $0xFFFFC000  }
.LBB2_2:
0x1c: {  	s23 =	sshra.s32 s22, $0x2  }
0x1d: {  	v0 =	vld [tilespmem:s23+$0x200]  }
0x1e: {  	v1 =	vld [tilespmem:s23+$0x210]  }
0x1f: {  	v2 =	vld [tilespmem:s23+$0x220]  }
0x20: {  	v3 =	vld [tilespmem:s23+$0x230]  }
0x21: {  	v4 =	vld [tilespmem:s23+$0x240]  }
0x22: {  	v5 =	vld [tilespmem:s23+$0x250]  }
0x23: {  	v6 =	vld [tilespmem:s23+$0x260]  }
0x24: {  	v7 =	vld [tilespmem:s23+$0x270]  }
0x25: {  	v46 =	vld [tilespmem:s23+$0x280];
	v0 =	vmul.f32 $1.442695020e+00, v0;
	v1 =	vmul.f32 $1.442695020e+00, v1  }
0x26: {  	v48 =	vld [tilespmem:s23+$0x290];
	v44 =	vmul.f32 $1.442695020e+00, v2;
	v45 =	vmul.f32 $1.442695020e+00, v3  }
0x27: {  	v50 =	vld [tilespmem:s23+$0x2A0];
	v47 =	vmul.f32 $1.442695020e+00, v4;
	v49 =	vmul.f32 $1.442695020e+00, v5  }
0x28: {  	v52 =	vld [tilespmem:s23+$0x2B0];
	v51 =	vmul.f32 $1.442695020e+00, v6;
	(erf) = vpow2.f32 v0  }
0x29: {  	v54 =	vld [tilespmem:s23+$0x2C0];
	v53 =	vmul.f32 $1.442695020e+00, v7;
	(erf) = vpow2.f32 v1  }
0x2a: {  	v57 =	vld [tilespmem:s23+$0x2F0];
	v2 =	vmul.f32 $1.442695020e+00, v46;
	(erf) = vpow2.f32 v44  }
0x2b: {  	v61 =	vld [tilespmem:s23+$0x300];
	v3 =	vmul.f32 $1.442695020e+00, v48;
	(erf) = vpow2.f32 v45  }
0x2c: {  	v63 =	vld [tilespmem:s23+$0x310];
	v58 =	vmul.f32 $1.442695020e+00, v50;
	(erf) = vpow2.f32 v47  }
0x2d: {  	v19 =	vld [tilespmem:s23+$0x340];
	v60 =	vmul.f32 $1.442695020e+00, v52;
	(erf) = vpow2.f32 v49  }
0x2e: {  	v55 =	vld [tilespmem:s23+$0x2D0];
	v62 =	vmul.f32 $1.442695020e+00, v54;
	(erf) = vpow2.f32 v51  }
0x2f: {  	v56 =	vld [tilespmem:s23+$0x2E0];
	v18 =	vmul.f32 $1.442695020e+00, v57;
	(erf) = vpow2.f32 v53  }
0x30: {  	v24 =	vld [tilespmem:s23+$0x370];
	v5 =	vmul.f32 $1.442695020e+00, v61;
	(erf) = vpow2.f32 v2  }
0x31: {  	v17 =	vld [tilespmem:s23+$0x330];
	v6 =	vmul.f32 $1.442695020e+00, v63;
	v59 =	vpop (erf);
	(erf) = vpow2.f32 v3  }
0x32: {  	v16 =	vld [tilespmem:s23+$0x320];
	v28 =	vmul.f32 $1.442695020e+00, v19;
	v8 =	vpop (erf);
	(erf) = vpow2.f32 v58  }
0x33: {  	v0 =	vmul.f32 $1.442695020e+00, v55;
	v9 =	vpop (erf);
	(erf) = vpow2.f32 v60  }
0x34: {  	v1 =	vmul.f32 $1.442695020e+00, v56;
	v10 =	vpop (erf);
	(erf) = vpow2.f32 v62  }
0x35: {  	v20 =	vld [tilespmem:s23+$0x350];
	v35 =	vmul.f32 $1.442695020e+00, v24;
	v11 =	vpop (erf);
	(erf) = vpow2.f32 v0  }
0x36: {  	v2 =	vmul.f32 $1.442695020e+00, v17;
	v12 =	vpop (erf);
	(erf) = vpow2.f32 v1  }
0x37: {  	v22 =	vld [tilespmem:s23+$0x360];
	v3 =	vmul.f32 $1.442695020e+00, v16;
	v21 =	vpop (erf);
	(erf) = vpow2.f32 v18  }
0x38: {  	v29 =	vld [tilespmem:s23+$0x380];
	v4 =	vadd.f32 v8, v59;
	v9 =	vadd.f32 v10, v9;
	v23 =	vpop (erf);
	(erf) = vpow2.f32 v5  }
0x39: {  	v36 =	vld [tilespmem:s23+$0x3B0];
	v11 =	vadd.f32 v12, v11;
	v25 =	vadd.f32 v23, v21;
	v26 =	vpop (erf);
	(erf) = vpow2.f32 v6  }
0x3a: {  	v33 =	vld [tilespmem:s23+$0x3A0];
	v1 =	vmul.f32 $1.442695020e+00, v20;
	v27 =	vpop (erf);
	(erf) = vpow2.f32 v3  }
0x3b: {  	v31 =	vld [tilespmem:s23+$0x390];
	v4 =	vadd.f32 v9, v4;
	v5 =	vadd.f32 v25, v11;
	v30 =	vpop (erf);
	(erf) = vpow2.f32 v2  }
0x3c: {  	v0 =	vmul.f32 $1.442695020e+00, v22;
	v32 =	vpop (erf);
	(erf) = vpow2.f32 v28  }
0x3d: {  	v38 =	vld [tilespmem:s23+$0x3C0];
	v7 =	vmul.f32 $1.442695020e+00, v29;
	v4 =	vadd.f32 v5, v4;
	v34 =	vpop (erf);
	(erf) = vpow2.f32 v1  }
0x3e: {  	v42 =	vmul.f32 $1.442695020e+00, v36;
	v37 =	vpop (erf);
	(erf) = vpow2.f32 v0  }
0x3f: {  	v3 =	vmul.f32 $1.442695020e+00, v33;
	(xrf2) =	vadd.scan.msk.f32 $0xffff, v4;
	v39 =	vpop (erf);
	(erf) = vpow2.f32 v35  }
0x40: {  	v40 =	vld [tilespmem:s23+$0x3D0];
	v2 =	vmul.f32 $1.442695020e+00, v31;
	v6 =	vadd.f32 v27, v26;
	v44 =	vadd.f32 v32, v30;
	v13 =	vpop (erf)  }
0x41: {  	v46 =	vadd.f32 v37, v34;
	(erf) = vpow2.f32 v7;
	v15 =	vpop (erf);
	v4 =	vadd.f32 v13, v39  }
0x42: {  	v14 =	vld [tilespmem:s23+$0x3E0];
	v0 =	vmul.f32 $1.442695020e+00, v38;
	(erf) = vpow2.f32 v2;
	v41 =	vpop (erf)  }
0x43: {  	v16 =	vld [tilespmem:s23+$0x3F0];
	v52 =	vadd.f32 v44, v6;
	v43 =	vpop (erf);
	(erf) = vpow2.f32 v3;
	v2 =	vadd.f32 v4, v46  }
0x44: {  	v45 =	vpop (erf);
	(erf) = vpow2.f32 v42  }
0x45: {  	v1 =	vmul.f32 $1.442695020e+00, v40;
	v47 =	vpop (erf);
	(erf) = vpow2.f32 v0;
	v0 =	vadd.f32 v2, v52  }
0x46: {  	v54 =	vld [tilespmem:s23+$0x400];
	v49 =	vpop (erf)  }
0x47: {  	v48 =	vmul.f32 $1.442695020e+00, v14;
	v56 =	vld [tilespmem:s23+$0x410];
	(erf) = vpow2.f32 v1;
	v51 =	vpop (erf);
	(xrf2) =	vadd.scan.msk.f32 $0xffff, v0  }
0x48: {  	v58 =	vld [tilespmem:s23+$0x420];
	v50 =	vmul.f32 $1.442695020e+00, v16;
	v7 =	vadd.f32 v41, v15;
	v8 =	vadd.f32 v45, v43;
	v53 =	vpop (erf)  }
0x49: {  	v60 =	vld [tilespmem:s23+$0x430];
	(erf) = vpow2.f32 v48;
	v5 =	vadd.f32 v49, v47;
	v55, _, _ =	vpop (xrf2);
	v3 =	vadd.f32 v53, v51  }
0x4a: {  	v62 =	vld [tilespmem:s23+$0x440];
	(erf) = vpow2.f32 v50;
	(v2sf) =	vpush v55, $0xF  }
0x4b: {  	v18 =	vld [tilespmem:s23+$0x460];
	v1 =	vmul.f32 $1.442695020e+00, v54;
	v7 =	vadd.f32 v8, v7;
	v57 =	vpop (erf);
	v3 =	vadd.f32 v3, v5  }
0x4c: {  	v16 =	vld [tilespmem:s23+$0x450];
	v6 =	vmul.f32 $1.442695020e+00, v56;
	v59 =	vpop (erf)  }
0x4d: {  	v12 =	vmul.f32 $1.442695020e+00, v58;
	v61 =	vpop (erf);
	(erf) = vpow2.f32 v1;
	v3 =	vadd.f32 v3, v7  }
0x4e: {  	v20 =	vld [tilespmem:s23+$0x470];
	v63 =	vpop (erf);
	(erf) = vpow2.f32 v6  }
0x4f: {  	v22 =	vmul.f32 $1.442695020e+00, v60;
	v17 =	vpop (erf);
	(erf) = vpow2.f32 v12;
	(xrf2) =	vadd.scan.msk.f32 $0xffff, v3  }
0x50: {  	v11 =	vmul.f32 $1.442695020e+00, v62;
	v25 =	vld [tilespmem:s23+$0x480];
	v24 =	vmul.f32 $1.442695020e+00, v18;
	v19 =	vpop (erf)  }
0x51: {  	v26 =	vld [tilespmem:s23+$0x490];
	v4 =	vmul.f32 $1.442695020e+00, v16;
	(erf) = vpow2.f32 v22;
	v29, _, _ =	vpop (xrf2)  }
0x52: {  	v27 =	vld [tilespmem:s23+$0x4A0];
	v2 =	vadd.f32 v59, v57;
	v21 =	vpop (erf);
	(erf) = vpow2.f32 v11;
	(v2sf) =	vpush v29, $0xF  }
0x53: {  	v28 =	vld [tilespmem:s23+$0x4B0];
	v1 =	vmul.f32 $1.442695020e+00, v20;
	v0 =	vadd.f32 v63, v61;
	v23 =	vpop (erf);
	(erf) = vpow2.f32 v4  }
0x54: {  	v5 =	vadd.f32 v19, v17;
	v6 =	vadd.f32 v23, v21;
	(erf) = vpow2.f32 v24  }
0x55: {  	v30 =	vld [tilespmem:s23+$0x4C0];
	v33 =	vmul.f32 $1.442695020e+00, v25;
	(erf) = vpow2.f32 v1  }
0x56: {  	v32 =	vld [tilespmem:s23+$0x4D0];
	v0 =	vadd.f32 v0, v2;
	v4 =	vmul.f32 $1.442695020e+00, v26;
	v5 =	vadd.f32 v6, v5;
	v31 =	vpop (erf)  }
0x57: {  	v35 =	vld [tilespmem:s23+$0x4E0];
	v2 =	vmul.f32 $1.442695020e+00, v27;
	(erf) = vpow2.f32 v33;
	v34 =	vpop (erf)  }
0x58: {  	v37 =	vld [tilespmem:s23+$0x4F0];
	v1 =	vmul.f32 $1.442695020e+00, v28;
	v0 =	vadd.f32 v5, v0;
	(erf) = vpow2.f32 v4;
	v36 =	vpop (erf)  }
0x59: {  	(erf) = vpow2.f32 v2;
	v48, _, _ =	vpop (xrf2);
	s25 =	spop (v2sf)  }
0x5a: {  	v40 =	vmul.f32 $1.442695020e+00, v30;
	(xrf2) =	vadd.scan.msk.f32 $0xffff, v0;
	v38 =	vpop (erf);
	(erf) = vpow2.f32 v1;
	s24 =	sand.u32 $0x7FFFFF, s25;
	(v2sf) =	vpush v48, $0xF  }
0x5b: {  	v42 =	vmul.f32 $1.442695020e+00, v32;
	v49 =	vld [tilespmem:s23+$0x500];
	v39 =	vpop (erf);
	s24 =	sor.u32 $0x3F800000, s24  }
0x5c: {  	v44 =	vmul.f32 $1.442695020e+00, v35;
	v51 =	vld [tilespmem:s23+$0x510];
	(erf) = vpow2.f32 v40;
	v41 =	vpop (erf);
	p0 =	sge.f32 s24, s19;
	s26 =	smul.f32 $5.000000000e-01, s24  }
0x5d: {  	v46 =	vmul.f32 $1.442695020e+00, v37;
	v53 =	vld [tilespmem:s23+$0x520];
	(erf) = vpow2.f32 v42;
	v43 =	vpop (erf)  }
0x5e: {  	v55 =	vld [tilespmem:s23+$0x530];
	v0 =	vadd.f32 v34, v31;
	v5 =	vadd.f32 v38, v36;
	(erf) = vpow2.f32 v44;
	v45 =	vpop (erf);
	s24 =	smov.u32 @p0 s26  }
0x5f: {  	v57 =	vld [tilespmem:s23+$0x540];
	v3 =	vadd.f32 v41, v39;
	(erf) = vpow2.f32 v46;
	v47 =	vadd.f32 v45, v43;
	s24 =	sadd.f32 $-1.000000000e+00, s24  }
0x60: {  	v59 =	vld [tilespmem:s23+$0x550];
	v1 =	vmul.f32 $1.442695020e+00, v49;
	v52 =	vpop (erf)  }
0x61: {  	v61 =	vld [tilespmem:s23+$0x560];
	v4 =	vmul.f32 $1.442695020e+00, v51;
	v0 =	vadd.f32 v5, v0;
	v3 =	vadd.f32 v47, v3;
	v54 =	vpop (erf);
	s28 =	spop (v2sf);
	s0 =	smul.f32 $2.000000030e-01, s24  }
0x62: {  	v63 =	vld [tilespmem:s23+$0x570];
	v5 =	vmul.f32 $1.442695020e+00, v53;
	(erf) = vpow2.f32 v1;
	v56 =	vpop (erf);
	s29 =	sand.u32 $0x7FFFFF, s28  }
0x63: {  	v13 =	vmul.f32 $1.442695020e+00, v55;
	(erf) = vpow2.f32 v4;
	v0 =	vadd.f32 v3, v0;
	v58 =	vpop (erf);
	s26 =	sadd.f32 $-2.500000000e-01, s0;
	s29 =	sor.u32 $0x3F800000, s29  }
0x64: {  	(erf) = vpow2.f32 v5;
	v50, _, _ =	vpop (xrf2);
	p2 =	sge.f32 s29, s19;
	s30 =	smul.f32 $5.000000000e-01, s29  }
0x65: {  	v15 =	vmul.f32 $1.442695020e+00, v57;
	(erf) = vpow2.f32 v13;
	v60 =	vpop (erf);
	(xrf2) =	vadd.scan.msk.f32 $0xffff, v0  }
0x66: {  	v17 =	vmul.f32 $1.442695020e+00, v59;
	v21 =	vld [tilespmem:s23+$0x580];
	v18 =	vmul.f32 $1.442695020e+00, v61;
	(v2sf) =	vpush v50, $0xF;
	v62 =	vpop (erf);
	s26 =	smul.f32 s26, s24;
	s29 =	smov.u32 @p2 s30  }
0x67: {  	v23 =	vld [tilespmem:s23+$0x590];
	v1 =	vmul.f32 $1.442695020e+00, v63;
	(erf) = vpow2.f32 v15;
	v12 =	vpop (erf);
	s29 =	sadd.f32 $-1.000000000e+00, s29  }
0x68: {  	v25 =	vld [tilespmem:s23+$0x5A0];
	v2 =	vadd.f32 v54, v52;
	v0 =	vadd.f32 v58, v56;
	(erf) = vpow2.f32 v17;
	v14 =	vpop (erf);
	s2 =	sadd.f32 $3.333333430e-01, s26  }
0x69: {  	v27 =	vld [tilespmem:s23+$0x5B0];
	v3 =	vadd.f32 v62, v60;
	(erf) = vpow2.f32 v18;
	v16 =	vadd.f32 v14, v12;
	s31 =	smul.f32 $2.000000030e-01, s29;
	s26 =	spop (v2sf)  }
0x6a: {  	v29 =	vld [tilespmem:s23+$0x5C0];
	(erf) = vpow2.f32 v1;
	s0 =	sand.u32 $0x7FFFFF, s26  }
0x6b: {  	v33 =	vld [tilespmem:s23+$0x5E0];
	v0 =	vadd.f32 v0, v2;
	v2 =	vmul.f32 $1.442695020e+00, v21;
	v20 =	vpop (erf);
	v3 =	vadd.f32 v16, v3;
	s30 =	smul.f32 s2, s24;
	s31 =	sadd.f32 $-2.500000000e-01, s31;
	s0 =	sor.u32 $0x3F800000, s0  }
0x6c: {  	v31 =	vld [tilespmem:s23+$0x5D0];
	v4 =	vmul.f32 $1.442695020e+00, v23;
	v22 =	vpop (erf);
	p1 =	sge.f32 s0, s19;
	s2 =	smul.f32 $5.000000000e-01, s0  }
0x6d: {  	v35 =	vld [tilespmem:s23+$0x5F0];
	v6 =	vmul.f32 $1.442695020e+00, v25;
	(erf) = vpow2.f32 v2;
	v24 =	vpop (erf);
	v0 =	vadd.f32 v3, v0  }
0x6e: {  	(erf) = vpow2.f32 v4;
	v26 =	vpop (erf);
	s14 =	sadd.f32 $-5.000000000e-01, s30;
	s31 =	smul.f32 s31, s29;
	s0 =	smov.u32 @p1 s2  }
0x6f: {  	v36 =	vmul.f32 $1.442695020e+00, v27;
	(erf) = vpow2.f32 v6;
	v19, _, _ =	vpop (xrf2);
	(xrf2) =	vadd.scan.msk.f32 $0xffff, v0;
	s30 =	sadd.f32 $-1.000000000e+00, s0  }
0x70: {  	v37 =	vmul.f32 $1.442695020e+00, v29;
	v40 =	vmul.f32 $1.442695020e+00, v33;
	v28 =	vpop (erf);
	(v2sf) =	vpush v19, $0xF;
	s2 =	smul.f32 s14, s24;
	s12 =	sadd.f32 $3.333333430e-01, s31  }
0x71: {  	s25 =	sshra.s32 s25, $0x17;
	v39 =	vmul.f32 $1.442695020e+00, v31;
	(erf) = vpow2.f32 v36;
	v30 =	vpop (erf);
	s0 =	simm.s32 $0x1;
	s16 =	smul.f32 $2.000000030e-01, s30  }
0x72: {  	v41 =	vmul.f32 $1.442695020e+00, v35;
	(erf) = vpow2.f32 v37;
	v32 =	vpop (erf);
	s0 =	simm.s32 @!p0 $0x0;
	s2 =	sadd.f32 $1.000000000e+00, s2;
	s14 =	smul.f32 s12, s29  }
0x73: {  	v5 =	vadd.f32 v26, v24;
	(erf) = vpow2.f32 v39;
	v0 =	vadd.f32 v22, v20;
	v34 =	vpop (erf);
	s0 =	sadd.s32 s0, s25;
	s31 =	sadd.f32 $-2.500000000e-01, s16  }
0x74: {  	s28 =	sshra.s32 s28, $0x17;
	v1 =	vadd.f32 v30, v28;
	(erf) = vpow2.f32 v40;
	v3 =	vadd.f32 v34, v32;
	s0 =	sadd.s32 $0xFFFFFF81, s0;
	s14 =	sadd.f32 $-5.000000000e-01, s14  }
0x75: {  	(erf) = vpow2.f32 v41;
	s25 =	spop (v2sf);
	s16 =	simm.s32 $0x1;
	s31 =	smul.f32 s31, s30  }
0x76: {  	v0 =	vadd.f32 v5, v0;
	v42 =	vpop (erf);
	v1 =	vadd.f32 v3, v1;
	s0 =	scvt.s32.f32 s0;
	s16 =	simm.s32 @!p2 $0x0;
	s14 =	smul.f32 s14, s29  }
0x77: {  	v43 =	vpop (erf);
	s2 =	smul.f32 s2, s24;
	s16 =	sadd.s32 s16, s28;
	s31 =	sadd.f32 $3.333333430e-01, s31  }
0x78: {  	v44 =	vpop (erf);
	v0 =	vadd.f32 v1, v0;
	s0 =	smul.f32 $6.931471820e-01, s0;
	s16 =	sadd.s32 $0xFFFFFF81, s16;
	s14 =	sadd.f32 $1.000000000e+00, s14  }
0x79: {  	v38, _, _ =	vpop (xrf2);
	s16 =	scvt.s32.f32 s16;
	s24 =	smul.f32 s31, s30  }
0x7a: {  	v45 =	vpop (erf);
	(xrf2) =	vadd.scan.msk.f32 $0xffff, v0;
	s0 =	sadd.f32 s2, s0;
	(v2sf) =	vpush v38, $0xF;
	s12 =	smul.f32 s14, s29;
	s29 =	sand.u32 $0x7FFFFF, s25  }
0x7b: {  	v46 =	vpop (erf);
	s16 =	smul.f32 $6.931471820e-01, s16;
	s14 =	sor.u32 $0x3F800000, s29;
	s24 =	sadd.f32 $-5.000000000e-01, s24  }
0x7c: {  	v47 =	vpop (erf);
	s29 =	simm.s32 $0x1;
	p2 =	sge.f32 s14, s19;
	s28 =	smul.f32 $5.000000000e-01, s14  }
0x7d: {  	v48 =	vpop (erf);
	s2 =	sadd.f32 s12, s16;
	s29 =	simm.s32 @!p1 $0x0;
	s16 =	sshra.s32 s26, $0x17  }
0x7e: {  	v50 =	vadd.f32 v45, v44;
	v52 =	vadd.f32 v47, v46;
	v49 =	vpop (erf);
	s16 =	sadd.s32 s29, s16;
	s31 =	smul.f32 s24, s30;
	s14 =	smov.u32 @p2 s28  }
0x7f: {  	v0 =	vadd.f32 v43, v42;
	v53 =	vadd.f32 v49, v48;
	s26 =	spop (v2sf);
	s16 =	sadd.s32 $0xFFFFFF81, s16;
	s28 =	sadd.f32 $-1.000000000e+00, s14  }
0x80: {  	s29 =	sand.u32 $0x7FFFFF, s26;
	s16 =	scvt.s32.f32 s16  }
0x81: {  	v0 =	vadd.f32 v50, v0;
	v54 =	vadd.f32 v53, v52;
	s14 =	sadd.f32 $1.000000000e+00, s31;
	s29 =	sor.u32 $0x3F800000, s29;
	s12 =	smul.f32 $2.000000030e-01, s28  }
0x82: {  	p1 =	sge.f32 s29, s19;
	s31 =	smul.f32 $5.000000000e-01, s29  }
0x83: {  	s0 =	ssub.f32 $0.0e+00, s0;
	v0 =	vadd.f32 v54, v0  }
0x84: {  	s16 =	smul.f32 $6.931471820e-01, s16;
	v51, _, _ =	vpop (xrf2);
	s12 =	sadd.f32 $-2.500000000e-01, s12;
	s29 =	smov.u32 @p1 s31  }
0x85: {  	v55 =	vmov s0;
	s14 =	smul.f32 s14, s30;
	(xrf2) =	vadd.scan.msk.f32 $0xffff, v0;
	(v2sf) =	vpush v51, $0xF;
	s30 =	sadd.f32 $-1.000000000e+00, s29  }
0x86: {  	[tilespmem:s23+$0x200] =	vst.add.f32.msk $0xffff, v55;
	s12 =	smul.f32 s12, s28  }
0x87: {  	[tilespmem:s23+$0x210] =	vst.add.f32.msk $0xffff, v55;
	s0 =	sadd.f32 s14, s16;
	s14 =	smul.f32 $2.000000030e-01, s30  }
0x88: {  	[tilespmem:s23+$0x220] =	vst.add.f32.msk $0xffff, v55;
	s12 =	sadd.f32 $3.333333430e-01, s12  }
0x89: {  	[tilespmem:s23+$0x230] =	vst.add.f32.msk $0xffff, v55;
	s24 =	spop (v2sf);
	s14 =	sadd.f32 $-2.500000000e-01, s14  }
0x8a: {  	[tilespmem:s23+$0x240] =	vst.add.f32.msk $0xffff, v55;
	s31 =	sand.u32 $0x7FFFFF, s24;
	s12 =	smul.f32 s12, s28  }
0x8b: {  	[tilespmem:s23+$0x250] =	vst.add.f32.msk $0xffff, v55;
	s2 =	ssub.f32 $0.0e+00, s2;
	s16 =	sor.u32 $0x3F800000, s31;
	s14 =	smul.f32 s14, s30  }
0x8c: {  	[tilespmem:s23+$0x260] =	vst.add.f32.msk $0xffff, v55;
	s31 =	simm.s32 $0x1;
	p0 =	sge.f32 s16, s19;
	s29 =	smul.f32 $5.000000000e-01, s16  }
0x8d: {  	s25 =	sshra.s32 s25, $0x17;
	[tilespmem:s23+$0x270] =	vst.add.f32.msk $0xffff, v55;
	v56 =	vmov s2;
	s31 =	simm.s32 @!p2 $0x0;
	s12 =	sadd.f32 $-5.000000000e-01, s12  }
0x8e: {  	[tilespmem:s23+$0x280] =	vst.add.f32.msk $0xffff, v56;
	s14 =	sadd.f32 $3.333333430e-01, s14;
	s2 =	sadd.s32 s31, s25;
	s16 =	smov.u32 @p0 s29  }
0x8f: {  	[tilespmem:s23+$0x290] =	vst.add.f32.msk $0xffff, v56;
	v57, _, _ =	vpop (xrf2);
	s12 =	smul.f32 s12, s28;
	s2 =	sadd.s32 $0xFFFFFF81, s2;
	s29 =	sadd.f32 $-1.000000000e+00, s16  }
0x90: {  	[tilespmem:s23+$0x2A0] =	vst.add.f32.msk $0xffff, v56;
	(v2sf) =	vpush v57, $0xF;
	s14 =	smul.f32 s14, s30;
	s2 =	scvt.s32.f32 s2  }
0x91: {  	[tilespmem:s23+$0x2B0] =	vst.add.f32.msk $0xffff, v56;
	s12 =	sadd.f32 $1.000000000e+00, s12;
	s16 =	smul.f32 $2.000000030e-01, s29  }
0x92: {  	s26 =	sshra.s32 s26, $0x17;
	[tilespmem:s23+$0x2C0] =	vst.add.f32.msk $0xffff, v56;
	s2 =	smul.f32 $6.931471820e-01, s2  }
0x93: {  	[tilespmem:s23+$0x2D0] =	vst.add.f32.msk $0xffff, v56;
	s0 =	ssub.f32 $0.0e+00, s0;
	s12 =	smul.f32 s12, s28;
	s28 =	simm.s32 $0x1  }
0x94: {  	[tilespmem:s23+$0x2E0] =	vst.add.f32.msk $0xffff, v56;
	s25 =	spop (v2sf);
	s16 =	sadd.f32 $-2.500000000e-01, s16;
	s28 =	simm.s32 @!p1 $0x0  }
0x95: {  	[tilespmem:s23+$0x2F0] =	vst.add.f32.msk $0xffff, v56;
	v58 =	vmov s0;
	s14 =	sadd.f32 $-5.000000000e-01, s14;
	s31 =	sadd.s32 s28, s26;
	s26 =	sand.u32 $0x7FFFFF, s25  }
0x96: {  	[tilespmem:s23+$0x300] =	vst.add.f32.msk $0xffff, v58;
	s0 =	sadd.f32 s12, s2;
	s16 =	smul.f32 s16, s29;
	s12 =	sor.u32 $0x3F800000, s26  }
0x97: {  	[tilespmem:s23+$0x310] =	vst.add.f32.msk $0xffff, v58;
	s14 =	smul.f32 s14, s30;
	p1 =	sge.f32 s12, s19  }
0x98: {  	[tilespmem:s23+$0x320] =	vst.add.f32.msk $0xffff, v58;
	s2 =	sadd.s32 $0xFFFFFF81, s31;
	s26 =	smul.f32 $5.000000000e-01, s12;
	s16 =	sadd.f32 $3.333333430e-01, s16  }
0x99: {  	[tilespmem:s23+$0x330] =	vst.add.f32.msk $0xffff, v58;
	s14 =	sadd.f32 $1.000000000e+00, s14;
	s2 =	scvt.s32.f32 s2  }
0x9a: {  	[tilespmem:s23+$0x340] =	vst.add.f32.msk $0xffff, v58;
	s0 =	ssub.f32 $0.0e+00, s0;
	s12 =	smov.u32 @p1 s26;
	s16 =	smul.f32 s16, s29  }
0x9b: {  	[tilespmem:s23+$0x350] =	vst.add.f32.msk $0xffff, v58;
	s14 =	smul.f32 s14, s30;
	s12 =	sadd.f32 $-1.000000000e+00, s12  }
0x9c: {  	[tilespmem:s23+$0x360] =	vst.add.f32.msk $0xffff, v58;
	s2 =	smul.f32 $6.931471820e-01, s2;
	s16 =	sadd.f32 $-5.000000000e-01, s16  }
0x9d: {  	[tilespmem:s23+$0x370] =	vst.add.f32.msk $0xffff, v58;
	s30 =	sshra.s32 s24, $0x17;
	v59 =	vmov s0;
	s28 =	smul.f32 $2.000000030e-01, s12  }
0x9e: {  	s24 =	simm.s32 $0x1;
	[tilespmem:s23+$0x380] =	vst.add.f32.msk $0xffff, v59;
	s2 =	sadd.f32 s14, s2;
	s16 =	smul.f32 s16, s29  }
0x9f: {  	s24 =	simm.s32 @!p0 $0x0;
	[tilespmem:s23+$0x390] =	vst.add.f32.msk $0xffff, v59;
	s14 =	sadd.f32 $-2.500000000e-01, s28;
	s26 =	spop (v2sf)  }
0xa0: {  	[tilespmem:s23+$0x3A0] =	vst.add.f32.msk $0xffff, v59;
	s0 =	sadd.s32 s24, s30;
	s2 =	ssub.f32 $0.0e+00, s2;
	s31 =	sand.u32 $0x7FFFFF, s26  }
0xa1: {  	[tilespmem:s23+$0x3B0] =	vst.add.f32.msk $0xffff, v59;
	s16 =	sadd.f32 $1.000000000e+00, s16;
	s14 =	smul.f32 s14, s12;
	s24 =	sor.u32 $0x3F800000, s31  }
0xa2: {  	[tilespmem:s23+$0x3C0] =	vst.add.f32.msk $0xffff, v59;
	p0 =	sge.f32 s24, s19;
	s28 =	smul.f32 $5.000000000e-01, s24  }
0xa3: {  	[tilespmem:s23+$0x3D0] =	vst.add.f32.msk $0xffff, v59;
	s0 =	sadd.s32 $0xFFFFFF81, s0;
	s14 =	sadd.f32 $3.333333430e-01, s14  }
0xa4: {  	[tilespmem:s23+$0x3E0] =	vst.add.f32.msk $0xffff, v59;
	s0 =	scvt.s32.f32 s0;
	s16 =	smul.f32 s16, s29;
	s24 =	smov.u32 @p0 s28  }
0xa5: {  	[tilespmem:s23+$0x3F0] =	vst.add.f32.msk $0xffff, v59;
	v60 =	vmov s2;
	s24 =	sadd.f32 $-1.000000000e+00, s24;
	s29 =	smul.f32 s14, s12  }
0xa6: {  	s0 =	smul.f32 $6.931471820e-01, s0;
	[tilespmem:s23+$0x400] =	vst.add.f32.msk $0xffff, v60  }
0xa7: {  	[tilespmem:s23+$0x410] =	vst.add.f32.msk $0xffff, v60;
	s30 =	smul.f32 $2.000000030e-01, s24;
	s2 =	sadd.f32 $-5.000000000e-01, s29  }
0xa8: {  	s25 =	sshra.s32 s25, $0x17;
	[tilespmem:s23+$0x420] =	vst.add.f32.msk $0xffff, v60;
	s0 =	sadd.f32 s16, s0;
	s16 =	simm.s32 $0x1  }
0xa9: {  	[tilespmem:s23+$0x430] =	vst.add.f32.msk $0xffff, v60;
	s16 =	simm.s32 @!p1 $0x0;
	s14 =	sadd.f32 $-2.500000000e-01, s30;
	s2 =	smul.f32 s2, s12  }
0xaa: {  	[tilespmem:s23+$0x440] =	vst.add.f32.msk $0xffff, v60;
	s0 =	ssub.f32 $0.0e+00, s0;
	s16 =	sadd.s32 s16, s25  }
0xab: {  	[tilespmem:s23+$0x450] =	vst.add.f32.msk $0xffff, v60;
	s16 =	sadd.s32 $0xFFFFFF81, s16;
	s14 =	smul.f32 s14, s24;
	s2 =	sadd.f32 $1.000000000e+00, s2  }
0xac: {  	[tilespmem:s23+$0x460] =	vst.add.f32.msk $0xffff, v60;
	s25 =	scvt.s32.f32 s16  }
0xad: {  	[tilespmem:s23+$0x470] =	vst.add.f32.msk $0xffff, v60;
	v61 =	vmov s0;
	s14 =	sadd.f32 $3.333333430e-01, s14;
	s31 =	smul.f32 s2, s12  }
0xae: {  	[tilespmem:s23+$0x480] =	vst.add.f32.msk $0xffff, v61;
	s2 =	smul.f32 $6.931471820e-01, s25  }
0xaf: {  	[tilespmem:s23+$0x490] =	vst.add.f32.msk $0xffff, v61;
	s28 =	smul.f32 s14, s24  }
0xb0: {  	[tilespmem:s23+$0x4A0] =	vst.add.f32.msk $0xffff, v61;
	s0 =	sadd.f32 s31, s2;
	s2 =	simm.s32 $0x1  }
0xb1: {  	s29 =	sshra.s32 s26, $0x17;
	[tilespmem:s23+$0x4B0] =	vst.add.f32.msk $0xffff, v61;
	s2 =	simm.s32 @!p0 $0x0;
	s12 =	sadd.f32 $-5.000000000e-01, s28  }
0xb2: {  	[tilespmem:s23+$0x4C0] =	vst.add.f32.msk $0xffff, v61;
	s2 =	sadd.s32 s2, s29  }
0xb3: {  	[tilespmem:s23+$0x4D0] =	vst.add.f32.msk $0xffff, v61;
	s0 =	ssub.f32 $0.0e+00, s0;
	s2 =	sadd.s32 $0xFFFFFF81, s2;
	s12 =	smul.f32 s12, s24  }
0xb4: {  	[tilespmem:s23+$0x4E0] =	vst.add.f32.msk $0xffff, v61;
	s30 =	scvt.s32.f32 s2  }
0xb5: {  	[tilespmem:s23+$0x4F0] =	vst.add.f32.msk $0xffff, v61;
	v62 =	vmov s0;
	s12 =	sadd.f32 $1.000000000e+00, s12  }
0xb6: {  	[tilespmem:s23+$0x500] =	vst.add.f32.msk $0xffff, v62;
	s0 =	smul.f32 $6.931471820e-01, s30  }
0xb7: {  	[tilespmem:s23+$0x510] =	vst.add.f32.msk $0xffff, v62;
	s31 =	smul.f32 s12, s24  }
0xb8: {  	[tilespmem:s23+$0x520] =	vst.add.f32.msk $0xffff, v62  }
0xb9: {  	[tilespmem:s23+$0x530] =	vst.add.f32.msk $0xffff, v62;
	s0 =	sadd.f32 s31, s0  }
0xba: {  	[tilespmem:s23+$0x540] =	vst.add.f32.msk $0xffff, v62  }
0xbb: {  	[tilespmem:s23+$0x550] =	vst.add.f32.msk $0xffff, v62;
	s0 =	ssub.f32 $0.0e+00, s0  }
0xbc: {  	[tilespmem:s23+$0x560] =	vst.add.f32.msk $0xffff, v62  }
0xbd: {  	[tilespmem:s23+$0x570] =	vst.add.f32.msk $0xffff, v62;
	v63 =	vmov s0  }
0xbe: {  	[tilespmem:s23+$0x580] =	vst.add.f32.msk $0xffff, v63  }
0xbf: {  	[tilespmem:s23+$0x590] =	vst.add.f32.msk $0xffff, v63  }
0xc0: {  	p0 =	sne.s32 s22, $0xF000;
	[tilespmem:s23+$0x5A0] =	vst.add.f32.msk $0xffff, v63  }
.Ltmp0:
0xc1: {  	[tilespmem:s23+$0x5B0] =	vst.add.f32.msk $0xffff, v63;
	(pc) =	sbr.rel @p0 .LBB2_2-.Ltmp0, $4  }
0xc2: {  	[tilespmem:s23+$0x5C0] =	vst.add.f32.msk $0xffff, v63  }
0xc3: {  	[tilespmem:s23+$0x5D0] =	vst.add.f32.msk $0xffff, v63  }
0xc4: {  	[tilespmem:s23+$0x5E0] =	vst.add.f32.msk $0xffff, v63  }
0xc5: {  	s22 =	sadd.s32 $0x1000, s22;
	[tilespmem:s23+$0x5F0] =	vst.add.f32.msk $0xffff, v63  }
0xc6: {  	s22 =	simm.s32 $0x0;
	s0 =	simm.s32 $0x200  }
0xc7: {  	[hbm4b:s4+s22] =	stream.linear.scatter [tilespmem:s0], [sflag:$0x2], $0x4000, $0x38;
	[tilespmem:$0x10200] =	vst v63  }
0xc8: {  	_ =	swait.ge [sflag:s18], $0x4000  }
0xc9: {  	[sflag:s18] =	ssyncset.done $0x0  }
0xca: {  	[sflag:s18] =	ssyncadd.s32 $0xFFFFC000  }
.LBB2_4:
0xcb: {  	s23 =	sshra.s32 s22, $0x2  }
0xcc: {  	v0 =	vld [tilespmem:s23+$0x4200]  }
0xcd: {  	v1 =	vld [tilespmem:s23+$0x4210]  }
0xce: {  	v2 =	vld [tilespmem:s23+$0x4220]  }
0xcf: {  	v3 =	vld [tilespmem:s23+$0x4230]  }
0xd0: {  	v4 =	vld [tilespmem:s23+$0x4240]  }
0xd1: {  	v5 =	vld [tilespmem:s23+$0x4250]  }
0xd2: {  	v6 =	vld [tilespmem:s23+$0x4260]  }
0xd3: {  	v7 =	vld [tilespmem:s23+$0x4270]  }
0xd4: {  	v46 =	vld [tilespmem:s23+$0x4280];
	v0 =	vmul.f32 $1.442695020e+00, v0;
	v1 =	vmul.f32 $1.442695020e+00, v1  }
0xd5: {  	v48 =	vld [tilespmem:s23+$0x4290];
	v44 =	vmul.f32 $1.442695020e+00, v2;
	v45 =	vmul.f32 $1.442695020e+00, v3  }
0xd6: {  	v50 =	vld [tilespmem:s23+$0x42A0];
	v47 =	vmul.f32 $1.442695020e+00, v4;
	v49 =	vmul.f32 $1.442695020e+00, v5  }
0xd7: {  	v52 =	vld [tilespmem:s23+$0x42B0];
	v51 =	vmul.f32 $1.442695020e+00, v6;
	(erf) = vpow2.f32 v0  }
0xd8: {  	v54 =	vld [tilespmem:s23+$0x42C0];
	v53 =	vmul.f32 $1.442695020e+00, v7;
	(erf) = vpow2.f32 v1  }
0xd9: {  	v57 =	vld [tilespmem:s23+$0x42F0];
	v2 =	vmul.f32 $1.442695020e+00, v46;
	(erf) = vpow2.f32 v44  }
0xda: {  	v61 =	vld [tilespmem:s23+$0x4300];
	v3 =	vmul.f32 $1.442695020e+00, v48;
	(erf) = vpow2.f32 v45  }
0xdb: {  	v63 =	vld [tilespmem:s23+$0x4310];
	v58 =	vmul.f32 $1.442695020e+00, v50;
	(erf) = vpow2.f32 v47  }
0xdc: {  	v19 =	vld [tilespmem:s23+$0x4340];
	v60 =	vmul.f32 $1.442695020e+00, v52;
	(erf) = vpow2.f32 v49  }
0xdd: {  	v55 =	vld [tilespmem:s23+$0x42D0];
	v62 =	vmul.f32 $1.442695020e+00, v54;
	(erf) = vpow2.f32 v51  }
0xde: {  	v56 =	vld [tilespmem:s23+$0x42E0];
	v18 =	vmul.f32 $1.442695020e+00, v57;
	(erf) = vpow2.f32 v53  }
0xdf: {  	v24 =	vld [tilespmem:s23+$0x4370];
	v5 =	vmul.f32 $1.442695020e+00, v61;
	(erf) = vpow2.f32 v2  }
0xe0: {  	v17 =	vld [tilespmem:s23+$0x4330];
	v6 =	vmul.f32 $1.442695020e+00, v63;
	v59 =	vpop (erf);
	(erf) = vpow2.f32 v3  }
0xe1: {  	v16 =	vld [tilespmem:s23+$0x4320];
	v28 =	vmul.f32 $1.442695020e+00, v19;
	v8 =	vpop (erf);
	(erf) = vpow2.f32 v58  }
0xe2: {  	v0 =	vmul.f32 $1.442695020e+00, v55;
	v9 =	vpop (erf);
	(erf) = vpow2.f32 v60  }
0xe3: {  	v1 =	vmul.f32 $1.442695020e+00, v56;
	v10 =	vpop (erf);
	(erf) = vpow2.f32 v62  }
0xe4: {  	v20 =	vld [tilespmem:s23+$0x4350];
	v35 =	vmul.f32 $1.442695020e+00, v24;
	v11 =	vpop (erf);
	(erf) = vpow2.f32 v0  }
0xe5: {  	v2 =	vmul.f32 $1.442695020e+00, v17;
	v12 =	vpop (erf);
	(erf) = vpow2.f32 v1  }
0xe6: {  	v22 =	vld [tilespmem:s23+$0x4360];
	v3 =	vmul.f32 $1.442695020e+00, v16;
	v21 =	vpop (erf);
	(erf) = vpow2.f32 v18  }
0xe7: {  	v29 =	vld [tilespmem:s23+$0x4380];
	v4 =	vadd.f32 v8, v59;
	v9 =	vadd.f32 v10, v9;
	v23 =	vpop (erf);
	(erf) = vpow2.f32 v5  }
0xe8: {  	v36 =	vld [tilespmem:s23+$0x43B0];
	v11 =	vadd.f32 v12, v11;
	v25 =	vadd.f32 v23, v21;
	v26 =	vpop (erf);
	(erf) = vpow2.f32 v6  }
0xe9: {  	v33 =	vld [tilespmem:s23+$0x43A0];
	v1 =	vmul.f32 $1.442695020e+00, v20;
	v27 =	vpop (erf);
	(erf) = vpow2.f32 v3  }
0xea: {  	v31 =	vld [tilespmem:s23+$0x4390];
	v4 =	vadd.f32 v9, v4;
	v5 =	vadd.f32 v25, v11;
	v30 =	vpop (erf);
	(erf) = vpow2.f32 v2  }
0xeb: {  	v0 =	vmul.f32 $1.442695020e+00, v22;
	v32 =	vpop (erf);
	(erf) = vpow2.f32 v28  }
0xec: {  	v38 =	vld [tilespmem:s23+$0x43C0];
	v7 =	vmul.f32 $1.442695020e+00, v29;
	v4 =	vadd.f32 v5, v4;
	v34 =	vpop (erf);
	(erf) = vpow2.f32 v1  }
0xed: {  	v42 =	vmul.f32 $1.442695020e+00, v36;
	v37 =	vpop (erf);
	(erf) = vpow2.f32 v0  }
0xee: {  	v3 =	vmul.f32 $1.442695020e+00, v33;
	(xrf2) =	vadd.scan.msk.f32 $0xffff, v4;
	v39 =	vpop (erf);
	(erf) = vpow2.f32 v35  }
0xef: {  	v40 =	vld [tilespmem:s23+$0x43D0];
	v2 =	vmul.f32 $1.442695020e+00, v31;
	v6 =	vadd.f32 v27, v26;
	v44 =	vadd.f32 v32, v30;
	v13 =	vpop (erf)  }
0xf0: {  	v46 =	vadd.f32 v37, v34;
	(erf) = vpow2.f32 v7;
	v15 =	vpop (erf);
	v4 =	vadd.f32 v13, v39  }
0xf1: {  	v14 =	vld [tilespmem:s23+$0x43E0];
	v0 =	vmul.f32 $1.442695020e+00, v38;
	(erf) = vpow2.f32 v2;
	v41 =	vpop (erf)  }
0xf2: {  	v16 =	vld [tilespmem:s23+$0x43F0];
	v52 =	vadd.f32 v44, v6;
	v43 =	vpop (erf);
	(erf) = vpow2.f32 v3;
	v2 =	vadd.f32 v4, v46  }
0xf3: {  	v45 =	vpop (erf);
	(erf) = vpow2.f32 v42  }
0xf4: {  	v1 =	vmul.f32 $1.442695020e+00, v40;
	v47 =	vpop (erf);
	(erf) = vpow2.f32 v0;
	v0 =	vadd.f32 v2, v52  }
0xf5: {  	v54 =	vld [tilespmem:s23+$0x4400];
	v49 =	vpop (erf)  }
0xf6: {  	v48 =	vmul.f32 $1.442695020e+00, v14;
	v56 =	vld [tilespmem:s23+$0x4410];
	(erf) = vpow2.f32 v1;
	v51 =	vpop (erf);
	(xrf2) =	vadd.scan.msk.f32 $0xffff, v0  }
0xf7: {  	v58 =	vld [tilespmem:s23+$0x4420];
	v50 =	vmul.f32 $1.442695020e+00, v16;
	v7 =	vadd.f32 v41, v15;
	v8 =	vadd.f32 v45, v43;
	v53 =	vpop (erf)  }
0xf8: {  	v60 =	vld [tilespmem:s23+$0x4430];
	(erf) = vpow2.f32 v48;
	v5 =	vadd.f32 v49, v47;
	v55, _, _ =	vpop (xrf2);
	v3 =	vadd.f32 v53, v51  }
0xf9: {  	v62 =	vld [tilespmem:s23+$0x4440];
	(erf) = vpow2.f32 v50;
	(v2sf) =	vpush v55, $0xF  }
0xfa: {  	v18 =	vld [tilespmem:s23+$0x4460];
	v1 =	vmul.f32 $1.442695020e+00, v54;
	v7 =	vadd.f32 v8, v7;
	v57 =	vpop (erf);
	v3 =	vadd.f32 v3, v5  }
0xfb: {  	v16 =	vld [tilespmem:s23+$0x4450];
	v6 =	vmul.f32 $1.442695020e+00, v56;
	v59 =	vpop (erf)  }
0xfc: {  	v12 =	vmul.f32 $1.442695020e+00, v58;
	v61 =	vpop (erf);
	(erf) = vpow2.f32 v1;
	v3 =	vadd.f32 v3, v7  }
0xfd: {  	v20 =	vld [tilespmem:s23+$0x4470];
	v63 =	vpop (erf);
	(erf) = vpow2.f32 v6  }
0xfe: {  	v22 =	vmul.f32 $1.442695020e+00, v60;
	v17 =	vpop (erf);
	(erf) = vpow2.f32 v12;
	(xrf2) =	vadd.scan.msk.f32 $0xffff, v3  }
0xff: {  	v11 =	vmul.f32 $1.442695020e+00, v62;
	v25 =	vld [tilespmem:s23+$0x4480];
	v24 =	vmul.f32 $1.442695020e+00, v18;
	v19 =	vpop (erf)  }
0x100: {  	v26 =	vld [tilespmem:s23+$0x4490];
	v4 =	vmul.f32 $1.442695020e+00, v16;
	(erf) = vpow2.f32 v22;
	v29, _, _ =	vpop (xrf2)  }
0x101: {  	v27 =	vld [tilespmem:s23+$0x44A0];
	v2 =	vadd.f32 v59, v57;
	v21 =	vpop (erf);
	(erf) = vpow2.f32 v11;
	(v2sf) =	vpush v29, $0xF  }
0x102: {  	v28 =	vld [tilespmem:s23+$0x44B0];
	v1 =	vmul.f32 $1.442695020e+00, v20;
	v0 =	vadd.f32 v63, v61;
	v23 =	vpop (erf);
	(erf) = vpow2.f32 v4  }
0x103: {  	v5 =	vadd.f32 v19, v17;
	v6 =	vadd.f32 v23, v21;
	(erf) = vpow2.f32 v24  }
0x104: {  	v30 =	vld [tilespmem:s23+$0x44C0];
	v33 =	vmul.f32 $1.442695020e+00, v25;
	(erf) = vpow2.f32 v1  }
0x105: {  	v32 =	vld [tilespmem:s23+$0x44D0];
	v0 =	vadd.f32 v0, v2;
	v4 =	vmul.f32 $1.442695020e+00, v26;
	v5 =	vadd.f32 v6, v5;
	v31 =	vpop (erf)  }
0x106: {  	v35 =	vld [tilespmem:s23+$0x44E0];
	v2 =	vmul.f32 $1.442695020e+00, v27;
	(erf) = vpow2.f32 v33;
	v34 =	vpop (erf)  }
0x107: {  	v37 =	vld [tilespmem:s23+$0x44F0];
	v1 =	vmul.f32 $1.442695020e+00, v28;
	v0 =	vadd.f32 v5, v0;
	(erf) = vpow2.f32 v4;
	v36 =	vpop (erf)  }
0x108: {  	(erf) = vpow2.f32 v2;
	v48, _, _ =	vpop (xrf2);
	s25 =	spop (v2sf)  }
0x109: {  	v40 =	vmul.f32 $1.442695020e+00, v30;
	(xrf2) =	vadd.scan.msk.f32 $0xffff, v0;
	v38 =	vpop (erf);
	(erf) = vpow2.f32 v1;
	s0 =	sand.u32 $0x7FFFFF, s25;
	(v2sf) =	vpush v48, $0xF  }
0x10a: {  	v42 =	vmul.f32 $1.442695020e+00, v32;
	v39 =	vpop (erf);
	s0 =	sor.u32 $0x3F800000, s0  }
0x10b: {  	v44 =	vmul.f32 $1.442695020e+00, v35;
	v49 =	vld [tilespmem:s23+$0x4500];
	(erf) = vpow2.f32 v40;
	v41 =	vpop (erf);
	p0 =	sge.f32 s0, s19;
	s2 =	smul.f32 $5.000000000e-01, s0  }
0x10c: {  	v46 =	vmul.f32 $1.442695020e+00, v37;
	v51 =	vld [tilespmem:s23+$0x4510];
	(erf) = vpow2.f32 v42;
	v43 =	vpop (erf)  }
0x10d: {  	v53 =	vld [tilespmem:s23+$0x4520];
	v0 =	vadd.f32 v34, v31;
	v5 =	vadd.f32 v38, v36;
	(erf) = vpow2.f32 v44;
	v45 =	vpop (erf);
	s0 =	smov.u32 @p0 s2  }
0x10e: {  	v55 =	vld [tilespmem:s23+$0x4530];
	v3 =	vadd.f32 v41, v39;
	(erf) = vpow2.f32 v46;
	v47 =	vadd.f32 v45, v43;
	s24 =	sadd.f32 $-1.000000000e+00, s0  }
0x10f: {  	v57 =	vld [tilespmem:s23+$0x4540];
	v52 =	vpop (erf)  }
0x110: {  	v59 =	vld [tilespmem:s23+$0x4550];
	v0 =	vadd.f32 v5, v0;
	v3 =	vadd.f32 v47, v3;
	v54 =	vpop (erf);
	s28 =	spop (v2sf);
	s0 =	smul.f32 $2.000000030e-01, s24  }
0x111: {  	v61 =	vld [tilespmem:s23+$0x4560];
	v1 =	vmul.f32 $1.442695020e+00, v49;
	v56 =	vpop (erf);
	s14 =	sand.u32 $0x7FFFFF, s28  }
0x112: {  	v4 =	vmul.f32 $1.442695020e+00, v51;
	v0 =	vadd.f32 v3, v0;
	v58 =	vpop (erf);
	s0 =	sadd.f32 $-2.500000000e-01, s0;
	s2 =	sor.u32 $0x3F800000, s14  }
0x113: {  	v13 =	vmul.f32 $1.442695020e+00, v55;
	(erf) = vpow2.f32 v1;
	v50, _, _ =	vpop (xrf2);
	p2 =	sge.f32 s2, s19;
	s12 =	smul.f32 $5.000000000e-01, s2  }
0x114: {  	v63 =	vld [tilespmem:s23+$0x4570];
	v5 =	vmul.f32 $1.442695020e+00, v53;
	(erf) = vpow2.f32 v4;
	v60 =	vpop (erf);
	(xrf2) =	vadd.scan.msk.f32 $0xffff, v0  }
0x115: {  	v15 =	vmul.f32 $1.442695020e+00, v57;
	v17 =	vmul.f32 $1.442695020e+00, v59;
	v62 =	vpop (erf);
	s0 =	smul.f32 s0, s24;
	s2 =	smov.u32 @p2 s12  }
0x116: {  	v18 =	vmul.f32 $1.442695020e+00, v61;
	v2 =	vadd.f32 v54, v52;
	(erf) = vpow2.f32 v5;
	v12 =	vpop (erf);
	s29 =	sadd.f32 $-1.000000000e+00, s2  }
0x117: {  	v21 =	vld [tilespmem:s23+$0x4580];
	(erf) = vpow2.f32 v13;
	(v2sf) =	vpush v50, $0xF;
	v0 =	vadd.f32 v58, v56;
	v14 =	vpop (erf);
	s0 =	sadd.f32 $3.333333430e-01, s0  }
0x118: {  	v25 =	vld [tilespmem:s23+$0x45A0];
	(erf) = vpow2.f32 v15;
	v3 =	vadd.f32 v62, v60;
	v16 =	vadd.f32 v14, v12;
	s2 =	smul.f32 $2.000000030e-01, s29;
	s26 =	spop (v2sf)  }
0x119: {  	v23 =	vld [tilespmem:s23+$0x4590];
	v1 =	vmul.f32 $1.442695020e+00, v63;
	(erf) = vpow2.f32 v17;
	s16 =	sand.u32 $0x7FFFFF, s26  }
0x11a: {  	v29 =	vld [tilespmem:s23+$0x45C0];
	(erf) = vpow2.f32 v18;
	v0 =	vadd.f32 v0, v2;
	v3 =	vadd.f32 v16, v3;
	s0 =	smul.f32 s0, s24;
	s2 =	sadd.f32 $-2.500000000e-01, s2;
	s12 =	sor.u32 $0x3F800000, s16  }
0x11b: {  	v27 =	vld [tilespmem:s23+$0x45B0];
	(erf) = vpow2.f32 v1;
	p1 =	sge.f32 s12, s19;
	s14 =	smul.f32 $5.000000000e-01, s12  }
0x11c: {  	v33 =	vld [tilespmem:s23+$0x45E0];
	v2 =	vmul.f32 $1.442695020e+00, v21;
	v20 =	vpop (erf);
	v0 =	vadd.f32 v3, v0  }
0x11d: {  	v31 =	vld [tilespmem:s23+$0x45D0];
	v22 =	vpop (erf);
	s0 =	sadd.f32 $-5.000000000e-01, s0;
	s2 =	smul.f32 s2, s29;
	s12 =	smov.u32 @p1 s14  }
0x11e: {  	v35 =	vld [tilespmem:s23+$0x45F0];
	v4 =	vmul.f32 $1.442695020e+00, v23;
	(erf) = vpow2.f32 v2;
	v19, _, _ =	vpop (xrf2);
	(xrf2) =	vadd.scan.msk.f32 $0xffff, v0;
	s30 =	sadd.f32 $-1.000000000e+00, s12  }
0x11f: {  	v6 =	vmul.f32 $1.442695020e+00, v25;
	v37 =	vmul.f32 $1.442695020e+00, v29;
	v24 =	vpop (erf);
	s0 =	smul.f32 s0, s24;
	(v2sf) =	vpush v19, $0xF;
	s2 =	sadd.f32 $3.333333430e-01, s2  }
0x120: {  	v36 =	vmul.f32 $1.442695020e+00, v27;
	s25 =	sshra.s32 s25, $0x17;
	(erf) = vpow2.f32 v4;
	v26 =	vpop (erf);
	s16 =	smul.f32 $2.000000030e-01, s30  }
0x121: {  	v40 =	vmul.f32 $1.442695020e+00, v33;
	(erf) = vpow2.f32 v6;
	v28 =	vpop (erf);
	s12 =	simm.s32 $0x1;
	s0 =	sadd.f32 $1.000000000e+00, s0;
	s2 =	smul.f32 s2, s29  }
0x122: {  	v39 =	vmul.f32 $1.442695020e+00, v31;
	s28 =	sshra.s32 s28, $0x17;
	(erf) = vpow2.f32 v36;
	v30 =	vpop (erf);
	s12 =	simm.s32 @!p0 $0x0;
	s31 =	sadd.f32 $-2.500000000e-01, s16  }
0x123: {  	v41 =	vmul.f32 $1.442695020e+00, v35;
	(erf) = vpow2.f32 v37;
	v32 =	vpop (erf);
	s12 =	sadd.s32 s12, s25;
	s0 =	smul.f32 s0, s24;
	s2 =	sadd.f32 $-5.000000000e-01, s2  }
0x124: {  	v5 =	vadd.f32 v26, v24;
	(erf) = vpow2.f32 v39;
	v0 =	vadd.f32 v22, v20;
	v34 =	vpop (erf);
	s12 =	sadd.s32 $0xFFFFFF81, s12;
	s16 =	simm.s32 $0x1;
	s14 =	smul.f32 s31, s30  }
0x125: {  	v1 =	vadd.f32 v30, v28;
	(erf) = vpow2.f32 v40;
	v3 =	vadd.f32 v34, v32;
	s12 =	scvt.s32.f32 s12;
	s16 =	simm.s32 @!p2 $0x0;
	s2 =	smul.f32 s2, s29  }
0x126: {  	(erf) = vpow2.f32 v41;
	s25 =	spop (v2sf);
	s16 =	sadd.s32 s16, s28;
	s14 =	sadd.f32 $3.333333430e-01, s14  }
0x127: {  	v0 =	vadd.f32 v5, v0;
	v42 =	vpop (erf);
	v1 =	vadd.f32 v3, v1;
	s12 =	smul.f32 $6.931471820e-01, s12;
	s16 =	sadd.s32 $0xFFFFFF81, s16;
	s2 =	sadd.f32 $1.000000000e+00, s2  }
0x128: {  	v38, _, _ =	vpop (xrf2);
	s16 =	scvt.s32.f32 s16;
	s14 =	smul.f32 s14, s30  }
0x129: {  	v43 =	vpop (erf);
	v0 =	vadd.f32 v1, v0;
	s0 =	sadd.f32 s0, s12;
	(v2sf) =	vpush v38, $0xF;
	s2 =	smul.f32 s2, s29;
	s29 =	sand.u32 $0x7FFFFF, s25  }
0x12a: {  	v44 =	vpop (erf);
	s16 =	smul.f32 $6.931471820e-01, s16;
	s12 =	sor.u32 $0x3F800000, s29;
	s14 =	sadd.f32 $-5.000000000e-01, s14  }
0x12b: {  	v45 =	vpop (erf);
	(xrf2) =	vadd.scan.msk.f32 $0xffff, v0;
	p2 =	sge.f32 s12, s19;
	s24 =	smul.f32 $5.000000000e-01, s12  }
0x12c: {  	v46 =	vpop (erf);
	s31 =	sshra.s32 s26, $0x17;
	s2 =	sadd.f32 s2, s16  }
0x12d: {  	v47 =	vpop (erf);
	s16 =	simm.s32 $0x1;
	s14 =	smul.f32 s14, s30;
	s12 =	smov.u32 @p2 s24  }
0x12e: {  	v48 =	vpop (erf);
	s16 =	simm.s32 @!p1 $0x0;
	s26 =	spop (v2sf);
	s28 =	sadd.f32 $-1.000000000e+00, s12  }
0x12f: {  	v50 =	vadd.f32 v45, v44;
	v52 =	vadd.f32 v47, v46;
	v49 =	vpop (erf);
	s12 =	sadd.f32 $1.000000000e+00, s14;
	s14 =	sadd.s32 s16, s31;
	s31 =	sand.u32 $0x7FFFFF, s26  }
0x130: {  	v0 =	vadd.f32 v43, v42;
	v53 =	vadd.f32 v49, v48;
	s0 =	ssub.f32 $0.0e+00, s0;
	s29 =	smul.f32 $2.000000030e-01, s28;
	s16 =	sor.u32 $0x3F800000, s31  }
0x131: {  	s14 =	sadd.s32 $0xFFFFFF81, s14;
	s12 =	smul.f32 s12, s30;
	p1 =	sge.f32 s16, s19  }
0x132: {  	v0 =	vadd.f32 v50, v0;
	v54 =	vadd.f32 v53, v52;
	s30 =	smul.f32 $5.000000000e-01, s16;
	s14 =	scvt.s32.f32 s14  }
0x133: {  	s29 =	sadd.f32 $-2.500000000e-01, s29  }
0x134: {  	v55 =	vmov s0;
	v0 =	vadd.f32 v54, v0;
	s16 =	smov.u32 @p1 s30;
	s0 =	smul.f32 $6.931471820e-01, s14  }
0x135: {  	v51, _, _ =	vpop (xrf2);
	s29 =	smul.f32 s29, s28;
	s30 =	sadd.f32 $-1.000000000e+00, s16  }
0x136: {  	(xrf2) =	vadd.scan.msk.f32 $0xffff, v0;
	(v2sf) =	vpush v51, $0xF;
	s0 =	sadd.f32 s12, s0  }
0x137: {  	[tilespmem:s23+$0x4200] =	vst.add.f32.msk $0xffff, v55;
	s14 =	sadd.f32 $3.333333430e-01, s29  }
0x138: {  	[tilespmem:s23+$0x4210] =	vst.add.f32.msk $0xffff, v55;
	s12 =	smul.f32 $2.000000030e-01, s30;
	s24 =	spop (v2sf)  }
0x139: {  	[tilespmem:s23+$0x4220] =	vst.add.f32.msk $0xffff, v55;
	s31 =	sand.u32 $0x7FFFFF, s24  }
0x13a: {  	[tilespmem:s23+$0x4230] =	vst.add.f32.msk $0xffff, v55;
	s14 =	smul.f32 s14, s28;
	s12 =	sadd.f32 $-2.500000000e-01, s12;
	s16 =	sor.u32 $0x3F800000, s31  }
0x13b: {  	[tilespmem:s23+$0x4240] =	vst.add.f32.msk $0xffff, v55;
	s2 =	ssub.f32 $0.0e+00, s2;
	s29 =	smul.f32 $5.000000000e-01, s16  }
0x13c: {  	[tilespmem:s23+$0x4250] =	vst.add.f32.msk $0xffff, v55;
	s31 =	simm.s32 $0x1;
	p0 =	sge.f32 s16, s19;
	s12 =	smul.f32 s12, s30  }
0x13d: {  	s25 =	sshra.s32 s25, $0x17;
	[tilespmem:s23+$0x4260] =	vst.add.f32.msk $0xffff, v55;
	s31 =	simm.s32 @!p2 $0x0;
	s14 =	sadd.f32 $-5.000000000e-01, s14  }
0x13e: {  	[tilespmem:s23+$0x4270] =	vst.add.f32.msk $0xffff, v55;
	v56 =	vmov s2;
	s2 =	sadd.s32 s31, s25;
	s16 =	smov.u32 @p0 s29;
	s12 =	sadd.f32 $3.333333430e-01, s12  }
0x13f: {  	[tilespmem:s23+$0x4280] =	vst.add.f32.msk $0xffff, v56;
	s14 =	smul.f32 s14, s28;
	s2 =	sadd.s32 $0xFFFFFF81, s2;
	s29 =	sadd.f32 $-1.000000000e+00, s16  }
0x140: {  	[tilespmem:s23+$0x4290] =	vst.add.f32.msk $0xffff, v56;
	v57, _, _ =	vpop (xrf2);
	s2 =	scvt.s32.f32 s2;
	s12 =	smul.f32 s12, s30  }
0x141: {  	[tilespmem:s23+$0x42A0] =	vst.add.f32.msk $0xffff, v56;
	(v2sf) =	vpush v57, $0xF;
	s14 =	sadd.f32 $1.000000000e+00, s14;
	s16 =	smul.f32 $2.000000030e-01, s29  }
0x142: {  	[tilespmem:s23+$0x42B0] =	vst.add.f32.msk $0xffff, v56;
	s2 =	smul.f32 $6.931471820e-01, s2;
	s12 =	sadd.f32 $-5.000000000e-01, s12  }
0x143: {  	s26 =	sshra.s32 s26, $0x17;
	[tilespmem:s23+$0x42C0] =	vst.add.f32.msk $0xffff, v56;
	s14 =	smul.f32 s14, s28;
	s16 =	sadd.f32 $-2.500000000e-01, s16  }
0x144: {  	[tilespmem:s23+$0x42D0] =	vst.add.f32.msk $0xffff, v56;
	s0 =	ssub.f32 $0.0e+00, s0;
	s28 =	simm.s32 $0x1;
	s12 =	smul.f32 s12, s30  }
0x145: {  	[tilespmem:s23+$0x42E0] =	vst.add.f32.msk $0xffff, v56;
	s25 =	spop (v2sf);
	s28 =	simm.s32 @!p1 $0x0;
	s16 =	smul.f32 s16, s29  }
0x146: {  	[tilespmem:s23+$0x42F0] =	vst.add.f32.msk $0xffff, v56;
	v58 =	vmov s0;
	s31 =	sadd.f32 s14, s2;
	s26 =	sadd.s32 s28, s26;
	s28 =	sand.u32 $0x7FFFFF, s25  }
0x147: {  	[tilespmem:s23+$0x4300] =	vst.add.f32.msk $0xffff, v58;
	s14 =	sor.u32 $0x3F800000, s28;
	s16 =	sadd.f32 $3.333333430e-01, s16  }
0x148: {  	[tilespmem:s23+$0x4310] =	vst.add.f32.msk $0xffff, v58;
	s2 =	sadd.s32 $0xFFFFFF81, s26;
	s12 =	sadd.f32 $1.000000000e+00, s12;
	s26 =	smul.f32 $5.000000000e-01, s14  }
0x149: {  	[tilespmem:s23+$0x4320] =	vst.add.f32.msk $0xffff, v58;
	p1 =	sge.f32 s14, s19;
	s16 =	smul.f32 s16, s29  }
0x14a: {  	[tilespmem:s23+$0x4330] =	vst.add.f32.msk $0xffff, v58;
	s2 =	scvt.s32.f32 s2;
	s0 =	ssub.f32 $0.0e+00, s31  }
0x14b: {  	[tilespmem:s23+$0x4340] =	vst.add.f32.msk $0xffff, v58;
	s12 =	smul.f32 s12, s30;
	s14 =	smov.u32 @p1 s26;
	s16 =	sadd.f32 $-5.000000000e-01, s16  }
0x14c: {  	[tilespmem:s23+$0x4350] =	vst.add.f32.msk $0xffff, v58;
	s2 =	smul.f32 $6.931471820e-01, s2;
	s14 =	sadd.f32 $-1.000000000e+00, s14  }
0x14d: {  	[tilespmem:s23+$0x4360] =	vst.add.f32.msk $0xffff, v58;
	s16 =	smul.f32 s16, s29  }
0x14e: {  	[tilespmem:s23+$0x4370] =	vst.add.f32.msk $0xffff, v58;
	v59 =	vmov s0;
	s2 =	sadd.f32 s12, s2;
	s30 =	smul.f32 $2.000000030e-01, s14  }
0x14f: {  	s31 =	sshra.s32 s24, $0x17;
	s24 =	simm.s32 $0x1;
	[tilespmem:s23+$0x4380] =	vst.add.f32.msk $0xffff, v59;
	s16 =	sadd.f32 $1.000000000e+00, s16  }
0x150: {  	s24 =	simm.s32 @!p0 $0x0;
	[tilespmem:s23+$0x4390] =	vst.add.f32.msk $0xffff, v59;
	s12 =	sadd.f32 $-2.500000000e-01, s30;
	s26 =	spop (v2sf)  }
0x151: {  	s0 =	sadd.s32 s24, s31;
	[tilespmem:s23+$0x43A0] =	vst.add.f32.msk $0xffff, v59;
	s16 =	smul.f32 s16, s29;
	s29 =	sand.u32 $0x7FFFFF, s26  }
0x152: {  	[tilespmem:s23+$0x43B0] =	vst.add.f32.msk $0xffff, v59;
	s2 =	ssub.f32 $0.0e+00, s2;
	s12 =	smul.f32 s12, s14;
	s24 =	sor.u32 $0x3F800000, s29  }
0x153: {  	[tilespmem:s23+$0x43C0] =	vst.add.f32.msk $0xffff, v59;
	p0 =	sge.f32 s24, s19;
	s28 =	smul.f32 $5.000000000e-01, s24  }
0x154: {  	s0 =	sadd.s32 $0xFFFFFF81, s0;
	[tilespmem:s23+$0x43D0] =	vst.add.f32.msk $0xffff, v59;
	s12 =	sadd.f32 $3.333333430e-01, s12  }
0x155: {  	[tilespmem:s23+$0x43E0] =	vst.add.f32.msk $0xffff, v59;
	s0 =	scvt.s32.f32 s0;
	s24 =	smov.u32 @p0 s28  }
0x156: {  	[tilespmem:s23+$0x43F0] =	vst.add.f32.msk $0xffff, v59;
	v60 =	vmov s2;
	s30 =	smul.f32 s12, s14;
	s24 =	sadd.f32 $-1.000000000e+00, s24  }
0x157: {  	s0 =	smul.f32 $6.931471820e-01, s0;
	[tilespmem:s23+$0x4400] =	vst.add.f32.msk $0xffff, v60  }
0x158: {  	[tilespmem:s23+$0x4410] =	vst.add.f32.msk $0xffff, v60;
	s2 =	sadd.f32 $-5.000000000e-01, s30;
	s31 =	smul.f32 $2.000000030e-01, s24  }
0x159: {  	s25 =	sshra.s32 s25, $0x17;
	[tilespmem:s23+$0x4420] =	vst.add.f32.msk $0xffff, v60;
	s0 =	sadd.f32 s16, s0;
	s16 =	simm.s32 $0x1  }
0x15a: {  	[tilespmem:s23+$0x4430] =	vst.add.f32.msk $0xffff, v60;
	s16 =	simm.s32 @!p1 $0x0;
	s2 =	smul.f32 s2, s14;
	s12 =	sadd.f32 $-2.500000000e-01, s31  }
0x15b: {  	[tilespmem:s23+$0x4440] =	vst.add.f32.msk $0xffff, v60;
	s0 =	ssub.f32 $0.0e+00, s0;
	s16 =	sadd.s32 s16, s25  }
0x15c: {  	[tilespmem:s23+$0x4450] =	vst.add.f32.msk $0xffff, v60;
	s16 =	sadd.s32 $0xFFFFFF81, s16;
	s2 =	sadd.f32 $1.000000000e+00, s2;
	s12 =	smul.f32 s12, s24  }
0x15d: {  	[tilespmem:s23+$0x4460] =	vst.add.f32.msk $0xffff, v60;
	s28 =	scvt.s32.f32 s16  }
0x15e: {  	[tilespmem:s23+$0x4470] =	vst.add.f32.msk $0xffff, v60;
	v61 =	vmov s0;
	s25 =	smul.f32 s2, s14;
	s12 =	sadd.f32 $3.333333430e-01, s12  }
0x15f: {  	[tilespmem:s23+$0x4480] =	vst.add.f32.msk $0xffff, v61;
	s2 =	smul.f32 $6.931471820e-01, s28  }
0x160: {  	[tilespmem:s23+$0x4490] =	vst.add.f32.msk $0xffff, v61;
	s12 =	smul.f32 s12, s24  }
0x161: {  	[tilespmem:s23+$0x44A0] =	vst.add.f32.msk $0xffff, v61;
	s0 =	sadd.f32 s25, s2;
	s2 =	simm.s32 $0x1  }
0x162: {  	s29 =	sshra.s32 s26, $0x17;
	[tilespmem:s23+$0x44B0] =	vst.add.f32.msk $0xffff, v61;
	s2 =	simm.s32 @!p0 $0x0;
	s12 =	sadd.f32 $-5.000000000e-01, s12  }
0x163: {  	[tilespmem:s23+$0x44C0] =	vst.add.f32.msk $0xffff, v61;
	s2 =	sadd.s32 s2, s29  }
0x164: {  	[tilespmem:s23+$0x44D0] =	vst.add.f32.msk $0xffff, v61;
	s0 =	ssub.f32 $0.0e+00, s0;
	s2 =	sadd.s32 $0xFFFFFF81, s2;
	s12 =	smul.f32 s12, s24  }
0x165: {  	[tilespmem:s23+$0x44E0] =	vst.add.f32.msk $0xffff, v61;
	s30 =	scvt.s32.f32 s2  }
0x166: {  	[tilespmem:s23+$0x44F0] =	vst.add.f32.msk $0xffff, v61;
	v62 =	vmov s0;
	s12 =	sadd.f32 $1.000000000e+00, s12  }
0x167: {  	[tilespmem:s23+$0x4500] =	vst.add.f32.msk $0xffff, v62;
	s0 =	smul.f32 $6.931471820e-01, s30  }
0x168: {  	[tilespmem:s23+$0x4510] =	vst.add.f32.msk $0xffff, v62;
	s31 =	smul.f32 s12, s24  }
0x169: {  	[tilespmem:s23+$0x4520] =	vst.add.f32.msk $0xffff, v62  }
0x16a: {  	[tilespmem:s23+$0x4530] =	vst.add.f32.msk $0xffff, v62;
	s0 =	sadd.f32 s31, s0  }
0x16b: {  	[tilespmem:s23+$0x4540] =	vst.add.f32.msk $0xffff, v62  }
0x16c: {  	[tilespmem:s23+$0x4550] =	vst.add.f32.msk $0xffff, v62;
	s0 =	ssub.f32 $0.0e+00, s0  }
0x16d: {  	[tilespmem:s23+$0x4560] =	vst.add.f32.msk $0xffff, v62  }
0x16e: {  	[tilespmem:s23+$0x4570] =	vst.add.f32.msk $0xffff, v62;
	v63 =	vmov s0  }
0x16f: {  	[tilespmem:s23+$0x4580] =	vst.add.f32.msk $0xffff, v63  }
0x170: {  	[tilespmem:s23+$0x4590] =	vst.add.f32.msk $0xffff, v63  }
0x171: {  	p0 =	sne.s32 s22, $0xF000;
	[tilespmem:s23+$0x45A0] =	vst.add.f32.msk $0xffff, v63  }
.Ltmp1:
0x172: {  	[tilespmem:s23+$0x45B0] =	vst.add.f32.msk $0xffff, v63;
	(pc) =	sbr.rel @p0 .LBB2_4-.Ltmp1, $4  }
0x173: {  	[tilespmem:s23+$0x45C0] =	vst.add.f32.msk $0xffff, v63  }
0x174: {  	[tilespmem:s23+$0x45D0] =	vst.add.f32.msk $0xffff, v63  }
0x175: {  	[tilespmem:s23+$0x45E0] =	vst.add.f32.msk $0xffff, v63  }
0x176: {  	s22 =	sadd.s32 $0x1000, s22;
	[tilespmem:s23+$0x45F0] =	vst.add.f32.msk $0xffff, v63  }
0x177: {  	s22 =	simm.s32 $0x0  }
0x178: {  	[hbm4b:s6+s22] =	stream.linear.scatter [tilespmem:s13], [sflag:$0x2], $0x4000, $0x38;
	[tilespmem:$0x10200] =	vst v63  }
0x179: {  	_ =	swait.ge [sflag:s18], $0x4000  }
0x17a: {  	[sflag:s18] =	ssyncset.done $0x0  }
0x17b: {  	[sflag:s18] =	ssyncadd.s32 $0xFFFFC000  }
.LBB2_6:
0x17c: {  	s23 =	sshra.s32 s22, $0x2  }
0x17d: {  	v0 =	vld [tilespmem:s23+$0x8200]  }
0x17e: {  	v1 =	vld [tilespmem:s23+$0x8210]  }
0x17f: {  	v2 =	vld [tilespmem:s23+$0x8220]  }
0x180: {  	v3 =	vld [tilespmem:s23+$0x8230]  }
0x181: {  	v4 =	vld [tilespmem:s23+$0x8240]  }
0x182: {  	v5 =	vld [tilespmem:s23+$0x8250]  }
0x183: {  	v6 =	vld [tilespmem:s23+$0x8260]  }
0x184: {  	v7 =	vld [tilespmem:s23+$0x8270]  }
0x185: {  	v46 =	vld [tilespmem:s23+$0x8280];
	v0 =	vmul.f32 $1.442695020e+00, v0;
	v1 =	vmul.f32 $1.442695020e+00, v1  }
0x186: {  	v48 =	vld [tilespmem:s23+$0x8290];
	v44 =	vmul.f32 $1.442695020e+00, v2;
	v45 =	vmul.f32 $1.442695020e+00, v3  }
0x187: {  	v50 =	vld [tilespmem:s23+$0x82A0];
	v47 =	vmul.f32 $1.442695020e+00, v4;
	v49 =	vmul.f32 $1.442695020e+00, v5  }
0x188: {  	v52 =	vld [tilespmem:s23+$0x82B0];
	v51 =	vmul.f32 $1.442695020e+00, v6;
	(erf) = vpow2.f32 v0  }
0x189: {  	v54 =	vld [tilespmem:s23+$0x82C0];
	v53 =	vmul.f32 $1.442695020e+00, v7;
	(erf) = vpow2.f32 v1  }
0x18a: {  	v57 =	vld [tilespmem:s23+$0x82F0];
	v2 =	vmul.f32 $1.442695020e+00, v46;
	(erf) = vpow2.f32 v44  }
0x18b: {  	v61 =	vld [tilespmem:s23+$0x8300];
	v3 =	vmul.f32 $1.442695020e+00, v48;
	(erf) = vpow2.f32 v45  }
0x18c: {  	v63 =	vld [tilespmem:s23+$0x8310];
	v58 =	vmul.f32 $1.442695020e+00, v50;
	(erf) = vpow2.f32 v47  }
0x18d: {  	v19 =	vld [tilespmem:s23+$0x8340];
	v60 =	vmul.f32 $1.442695020e+00, v52;
	(erf) = vpow2.f32 v49  }
0x18e: {  	v55 =	vld [tilespmem:s23+$0x82D0];
	v62 =	vmul.f32 $1.442695020e+00, v54;
	(erf) = vpow2.f32 v51  }
0x18f: {  	v56 =	vld [tilespmem:s23+$0x82E0];
	v18 =	vmul.f32 $1.442695020e+00, v57;
	(erf) = vpow2.f32 v53  }
0x190: {  	v24 =	vld [tilespmem:s23+$0x8370];
	v5 =	vmul.f32 $1.442695020e+00, v61;
	(erf) = vpow2.f32 v2  }
0x191: {  	v17 =	vld [tilespmem:s23+$0x8330];
	v6 =	vmul.f32 $1.442695020e+00, v63;
	v59 =	vpop (erf);
	(erf) = vpow2.f32 v3  }
0x192: {  	v16 =	vld [tilespmem:s23+$0x8320];
	v28 =	vmul.f32 $1.442695020e+00, v19;
	v8 =	vpop (erf);
	(erf) = vpow2.f32 v58  }
0x193: {  	v0 =	vmul.f32 $1.442695020e+00, v55;
	v9 =	vpop (erf);
	(erf) = vpow2.f32 v60  }
0x194: {  	v1 =	vmul.f32 $1.442695020e+00, v56;
	v10 =	vpop (erf);
	(erf) = vpow2.f32 v62  }
0x195: {  	v20 =	vld [tilespmem:s23+$0x8350];
	v35 =	vmul.f32 $1.442695020e+00, v24;
	v11 =	vpop (erf);
	(erf) = vpow2.f32 v0  }
0x196: {  	v2 =	vmul.f32 $1.442695020e+00, v17;
	v12 =	vpop (erf);
	(erf) = vpow2.f32 v1  }
0x197: {  	v22 =	vld [tilespmem:s23+$0x8360];
	v3 =	vmul.f32 $1.442695020e+00, v16;
	v21 =	vpop (erf);
	(erf) = vpow2.f32 v18  }
0x198: {  	v29 =	vld [tilespmem:s23+$0x8380];
	v4 =	vadd.f32 v8, v59;
	v9 =	vadd.f32 v10, v9;
	v23 =	vpop (erf);
	(erf) = vpow2.f32 v5  }
0x199: {  	v36 =	vld [tilespmem:s23+$0x83B0];
	v11 =	vadd.f32 v12, v11;
	v25 =	vadd.f32 v23, v21;
	v26 =	vpop (erf);
	(erf) = vpow2.f32 v6  }
0x19a: {  	v33 =	vld [tilespmem:s23+$0x83A0];
	v1 =	vmul.f32 $1.442695020e+00, v20;
	v27 =	vpop (erf);
	(erf) = vpow2.f32 v3  }
0x19b: {  	v31 =	vld [tilespmem:s23+$0x8390];
	v4 =	vadd.f32 v9, v4;
	v5 =	vadd.f32 v25, v11;
	v30 =	vpop (erf);
	(erf) = vpow2.f32 v2  }
0x19c: {  	v0 =	vmul.f32 $1.442695020e+00, v22;
	v32 =	vpop (erf);
	(erf) = vpow2.f32 v28  }
0x19d: {  	v38 =	vld [tilespmem:s23+$0x83C0];
	v7 =	vmul.f32 $1.442695020e+00, v29;
	v4 =	vadd.f32 v5, v4;
	v34 =	vpop (erf);
	(erf) = vpow2.f32 v1  }
0x19e: {  	v42 =	vmul.f32 $1.442695020e+00, v36;
	v37 =	vpop (erf);
	(erf) = vpow2.f32 v0  }
0x19f: {  	v3 =	vmul.f32 $1.442695020e+00, v33;
	(xrf2) =	vadd.scan.msk.f32 $0xffff, v4;
	v39 =	vpop (erf);
	(erf) = vpow2.f32 v35  }
0x1a0: {  	v40 =	vld [tilespmem:s23+$0x83D0];
	v2 =	vmul.f32 $1.442695020e+00, v31;
	v6 =	vadd.f32 v27, v26;
	v44 =	vadd.f32 v32, v30;
	v13 =	vpop (erf)  }
0x1a1: {  	v46 =	vadd.f32 v37, v34;
	(erf) = vpow2.f32 v7;
	v15 =	vpop (erf);
	v4 =	vadd.f32 v13, v39  }
0x1a2: {  	v14 =	vld [tilespmem:s23+$0x83E0];
	v0 =	vmul.f32 $1.442695020e+00, v38;
	(erf) = vpow2.f32 v2;
	v41 =	vpop (erf)  }
0x1a3: {  	v16 =	vld [tilespmem:s23+$0x83F0];
	v52 =	vadd.f32 v44, v6;
	v43 =	vpop (erf);
	(erf) = vpow2.f32 v3;
	v2 =	vadd.f32 v4, v46  }
0x1a4: {  	v45 =	vpop (erf);
	(erf) = vpow2.f32 v42  }
0x1a5: {  	v1 =	vmul.f32 $1.442695020e+00, v40;
	v47 =	vpop (erf);
	(erf) = vpow2.f32 v0;
	v0 =	vadd.f32 v2, v52  }
0x1a6: {  	v54 =	vld [tilespmem:s23+$0x8400];
	v49 =	vpop (erf)  }
0x1a7: {  	v48 =	vmul.f32 $1.442695020e+00, v14;
	v56 =	vld [tilespmem:s23+$0x8410];
	(erf) = vpow2.f32 v1;
	v51 =	vpop (erf);
	(xrf2) =	vadd.scan.msk.f32 $0xffff, v0  }
0x1a8: {  	v58 =	vld [tilespmem:s23+$0x8420];
	v50 =	vmul.f32 $1.442695020e+00, v16;
	v7 =	vadd.f32 v41, v15;
	v8 =	vadd.f32 v45, v43;
	v53 =	vpop (erf)  }
0x1a9: {  	v60 =	vld [tilespmem:s23+$0x8430];
	(erf) = vpow2.f32 v48;
	v5 =	vadd.f32 v49, v47;
	v55, _, _ =	vpop (xrf2);
	v3 =	vadd.f32 v53, v51  }
0x1aa: {  	v62 =	vld [tilespmem:s23+$0x8440];
	(erf) = vpow2.f32 v50;
	(v2sf) =	vpush v55, $0xF  }
0x1ab: {  	v18 =	vld [tilespmem:s23+$0x8460];
	v1 =	vmul.f32 $1.442695020e+00, v54;
	v7 =	vadd.f32 v8, v7;
	v57 =	vpop (erf);
	v3 =	vadd.f32 v3, v5  }
0x1ac: {  	v16 =	vld [tilespmem:s23+$0x8450];
	v6 =	vmul.f32 $1.442695020e+00, v56;
	v59 =	vpop (erf)  }
0x1ad: {  	v12 =	vmul.f32 $1.442695020e+00, v58;
	v61 =	vpop (erf);
	(erf) = vpow2.f32 v1;
	v3 =	vadd.f32 v3, v7  }
0x1ae: {  	v20 =	vld [tilespmem:s23+$0x8470];
	v63 =	vpop (erf);
	(erf) = vpow2.f32 v6  }
0x1af: {  	v22 =	vmul.f32 $1.442695020e+00, v60;
	v17 =	vpop (erf);
	(erf) = vpow2.f32 v12;
	(xrf2) =	vadd.scan.msk.f32 $0xffff, v3  }
0x1b0: {  	v11 =	vmul.f32 $1.442695020e+00, v62;
	v25 =	vld [tilespmem:s23+$0x8480];
	v24 =	vmul.f32 $1.442695020e+00, v18;
	v19 =	vpop (erf)  }
0x1b1: {  	v26 =	vld [tilespmem:s23+$0x8490];
	v4 =	vmul.f32 $1.442695020e+00, v16;
	(erf) = vpow2.f32 v22;
	v29, _, _ =	vpop (xrf2)  }
0x1b2: {  	v27 =	vld [tilespmem:s23+$0x84A0];
	v2 =	vadd.f32 v59, v57;
	v21 =	vpop (erf);
	(erf) = vpow2.f32 v11;
	(v2sf) =	vpush v29, $0xF  }
0x1b3: {  	v28 =	vld [tilespmem:s23+$0x84B0];
	v1 =	vmul.f32 $1.442695020e+00, v20;
	v0 =	vadd.f32 v63, v61;
	v23 =	vpop (erf);
	(erf) = vpow2.f32 v4  }
0x1b4: {  	v5 =	vadd.f32 v19, v17;
	v6 =	vadd.f32 v23, v21;
	(erf) = vpow2.f32 v24  }
0x1b5: {  	v30 =	vld [tilespmem:s23+$0x84C0];
	v33 =	vmul.f32 $1.442695020e+00, v25;
	(erf) = vpow2.f32 v1  }
0x1b6: {  	v32 =	vld [tilespmem:s23+$0x84D0];
	v0 =	vadd.f32 v0, v2;
	v4 =	vmul.f32 $1.442695020e+00, v26;
	v5 =	vadd.f32 v6, v5;
	v31 =	vpop (erf)  }
0x1b7: {  	v35 =	vld [tilespmem:s23+$0x84E0];
	v2 =	vmul.f32 $1.442695020e+00, v27;
	(erf) = vpow2.f32 v33;
	v34 =	vpop (erf)  }
0x1b8: {  	v37 =	vld [tilespmem:s23+$0x84F0];
	v1 =	vmul.f32 $1.442695020e+00, v28;
	v0 =	vadd.f32 v5, v0;
	(erf) = vpow2.f32 v4;
	v36 =	vpop (erf)  }
0x1b9: {  	(erf) = vpow2.f32 v2;
	v48, _, _ =	vpop (xrf2);
	s25 =	spop (v2sf)  }
0x1ba: {  	v40 =	vmul.f32 $1.442695020e+00, v30;
	(xrf2) =	vadd.scan.msk.f32 $0xffff, v0;
	v38 =	vpop (erf);
	(erf) = vpow2.f32 v1;
	s0 =	sand.u32 $0x7FFFFF, s25;
	(v2sf) =	vpush v48, $0xF  }
0x1bb: {  	v42 =	vmul.f32 $1.442695020e+00, v32;
	v39 =	vpop (erf);
	s0 =	sor.u32 $0x3F800000, s0  }
0x1bc: {  	v44 =	vmul.f32 $1.442695020e+00, v35;
	v49 =	vld [tilespmem:s23+$0x8500];
	(erf) = vpow2.f32 v40;
	v41 =	vpop (erf);
	p0 =	sge.f32 s0, s19;
	s2 =	smul.f32 $5.000000000e-01, s0  }
0x1bd: {  	v46 =	vmul.f32 $1.442695020e+00, v37;
	v51 =	vld [tilespmem:s23+$0x8510];
	(erf) = vpow2.f32 v42;
	v43 =	vpop (erf)  }
0x1be: {  	v53 =	vld [tilespmem:s23+$0x8520];
	v0 =	vadd.f32 v34, v31;
	v5 =	vadd.f32 v38, v36;
	(erf) = vpow2.f32 v44;
	v45 =	vpop (erf);
	s0 =	smov.u32 @p0 s2  }
0x1bf: {  	v55 =	vld [tilespmem:s23+$0x8530];
	v3 =	vadd.f32 v41, v39;
	(erf) = vpow2.f32 v46;
	v47 =	vadd.f32 v45, v43;
	s24 =	sadd.f32 $-1.000000000e+00, s0  }
0x1c0: {  	v57 =	vld [tilespmem:s23+$0x8540];
	v52 =	vpop (erf)  }
0x1c1: {  	v59 =	vld [tilespmem:s23+$0x8550];
	v0 =	vadd.f32 v5, v0;
	v3 =	vadd.f32 v47, v3;
	v54 =	vpop (erf);
	s28 =	spop (v2sf);
	s0 =	smul.f32 $2.000000030e-01, s24  }
0x1c2: {  	v61 =	vld [tilespmem:s23+$0x8560];
	v1 =	vmul.f32 $1.442695020e+00, v49;
	v56 =	vpop (erf);
	s14 =	sand.u32 $0x7FFFFF, s28  }
0x1c3: {  	v4 =	vmul.f32 $1.442695020e+00, v51;
	v0 =	vadd.f32 v3, v0;
	v58 =	vpop (erf);
	s0 =	sadd.f32 $-2.500000000e-01, s0;
	s2 =	sor.u32 $0x3F800000, s14  }
0x1c4: {  	v13 =	vmul.f32 $1.442695020e+00, v55;
	(erf) = vpow2.f32 v1;
	v50, _, _ =	vpop (xrf2);
	p2 =	sge.f32 s2, s19;
	s12 =	smul.f32 $5.000000000e-01, s2  }
0x1c5: {  	v63 =	vld [tilespmem:s23+$0x8570];
	v5 =	vmul.f32 $1.442695020e+00, v53;
	(erf) = vpow2.f32 v4;
	v60 =	vpop (erf);
	(xrf2) =	vadd.scan.msk.f32 $0xffff, v0  }
0x1c6: {  	v15 =	vmul.f32 $1.442695020e+00, v57;
	v17 =	vmul.f32 $1.442695020e+00, v59;
	v62 =	vpop (erf);
	s0 =	smul.f32 s0, s24;
	s2 =	smov.u32 @p2 s12  }
0x1c7: {  	v18 =	vmul.f32 $1.442695020e+00, v61;
	v2 =	vadd.f32 v54, v52;
	(erf) = vpow2.f32 v5;
	v12 =	vpop (erf);
	s29 =	sadd.f32 $-1.000000000e+00, s2  }
0x1c8: {  	v21 =	vld [tilespmem:s23+$0x8580];
	(erf) = vpow2.f32 v13;
	(v2sf) =	vpush v50, $0xF;
	v0 =	vadd.f32 v58, v56;
	v14 =	vpop (erf);
	s0 =	sadd.f32 $3.333333430e-01, s0  }
0x1c9: {  	v25 =	vld [tilespmem:s23+$0x85A0];
	(erf) = vpow2.f32 v15;
	v3 =	vadd.f32 v62, v60;
	v16 =	vadd.f32 v14, v12;
	s2 =	smul.f32 $2.000000030e-01, s29;
	s26 =	spop (v2sf)  }
0x1ca: {  	v23 =	vld [tilespmem:s23+$0x8590];
	v1 =	vmul.f32 $1.442695020e+00, v63;
	(erf) = vpow2.f32 v17;
	s16 =	sand.u32 $0x7FFFFF, s26  }
0x1cb: {  	v29 =	vld [tilespmem:s23+$0x85C0];
	(erf) = vpow2.f32 v18;
	v0 =	vadd.f32 v0, v2;
	v3 =	vadd.f32 v16, v3;
	s0 =	smul.f32 s0, s24;
	s2 =	sadd.f32 $-2.500000000e-01, s2;
	s12 =	sor.u32 $0x3F800000, s16  }
0x1cc: {  	v27 =	vld [tilespmem:s23+$0x85B0];
	(erf) = vpow2.f32 v1;
	p1 =	sge.f32 s12, s19;
	s14 =	smul.f32 $5.000000000e-01, s12  }
0x1cd: {  	v33 =	vld [tilespmem:s23+$0x85E0];
	v2 =	vmul.f32 $1.442695020e+00, v21;
	v20 =	vpop (erf);
	v0 =	vadd.f32 v3, v0  }
0x1ce: {  	v31 =	vld [tilespmem:s23+$0x85D0];
	v22 =	vpop (erf);
	s0 =	sadd.f32 $-5.000000000e-01, s0;
	s2 =	smul.f32 s2, s29;
	s12 =	smov.u32 @p1 s14  }
0x1cf: {  	v35 =	vld [tilespmem:s23+$0x85F0];
	v4 =	vmul.f32 $1.442695020e+00, v23;
	(erf) = vpow2.f32 v2;
	v19, _, _ =	vpop (xrf2);
	(xrf2) =	vadd.scan.msk.f32 $0xffff, v0;
	s30 =	sadd.f32 $-1.000000000e+00, s12  }
0x1d0: {  	v6 =	vmul.f32 $1.442695020e+00, v25;
	v37 =	vmul.f32 $1.442695020e+00, v29;
	v24 =	vpop (erf);
	s0 =	smul.f32 s0, s24;
	(v2sf) =	vpush v19, $0xF;
	s2 =	sadd.f32 $3.333333430e-01, s2  }
0x1d1: {  	v36 =	vmul.f32 $1.442695020e+00, v27;
	s25 =	sshra.s32 s25, $0x17;
	(erf) = vpow2.f32 v4;
	v26 =	vpop (erf);
	s16 =	smul.f32 $2.000000030e-01, s30  }
0x1d2: {  	v40 =	vmul.f32 $1.442695020e+00, v33;
	(erf) = vpow2.f32 v6;
	v28 =	vpop (erf);
	s12 =	simm.s32 $0x1;
	s0 =	sadd.f32 $1.000000000e+00, s0;
	s2 =	smul.f32 s2, s29  }
0x1d3: {  	v39 =	vmul.f32 $1.442695020e+00, v31;
	s28 =	sshra.s32 s28, $0x17;
	(erf) = vpow2.f32 v36;
	v30 =	vpop (erf);
	s12 =	simm.s32 @!p0 $0x0;
	s31 =	sadd.f32 $-2.500000000e-01, s16  }
0x1d4: {  	v41 =	vmul.f32 $1.442695020e+00, v35;
	(erf) = vpow2.f32 v37;
	v32 =	vpop (erf);
	s12 =	sadd.s32 s12, s25;
	s0 =	smul.f32 s0, s24;
	s2 =	sadd.f32 $-5.000000000e-01, s2  }
0x1d5: {  	v5 =	vadd.f32 v26, v24;
	(erf) = vpow2.f32 v39;
	v0 =	vadd.f32 v22, v20;
	v34 =	vpop (erf);
	s12 =	sadd.s32 $0xFFFFFF81, s12;
	s16 =	simm.s32 $0x1;
	s14 =	smul.f32 s31, s30  }
0x1d6: {  	v1 =	vadd.f32 v30, v28;
	(erf) = vpow2.f32 v40;
	v3 =	vadd.f32 v34, v32;
	s12 =	scvt.s32.f32 s12;
	s16 =	simm.s32 @!p2 $0x0;
	s2 =	smul.f32 s2, s29  }
0x1d7: {  	(erf) = vpow2.f32 v41;
	s25 =	spop (v2sf);
	s16 =	sadd.s32 s16, s28;
	s14 =	sadd.f32 $3.333333430e-01, s14  }
0x1d8: {  	v0 =	vadd.f32 v5, v0;
	v42 =	vpop (erf);
	v1 =	vadd.f32 v3, v1;
	s12 =	smul.f32 $6.931471820e-01, s12;
	s16 =	sadd.s32 $0xFFFFFF81, s16;
	s2 =	sadd.f32 $1.000000000e+00, s2  }
0x1d9: {  	v38, _, _ =	vpop (xrf2);
	s16 =	scvt.s32.f32 s16;
	s14 =	smul.f32 s14, s30  }
0x1da: {  	v43 =	vpop (erf);
	v0 =	vadd.f32 v1, v0;
	s0 =	sadd.f32 s0, s12;
	(v2sf) =	vpush v38, $0xF;
	s2 =	smul.f32 s2, s29;
	s29 =	sand.u32 $0x7FFFFF, s25  }
0x1db: {  	v44 =	vpop (erf);
	s16 =	smul.f32 $6.931471820e-01, s16;
	s12 =	sor.u32 $0x3F800000, s29;
	s14 =	sadd.f32 $-5.000000000e-01, s14  }
0x1dc: {  	v45 =	vpop (erf);
	(xrf2) =	vadd.scan.msk.f32 $0xffff, v0;
	p2 =	sge.f32 s12, s19;
	s24 =	smul.f32 $5.000000000e-01, s12  }
0x1dd: {  	v46 =	vpop (erf);
	s31 =	sshra.s32 s26, $0x17;
	s2 =	sadd.f32 s2, s16  }
0x1de: {  	v47 =	vpop (erf);
	s16 =	simm.s32 $0x1;
	s14 =	smul.f32 s14, s30;
	s12 =	smov.u32 @p2 s24  }
0x1df: {  	v48 =	vpop (erf);
	s16 =	simm.s32 @!p1 $0x0;
	s26 =	spop (v2sf);
	s28 =	sadd.f32 $-1.000000000e+00, s12  }
0x1e0: {  	v50 =	vadd.f32 v45, v44;
	v52 =	vadd.f32 v47, v46;
	v49 =	vpop (erf);
	s12 =	sadd.f32 $1.000000000e+00, s14;
	s14 =	sadd.s32 s16, s31;
	s31 =	sand.u32 $0x7FFFFF, s26  }
0x1e1: {  	v0 =	vadd.f32 v43, v42;
	v53 =	vadd.f32 v49, v48;
	s0 =	ssub.f32 $0.0e+00, s0;
	s29 =	smul.f32 $2.000000030e-01, s28;
	s16 =	sor.u32 $0x3F800000, s31  }
0x1e2: {  	s14 =	sadd.s32 $0xFFFFFF81, s14;
	s12 =	smul.f32 s12, s30;
	p1 =	sge.f32 s16, s19  }
0x1e3: {  	v0 =	vadd.f32 v50, v0;
	v54 =	vadd.f32 v53, v52;
	s30 =	smul.f32 $5.000000000e-01, s16;
	s14 =	scvt.s32.f32 s14  }
0x1e4: {  	s29 =	sadd.f32 $-2.500000000e-01, s29  }
0x1e5: {  	v55 =	vmov s0;
	v0 =	vadd.f32 v54, v0;
	s16 =	smov.u32 @p1 s30;
	s0 =	smul.f32 $6.931471820e-01, s14  }
0x1e6: {  	v51, _, _ =	vpop (xrf2);
	s29 =	smul.f32 s29, s28;
	s30 =	sadd.f32 $-1.000000000e+00, s16  }
0x1e7: {  	(xrf2) =	vadd.scan.msk.f32 $0xffff, v0;
	(v2sf) =	vpush v51, $0xF;
	s0 =	sadd.f32 s12, s0  }
0x1e8: {  	[tilespmem:s23+$0x8200] =	vst.add.f32.msk $0xffff, v55;
	s14 =	sadd.f32 $3.333333430e-01, s29  }
0x1e9: {  	[tilespmem:s23+$0x8210] =	vst.add.f32.msk $0xffff, v55;
	s12 =	smul.f32 $2.000000030e-01, s30;
	s24 =	spop (v2sf)  }
0x1ea: {  	[tilespmem:s23+$0x8220] =	vst.add.f32.msk $0xffff, v55;
	s31 =	sand.u32 $0x7FFFFF, s24  }
0x1eb: {  	[tilespmem:s23+$0x8230] =	vst.add.f32.msk $0xffff, v55;
	s14 =	smul.f32 s14, s28;
	s12 =	sadd.f32 $-2.500000000e-01, s12;
	s16 =	sor.u32 $0x3F800000, s31  }
0x1ec: {  	[tilespmem:s23+$0x8240] =	vst.add.f32.msk $0xffff, v55;
	s2 =	ssub.f32 $0.0e+00, s2;
	s29 =	smul.f32 $5.000000000e-01, s16  }
0x1ed: {  	[tilespmem:s23+$0x8250] =	vst.add.f32.msk $0xffff, v55;
	s31 =	simm.s32 $0x1;
	p0 =	sge.f32 s16, s19;
	s12 =	smul.f32 s12, s30  }
0x1ee: {  	s25 =	sshra.s32 s25, $0x17;
	[tilespmem:s23+$0x8260] =	vst.add.f32.msk $0xffff, v55;
	s31 =	simm.s32 @!p2 $0x0;
	s14 =	sadd.f32 $-5.000000000e-01, s14  }
0x1ef: {  	[tilespmem:s23+$0x8270] =	vst.add.f32.msk $0xffff, v55;
	v56 =	vmov s2;
	s2 =	sadd.s32 s31, s25;
	s16 =	smov.u32 @p0 s29;
	s12 =	sadd.f32 $3.333333430e-01, s12  }
0x1f0: {  	[tilespmem:s23+$0x8280] =	vst.add.f32.msk $0xffff, v56;
	s14 =	smul.f32 s14, s28;
	s2 =	sadd.s32 $0xFFFFFF81, s2;
	s29 =	sadd.f32 $-1.000000000e+00, s16  }
0x1f1: {  	[tilespmem:s23+$0x8290] =	vst.add.f32.msk $0xffff, v56;
	v57, _, _ =	vpop (xrf2);
	s2 =	scvt.s32.f32 s2;
	s12 =	smul.f32 s12, s30  }
0x1f2: {  	[tilespmem:s23+$0x82A0] =	vst.add.f32.msk $0xffff, v56;
	(v2sf) =	vpush v57, $0xF;
	s14 =	sadd.f32 $1.000000000e+00, s14;
	s16 =	smul.f32 $2.000000030e-01, s29  }
0x1f3: {  	[tilespmem:s23+$0x82B0] =	vst.add.f32.msk $0xffff, v56;
	s2 =	smul.f32 $6.931471820e-01, s2;
	s12 =	sadd.f32 $-5.000000000e-01, s12  }
0x1f4: {  	s26 =	sshra.s32 s26, $0x17;
	[tilespmem:s23+$0x82C0] =	vst.add.f32.msk $0xffff, v56;
	s14 =	smul.f32 s14, s28;
	s16 =	sadd.f32 $-2.500000000e-01, s16  }
0x1f5: {  	[tilespmem:s23+$0x82D0] =	vst.add.f32.msk $0xffff, v56;
	s0 =	ssub.f32 $0.0e+00, s0;
	s28 =	simm.s32 $0x1;
	s12 =	smul.f32 s12, s30  }
0x1f6: {  	[tilespmem:s23+$0x82E0] =	vst.add.f32.msk $0xffff, v56;
	s25 =	spop (v2sf);
	s28 =	simm.s32 @!p1 $0x0;
	s16 =	smul.f32 s16, s29  }
0x1f7: {  	[tilespmem:s23+$0x82F0] =	vst.add.f32.msk $0xffff, v56;
	v58 =	vmov s0;
	s31 =	sadd.f32 s14, s2;
	s26 =	sadd.s32 s28, s26;
	s28 =	sand.u32 $0x7FFFFF, s25  }
0x1f8: {  	[tilespmem:s23+$0x8300] =	vst.add.f32.msk $0xffff, v58;
	s14 =	sor.u32 $0x3F800000, s28;
	s16 =	sadd.f32 $3.333333430e-01, s16  }
0x1f9: {  	[tilespmem:s23+$0x8310] =	vst.add.f32.msk $0xffff, v58;
	s2 =	sadd.s32 $0xFFFFFF81, s26;
	s12 =	sadd.f32 $1.000000000e+00, s12;
	s26 =	smul.f32 $5.000000000e-01, s14  }
0x1fa: {  	[tilespmem:s23+$0x8320] =	vst.add.f32.msk $0xffff, v58;
	p1 =	sge.f32 s14, s19;
	s16 =	smul.f32 s16, s29  }
0x1fb: {  	[tilespmem:s23+$0x8330] =	vst.add.f32.msk $0xffff, v58;
	s2 =	scvt.s32.f32 s2;
	s0 =	ssub.f32 $0.0e+00, s31  }
0x1fc: {  	[tilespmem:s23+$0x8340] =	vst.add.f32.msk $0xffff, v58;
	s12 =	smul.f32 s12, s30;
	s14 =	smov.u32 @p1 s26;
	s16 =	sadd.f32 $-5.000000000e-01, s16  }
0x1fd: {  	[tilespmem:s23+$0x8350] =	vst.add.f32.msk $0xffff, v58;
	s2 =	smul.f32 $6.931471820e-01, s2;
	s14 =	sadd.f32 $-1.000000000e+00, s14  }
0x1fe: {  	[tilespmem:s23+$0x8360] =	vst.add.f32.msk $0xffff, v58;
	s16 =	smul.f32 s16, s29  }
0x1ff: {  	[tilespmem:s23+$0x8370] =	vst.add.f32.msk $0xffff, v58;
	v59 =	vmov s0;
	s2 =	sadd.f32 s12, s2;
	s30 =	smul.f32 $2.000000030e-01, s14  }
0x200: {  	s31 =	sshra.s32 s24, $0x17;
	s24 =	simm.s32 $0x1;
	[tilespmem:s23+$0x8380] =	vst.add.f32.msk $0xffff, v59;
	s16 =	sadd.f32 $1.000000000e+00, s16  }
0x201: {  	s24 =	simm.s32 @!p0 $0x0;
	[tilespmem:s23+$0x8390] =	vst.add.f32.msk $0xffff, v59;
	s12 =	sadd.f32 $-2.500000000e-01, s30;
	s26 =	spop (v2sf)  }
0x202: {  	s0 =	sadd.s32 s24, s31;
	[tilespmem:s23+$0x83A0] =	vst.add.f32.msk $0xffff, v59;
	s16 =	smul.f32 s16, s29;
	s29 =	sand.u32 $0x7FFFFF, s26  }
0x203: {  	[tilespmem:s23+$0x83B0] =	vst.add.f32.msk $0xffff, v59;
	s2 =	ssub.f32 $0.0e+00, s2;
	s12 =	smul.f32 s12, s14;
	s24 =	sor.u32 $0x3F800000, s29  }
0x204: {  	[tilespmem:s23+$0x83C0] =	vst.add.f32.msk $0xffff, v59;
	p0 =	sge.f32 s24, s19;
	s28 =	smul.f32 $5.000000000e-01, s24  }
0x205: {  	s0 =	sadd.s32 $0xFFFFFF81, s0;
	[tilespmem:s23+$0x83D0] =	vst.add.f32.msk $0xffff, v59;
	s12 =	sadd.f32 $3.333333430e-01, s12  }
0x206: {  	[tilespmem:s23+$0x83E0] =	vst.add.f32.msk $0xffff, v59;
	s0 =	scvt.s32.f32 s0;
	s24 =	smov.u32 @p0 s28  }
0x207: {  	[tilespmem:s23+$0x83F0] =	vst.add.f32.msk $0xffff, v59;
	v60 =	vmov s2;
	s30 =	smul.f32 s12, s14;
	s24 =	sadd.f32 $-1.000000000e+00, s24  }
0x208: {  	s0 =	smul.f32 $6.931471820e-01, s0;
	[tilespmem:s23+$0x8400] =	vst.add.f32.msk $0xffff, v60  }
0x209: {  	[tilespmem:s23+$0x8410] =	vst.add.f32.msk $0xffff, v60;
	s2 =	sadd.f32 $-5.000000000e-01, s30;
	s31 =	smul.f32 $2.000000030e-01, s24  }
0x20a: {  	s25 =	sshra.s32 s25, $0x17;
	[tilespmem:s23+$0x8420] =	vst.add.f32.msk $0xffff, v60;
	s0 =	sadd.f32 s16, s0;
	s16 =	simm.s32 $0x1  }
0x20b: {  	[tilespmem:s23+$0x8430] =	vst.add.f32.msk $0xffff, v60;
	s16 =	simm.s32 @!p1 $0x0;
	s2 =	smul.f32 s2, s14;
	s12 =	sadd.f32 $-2.500000000e-01, s31  }
0x20c: {  	[tilespmem:s23+$0x8440] =	vst.add.f32.msk $0xffff, v60;
	s0 =	ssub.f32 $0.0e+00, s0;
	s16 =	sadd.s32 s16, s25  }
0x20d: {  	[tilespmem:s23+$0x8450] =	vst.add.f32.msk $0xffff, v60;
	s16 =	sadd.s32 $0xFFFFFF81, s16;
	s2 =	sadd.f32 $1.000000000e+00, s2;
	s12 =	smul.f32 s12, s24  }
0x20e: {  	[tilespmem:s23+$0x8460] =	vst.add.f32.msk $0xffff, v60;
	s28 =	scvt.s32.f32 s16  }
0x20f: {  	[tilespmem:s23+$0x8470] =	vst.add.f32.msk $0xffff, v60;
	v61 =	vmov s0;
	s25 =	smul.f32 s2, s14;
	s12 =	sadd.f32 $3.333333430e-01, s12  }
0x210: {  	[tilespmem:s23+$0x8480] =	vst.add.f32.msk $0xffff, v61;
	s2 =	smul.f32 $6.931471820e-01, s28  }
0x211: {  	[tilespmem:s23+$0x8490] =	vst.add.f32.msk $0xffff, v61;
	s12 =	smul.f32 s12, s24  }
0x212: {  	[tilespmem:s23+$0x84A0] =	vst.add.f32.msk $0xffff, v61;
	s0 =	sadd.f32 s25, s2;
	s2 =	simm.s32 $0x1  }
0x213: {  	s29 =	sshra.s32 s26, $0x17;
	[tilespmem:s23+$0x84B0] =	vst.add.f32.msk $0xffff, v61;
	s2 =	simm.s32 @!p0 $0x0;
	s12 =	sadd.f32 $-5.000000000e-01, s12  }
0x214: {  	[tilespmem:s23+$0x84C0] =	vst.add.f32.msk $0xffff, v61;
	s2 =	sadd.s32 s2, s29  }
0x215: {  	[tilespmem:s23+$0x84D0] =	vst.add.f32.msk $0xffff, v61;
	s0 =	ssub.f32 $0.0e+00, s0;
	s2 =	sadd.s32 $0xFFFFFF81, s2;
	s12 =	smul.f32 s12, s24  }
0x216: {  	[tilespmem:s23+$0x84E0] =	vst.add.f32.msk $0xffff, v61;
	s30 =	scvt.s32.f32 s2  }
0x217: {  	[tilespmem:s23+$0x84F0] =	vst.add.f32.msk $0xffff, v61;
	v62 =	vmov s0;
	s12 =	sadd.f32 $1.000000000e+00, s12  }
0x218: {  	[tilespmem:s23+$0x8500] =	vst.add.f32.msk $0xffff, v62;
	s0 =	smul.f32 $6.931471820e-01, s30  }
0x219: {  	[tilespmem:s23+$0x8510] =	vst.add.f32.msk $0xffff, v62;
	s31 =	smul.f32 s12, s24  }
0x21a: {  	[tilespmem:s23+$0x8520] =	vst.add.f32.msk $0xffff, v62  }
0x21b: {  	[tilespmem:s23+$0x8530] =	vst.add.f32.msk $0xffff, v62;
	s0 =	sadd.f32 s31, s0  }
0x21c: {  	[tilespmem:s23+$0x8540] =	vst.add.f32.msk $0xffff, v62  }
0x21d: {  	[tilespmem:s23+$0x8550] =	vst.add.f32.msk $0xffff, v62;
	s0 =	ssub.f32 $0.0e+00, s0  }
0x21e: {  	[tilespmem:s23+$0x8560] =	vst.add.f32.msk $0xffff, v62  }
0x21f: {  	[tilespmem:s23+$0x8570] =	vst.add.f32.msk $0xffff, v62;
	v63 =	vmov s0  }
0x220: {  	[tilespmem:s23+$0x8580] =	vst.add.f32.msk $0xffff, v63  }
0x221: {  	[tilespmem:s23+$0x8590] =	vst.add.f32.msk $0xffff, v63  }
0x222: {  	p0 =	sne.s32 s22, $0xF000;
	[tilespmem:s23+$0x85A0] =	vst.add.f32.msk $0xffff, v63  }
.Ltmp2:
0x223: {  	[tilespmem:s23+$0x85B0] =	vst.add.f32.msk $0xffff, v63;
	(pc) =	sbr.rel @p0 .LBB2_6-.Ltmp2, $4  }
0x224: {  	[tilespmem:s23+$0x85C0] =	vst.add.f32.msk $0xffff, v63  }
0x225: {  	[tilespmem:s23+$0x85D0] =	vst.add.f32.msk $0xffff, v63  }
0x226: {  	[tilespmem:s23+$0x85E0] =	vst.add.f32.msk $0xffff, v63  }
0x227: {  	s22 =	sadd.s32 $0x1000, s22;
	[tilespmem:s23+$0x85F0] =	vst.add.f32.msk $0xffff, v63  }
0x228: {  	s22 =	simm.s32 $0x0  }
0x229: {  	[hbm4b:s7+s22] =	stream.linear.scatter [tilespmem:s15], [sflag:$0x2], $0x4000, $0x38;
	[tilespmem:$0x10200] =	vst v63  }
0x22a: {  	_ =	swait.ge [sflag:s18], $0x4000  }
0x22b: {  	[sflag:s18] =	ssyncset.done $0x0  }
0x22c: {  	[sflag:s18] =	ssyncadd.s32 $0xFFFFC000  }
.LBB2_8:
0x22d: {  	s23 =	sshra.s32 s22, $0x2  }
0x22e: {  	v0 =	vld [tilespmem:s23+$0xC200]  }
0x22f: {  	v1 =	vld [tilespmem:s23+$0xC210]  }
0x230: {  	v2 =	vld [tilespmem:s23+$0xC220]  }
0x231: {  	v3 =	vld [tilespmem:s23+$0xC230]  }
0x232: {  	v4 =	vld [tilespmem:s23+$0xC240]  }
0x233: {  	v5 =	vld [tilespmem:s23+$0xC250]  }
0x234: {  	v6 =	vld [tilespmem:s23+$0xC260]  }
0x235: {  	v7 =	vld [tilespmem:s23+$0xC270]  }
0x236: {  	v46 =	vld [tilespmem:s23+$0xC280];
	v0 =	vmul.f32 $1.442695020e+00, v0;
	v1 =	vmul.f32 $1.442695020e+00, v1  }
0x237: {  	v48 =	vld [tilespmem:s23+$0xC290];
	v44 =	vmul.f32 $1.442695020e+00, v2;
	v45 =	vmul.f32 $1.442695020e+00, v3  }
0x238: {  	v50 =	vld [tilespmem:s23+$0xC2A0];
	v47 =	vmul.f32 $1.442695020e+00, v4;
	v49 =	vmul.f32 $1.442695020e+00, v5  }
0x239: {  	v52 =	vld [tilespmem:s23+$0xC2B0];
	v51 =	vmul.f32 $1.442695020e+00, v6;
	(erf) = vpow2.f32 v0  }
0x23a: {  	v54 =	vld [tilespmem:s23+$0xC2C0];
	v53 =	vmul.f32 $1.442695020e+00, v7;
	(erf) = vpow2.f32 v1  }
0x23b: {  	v57 =	vld [tilespmem:s23+$0xC2F0];
	v2 =	vmul.f32 $1.442695020e+00, v46;
	(erf) = vpow2.f32 v44  }
0x23c: {  	v61 =	vld [tilespmem:s23+$0xC300];
	v3 =	vmul.f32 $1.442695020e+00, v48;
	(erf) = vpow2.f32 v45  }
0x23d: {  	v63 =	vld [tilespmem:s23+$0xC310];
	v58 =	vmul.f32 $1.442695020e+00, v50;
	(erf) = vpow2.f32 v47  }
0x23e: {  	v19 =	vld [tilespmem:s23+$0xC340];
	v60 =	vmul.f32 $1.442695020e+00, v52;
	(erf) = vpow2.f32 v49  }
0x23f: {  	v55 =	vld [tilespmem:s23+$0xC2D0];
	v62 =	vmul.f32 $1.442695020e+00, v54;
	(erf) = vpow2.f32 v51  }
0x240: {  	v56 =	vld [tilespmem:s23+$0xC2E0];
	v18 =	vmul.f32 $1.442695020e+00, v57;
	(erf) = vpow2.f32 v53  }
0x241: {  	v24 =	vld [tilespmem:s23+$0xC370];
	v5 =	vmul.f32 $1.442695020e+00, v61;
	(erf) = vpow2.f32 v2  }
0x242: {  	v17 =	vld [tilespmem:s23+$0xC330];
	v6 =	vmul.f32 $1.442695020e+00, v63;
	v59 =	vpop (erf);
	(erf) = vpow2.f32 v3  }
0x243: {  	v16 =	vld [tilespmem:s23+$0xC320];
	v28 =	vmul.f32 $1.442695020e+00, v19;
	v8 =	vpop (erf);
	(erf) = vpow2.f32 v58  }
0x244: {  	v0 =	vmul.f32 $1.442695020e+00, v55;
	v9 =	vpop (erf);
	(erf) = vpow2.f32 v60  }
0x245: {  	v1 =	vmul.f32 $1.442695020e+00, v56;
	v10 =	vpop (erf);
	(erf) = vpow2.f32 v62  }
0x246: {  	v20 =	vld [tilespmem:s23+$0xC350];
	v35 =	vmul.f32 $1.442695020e+00, v24;
	v11 =	vpop (erf);
	(erf) = vpow2.f32 v0  }
0x247: {  	v2 =	vmul.f32 $1.442695020e+00, v17;
	v12 =	vpop (erf);
	(erf) = vpow2.f32 v1  }
0x248: {  	v22 =	vld [tilespmem:s23+$0xC360];
	v3 =	vmul.f32 $1.442695020e+00, v16;
	v21 =	vpop (erf);
	(erf) = vpow2.f32 v18  }
0x249: {  	v29 =	vld [tilespmem:s23+$0xC380];
	v4 =	vadd.f32 v8, v59;
	v9 =	vadd.f32 v10, v9;
	v23 =	vpop (erf);
	(erf) = vpow2.f32 v5  }
0x24a: {  	v36 =	vld [tilespmem:s23+$0xC3B0];
	v11 =	vadd.f32 v12, v11;
	v25 =	vadd.f32 v23, v21;
	v26 =	vpop (erf);
	(erf) = vpow2.f32 v6  }
0x24b: {  	v33 =	vld [tilespmem:s23+$0xC3A0];
	v1 =	vmul.f32 $1.442695020e+00, v20;
	v27 =	vpop (erf);
	(erf) = vpow2.f32 v3  }
0x24c: {  	v31 =	vld [tilespmem:s23+$0xC390];
	v4 =	vadd.f32 v9, v4;
	v5 =	vadd.f32 v25, v11;
	v30 =	vpop (erf);
	(erf) = vpow2.f32 v2  }
0x24d: {  	v0 =	vmul.f32 $1.442695020e+00, v22;
	v32 =	vpop (erf);
	(erf) = vpow2.f32 v28  }
0x24e: {  	v38 =	vld [tilespmem:s23+$0xC3C0];
	v7 =	vmul.f32 $1.442695020e+00, v29;
	v4 =	vadd.f32 v5, v4;
	v34 =	vpop (erf);
	(erf) = vpow2.f32 v1  }
0x24f: {  	v42 =	vmul.f32 $1.442695020e+00, v36;
	v37 =	vpop (erf);
	(erf) = vpow2.f32 v0  }
0x250: {  	v3 =	vmul.f32 $1.442695020e+00, v33;
	(xrf2) =	vadd.scan.msk.f32 $0xffff, v4;
	v39 =	vpop (erf);
	(erf) = vpow2.f32 v35  }
0x251: {  	v40 =	vld [tilespmem:s23+$0xC3D0];
	v2 =	vmul.f32 $1.442695020e+00, v31;
	v6 =	vadd.f32 v27, v26;
	v44 =	vadd.f32 v32, v30;
	v13 =	vpop (erf)  }
0x252: {  	v46 =	vadd.f32 v37, v34;
	(erf) = vpow2.f32 v7;
	v15 =	vpop (erf);
	v4 =	vadd.f32 v13, v39  }
0x253: {  	v14 =	vld [tilespmem:s23+$0xC3E0];
	v0 =	vmul.f32 $1.442695020e+00, v38;
	(erf) = vpow2.f32 v2;
	v41 =	vpop (erf)  }
0x254: {  	v16 =	vld [tilespmem:s23+$0xC3F0];
	v52 =	vadd.f32 v44, v6;
	v43 =	vpop (erf);
	(erf) = vpow2.f32 v3;
	v2 =	vadd.f32 v4, v46  }
0x255: {  	v45 =	vpop (erf);
	(erf) = vpow2.f32 v42  }
0x256: {  	v1 =	vmul.f32 $1.442695020e+00, v40;
	v47 =	vpop (erf);
	(erf) = vpow2.f32 v0;
	v0 =	vadd.f32 v2, v52  }
0x257: {  	v54 =	vld [tilespmem:s23+$0xC400];
	v49 =	vpop (erf)  }
0x258: {  	v48 =	vmul.f32 $1.442695020e+00, v14;
	v56 =	vld [tilespmem:s23+$0xC410];
	(erf) = vpow2.f32 v1;
	v51 =	vpop (erf);
	(xrf2) =	vadd.scan.msk.f32 $0xffff, v0  }
0x259: {  	v58 =	vld [tilespmem:s23+$0xC420];
	v50 =	vmul.f32 $1.442695020e+00, v16;
	v7 =	vadd.f32 v41, v15;
	v8 =	vadd.f32 v45, v43;
	v53 =	vpop (erf)  }
0x25a: {  	v60 =	vld [tilespmem:s23+$0xC430];
	(erf) = vpow2.f32 v48;
	v5 =	vadd.f32 v49, v47;
	v55, _, _ =	vpop (xrf2);
	v3 =	vadd.f32 v53, v51  }
0x25b: {  	v62 =	vld [tilespmem:s23+$0xC440];
	(erf) = vpow2.f32 v50;
	(v2sf) =	vpush v55, $0xF  }
0x25c: {  	v18 =	vld [tilespmem:s23+$0xC460];
	v1 =	vmul.f32 $1.442695020e+00, v54;
	v7 =	vadd.f32 v8, v7;
	v57 =	vpop (erf);
	v3 =	vadd.f32 v3, v5  }
0x25d: {  	v16 =	vld [tilespmem:s23+$0xC450];
	v6 =	vmul.f32 $1.442695020e+00, v56;
	v59 =	vpop (erf)  }
0x25e: {  	v12 =	vmul.f32 $1.442695020e+00, v58;
	v61 =	vpop (erf);
	(erf) = vpow2.f32 v1;
	v3 =	vadd.f32 v3, v7  }
0x25f: {  	v20 =	vld [tilespmem:s23+$0xC470];
	v63 =	vpop (erf);
	(erf) = vpow2.f32 v6  }
0x260: {  	v22 =	vmul.f32 $1.442695020e+00, v60;
	v17 =	vpop (erf);
	(erf) = vpow2.f32 v12;
	(xrf2) =	vadd.scan.msk.f32 $0xffff, v3  }
0x261: {  	v11 =	vmul.f32 $1.442695020e+00, v62;
	v25 =	vld [tilespmem:s23+$0xC480];
	v24 =	vmul.f32 $1.442695020e+00, v18;
	v19 =	vpop (erf)  }
0x262: {  	v26 =	vld [tilespmem:s23+$0xC490];
	v4 =	vmul.f32 $1.442695020e+00, v16;
	(erf) = vpow2.f32 v22;
	v29, _, _ =	vpop (xrf2)  }
0x263: {  	v27 =	vld [tilespmem:s23+$0xC4A0];
	v2 =	vadd.f32 v59, v57;
	v21 =	vpop (erf);
	(erf) = vpow2.f32 v11;
	(v2sf) =	vpush v29, $0xF  }
0x264: {  	v28 =	vld [tilespmem:s23+$0xC4B0];
	v1 =	vmul.f32 $1.442695020e+00, v20;
	v0 =	vadd.f32 v63, v61;
	v23 =	vpop (erf);
	(erf) = vpow2.f32 v4  }
0x265: {  	v5 =	vadd.f32 v19, v17;
	v6 =	vadd.f32 v23, v21;
	(erf) = vpow2.f32 v24  }
0x266: {  	v30 =	vld [tilespmem:s23+$0xC4C0];
	v33 =	vmul.f32 $1.442695020e+00, v25;
	(erf) = vpow2.f32 v1  }
0x267: {  	v32 =	vld [tilespmem:s23+$0xC4D0];
	v0 =	vadd.f32 v0, v2;
	v4 =	vmul.f32 $1.442695020e+00, v26;
	v5 =	vadd.f32 v6, v5;
	v31 =	vpop (erf)  }
0x268: {  	v35 =	vld [tilespmem:s23+$0xC4E0];
	v2 =	vmul.f32 $1.442695020e+00, v27;
	(erf) = vpow2.f32 v33;
	v34 =	vpop (erf)  }
0x269: {  	v37 =	vld [tilespmem:s23+$0xC4F0];
	v1 =	vmul.f32 $1.442695020e+00, v28;
	v0 =	vadd.f32 v5, v0;
	(erf) = vpow2.f32 v4;
	v36 =	vpop (erf)  }
0x26a: {  	(erf) = vpow2.f32 v2;
	v48, _, _ =	vpop (xrf2);
	s25 =	spop (v2sf)  }
0x26b: {  	v40 =	vmul.f32 $1.442695020e+00, v30;
	(xrf2) =	vadd.scan.msk.f32 $0xffff, v0;
	v38 =	vpop (erf);
	(erf) = vpow2.f32 v1;
	s0 =	sand.u32 $0x7FFFFF, s25;
	(v2sf) =	vpush v48, $0xF  }
0x26c: {  	v42 =	vmul.f32 $1.442695020e+00, v32;
	v39 =	vpop (erf);
	s0 =	sor.u32 $0x3F800000, s0  }
0x26d: {  	v44 =	vmul.f32 $1.442695020e+00, v35;
	v49 =	vld [tilespmem:s23+$0xC500];
	(erf) = vpow2.f32 v40;
	v41 =	vpop (erf);
	p0 =	sge.f32 s0, s19;
	s2 =	smul.f32 $5.000000000e-01, s0  }
0x26e: {  	v46 =	vmul.f32 $1.442695020e+00, v37;
	v51 =	vld [tilespmem:s23+$0xC510];
	(erf) = vpow2.f32 v42;
	v43 =	vpop (erf)  }
0x26f: {  	v53 =	vld [tilespmem:s23+$0xC520];
	v0 =	vadd.f32 v34, v31;
	v5 =	vadd.f32 v38, v36;
	(erf) = vpow2.f32 v44;
	v45 =	vpop (erf);
	s0 =	smov.u32 @p0 s2  }
0x270: {  	v55 =	vld [tilespmem:s23+$0xC530];
	v3 =	vadd.f32 v41, v39;
	(erf) = vpow2.f32 v46;
	v47 =	vadd.f32 v45, v43;
	s24 =	sadd.f32 $-1.000000000e+00, s0  }
0x271: {  	v57 =	vld [tilespmem:s23+$0xC540];
	v52 =	vpop (erf)  }
0x272: {  	v59 =	vld [tilespmem:s23+$0xC550];
	v0 =	vadd.f32 v5, v0;
	v3 =	vadd.f32 v47, v3;
	v54 =	vpop (erf);
	s28 =	spop (v2sf);
	s0 =	smul.f32 $2.000000030e-01, s24  }
0x273: {  	v61 =	vld [tilespmem:s23+$0xC560];
	v1 =	vmul.f32 $1.442695020e+00, v49;
	v56 =	vpop (erf);
	s14 =	sand.u32 $0x7FFFFF, s28  }
0x274: {  	v4 =	vmul.f32 $1.442695020e+00, v51;
	v0 =	vadd.f32 v3, v0;
	v58 =	vpop (erf);
	s0 =	sadd.f32 $-2.500000000e-01, s0;
	s2 =	sor.u32 $0x3F800000, s14  }
0x275: {  	v13 =	vmul.f32 $1.442695020e+00, v55;
	(erf) = vpow2.f32 v1;
	v50, _, _ =	vpop (xrf2);
	p2 =	sge.f32 s2, s19;
	s12 =	smul.f32 $5.000000000e-01, s2  }
0x276: {  	v63 =	vld [tilespmem:s23+$0xC570];
	v5 =	vmul.f32 $1.442695020e+00, v53;
	(erf) = vpow2.f32 v4;
	v60 =	vpop (erf);
	(xrf2) =	vadd.scan.msk.f32 $0xffff, v0  }
0x277: {  	v15 =	vmul.f32 $1.442695020e+00, v57;
	v17 =	vmul.f32 $1.442695020e+00, v59;
	v62 =	vpop (erf);
	s0 =	smul.f32 s0, s24;
	s2 =	smov.u32 @p2 s12  }
0x278: {  	v18 =	vmul.f32 $1.442695020e+00, v61;
	v2 =	vadd.f32 v54, v52;
	(erf) = vpow2.f32 v5;
	v12 =	vpop (erf);
	s29 =	sadd.f32 $-1.000000000e+00, s2  }
0x279: {  	v21 =	vld [tilespmem:s23+$0xC580];
	(erf) = vpow2.f32 v13;
	(v2sf) =	vpush v50, $0xF;
	v0 =	vadd.f32 v58, v56;
	v14 =	vpop (erf);
	s0 =	sadd.f32 $3.333333430e-01, s0  }
0x27a: {  	v25 =	vld [tilespmem:s23+$0xC5A0];
	(erf) = vpow2.f32 v15;
	v3 =	vadd.f32 v62, v60;
	v16 =	vadd.f32 v14, v12;
	s2 =	smul.f32 $2.000000030e-01, s29;
	s26 =	spop (v2sf)  }
0x27b: {  	v23 =	vld [tilespmem:s23+$0xC590];
	v1 =	vmul.f32 $1.442695020e+00, v63;
	(erf) = vpow2.f32 v17;
	s16 =	sand.u32 $0x7FFFFF, s26  }
0x27c: {  	v29 =	vld [tilespmem:s23+$0xC5C0];
	(erf) = vpow2.f32 v18;
	v0 =	vadd.f32 v0, v2;
	v3 =	vadd.f32 v16, v3;
	s0 =	smul.f32 s0, s24;
	s2 =	sadd.f32 $-2.500000000e-01, s2;
	s12 =	sor.u32 $0x3F800000, s16  }
0x27d: {  	v27 =	vld [tilespmem:s23+$0xC5B0];
	(erf) = vpow2.f32 v1;
	p1 =	sge.f32 s12, s19;
	s14 =	smul.f32 $5.000000000e-01, s12  }
0x27e: {  	v33 =	vld [tilespmem:s23+$0xC5E0];
	v2 =	vmul.f32 $1.442695020e+00, v21;
	v20 =	vpop (erf);
	v0 =	vadd.f32 v3, v0  }
0x27f: {  	v31 =	vld [tilespmem:s23+$0xC5D0];
	v22 =	vpop (erf);
	s0 =	sadd.f32 $-5.000000000e-01, s0;
	s2 =	smul.f32 s2, s29;
	s12 =	smov.u32 @p1 s14  }
0x280: {  	v35 =	vld [tilespmem:s23+$0xC5F0];
	v4 =	vmul.f32 $1.442695020e+00, v23;
	(erf) = vpow2.f32 v2;
	v19, _, _ =	vpop (xrf2);
	(xrf2) =	vadd.scan.msk.f32 $0xffff, v0;
	s30 =	sadd.f32 $-1.000000000e+00, s12  }
0x281: {  	v6 =	vmul.f32 $1.442695020e+00, v25;
	v37 =	vmul.f32 $1.442695020e+00, v29;
	v24 =	vpop (erf);
	s0 =	smul.f32 s0, s24;
	(v2sf) =	vpush v19, $0xF;
	s2 =	sadd.f32 $3.333333430e-01, s2  }
0x282: {  	v36 =	vmul.f32 $1.442695020e+00, v27;
	s25 =	sshra.s32 s25, $0x17;
	(erf) = vpow2.f32 v4;
	v26 =	vpop (erf);
	s16 =	smul.f32 $2.000000030e-01, s30  }
0x283: {  	v40 =	vmul.f32 $1.442695020e+00, v33;
	(erf) = vpow2.f32 v6;
	v28 =	vpop (erf);
	s12 =	simm.s32 $0x1;
	s0 =	sadd.f32 $1.000000000e+00, s0;
	s2 =	smul.f32 s2, s29  }
0x284: {  	v39 =	vmul.f32 $1.442695020e+00, v31;
	s28 =	sshra.s32 s28, $0x17;
	(erf) = vpow2.f32 v36;
	v30 =	vpop (erf);
	s12 =	simm.s32 @!p0 $0x0;
	s31 =	sadd.f32 $-2.500000000e-01, s16  }
0x285: {  	v41 =	vmul.f32 $1.442695020e+00, v35;
	(erf) = vpow2.f32 v37;
	v32 =	vpop (erf);
	s12 =	sadd.s32 s12, s25;
	s0 =	smul.f32 s0, s24;
	s2 =	sadd.f32 $-5.000000000e-01, s2  }
0x286: {  	v5 =	vadd.f32 v26, v24;
	(erf) = vpow2.f32 v39;
	v0 =	vadd.f32 v22, v20;
	v34 =	vpop (erf);
	s12 =	sadd.s32 $0xFFFFFF81, s12;
	s16 =	simm.s32 $0x1;
	s14 =	smul.f32 s31, s30  }
0x287: {  	v1 =	vadd.f32 v30, v28;
	(erf) = vpow2.f32 v40;
	v3 =	vadd.f32 v34, v32;
	s12 =	scvt.s32.f32 s12;
	s16 =	simm.s32 @!p2 $0x0;
	s2 =	smul.f32 s2, s29  }
0x288: {  	(erf) = vpow2.f32 v41;
	s25 =	spop (v2sf);
	s16 =	sadd.s32 s16, s28;
	s14 =	sadd.f32 $3.333333430e-01, s14  }
0x289: {  	v0 =	vadd.f32 v5, v0;
	v42 =	vpop (erf);
	v1 =	vadd.f32 v3, v1;
	s12 =	smul.f32 $6.931471820e-01, s12;
	s16 =	sadd.s32 $0xFFFFFF81, s16;
	s2 =	sadd.f32 $1.000000000e+00, s2  }
0x28a: {  	v38, _, _ =	vpop (xrf2);
	s16 =	scvt.s32.f32 s16;
	s14 =	smul.f32 s14, s30  }
0x28b: {  	v43 =	vpop (erf);
	v0 =	vadd.f32 v1, v0;
	s0 =	sadd.f32 s0, s12;
	(v2sf) =	vpush v38, $0xF;
	s2 =	smul.f32 s2, s29;
	s29 =	sand.u32 $0x7FFFFF, s25  }
0x28c: {  	v44 =	vpop (erf);
	s16 =	smul.f32 $6.931471820e-01, s16;
	s12 =	sor.u32 $0x3F800000, s29;
	s14 =	sadd.f32 $-5.000000000e-01, s14  }
0x28d: {  	v45 =	vpop (erf);
	(xrf2) =	vadd.scan.msk.f32 $0xffff, v0;
	p2 =	sge.f32 s12, s19;
	s24 =	smul.f32 $5.000000000e-01, s12  }
0x28e: {  	v46 =	vpop (erf);
	s31 =	sshra.s32 s26, $0x17;
	s2 =	sadd.f32 s2, s16  }
0x28f: {  	v47 =	vpop (erf);
	s16 =	simm.s32 $0x1;
	s14 =	smul.f32 s14, s30;
	s12 =	smov.u32 @p2 s24  }
0x290: {  	v48 =	vpop (erf);
	s16 =	simm.s32 @!p1 $0x0;
	s26 =	spop (v2sf);
	s28 =	sadd.f32 $-1.000000000e+00, s12  }
0x291: {  	v50 =	vadd.f32 v45, v44;
	v52 =	vadd.f32 v47, v46;
	v49 =	vpop (erf);
	s12 =	sadd.f32 $1.000000000e+00, s14;
	s14 =	sadd.s32 s16, s31;
	s31 =	sand.u32 $0x7FFFFF, s26  }
0x292: {  	v0 =	vadd.f32 v43, v42;
	v53 =	vadd.f32 v49, v48;
	s0 =	ssub.f32 $0.0e+00, s0;
	s29 =	smul.f32 $2.000000030e-01, s28;
	s16 =	sor.u32 $0x3F800000, s31  }
0x293: {  	s14 =	sadd.s32 $0xFFFFFF81, s14;
	s12 =	smul.f32 s12, s30;
	p1 =	sge.f32 s16, s19  }
0x294: {  	v0 =	vadd.f32 v50, v0;
	v54 =	vadd.f32 v53, v52;
	s30 =	smul.f32 $5.000000000e-01, s16;
	s14 =	scvt.s32.f32 s14  }
0x295: {  	s29 =	sadd.f32 $-2.500000000e-01, s29  }
0x296: {  	v55 =	vmov s0;
	v0 =	vadd.f32 v54, v0;
	s16 =	smov.u32 @p1 s30;
	s0 =	smul.f32 $6.931471820e-01, s14  }
0x297: {  	v51, _, _ =	vpop (xrf2);
	s29 =	smul.f32 s29, s28;
	s30 =	sadd.f32 $-1.000000000e+00, s16  }
0x298: {  	(xrf2) =	vadd.scan.msk.f32 $0xffff, v0;
	(v2sf) =	vpush v51, $0xF;
	s0 =	sadd.f32 s12, s0  }
0x299: {  	[tilespmem:s23+$0xC200] =	vst.add.f32.msk $0xffff, v55;
	s14 =	sadd.f32 $3.333333430e-01, s29  }
0x29a: {  	[tilespmem:s23+$0xC210] =	vst.add.f32.msk $0xffff, v55;
	s12 =	smul.f32 $2.000000030e-01, s30;
	s24 =	spop (v2sf)  }
0x29b: {  	[tilespmem:s23+$0xC220] =	vst.add.f32.msk $0xffff, v55;
	s31 =	sand.u32 $0x7FFFFF, s24  }
0x29c: {  	[tilespmem:s23+$0xC230] =	vst.add.f32.msk $0xffff, v55;
	s14 =	smul.f32 s14, s28;
	s12 =	sadd.f32 $-2.500000000e-01, s12;
	s16 =	sor.u32 $0x3F800000, s31  }
0x29d: {  	[tilespmem:s23+$0xC240] =	vst.add.f32.msk $0xffff, v55;
	s2 =	ssub.f32 $0.0e+00, s2;
	s29 =	smul.f32 $5.000000000e-01, s16  }
0x29e: {  	[tilespmem:s23+$0xC250] =	vst.add.f32.msk $0xffff, v55;
	s31 =	simm.s32 $0x1;
	p0 =	sge.f32 s16, s19;
	s12 =	smul.f32 s12, s30  }
0x29f: {  	s25 =	sshra.s32 s25, $0x17;
	[tilespmem:s23+$0xC260] =	vst.add.f32.msk $0xffff, v55;
	s31 =	simm.s32 @!p2 $0x0;
	s14 =	sadd.f32 $-5.000000000e-01, s14  }
0x2a0: {  	[tilespmem:s23+$0xC270] =	vst.add.f32.msk $0xffff, v55;
	v56 =	vmov s2;
	s2 =	sadd.s32 s31, s25;
	s16 =	smov.u32 @p0 s29;
	s12 =	sadd.f32 $3.333333430e-01, s12  }
0x2a1: {  	[tilespmem:s23+$0xC280] =	vst.add.f32.msk $0xffff, v56;
	s14 =	smul.f32 s14, s28;
	s2 =	sadd.s32 $0xFFFFFF81, s2;
	s29 =	sadd.f32 $-1.000000000e+00, s16  }
0x2a2: {  	[tilespmem:s23+$0xC290] =	vst.add.f32.msk $0xffff, v56;
	v57, _, _ =	vpop (xrf2);
	s2 =	scvt.s32.f32 s2;
	s12 =	smul.f32 s12, s30  }
0x2a3: {  	[tilespmem:s23+$0xC2A0] =	vst.add.f32.msk $0xffff, v56;
	(v2sf) =	vpush v57, $0xF;
	s14 =	sadd.f32 $1.000000000e+00, s14;
	s16 =	smul.f32 $2.000000030e-01, s29  }
0x2a4: {  	[tilespmem:s23+$0xC2B0] =	vst.add.f32.msk $0xffff, v56;
	s2 =	smul.f32 $6.931471820e-01, s2;
	s12 =	sadd.f32 $-5.000000000e-01, s12  }
0x2a5: {  	s26 =	sshra.s32 s26, $0x17;
	[tilespmem:s23+$0xC2C0] =	vst.add.f32.msk $0xffff, v56;
	s14 =	smul.f32 s14, s28;
	s16 =	sadd.f32 $-2.500000000e-01, s16  }
0x2a6: {  	[tilespmem:s23+$0xC2D0] =	vst.add.f32.msk $0xffff, v56;
	s0 =	ssub.f32 $0.0e+00, s0;
	s28 =	simm.s32 $0x1;
	s12 =	smul.f32 s12, s30  }
0x2a7: {  	[tilespmem:s23+$0xC2E0] =	vst.add.f32.msk $0xffff, v56;
	s25 =	spop (v2sf);
	s28 =	simm.s32 @!p1 $0x0;
	s16 =	smul.f32 s16, s29  }
0x2a8: {  	[tilespmem:s23+$0xC2F0] =	vst.add.f32.msk $0xffff, v56;
	v58 =	vmov s0;
	s31 =	sadd.f32 s14, s2;
	s26 =	sadd.s32 s28, s26;
	s28 =	sand.u32 $0x7FFFFF, s25  }
0x2a9: {  	[tilespmem:s23+$0xC300] =	vst.add.f32.msk $0xffff, v58;
	s14 =	sor.u32 $0x3F800000, s28;
	s16 =	sadd.f32 $3.333333430e-01, s16  }
0x2aa: {  	[tilespmem:s23+$0xC310] =	vst.add.f32.msk $0xffff, v58;
	s2 =	sadd.s32 $0xFFFFFF81, s26;
	s12 =	sadd.f32 $1.000000000e+00, s12;
	s26 =	smul.f32 $5.000000000e-01, s14  }
0x2ab: {  	[tilespmem:s23+$0xC320] =	vst.add.f32.msk $0xffff, v58;
	p1 =	sge.f32 s14, s19;
	s16 =	smul.f32 s16, s29  }
0x2ac: {  	[tilespmem:s23+$0xC330] =	vst.add.f32.msk $0xffff, v58;
	s2 =	scvt.s32.f32 s2;
	s0 =	ssub.f32 $0.0e+00, s31  }
0x2ad: {  	[tilespmem:s23+$0xC340] =	vst.add.f32.msk $0xffff, v58;
	s12 =	smul.f32 s12, s30;
	s14 =	smov.u32 @p1 s26;
	s16 =	sadd.f32 $-5.000000000e-01, s16  }
0x2ae: {  	[tilespmem:s23+$0xC350] =	vst.add.f32.msk $0xffff, v58;
	s2 =	smul.f32 $6.931471820e-01, s2;
	s14 =	sadd.f32 $-1.000000000e+00, s14  }
0x2af: {  	[tilespmem:s23+$0xC360] =	vst.add.f32.msk $0xffff, v58;
	s16 =	smul.f32 s16, s29  }
0x2b0: {  	[tilespmem:s23+$0xC370] =	vst.add.f32.msk $0xffff, v58;
	v59 =	vmov s0;
	s2 =	sadd.f32 s12, s2;
	s30 =	smul.f32 $2.000000030e-01, s14  }
0x2b1: {  	s31 =	sshra.s32 s24, $0x17;
	s24 =	simm.s32 $0x1;
	[tilespmem:s23+$0xC380] =	vst.add.f32.msk $0xffff, v59;
	s16 =	sadd.f32 $1.000000000e+00, s16  }
0x2b2: {  	s24 =	simm.s32 @!p0 $0x0;
	[tilespmem:s23+$0xC390] =	vst.add.f32.msk $0xffff, v59;
	s12 =	sadd.f32 $-2.500000000e-01, s30;
	s26 =	spop (v2sf)  }
0x2b3: {  	s0 =	sadd.s32 s24, s31;
	[tilespmem:s23+$0xC3A0] =	vst.add.f32.msk $0xffff, v59;
	s16 =	smul.f32 s16, s29;
	s29 =	sand.u32 $0x7FFFFF, s26  }
0x2b4: {  	[tilespmem:s23+$0xC3B0] =	vst.add.f32.msk $0xffff, v59;
	s2 =	ssub.f32 $0.0e+00, s2;
	s12 =	smul.f32 s12, s14;
	s24 =	sor.u32 $0x3F800000, s29  }
0x2b5: {  	[tilespmem:s23+$0xC3C0] =	vst.add.f32.msk $0xffff, v59;
	p0 =	sge.f32 s24, s19;
	s28 =	smul.f32 $5.000000000e-01, s24  }
0x2b6: {  	s0 =	sadd.s32 $0xFFFFFF81, s0;
	[tilespmem:s23+$0xC3D0] =	vst.add.f32.msk $0xffff, v59;
	s12 =	sadd.f32 $3.333333430e-01, s12  }
0x2b7: {  	[tilespmem:s23+$0xC3E0] =	vst.add.f32.msk $0xffff, v59;
	s0 =	scvt.s32.f32 s0;
	s24 =	smov.u32 @p0 s28  }
0x2b8: {  	[tilespmem:s23+$0xC3F0] =	vst.add.f32.msk $0xffff, v59;
	v60 =	vmov s2;
	s30 =	smul.f32 s12, s14;
	s24 =	sadd.f32 $-1.000000000e+00, s24  }
0x2b9: {  	s0 =	smul.f32 $6.931471820e-01, s0;
	[tilespmem:s23+$0xC400] =	vst.add.f32.msk $0xffff, v60  }
0x2ba: {  	[tilespmem:s23+$0xC410] =	vst.add.f32.msk $0xffff, v60;
	s2 =	sadd.f32 $-5.000000000e-01, s30;
	s31 =	smul.f32 $2.000000030e-01, s24  }
0x2bb: {  	s25 =	sshra.s32 s25, $0x17;
	[tilespmem:s23+$0xC420] =	vst.add.f32.msk $0xffff, v60;
	s0 =	sadd.f32 s16, s0;
	s16 =	simm.s32 $0x1  }
0x2bc: {  	[tilespmem:s23+$0xC430] =	vst.add.f32.msk $0xffff, v60;
	s16 =	simm.s32 @!p1 $0x0;
	s2 =	smul.f32 s2, s14;
	s12 =	sadd.f32 $-2.500000000e-01, s31  }
0x2bd: {  	[tilespmem:s23+$0xC440] =	vst.add.f32.msk $0xffff, v60;
	s0 =	ssub.f32 $0.0e+00, s0;
	s16 =	sadd.s32 s16, s25  }
0x2be: {  	[tilespmem:s23+$0xC450] =	vst.add.f32.msk $0xffff, v60;
	s16 =	sadd.s32 $0xFFFFFF81, s16;
	s2 =	sadd.f32 $1.000000000e+00, s2;
	s12 =	smul.f32 s12, s24  }
0x2bf: {  	[tilespmem:s23+$0xC460] =	vst.add.f32.msk $0xffff, v60;
	s28 =	scvt.s32.f32 s16  }
0x2c0: {  	[tilespmem:s23+$0xC470] =	vst.add.f32.msk $0xffff, v60;
	v61 =	vmov s0;
	s25 =	smul.f32 s2, s14;
	s12 =	sadd.f32 $3.333333430e-01, s12  }
0x2c1: {  	[tilespmem:s23+$0xC480] =	vst.add.f32.msk $0xffff, v61;
	s2 =	smul.f32 $6.931471820e-01, s28  }
0x2c2: {  	[tilespmem:s23+$0xC490] =	vst.add.f32.msk $0xffff, v61;
	s12 =	smul.f32 s12, s24  }
0x2c3: {  	[tilespmem:s23+$0xC4A0] =	vst.add.f32.msk $0xffff, v61;
	s0 =	sadd.f32 s25, s2;
	s2 =	simm.s32 $0x1  }
0x2c4: {  	s29 =	sshra.s32 s26, $0x17;
	[tilespmem:s23+$0xC4B0] =	vst.add.f32.msk $0xffff, v61;
	s2 =	simm.s32 @!p0 $0x0;
	s12 =	sadd.f32 $-5.000000000e-01, s12  }
0x2c5: {  	[tilespmem:s23+$0xC4C0] =	vst.add.f32.msk $0xffff, v61;
	s2 =	sadd.s32 s2, s29  }
0x2c6: {  	[tilespmem:s23+$0xC4D0] =	vst.add.f32.msk $0xffff, v61;
	s0 =	ssub.f32 $0.0e+00, s0;
	s2 =	sadd.s32 $0xFFFFFF81, s2;
	s12 =	smul.f32 s12, s24  }
0x2c7: {  	[tilespmem:s23+$0xC4E0] =	vst.add.f32.msk $0xffff, v61;
	s30 =	scvt.s32.f32 s2  }
0x2c8: {  	[tilespmem:s23+$0xC4F0] =	vst.add.f32.msk $0xffff, v61;
	v62 =	vmov s0;
	s12 =	sadd.f32 $1.000000000e+00, s12  }
0x2c9: {  	[tilespmem:s23+$0xC500] =	vst.add.f32.msk $0xffff, v62;
	s0 =	smul.f32 $6.931471820e-01, s30  }
0x2ca: {  	[tilespmem:s23+$0xC510] =	vst.add.f32.msk $0xffff, v62;
	s31 =	smul.f32 s12, s24  }
0x2cb: {  	[tilespmem:s23+$0xC520] =	vst.add.f32.msk $0xffff, v62  }
0x2cc: {  	[tilespmem:s23+$0xC530] =	vst.add.f32.msk $0xffff, v62;
	s0 =	sadd.f32 s31, s0  }
0x2cd: {  	[tilespmem:s23+$0xC540] =	vst.add.f32.msk $0xffff, v62  }
0x2ce: {  	[tilespmem:s23+$0xC550] =	vst.add.f32.msk $0xffff, v62;
	s0 =	ssub.f32 $0.0e+00, s0  }
0x2cf: {  	[tilespmem:s23+$0xC560] =	vst.add.f32.msk $0xffff, v62  }
0x2d0: {  	[tilespmem:s23+$0xC570] =	vst.add.f32.msk $0xffff, v62;
	v63 =	vmov s0  }
0x2d1: {  	[tilespmem:s23+$0xC580] =	vst.add.f32.msk $0xffff, v63  }
0x2d2: {  	[tilespmem:s23+$0xC590] =	vst.add.f32.msk $0xffff, v63  }
0x2d3: {  	p0 =	sne.s32 s22, $0xF000;
	[tilespmem:s23+$0xC5A0] =	vst.add.f32.msk $0xffff, v63  }
.Ltmp3:
0x2d4: {  	[tilespmem:s23+$0xC5B0] =	vst.add.f32.msk $0xffff, v63;
	(pc) =	sbr.rel @p0 .LBB2_8-.Ltmp3, $4  }
0x2d5: {  	[tilespmem:s23+$0xC5C0] =	vst.add.f32.msk $0xffff, v63  }
0x2d6: {  	[tilespmem:s23+$0xC5D0] =	vst.add.f32.msk $0xffff, v63  }
0x2d7: {  	[tilespmem:s23+$0xC5E0] =	vst.add.f32.msk $0xffff, v63  }
0x2d8: {  	s22 =	sadd.s32 $0x1000, s22;
	[tilespmem:s23+$0xC5F0] =	vst.add.f32.msk $0xffff, v63  }
0x2d9: {  	[hbm4b:s8+s3] =	stream.linear.scatter [tilespmem:s17], [sflag:$0x2], $0x4000, $0x38;
	[tilespmem:$0x10200] =	vst v63  }
0x2da: {  	_ =	swait.ge [sflag:s20], $0x4000  }
0x2db: {  	[sflag:s20] =	ssyncset.done $0x0  }
0x2dc: {  	[sflag:s20] =	ssyncadd.s32 $0xFFFFC000  }
0x2dd: {  	_ =	swait.ge [sflag:s20], $0x4000  }
0x2de: {  	[sflag:s20] =	ssyncset.done $0x0  }
0x2df: {  	s21 =	sadd.s32 $0x1, s21;
	[sflag:s20] =	ssyncadd.s32 $0xFFFFC000  }
0x2e0: {  	p0 =	sne.s32 s21, s9;
	_ =	swait.ge [sflag:s20], $0x4000  }
.Ltmp4:
0x2e1: {  	[sflag:s20] =	ssyncset.done $0x0;
	(pc) =	sbr.rel @p0 .LBB2_1-.Ltmp4, $4  }
0x2e2: {  	[sflag:s20] =	ssyncadd.s32 $0xFFFFC000  }
0x2e3: {  	_ =	swait.ge [sflag:s20], $0x4000  }
0x2e4: {  	[sflag:s20] =	ssyncset.done $0x0  }
0x2e5: {  	[sflag:s20] =	ssyncadd.s32 $0xFFFFC000  }
0x2e6: {  	_ =	sfence.sel $0x180000  }
0x2e7: {  	[bflag:$0x0] =	sbarrier.arrive $0xFFFF  }
0x2e8: {  	_ =	strace $0x90000047  }
0x2e9: {  	s0 =	stileid.u32;
	[bflag:$0x2] =	sbarrier.arrive $0xFFFF  }
0x2ea: {  	p0 =	sne.s32 s0, $0x0;
	s0 =	rddreg [dreg:$0x3]  }
0x2eb: {  	s0 =	sadd.s32 @!p0 $0x100000, s0  }
0x2ec: {  	[sflag:s0] =	ssyncadd.tile.s32 @!p0 $0x1;
	_ =	shalt  }
.Lfunc_end2:
_tile_overlayer_lowered:
.L_overlay_start_2:
0x2ed: {  	(tag) =	ssettag $0x2  }
0x2ee: {  	s0 =	rddreg [dreg:$0x0];
	s2 =	stileid.u32  }
0x2ef: {  	s1 =	rddreg [dreg:$0x1];
	p0 =	sne.s32 s2, $0x0  }
0x2f0: {  	s3 =	rddreg [dreg:$0x2];
	[bflag:$0x3] =	sbarrier.arrive $0xFFFF;
	s2 =	simm.s32 @!p0 $0x1C03  }
0x2f1: {  	[timem:s3], [sflag:s2] =	dma.local @!p0 [hbm:s0], s1  }
0x2f2: {  	s0 =	simm.s32 @!p0 $0x3  }
0x2f3: {  	_ =	swait.ge @!p0 [sflag:s0], s1  }
0x2f4: {  	s1 =	ssub.s32 @!p0 $0x0, s1;
	[sflag:s0] =	ssyncset.done @!p0 $0x0  }
0x2f5: {  	[sflag:s0] =	ssyncadd.s32 @!p0 s1  }
0x2f6: {  	[bflag:$0x3] =	sbarrier.arrive $0xFFFF  }
0x2f7: {  	_ =	shalt  }

</sc_bundles>
